<compile_context>
chip_gen: v7x
topology: tpu7x:2x2x1
jax: 0.10.2.dev20260603
libtpu: 0.0.44.dev20260713+nightly
codegen_flags: <defaults>
</compile_context>

<pallas_src>
import jax
import jax.numpy as jnp
from jax import lax
from jax.experimental import pallas as pl
from jax.experimental.pallas import tpu as pltpu
from jax.experimental.pallas import tpu_sc as plsc

NC = 2
NS = 16
LANES = 16
BLKR = 2048


def _sc_mesh():
    return plsc.VectorSubcoreMesh(
        core_axis_name="c", subcore_axis_name="s", num_cores=NC, num_subcores=NS
    )


def _make_deg(n_pad, ch):
    half = ch // 2

    def body(row_hbm, deg_out, row_v, deg_v):
        c = lax.axis_index("c")
        s = lax.axis_index("s")
        wid = c * NS + s
        pltpu.sync_copy(row_hbm.at[wid], row_v)

        def zero(i, carry):
            deg_v[pl.ds(i * LANES, LANES)] = jnp.zeros((LANES,), jnp.float32)
            return carry

        lax.fori_loop(0, n_pad // LANES, zero, 0)
        ones = jnp.ones((LANES,), jnp.float32)

        def scat(i, carry):
            j = i // (128 // LANES)
            k = i % (128 // LANES)
            idx = row_v[j, pl.ds(k * LANES, LANES)]
            plsc.addupdate_scatter(deg_v, [idx], ones)
            return carry

        lax.fori_loop(0, half * (128 // LANES), scat, 0)
        pltpu.sync_copy(deg_v, deg_out.at[wid])

    return pl.kernel(
        body,
        out_type=jax.ShapeDtypeStruct((NC * NS, n_pad), jnp.float32),
        mesh=_sc_mesh(),
        scratch_types=[
            pltpu.VMEM((half, 128), jnp.int32),
            pltpu.VMEM((n_pad,), jnp.float32),
        ],
        compiler_params=pltpu.CompilerParams(needs_layout_passes=False),
    )


def _make_conv(n_pad, ch, dh, feature_split):
    rows_tile = n_pad // NS
    nzc = rows_tile // 128
    vpr = dh // LANES
    ch_tile = ch if feature_split else ch // 2
    nbi = 3
    gch = ch_tile // nbi

    def body(tab_hbm, row_hbm, col_hbm, y_hbm, ri, ci, buf, acc, sem, semi, sems):
        c = lax.axis_index("c")
        s = lax.axis_index("s")
        if feature_split:
            def rsrc(g):
                return row_hbm.at[c, s, g]

            def csrc(g):
                return col_hbm.at[s, g]

        else:
            tid = c * NS + s

            def rsrc(g):
                return row_hbm.at[tid, g]

            def csrc(g):
                return col_hbm.at[tid, g]

        def load_idx(g, slot):
            pltpu.async_copy(rsrc(g), ri.at[slot], semi)
            pltpu.async_copy(csrc(g), ci.at[slot], semi)

        def wait_idx(g, slot):
            pltpu.make_async_copy(rsrc(g), ri.at[slot], semi).wait()
            pltpu.make_async_copy(csrc(g), ci.at[slot], semi).wait()

        load_idx(0, 0)

        def zbuf(i, carry):
            j = i // vpr
            k = i % vpr
            z = jnp.zeros((LANES,), jnp.float32)
            buf[0, j, pl.ds(k * LANES, LANES)] = z
            buf[1, j, pl.ds(k * LANES, LANES)] = z
            return carry

        lax.fori_loop(0, 128 * vpr, zbuf, 0)

        def zacc(q, carry):
            pltpu.sync_copy(buf.at[0], acc.at[pl.ds(s * rows_tile + q * 128, 128)])
            return carry

        lax.fori_loop(0, nzc, zacc, 0)
        plsc.subcore_barrier()

        def gather(slot, j, b):
            return pltpu.async_copy(tab_hbm.at[ri.at[slot, j]], buf.at[b], sem)

        def wait_gather(slot, j, b):
            pltpu.make_async_copy(
                tab_hbm.at[ri.at[slot, j]], buf.at[b], sem
            ).wait()

        def scat(slot, j, b):
            pltpu.async_copy(buf.at[b], acc.at[ci.at[slot, j]], sems, add=True)

        def wsct(b):
            pltpu.make_async_copy(buf.at[b], acc.at[ci.at[0, 0]], sems).wait()

        wait_idx(0, 0)
        scat(0, 0, 1)
        gather(0, 0, 0)
        for g in range(nbi):
            sl = g % 2
            if g + 1 < nbi:
                load_idx(g + 1, 1 - sl)

            def pair(i, carry):
                j0 = 2 * i
                j1 = j0 + 1
                wait_gather(sl, j0, 0)
                wsct(1)
                gather(sl, j1, 1)
                scat(sl, j0, 0)
                wait_gather(sl, j1, 1)
                wsct(0)
                gather(sl, j1 + 1, 0)
                scat(sl, j1, 1)
                return carry

            lax.fori_loop(0, gch // 2 - 1, pair, 0)
            wait_gather(sl, gch - 2, 0)
            wsct(1)
            gather(sl, gch - 1, 1)
            scat(sl, gch - 2, 0)
            wait_gather(sl, gch - 1, 1)
            wsct(0)
            if g + 1 < nbi:
                wait_idx(g + 1, 1 - sl)
                gather(1 - sl, 0, 0)
            scat(sl, gch - 1, 1)
        wsct(1)
        plsc.subcore_barrier()

        rows = pl.ds(s * rows_tile, rows_tile)
        pltpu.sync_copy(acc.at[rows], y_hbm.at[c, rows])

    return pl.kernel(
        body,
        out_type=jax.ShapeDtypeStruct((NC, n_pad, dh), jnp.float32),
        mesh=_sc_mesh(),
        scratch_types=[
            pltpu.VMEM((2, gch, 128), jnp.int32),
            pltpu.VMEM((2, gch, 128), jnp.int32),
            pltpu.VMEM((2, 128, dh), jnp.float32),
            pltpu.VMEM_SHARED((n_pad, dh), jnp.float32),
            pltpu.SemaphoreType.DMA,
            pltpu.SemaphoreType.DMA,
            pltpu.SemaphoreType.DMA,
        ],
        compiler_params=pltpu.CompilerParams(needs_layout_passes=False),
    )


def _scale_body(deg_ref, x_ref, xs_ref, dinv_ref):
    deg = jnp.sum(deg_ref[...], axis=0)
    dinv = jnp.where(deg > 0.0, lax.rsqrt(deg), 0.0)
    xs_ref[...] = x_ref[...] * dinv[:, None]
    dinv_ref[...] = dinv[:, None]


def _mlp_body(y_ref, dinv_ref, w1_ref, b1_ref, w2_ref, g_ref):
    d = dinv_ref[...]
    h = jnp.dot(y_ref[0] * d, w1_ref[0], preferred_element_type=jnp.float32)
    h = h + jnp.dot(y_ref[1] * d, w1_ref[1], preferred_element_type=jnp.float32)
    h = jnp.maximum(h + b1_ref[...], 0.0)
    g_ref[...] = jnp.dot(h, w2_ref[...], preferred_element_type=jnp.float32) * d


def _out_body(y_ref, dinv_ref, b2_ref, o_ref):
    z = (y_ref[0] + y_ref[1]) * dinv_ref[...]
    z = z + b2_ref[...]
    m = jnp.max(z, axis=1, keepdims=True)
    e = jnp.exp(z - m)
    o_ref[...] = (z - m) - jnp.log(jnp.sum(e, axis=1, keepdims=True))


def kernel(x, edge_index, W1, b1, W2, b2):
    n, d_in = x.shape
    d_hid = W1.shape[1]
    d_out = W2.shape[1]
    dh1 = d_in // NC
    dh2 = d_out // NC

    row = edge_index[0].astype(jnp.int32)
    col = edge_index[1].astype(jnp.int32)
    loop = jnp.arange(n, dtype=jnp.int32)
    row_e = jnp.where(row == col, n, row)
    row_all = jnp.concatenate([row_e, loop])
    col_all = jnp.concatenate([col, loop])
    e_tot = row_all.shape[0]

    n_pad = -(-(n + 1) // (NS * 128)) * (NS * 128)
    ch = -(-e_tot // (NS * 128))
    ch = -(-ch // 12) * 12
    e_pad = NS * ch * 128
    row_all = jnp.concatenate([row_all, jnp.full((e_pad - e_tot,), n, jnp.int32)])
    col_all = jnp.concatenate([col_all, jnp.full((e_pad - e_tot,), n, jnp.int32)])
    row_c1 = row_all.reshape(NS, 3, ch // 3, 128)
    col_c1 = col_all.reshape(NS, 3, ch // 3, 128)
    row_c2 = row_all.reshape(NC * NS, 3, ch // 6, 128)
    col_c2 = col_all.reshape(NC * NS, 3, ch // 6, 128)

    x_pad = jnp.zeros((n_pad, d_in), x.dtype).at[:n].set(x)

    deg_parts = _make_deg(n_pad, ch)(row_all.reshape(NC * NS, ch // 2, 128))

    nblk = n_pad // BLKR
    xs, dinv = pl.pallas_call(
        _scale_body,
        grid=(NC, nblk),
        in_specs=[
            pl.BlockSpec((NC * NS, BLKR), lambda h, r: (0, r)),
            pl.BlockSpec((BLKR, dh1), lambda h, r: (r, h)),
        ],
        out_specs=[
            pl.BlockSpec((BLKR, dh1), lambda h, r: (h * nblk + r, 0)),
            pl.BlockSpec((BLKR, 1), lambda h, r: (r, 0)),
        ],
        out_shape=[
            jax.ShapeDtypeStruct((NC * n_pad, dh1), jnp.float32),
            jax.ShapeDtypeStruct((n_pad, 1), jnp.float32),
        ],
    )(deg_parts, x_pad)

    row_c1_off = jnp.stack([row_c1, row_c1 + n_pad])
    y1 = _make_conv(n_pad, ch, dh1, True)(xs, row_c1_off, col_c1)

    g = pl.pallas_call(
        _mlp_body,
        grid=(nblk,),
        in_specs=[
            pl.BlockSpec((NC, BLKR, dh1), lambda r: (0, r, 0)),
            pl.BlockSpec((BLKR, 1), lambda r: (r, 0)),
            pl.BlockSpec((NC, dh1, d_hid), lambda r: (0, 0, 0)),
            pl.BlockSpec((1, d_hid), lambda r: (0, 0)),
            pl.BlockSpec((d_hid, d_out), lambda r: (0, 0)),
        ],
        out_specs=pl.BlockSpec((BLKR, d_out), lambda r: (r, 0)),
        out_shape=jax.ShapeDtypeStruct((n_pad, d_out), jnp.float32),
    )(y1, dinv, W1.reshape(NC, dh1, d_hid), b1.reshape(1, d_hid), W2)

    y2 = _make_conv(n_pad, ch, d_out, False)(g, row_c2, col_c2)

    out = pl.pallas_call(
        _out_body,
        grid=(nblk,),
        in_specs=[
            pl.BlockSpec((NC, BLKR, d_out), lambda r: (0, r, 0)),
            pl.BlockSpec((BLKR, 1), lambda r: (r, 0)),
            pl.BlockSpec((1, d_out), lambda r: (0, 0)),
        ],
        out_specs=pl.BlockSpec((BLKR, d_out), lambda r: (r, 0)),
        out_shape=jax.ShapeDtypeStruct((n_pad, d_out), jnp.float32),
    )(y2, dinv, b2.reshape(1, d_out))

    return out[:n]

# --- scband reference (transcript-rebuilt; emitter-appended) ---
"""Pipeline reference for scband-gcn-9895604650412 (READ-ONLY COPY).

The authoritative reference and input builder live on the scoring server;
editing this copy changes nothing except your own understanding.
"""

import jax, jax.numpy as jnp
import numpy as np
import math

N_NODES = 10000
N_EDGES = 160000
D_IN = 256
D_HID = 512
D_OUT = 128


def setup_inputs(seed: int = 0) -> dict:
    key = jax.random.key(seed)
    k1, k2, k3, k4, k5, k6 = jax.random.split(key, 6)
    x = jax.random.normal(k1, (N_NODES, D_IN), dtype=jnp.float32)
    edge_index = jax.random.randint(k2, (2, N_EDGES), 0, N_NODES, dtype=jnp.int64)
    W1 = jax.random.normal(k3, (D_IN, D_HID), dtype=jnp.float32) * (1.0 / math.sqrt(D_IN))
    b1 = jnp.zeros((D_HID,), dtype=jnp.float32)
    W2 = jax.random.normal(k4, (D_HID, D_OUT), dtype=jnp.float32) * (1.0 / math.sqrt(D_HID))
    b2 = jnp.zeros((D_OUT,), dtype=jnp.float32)
    return {"x": x, "edge_index": edge_index, "W1": W1, "b1": b1, "W2": W2, "b2": b2}


def _gcn_norm(edge_index, num_nodes, dtype):
    # add_remaining_self_loops: drop existing self loops, append one per node
    row, col = edge_index[0], edge_index[1]
    mask = row != col
    loop = jnp.arange(num_nodes, dtype=row.dtype)
    row = jnp.concatenate([row, loop])
    col = jnp.concatenate([col, loop])
    weight = jnp.concatenate([mask.astype(dtype), jnp.ones((num_nodes,), dtype=dtype)])
    deg = jnp.zeros((num_nodes,), dtype=dtype).at[row].add(weight)
    deg_inv_sqrt = deg ** (-0.5)
    deg_inv_sqrt = jnp.where(jnp.isinf(deg_inv_sqrt), 0.0, deg_inv_sqrt)
    norm = (deg_inv_sqrt[row] * deg_inv_sqrt[col] * weight)[:, None]
    return row, col, norm


def _gcn_conv(x, row, col, norm):
    # message: norm * x_j where j = source = edge_index[0] (row)
    msg = norm * jnp.take(x, row, axis=0)
    # aggregate (add) at target = edge_index[1] (col)
    out = jnp.zeros_like(x).at[col].add(msg)
    return out


def reference(x, edge_index, W1, b1, W2, b2):
    num_nodes = x.shape[0]
    row, col, norm = _gcn_norm(edge_index, num_nodes, x.dtype)
    h = _gcn_conv(x, row, col, norm)          # conv1
    h = h @ W1 + b1                            # lin1
    h = jax.nn.relu(h)
    # dropout: eval mode -> identity
    h = _gcn_conv(h, row, col, norm)           # conv2
    h = h @ W2 + b2                            # lin2
    return jax.nn.log_softmax(h, axis=1)

if __name__ == "__main__":
    import jax
    _d = setup_inputs()
    print(jax.jit(kernel)(*tuple(_d.values())))

</pallas_src>

<mosaic_0001>
#map = affine_map<(d0, d1) -> (0, 0)>
#map1 = affine_map<(d0, d1) -> (0, 0, 0, 0, 0)>
#map2 = affine_map<(d0, d1) -> (0, 0, 0, 0)>
#map3 = affine_map<(d0, d1) -> (0, 0, 0)>
module attributes {stable_mosaic.version = 14 : i64} {
  func.func @body(%arg0: i32, %arg1: i32, %arg2: memref<20480x128xf32, #tpu.memory_space<hbm>>, %arg3: memref<2x16x3x28x128xi32, #tpu.memory_space<hbm>>, %arg4: memref<16x3x28x128xi32, #tpu.memory_space<hbm>>, %arg5: memref<2x10240x128xf32, #tpu.memory_space<hbm>>, %arg6: memref<2x28x128xi32, #tpu.memory_space<vmem>>, %arg7: memref<2x28x128xi32, #tpu.memory_space<vmem>>, %arg8: memref<2x128x128xf32, #tpu.memory_space<vmem>>, %arg9: memref<10240x128xf32, #tpu.memory_space<vmem_shared>>, %arg10: memref<!tpu.dma_semaphore, #tpu.memory_space<semaphore_mem>>, %arg11: memref<!tpu.dma_semaphore, #tpu.memory_space<semaphore_mem>>, %arg12: memref<!tpu.dma_semaphore, #tpu.memory_space<semaphore_mem>>) attributes {dimension_semantics = [#tpu.dimension_semantics<core_parallel>, #tpu.dimension_semantics<subcore_parallel>], iteration_bounds = array<i64: 2, 16>, scalar_prefetch = 0 : i64, scratch_operands = 7 : i64, tpu.core_type = #tpu.core_type<sc_vector_subcore>, window_params = [{transform_indices = #map}, {transform_indices = #map1}, {transform_indices = #map2}, {transform_indices = #map3}]} {
    %dma_start3A = arith.constant 0 : i32
    %dma_start3A_0 = arith.constant 0 : i32
    %dma_start3A_1 = arith.constant 0 : i32
    %dma_start3A_2 = arith.constant 0 : i32
    %dma_start3A_3 = tpu.memref_slice %arg6[%dma_start3A_0, %dma_start3A_1, %dma_start3A_2] : memref<2x28x128xi32, #tpu.memory_space<vmem>> -> memref<1x28x128xi32, #tpu.memory_space<vmem>>
    %dma_start3A_4 = tpu.memref_squeeze %dma_start3A_3 : memref<1x28x128xi32, #tpu.memory_space<vmem>> -> memref<28x128xi32, #tpu.memory_space<vmem>>
    %dma_start3A_5 = arith.constant 0 : i32
    %dma_start3A_6 = arith.constant 0 : i32
    %dma_start3A_7 = tpu.memref_slice %arg3[%arg0, %arg1, %dma_start3A, %dma_start3A_5, %dma_start3A_6] : memref<2x16x3x28x128xi32, #tpu.memory_space<hbm>> -> memref<1x1x1x28x128xi32, #tpu.memory_space<hbm>>
    %dma_start3A_8 = tpu.memref_squeeze %dma_start3A_7 : memref<1x1x1x28x128xi32, #tpu.memory_space<hbm>> -> memref<28x128xi32, #tpu.memory_space<hbm>>
    %dma_start3A_9 = arith.constant 0 : i32
    %dma_start3A_10 = arith.constant 0 : i32
    %dma_start3A_11 = tpu.memref_slice %arg6[%dma_start3A_0, %dma_start3A_9, %dma_start3A_10] : memref<2x28x128xi32, #tpu.memory_space<vmem>> -> memref<1x28x128xi32, #tpu.memory_space<vmem>>
    %dma_start3A_12 = tpu.memref_squeeze %dma_start3A_11 : memref<1x28x128xi32, #tpu.memory_space<vmem>> -> memref<28x128xi32, #tpu.memory_space<vmem>>
    %dma_start3A_13 = arith.constant 0 : i32
    %dma_start3A_14 = arith.constant 0 : i32
    %dma_start3A_15 = tpu.memref_slice %arg3[%arg0, %arg1, %dma_start3A, %dma_start3A_13, %dma_start3A_14] : memref<2x16x3x28x128xi32, #tpu.memory_space<hbm>> -> memref<1x1x1x28x128xi32, #tpu.memory_space<hbm>>
    %dma_start3A_16 = tpu.memref_squeeze %dma_start3A_15 : memref<1x1x1x28x128xi32, #tpu.memory_space<hbm>> -> memref<28x128xi32, #tpu.memory_space<hbm>>
    tpu.enqueue_dma source(%dma_start3A_16 : memref<28x128xi32, #tpu.memory_space<hbm>>) target(%dma_start3A_12 : memref<28x128xi32, #tpu.memory_space<vmem>>) target_semaphore(%arg11 : memref<!tpu.dma_semaphore, #tpu.memory_space<semaphore_mem>>)
    %dma_start3A_17 = arith.constant 0 : i32
    %dma_start3A_18 = arith.constant 0 : i32
    %dma_start3A_19 = arith.constant 0 : i32
    %dma_start3A_20 = arith.constant 0 : i32
    %dma_start3A_21 = tpu.memref_slice %arg7[%dma_start3A_18, %dma_start3A_19, %dma_start3A_20] : memref<2x28x128xi32, #tpu.memory_space<vmem>> -> memref<1x28x128xi32, #tpu.memory_space<vmem>>
    %dma_start3A_22 = tpu.memref_squeeze %dma_start3A_21 : memref<1x28x128xi32, #tpu.memory_space<vmem>> -> memref<28x128xi32, #tpu.memory_space<vmem>>
    %dma_start3A_23 = arith.constant 0 : i32
    %dma_start3A_24 = arith.constant 0 : i32
    %dma_start3A_25 = tpu.memref_slice %arg4[%arg1, %dma_start3A_17, %dma_start3A_23, %dma_start3A_24] : memref<16x3x28x128xi32, #tpu.memory_space<hbm>> -> memref<1x1x28x128xi32, #tpu.memory_space<hbm>>
    %dma_start3A_26 = tpu.memref_squeeze %dma_start3A_25 : memref<1x1x28x128xi32, #tpu.memory_space<hbm>> -> memref<28x128xi32, #tpu.memory_space<hbm>>
    %dma_start3A_27 = arith.constant 0 : i32
    %dma_start3A_28 = arith.constant 0 : i32
    %dma_start3A_29 = tpu.memref_slice %arg7[%dma_start3A_18, %dma_start3A_27, %dma_start3A_28] : memref<2x28x128xi32, #tpu.memory_space<vmem>> -> memref<1x28x128xi32, #tpu.memory_space<vmem>>
    %dma_start3A_30 = tpu.memref_squeeze %dma_start3A_29 : memref<1x28x128xi32, #tpu.memory_space<vmem>> -> memref<28x128xi32, #tpu.memory_space<vmem>>
    %dma_start3A_31 = arith.constant 0 : i32
    %dma_start3A_32 = arith.constant 0 : i32
    %dma_start3A_33 = tpu.memref_slice %arg4[%arg1, %dma_start3A_17, %dma_start3A_31, %dma_start3A_32] : memref<16x3x28x128xi32, #tpu.memory_space<hbm>> -> memref<1x1x28x128xi32, #tpu.memory_space<hbm>>
    %dma_start3A_34 = tpu.memref_squeeze %dma_start3A_33 : memref<1x1x28x128xi32, #tpu.memory_space<hbm>> -> memref<28x128xi32, #tpu.memory_space<hbm>>
    tpu.enqueue_dma source(%dma_start3A_34 : memref<28x128xi32, #tpu.memory_space<hbm>>) target(%dma_start3A_30 : memref<28x128xi32, #tpu.memory_space<vmem>>) target_semaphore(%arg11 : memref<!tpu.dma_semaphore, #tpu.memory_space<semaphore_mem>>)
    %scan3A = arith.constant 0 : i32
    %scan3A_35 = arith.constant 0 : i32
    %scan3A_36 = arith.constant 1024 : i32
    %scan3A_37 = arith.addi %scan3A_35, %scan3A_36 : i32
    %scan3A_38 = arith.constant 1 : i32
    scf.for %scan3A_583 = %scan3A_35 to %scan3A_37 step %scan3A_38  : i32 {
      %jit3A = arith.constant 8 : i32
      %div3A = arith.divsi %scan3A_583, %jit3A : i32
      %sign3A = arith.constant 0 : i32
      %sign3A_584 = arith.cmpi sgt, %scan3A_583, %sign3A : i32
      %sign3A_585 = arith.extui %sign3A_584 : i1 to i32
      %sign3A_586 = arith.constant 0 : i32
      %sign3A_587 = arith.cmpi slt, %scan3A_583, %sign3A_586 : i32
      %sign3A_588 = arith.extui %sign3A_587 : i1 to i32
      %sign3A_589 = arith.subi %sign3A_585, %sign3A_588 : i32
      %sign3A_590 = arith.constant 0 : i32
      %sign3A_591 = arith.cmpi sgt, %jit3A, %sign3A_590 : i32
      %sign3A_592 = arith.extui %sign3A_591 : i1 to i32
      %sign3A_593 = arith.constant 0 : i32
      %sign3A_594 = arith.cmpi slt, %jit3A, %sign3A_593 : i32
      %sign3A_595 = arith.extui %sign3A_594 : i1 to i32
      %sign3A_596 = arith.subi %sign3A_592, %sign3A_595 : i32
      %ne3A = arith.cmpi ne, %sign3A_589, %sign3A_596 : i32
      %rem3A = arith.remsi %scan3A_583, %jit3A : i32
      %ne3A_597 = arith.constant 0 : i32
      %ne3A_598 = arith.cmpi ne, %rem3A, %ne3A_597 : i32
      %and3A = arith.andi %ne3A, %ne3A_598 : i1
      %sub3A = arith.constant 1 : i32
      %sub3A_599 = arith.subi %div3A, %sub3A : i32
      %select_n3A = arith.select %and3A, %sub3A_599, %div3A : i32
      %jit3A_600 = arith.constant 8 : i32
      %eq3A = arith.constant 0 : i32
      %eq3A_601 = arith.cmpi eq, %jit3A_600, %eq3A : i32
      %jit3A_602 = arith.constant 1 : i32
      %select_n3A_603 = arith.select %eq3A_601, %jit3A_602, %jit3A_600 : i32
      %rem3A_604 = arith.remsi %scan3A_583, %select_n3A_603 : i32
      %ne3A_605 = arith.constant 0 : i32
      %ne3A_606 = arith.cmpi ne, %rem3A_604, %ne3A_605 : i32
      %lt3A = arith.constant 0 : i32
      %lt3A_607 = arith.cmpi slt, %rem3A_604, %lt3A : i32
      %lt3A_608 = arith.constant 0 : i32
      %lt3A_609 = arith.cmpi slt, %select_n3A_603, %lt3A_608 : i32
      %ne3A_610 = arith.xori %lt3A_607, %lt3A_609 : i1
      %and3A_611 = arith.andi %ne3A_610, %ne3A_606 : i1
      %add3A = arith.addi %rem3A_604, %select_n3A_603 : i32
      %select_n3A_612 = arith.select %and3A_611, %add3A, %rem3A_604 : i32
      %broadcast_in_dim3A = arith.constant 0.000000e+00 : f32
      %broadcast_in_dim3A_613 = vector.broadcast %broadcast_in_dim3A : f32 to vector<16xf32>
      %mul3A_614 = arith.constant 16 : i32
      %mul3A_615 = arith.muli %select_n3A_612, %mul3A_614 : i32
      %swap3A = arith.constant 0 : i32
      %swap3A_616 = arith.index_cast %swap3A : i32 to index
      %swap3A_617 = arith.index_cast %select_n3A : i32 to index
      %swap3A_618 = arith.index_cast %mul3A_615 : i32 to index
      %swap3A_619 = tpu.vector_load %arg8[%swap3A_616, %swap3A_617, %swap3A_618] {strides = array<i32>} : memref<2x128x128xf32, #tpu.memory_space<vmem>>, vector<16xf32>,
      tpu.vector_store %arg8[%swap3A_616, %swap3A_617, %swap3A_618], %broadcast_in_dim3A_613 {strides = array<i32>} : memref<2x128x128xf32, #tpu.memory_space<vmem>>, vector<16xf32>,
      %mul3A_620 = arith.constant 16 : i32
      %mul3A_621 = arith.muli %select_n3A_612, %mul3A_620 : i32
      %swap3A_622 = arith.constant 1 : i32
      %swap3A_623 = arith.index_cast %swap3A_622 : i32 to index
      %swap3A_624 = arith.index_cast %select_n3A : i32 to index
      %swap3A_625 = arith.index_cast %mul3A_621 : i32 to index
      %swap3A_626 = tpu.vector_load %arg8[%swap3A_623, %swap3A_624, %swap3A_625] {strides = array<i32>} : memref<2x128x128xf32, #tpu.memory_space<vmem>>, vector<16xf32>,
      tpu.vector_store %arg8[%swap3A_623, %swap3A_624, %swap3A_625], %broadcast_in_dim3A_613 {strides = array<i32>} : memref<2x128x128xf32, #tpu.memory_space<vmem>>, vector<16xf32>,
    }
    %scan3A_39 = arith.constant 1024 : i32
    %scan3A_40 = arith.constant 0 : i32
    %scan3A_41 = arith.constant 0 : i32
    %scan3A_42 = arith.constant 5 : i32
    %scan3A_43 = arith.addi %scan3A_41, %scan3A_42 : i32
    %scan3A_44 = arith.constant 1 : i32
    scf.for %scan3A_583 = %scan3A_41 to %scan3A_43 step %scan3A_44  : i32 {
      %mul3A_584 = arith.constant 640 : i32
      %mul3A_585 = arith.muli %arg1, %mul3A_584 : i32
      %mul3A_586 = arith.constant 128 : i32
      %mul3A_587 = arith.muli %scan3A_583, %mul3A_586 : i32
      %add3A = arith.addi %mul3A_585, %mul3A_587 : i32
      %run_scoped3A = arith.constant 0 : i32
      "tpu.region"() ({
        %run_scoped3A_588 = tpu.sem_alloc : memref<!tpu.dma_semaphore, #tpu.memory_space<semaphore_mem>>
        %dma_start3A_589 = arith.constant 0 : i32
        %dma_start3A_590 = arith.constant 0 : i32
        %dma_start3A_591 = tpu.memref_slice %arg8[%run_scoped3A, %dma_start3A_589, %dma_start3A_590] : memref<2x128x128xf32, #tpu.memory_space<vmem>> -> memref<1x128x128xf32, #tpu.memory_space<vmem>>
        %dma_start3A_592 = tpu.memref_squeeze %dma_start3A_591 : memref<1x128x128xf32, #tpu.memory_space<vmem>> -> memref<128x128xf32, #tpu.memory_space<vmem>>
        %dma_start3A_593 = arith.constant 0 : i32
        %dma_start3A_594 = tpu.memref_slice %arg9[%add3A, %dma_start3A_593] : memref<10240x128xf32, #tpu.memory_space<vmem_shared>> -> memref<128x128xf32, #tpu.memory_space<vmem_shared>>
        %dma_start3A_595 = arith.constant 0 : i32
        %dma_start3A_596 = tpu.memref_slice %arg9[%add3A, %dma_start3A_595] : memref<10240x128xf32, #tpu.memory_space<vmem_shared>> -> memref<128x128xf32, #tpu.memory_space<vmem_shared>>
        %dma_start3A_597 = arith.constant 0 : i32
        %dma_start3A_598 = arith.constant 0 : i32
        %dma_start3A_599 = tpu.memref_slice %arg8[%run_scoped3A, %dma_start3A_597, %dma_start3A_598] : memref<2x128x128xf32, #tpu.memory_space<vmem>> -> memref<1x128x128xf32, #tpu.memory_space<vmem>>
        %dma_start3A_600 = tpu.memref_squeeze %dma_start3A_599 : memref<1x128x128xf32, #tpu.memory_space<vmem>> -> memref<128x128xf32, #tpu.memory_space<vmem>>
        tpu.enqueue_dma source(%dma_start3A_600 : memref<128x128xf32, #tpu.memory_space<vmem>>) target(%dma_start3A_596 : memref<128x128xf32, #tpu.memory_space<vmem_shared>>) target_semaphore(%run_scoped3A_588 : memref<!tpu.dma_semaphore, #tpu.memory_space<semaphore_mem>>)
        %dma_wait3A_601 = arith.constant 0 : i32
        %dma_wait3A_602 = arith.constant 0 : i32
        %dma_wait3A_603 = tpu.memref_slice %arg8[%run_scoped3A, %dma_wait3A_601, %dma_wait3A_602] : memref<2x128x128xf32, #tpu.memory_space<vmem>> -> memref<1x128x128xf32, #tpu.memory_space<vmem>>
        %dma_wait3A_604 = tpu.memref_squeeze %dma_wait3A_603 : memref<1x128x128xf32, #tpu.memory_space<vmem>> -> memref<128x128xf32, #tpu.memory_space<vmem>>
        %dma_wait3A_605 = arith.constant 0 : i32
        %dma_wait3A_606 = tpu.memref_slice %arg9[%add3A, %dma_wait3A_605] : memref<10240x128xf32, #tpu.memory_space<vmem_shared>> -> memref<128x128xf32, #tpu.memory_space<vmem_shared>>
        %dma_wait3A_607 = arith.constant 0 : i32
        %dma_wait3A_608 = tpu.memref_slice %arg9[%add3A, %dma_wait3A_607] : memref<10240x128xf32, #tpu.memory_space<vmem_shared>> -> memref<128x128xf32, #tpu.memory_space<vmem_shared>>
        %dma_wait3A_609 = arith.constant 0 : i32
        %dma_wait3A_610 = arith.constant 0 : i32
        %dma_wait3A_611 = tpu.memref_slice %arg8[%run_scoped3A, %dma_wait3A_609, %dma_wait3A_610] : memref<2x128x128xf32, #tpu.memory_space<vmem>> -> memref<1x128x128xf32, #tpu.memory_space<vmem>>
        %dma_wait3A_612 = tpu.memref_squeeze %dma_wait3A_611 : memref<1x128x128xf32, #tpu.memory_space<vmem>> -> memref<128x128xf32, #tpu.memory_space<vmem>>
        tpu.wait_dma2 semaphore(%run_scoped3A_588 : memref<!tpu.dma_semaphore, #tpu.memory_space<semaphore_mem>>) src(%dma_wait3A_612 : memref<128x128xf32, #tpu.memory_space<vmem>>) dst(%dma_wait3A_608 : memref<128x128xf32, #tpu.memory_space<vmem_shared>>)
        tpu.yield
      }) : () -> ()
    }
    %scan3A_45 = arith.constant 5 : i32
    %barrier3A = arith.constant 0 : index
    tpu.barrier barrier_id(%barrier3A)
    %dma_wait3A = arith.constant 0 : i32
    %dma_wait3A_46 = arith.constant 0 : i32
    %dma_wait3A_47 = arith.constant 0 : i32
    %dma_wait3A_48 = arith.constant 0 : i32
    %dma_wait3A_49 = tpu.memref_slice %arg6[%dma_wait3A_46, %dma_wait3A_47, %dma_wait3A_48] : memref<2x28x128xi32, #tpu.memory_space<vmem>> -> memref<1x28x128xi32, #tpu.memory_space<vmem>>
    %dma_wait3A_50 = tpu.memref_squeeze %dma_wait3A_49 : memref<1x28x128xi32, #tpu.memory_space<vmem>> -> memref<28x128xi32, #tpu.memory_space<vmem>>
    %dma_wait3A_51 = arith.constant 0 : i32
    %dma_wait3A_52 = arith.constant 0 : i32
    %dma_wait3A_53 = tpu.memref_slice %arg3[%arg0, %arg1, %dma_wait3A, %dma_wait3A_51, %dma_wait3A_52] : memref<2x16x3x28x128xi32, #tpu.memory_space<hbm>> -> memref<1x1x1x28x128xi32, #tpu.memory_space<hbm>>
    %dma_wait3A_54 = tpu.memref_squeeze %dma_wait3A_53 : memref<1x1x1x28x128xi32, #tpu.memory_space<hbm>> -> memref<28x128xi32, #tpu.memory_space<hbm>>
    %dma_wait3A_55 = arith.constant 0 : i32
    %dma_wait3A_56 = arith.constant 0 : i32
    %dma_wait3A_57 = tpu.memref_slice %arg6[%dma_wait3A_46, %dma_wait3A_55, %dma_wait3A_56] : memref<2x28x128xi32, #tpu.memory_space<vmem>> -> memref<1x28x128xi32, #tpu.memory_space<vmem>>
    %dma_wait3A_58 = tpu.memref_squeeze %dma_wait3A_57 : memref<1x28x128xi32, #tpu.memory_space<vmem>> -> memref<28x128xi32, #tpu.memory_space<vmem>>
    %dma_wait3A_59 = arith.constant 0 : i32
    %dma_wait3A_60 = arith.constant 0 : i32
    %dma_wait3A_61 = tpu.memref_slice %arg3[%arg0, %arg1, %dma_wait3A, %dma_wait3A_59, %dma_wait3A_60] : memref<2x16x3x28x128xi32, #tpu.memory_space<hbm>> -> memref<1x1x1x28x128xi32, #tpu.memory_space<hbm>>
    %dma_wait3A_62 = tpu.memref_squeeze %dma_wait3A_61 : memref<1x1x1x28x128xi32, #tpu.memory_space<hbm>> -> memref<28x128xi32, #tpu.memory_space<hbm>>
    tpu.wait_dma2 semaphore(%arg11 : memref<!tpu.dma_semaphore, #tpu.memory_space<semaphore_mem>>) src(%dma_wait3A_62 : memref<28x128xi32, #tpu.memory_space<hbm>>) dst(%dma_wait3A_58 : memref<28x128xi32, #tpu.memory_space<vmem>>)
    %dma_wait3A_63 = arith.constant 0 : i32
    %dma_wait3A_64 = arith.constant 0 : i32
    %dma_wait3A_65 = arith.constant 0 : i32
    %dma_wait3A_66 = arith.constant 0 : i32
    %dma_wait3A_67 = tpu.memref_slice %arg7[%dma_wait3A_64, %dma_wait3A_65, %dma_wait3A_66] : memref<2x28x128xi32, #tpu.memory_space<vmem>> -> memref<1x28x128xi32, #tpu.memory_space<vmem>>
    %dma_wait3A_68 = tpu.memref_squeeze %dma_wait3A_67 : memref<1x28x128xi32, #tpu.memory_space<vmem>> -> memref<28x128xi32, #tpu.memory_space<vmem>>
    %dma_wait3A_69 = arith.constant 0 : i32
    %dma_wait3A_70 = arith.constant 0 : i32
    %dma_wait3A_71 = tpu.memref_slice %arg4[%arg1, %dma_wait3A_63, %dma_wait3A_69, %dma_wait3A_70] : memref<16x3x28x128xi32, #tpu.memory_space<hbm>> -> memref<1x1x28x128xi32, #tpu.memory_space<hbm>>
    %dma_wait3A_72 = tpu.memref_squeeze %dma_wait3A_71 : memref<1x1x28x128xi32, #tpu.memory_space<hbm>> -> memref<28x128xi32, #tpu.memory_space<hbm>>
    %dma_wait3A_73 = arith.constant 0 : i32
    %dma_wait3A_74 = arith.constant 0 : i32
    %dma_wait3A_75 = tpu.memref_slice %arg7[%dma_wait3A_64, %dma_wait3A_73, %dma_wait3A_74] : memref<2x28x128xi32, #tpu.memory_space<vmem>> -> memref<1x28x128xi32, #tpu.memory_space<vmem>>
    %dma_wait3A_76 = tpu.memref_squeeze %dma_wait3A_75 : memref<1x28x128xi32, #tpu.memory_space<vmem>> -> memref<28x128xi32, #tpu.memory_space<vmem>>
    %dma_wait3A_77 = arith.constant 0 : i32
    %dma_wait3A_78 = arith.constant 0 : i32
    %dma_wait3A_79 = tpu.memref_slice %arg4[%arg1, %dma_wait3A_63, %dma_wait3A_77, %dma_wait3A_78] : memref<16x3x28x128xi32, #tpu.memory_space<hbm>> -> memref<1x1x28x128xi32, #tpu.memory_space<hbm>>
    %dma_wait3A_80 = tpu.memref_squeeze %dma_wait3A_79 : memref<1x1x28x128xi32, #tpu.memory_space<hbm>> -> memref<28x128xi32, #tpu.memory_space<hbm>>
    tpu.wait_dma2 semaphore(%arg11 : memref<!tpu.dma_semaphore, #tpu.memory_space<semaphore_mem>>) src(%dma_wait3A_80 : memref<28x128xi32, #tpu.memory_space<hbm>>) dst(%dma_wait3A_76 : memref<28x128xi32, #tpu.memory_space<vmem>>)
    %dma_start3A_81 = arith.constant 1 : i32
    %dma_start3A_82 = arith.constant 0 : i32
    %dma_start3A_83 = arith.constant 0 : i32
    %dma_start3A_84 = arith.constant 0 : i32
    %dma_start3A_85 = arith.constant 0 : i32
    %dma_start3A_86 = tpu.memref_slice %arg8[%dma_start3A_81, %dma_start3A_84, %dma_start3A_85] : memref<2x128x128xf32, #tpu.memory_space<vmem>> -> memref<1x128x128xf32, #tpu.memory_space<vmem>>
    %dma_start3A_87 = tpu.memref_squeeze %dma_start3A_86 : memref<1x128x128xf32, #tpu.memory_space<vmem>> -> memref<128x128xf32, #tpu.memory_space<vmem>>
    %dma_start3A_88 = arith.constant 0 : i32
    %dma_start3A_89 = tpu.memref_slice %arg7[%dma_start3A_82, %dma_start3A_83, %dma_start3A_88] : memref<2x28x128xi32, #tpu.memory_space<vmem>> -> memref<1x1x128xi32, #tpu.memory_space<vmem>>
    %dma_start3A_90 = tpu.memref_squeeze %dma_start3A_89 : memref<1x1x128xi32, #tpu.memory_space<vmem>> -> memref<128xi32, #tpu.memory_space<vmem>>
    %dma_start3A_91 = arith.constant 0 : i32
    %dma_start3A_92 = arith.constant 0 : i32
    %dma_start3A_93 = tpu.memref_slice %arg9[%dma_start3A_91, %dma_start3A_92] : memref<10240x128xf32, #tpu.memory_space<vmem_shared>> -> memref<10240x128xf32, #tpu.memory_space<vmem_shared>>
    tpu.enqueue_indirect_dma source(%dma_start3A_87 : memref<128x128xf32, #tpu.memory_space<vmem>>) target(%dma_start3A_93 : memref<10240x128xf32, #tpu.memory_space<vmem_shared>>) offsets(%dma_start3A_90 : memref<128xi32, #tpu.memory_space<vmem>>) semaphore(%arg12 : memref<!tpu.dma_semaphore, #tpu.memory_space<semaphore_mem>>) {add = true}
    %dma_start3A_94 = arith.constant 0 : i32
    %dma_start3A_95 = arith.constant 0 : i32
    %dma_start3A_96 = arith.constant 0 : i32
    %dma_start3A_97 = arith.constant 0 : i32
    %dma_start3A_98 = arith.constant 0 : i32
    %dma_start3A_99 = tpu.memref_slice %arg8[%dma_start3A_96, %dma_start3A_97, %dma_start3A_98] : memref<2x128x128xf32, #tpu.memory_space<vmem>> -> memref<1x128x128xf32, #tpu.memory_space<vmem>>
    %dma_start3A_100 = tpu.memref_squeeze %dma_start3A_99 : memref<1x128x128xf32, #tpu.memory_space<vmem>> -> memref<128x128xf32, #tpu.memory_space<vmem>>
    %dma_start3A_101 = arith.constant 0 : i32
    %dma_start3A_102 = tpu.memref_slice %arg6[%dma_start3A_94, %dma_start3A_95, %dma_start3A_101] : memref<2x28x128xi32, #tpu.memory_space<vmem>> -> memref<1x1x128xi32, #tpu.memory_space<vmem>>
    %dma_start3A_103 = tpu.memref_squeeze %dma_start3A_102 : memref<1x1x128xi32, #tpu.memory_space<vmem>> -> memref<128xi32, #tpu.memory_space<vmem>>
    %dma_start3A_104 = arith.constant 0 : i32
    %dma_start3A_105 = arith.constant 0 : i32
    %dma_start3A_106 = tpu.memref_slice %arg2[%dma_start3A_104, %dma_start3A_105] : memref<20480x128xf32, #tpu.memory_space<hbm>> -> memref<20480x128xf32, #tpu.memory_space<hbm>>
    tpu.enqueue_indirect_dma source(%dma_start3A_106 : memref<20480x128xf32, #tpu.memory_space<hbm>>) target(%dma_start3A_100 : memref<128x128xf32, #tpu.memory_space<vmem>>) offsets(%dma_start3A_103 : memref<128xi32, #tpu.memory_space<vmem>>) semaphore(%arg10 : memref<!tpu.dma_semaphore, #tpu.memory_space<semaphore_mem>>)
    %dma_start3A_107 = arith.constant 1 : i32
    %dma_start3A_108 = arith.constant 1 : i32
    %dma_start3A_109 = arith.constant 0 : i32
    %dma_start3A_110 = arith.constant 0 : i32
    %dma_start3A_111 = tpu.memref_slice %arg6[%dma_start3A_108, %dma_start3A_109, %dma_start3A_110] : memref<2x28x128xi32, #tpu.memory_space<vmem>> -> memref<1x28x128xi32, #tpu.memory_space<vmem>>
    %dma_start3A_112 = tpu.memref_squeeze %dma_start3A_111 : memref<1x28x128xi32, #tpu.memory_space<vmem>> -> memref<28x128xi32, #tpu.memory_space<vmem>>
    %dma_start3A_113 = arith.constant 0 : i32
    %dma_start3A_114 = arith.constant 0 : i32
    %dma_start3A_115 = tpu.memref_slice %arg3[%arg0, %arg1, %dma_start3A_107, %dma_start3A_113, %dma_start3A_114] : memref<2x16x3x28x128xi32, #tpu.memory_space<hbm>> -> memref<1x1x1x28x128xi32, #tpu.memory_space<hbm>>
    %dma_start3A_116 = tpu.memref_squeeze %dma_start3A_115 : memref<1x1x1x28x128xi32, #tpu.memory_space<hbm>> -> memref<28x128xi32, #tpu.memory_space<hbm>>
    %dma_start3A_117 = arith.constant 0 : i32
    %dma_start3A_118 = arith.constant 0 : i32
    %dma_start3A_119 = tpu.memref_slice %arg6[%dma_start3A_108, %dma_start3A_117, %dma_start3A_118] : memref<2x28x128xi32, #tpu.memory_space<vmem>> -> memref<1x28x128xi32, #tpu.memory_space<vmem>>
    %dma_start3A_120 = tpu.memref_squeeze %dma_start3A_119 : memref<1x28x128xi32, #tpu.memory_space<vmem>> -> memref<28x128xi32, #tpu.memory_space<vmem>>
    %dma_start3A_121 = arith.constant 0 : i32
    %dma_start3A_122 = arith.constant 0 : i32
    %dma_start3A_123 = tpu.memref_slice %arg3[%arg0, %arg1, %dma_start3A_107, %dma_start3A_121, %dma_start3A_122] : memref<2x16x3x28x128xi32, #tpu.memory_space<hbm>> -> memref<1x1x1x28x128xi32, #tpu.memory_space<hbm>>
    %dma_start3A_124 = tpu.memref_squeeze %dma_start3A_123 : memref<1x1x1x28x128xi32, #tpu.memory_space<hbm>> -> memref<28x128xi32, #tpu.memory_space<hbm>>
    tpu.enqueue_dma source(%dma_start3A_124 : memref<28x128xi32, #tpu.memory_space<hbm>>) target(%dma_start3A_120 : memref<28x128xi32, #tpu.memory_space<vmem>>) target_semaphore(%arg11 : memref<!tpu.dma_semaphore, #tpu.memory_space<semaphore_mem>>)
    %dma_start3A_125 = arith.constant 1 : i32
    %dma_start3A_126 = arith.constant 1 : i32
    %dma_start3A_127 = arith.constant 0 : i32
    %dma_start3A_128 = arith.constant 0 : i32
    %dma_start3A_129 = tpu.memref_slice %arg7[%dma_start3A_126, %dma_start3A_127, %dma_start3A_128] : memref<2x28x128xi32, #tpu.memory_space<vmem>> -> memref<1x28x128xi32, #tpu.memory_space<vmem>>
    %dma_start3A_130 = tpu.memref_squeeze %dma_start3A_129 : memref<1x28x128xi32, #tpu.memory_space<vmem>> -> memref<28x128xi32, #tpu.memory_space<vmem>>
    %dma_start3A_131 = arith.constant 0 : i32
    %dma_start3A_132 = arith.constant 0 : i32
    %dma_start3A_133 = tpu.memref_slice %arg4[%arg1, %dma_start3A_125, %dma_start3A_131, %dma_start3A_132] : memref<16x3x28x128xi32, #tpu.memory_space<hbm>> -> memref<1x1x28x128xi32, #tpu.memory_space<hbm>>
    %dma_start3A_134 = tpu.memref_squeeze %dma_start3A_133 : memref<1x1x28x128xi32, #tpu.memory_space<hbm>> -> memref<28x128xi32, #tpu.memory_space<hbm>>
    %dma_start3A_135 = arith.constant 0 : i32
    %dma_start3A_136 = arith.constant 0 : i32
    %dma_start3A_137 = tpu.memref_slice %arg7[%dma_start3A_126, %dma_start3A_135, %dma_start3A_136] : memref<2x28x128xi32, #tpu.memory_space<vmem>> -> memref<1x28x128xi32, #tpu.memory_space<vmem>>
    %dma_start3A_138 = tpu.memref_squeeze %dma_start3A_137 : memref<1x28x128xi32, #tpu.memory_space<vmem>> -> memref<28x128xi32, #tpu.memory_space<vmem>>
    %dma_start3A_139 = arith.constant 0 : i32
    %dma_start3A_140 = arith.constant 0 : i32
    %dma_start3A_141 = tpu.memref_slice %arg4[%arg1, %dma_start3A_125, %dma_start3A_139, %dma_start3A_140] : memref<16x3x28x128xi32, #tpu.memory_space<hbm>> -> memref<1x1x28x128xi32, #tpu.memory_space<hbm>>
    %dma_start3A_142 = tpu.memref_squeeze %dma_start3A_141 : memref<1x1x28x128xi32, #tpu.memory_space<hbm>> -> memref<28x128xi32, #tpu.memory_space<hbm>>
    tpu.enqueue_dma source(%dma_start3A_142 : memref<28x128xi32, #tpu.memory_space<hbm>>) target(%dma_start3A_138 : memref<28x128xi32, #tpu.memory_space<vmem>>) target_semaphore(%arg11 : memref<!tpu.dma_semaphore, #tpu.memory_space<semaphore_mem>>)
    %scan3A_143 = arith.constant 0 : i32
    %scan3A_144 = arith.constant 0 : i32
    %scan3A_145 = arith.constant 13 : i32
    %scan3A_146 = arith.addi %scan3A_144, %scan3A_145 : i32
    %scan3A_147 = arith.constant 1 : i32
    scf.for %scan3A_583 = %scan3A_144 to %scan3A_146 step %scan3A_147  : i32 {
      %mul3A_584 = arith.constant 2 : i32
      %mul3A_585 = arith.muli %mul3A_584, %scan3A_583 : i32
      %add3A = arith.constant 1 : i32
      %add3A_586 = arith.addi %mul3A_585, %add3A : i32
      %dma_wait3A_587 = arith.constant 0 : i32
      %dma_wait3A_588 = arith.constant 0 : i32
      %dma_wait3A_589 = arith.constant 0 : i32
      %dma_wait3A_590 = arith.constant 0 : i32
      %dma_wait3A_591 = tpu.memref_slice %arg8[%dma_wait3A_588, %dma_wait3A_589, %dma_wait3A_590] : memref<2x128x128xf32, #tpu.memory_space<vmem>> -> memref<1x128x128xf32, #tpu.memory_space<vmem>>
      %dma_wait3A_592 = tpu.memref_squeeze %dma_wait3A_591 : memref<1x128x128xf32, #tpu.memory_space<vmem>> -> memref<128x128xf32, #tpu.memory_space<vmem>>
      %dma_wait3A_593 = arith.constant 0 : i32
      %dma_wait3A_594 = tpu.memref_slice %arg6[%dma_wait3A_587, %mul3A_585, %dma_wait3A_593] : memref<2x28x128xi32, #tpu.memory_space<vmem>> -> memref<1x1x128xi32, #tpu.memory_space<vmem>>
      %dma_wait3A_595 = tpu.memref_squeeze %dma_wait3A_594 : memref<1x1x128xi32, #tpu.memory_space<vmem>> -> memref<128xi32, #tpu.memory_space<vmem>>
      %dma_wait3A_596 = arith.constant 0 : i32
      %dma_wait3A_597 = arith.constant 0 : i32
      %dma_wait3A_598 = tpu.memref_slice %arg2[%dma_wait3A_596, %dma_wait3A_597] : memref<20480x128xf32, #tpu.memory_space<hbm>> -> memref<20480x128xf32, #tpu.memory_space<hbm>>
      tpu.wait_indirect_dma semaphore(%arg10 : memref<!tpu.dma_semaphore, #tpu.memory_space<semaphore_mem>>) src(%dma_wait3A_598 : memref<20480x128xf32, #tpu.memory_space<hbm>>) dst(%dma_wait3A_592 : memref<128x128xf32, #tpu.memory_space<vmem>>)
      %dma_wait3A_599 = arith.constant 1 : i32
      %dma_wait3A_600 = arith.constant 0 : i32
      %dma_wait3A_601 = arith.constant 0 : i32
      %dma_wait3A_602 = arith.constant 0 : i32
      %dma_wait3A_603 = arith.constant 0 : i32
      %dma_wait3A_604 = tpu.memref_slice %arg8[%dma_wait3A_599, %dma_wait3A_602, %dma_wait3A_603] : memref<2x128x128xf32, #tpu.memory_space<vmem>> -> memref<1x128x128xf32, #tpu.memory_space<vmem>>
      %dma_wait3A_605 = tpu.memref_squeeze %dma_wait3A_604 : memref<1x128x128xf32, #tpu.memory_space<vmem>> -> memref<128x128xf32, #tpu.memory_space<vmem>>
      %dma_wait3A_606 = arith.constant 0 : i32
      %dma_wait3A_607 = tpu.memref_slice %arg7[%dma_wait3A_600, %dma_wait3A_601, %dma_wait3A_606] : memref<2x28x128xi32, #tpu.memory_space<vmem>> -> memref<1x1x128xi32, #tpu.memory_space<vmem>>
      %dma_wait3A_608 = tpu.memref_squeeze %dma_wait3A_607 : memref<1x1x128xi32, #tpu.memory_space<vmem>> -> memref<128xi32, #tpu.memory_space<vmem>>
      %dma_wait3A_609 = arith.constant 0 : i32
      %dma_wait3A_610 = arith.constant 0 : i32
      %dma_wait3A_611 = tpu.memref_slice %arg9[%dma_wait3A_609, %dma_wait3A_610] : memref<10240x128xf32, #tpu.memory_space<vmem_shared>> -> memref<10240x128xf32, #tpu.memory_space<vmem_shared>>
      tpu.wait_indirect_dma semaphore(%arg12 : memref<!tpu.dma_semaphore, #tpu.memory_space<semaphore_mem>>) src(%dma_wait3A_605 : memref<128x128xf32, #tpu.memory_space<vmem>>) dst(%dma_wait3A_611 : memref<10240x128xf32, #tpu.memory_space<vmem_shared>>)
      %dma_start3A_612 = arith.constant 0 : i32
      %dma_start3A_613 = arith.constant 1 : i32
      %dma_start3A_614 = arith.constant 0 : i32
      %dma_start3A_615 = arith.constant 0 : i32
      %dma_start3A_616 = tpu.memref_slice %arg8[%dma_start3A_613, %dma_start3A_614, %dma_start3A_615] : memref<2x128x128xf32, #tpu.memory_space<vmem>> -> memref<1x128x128xf32, #tpu.memory_space<vmem>>
      %dma_start3A_617 = tpu.memref_squeeze %dma_start3A_616 : memref<1x128x128xf32, #tpu.memory_space<vmem>> -> memref<128x128xf32, #tpu.memory_space<vmem>>
      %dma_start3A_618 = arith.constant 0 : i32
      %dma_start3A_619 = tpu.memref_slice %arg6[%dma_start3A_612, %add3A_586, %dma_start3A_618] : memref<2x28x128xi32, #tpu.memory_space<vmem>> -> memref<1x1x128xi32, #tpu.memory_space<vmem>>
      %dma_start3A_620 = tpu.memref_squeeze %dma_start3A_619 : memref<1x1x128xi32, #tpu.memory_space<vmem>> -> memref<128xi32, #tpu.memory_space<vmem>>
      %dma_start3A_621 = arith.constant 0 : i32
      %dma_start3A_622 = arith.constant 0 : i32
      %dma_start3A_623 = tpu.memref_slice %arg2[%dma_start3A_621, %dma_start3A_622] : memref<20480x128xf32, #tpu.memory_space<hbm>> -> memref<20480x128xf32, #tpu.memory_space<hbm>>
      tpu.enqueue_indirect_dma source(%dma_start3A_623 : memref<20480x128xf32, #tpu.memory_space<hbm>>) target(%dma_start3A_617 : memref<128x128xf32, #tpu.memory_space<vmem>>) offsets(%dma_start3A_620 : memref<128xi32, #tpu.memory_space<vmem>>) semaphore(%arg10 : memref<!tpu.dma_semaphore, #tpu.memory_space<semaphore_mem>>)
      %dma_start3A_624 = arith.constant 0 : i32
      %dma_start3A_625 = arith.constant 0 : i32
      %dma_start3A_626 = arith.constant 0 : i32
      %dma_start3A_627 = arith.constant 0 : i32
      %dma_start3A_628 = tpu.memref_slice %arg8[%dma_start3A_624, %dma_start3A_626, %dma_start3A_627] : memref<2x128x128xf32, #tpu.memory_space<vmem>> -> memref<1x128x128xf32, #tpu.memory_space<vmem>>
      %dma_start3A_629 = tpu.memref_squeeze %dma_start3A_628 : memref<1x128x128xf32, #tpu.memory_space<vmem>> -> memref<128x128xf32, #tpu.memory_space<vmem>>
      %dma_start3A_630 = arith.constant 0 : i32
      %dma_start3A_631 = tpu.memref_slice %arg7[%dma_start3A_625, %mul3A_585, %dma_start3A_630] : memref<2x28x128xi32, #tpu.memory_space<vmem>> -> memref<1x1x128xi32, #tpu.memory_space<vmem>>
      %dma_start3A_632 = tpu.memref_squeeze %dma_start3A_631 : memref<1x1x128xi32, #tpu.memory_space<vmem>> -> memref<128xi32, #tpu.memory_space<vmem>>
      %dma_start3A_633 = arith.constant 0 : i32
      %dma_start3A_634 = arith.constant 0 : i32
      %dma_start3A_635 = tpu.memref_slice %arg9[%dma_start3A_633, %dma_start3A_634] : memref<10240x128xf32, #tpu.memory_space<vmem_shared>> -> memref<10240x128xf32, #tpu.memory_space<vmem_shared>>
      tpu.enqueue_indirect_dma source(%dma_start3A_629 : memref<128x128xf32, #tpu.memory_space<vmem>>) target(%dma_start3A_635 : memref<10240x128xf32, #tpu.memory_space<vmem_shared>>) offsets(%dma_start3A_632 : memref<128xi32, #tpu.memory_space<vmem>>) semaphore(%arg12 : memref<!tpu.dma_semaphore, #tpu.memory_space<semaphore_mem>>) {add = true}
      %dma_wait3A_636 = arith.constant 0 : i32
      %dma_wait3A_637 = arith.constant 1 : i32
      %dma_wait3A_638 = arith.constant 0 : i32
      %dma_wait3A_639 = arith.constant 0 : i32
      %dma_wait3A_640 = tpu.memref_slice %arg8[%dma_wait3A_637, %dma_wait3A_638, %dma_wait3A_639] : memref<2x128x128xf32, #tpu.memory_space<vmem>> -> memref<1x128x128xf32, #tpu.memory_space<vmem>>
      %dma_wait3A_641 = tpu.memref_squeeze %dma_wait3A_640 : memref<1x128x128xf32, #tpu.memory_space<vmem>> -> memref<128x128xf32, #tpu.memory_space<vmem>>
      %dma_wait3A_642 = arith.constant 0 : i32
      %dma_wait3A_643 = tpu.memref_slice %arg6[%dma_wait3A_636, %add3A_586, %dma_wait3A_642] : memref<2x28x128xi32, #tpu.memory_space<vmem>> -> memref<1x1x128xi32, #tpu.memory_space<vmem>>
      %dma_wait3A_644 = tpu.memref_squeeze %dma_wait3A_643 : memref<1x1x128xi32, #tpu.memory_space<vmem>> -> memref<128xi32, #tpu.memory_space<vmem>>
      %dma_wait3A_645 = arith.constant 0 : i32
      %dma_wait3A_646 = arith.constant 0 : i32
      %dma_wait3A_647 = tpu.memref_slice %arg2[%dma_wait3A_645, %dma_wait3A_646] : memref<20480x128xf32, #tpu.memory_space<hbm>> -> memref<20480x128xf32, #tpu.memory_space<hbm>>
      tpu.wait_indirect_dma semaphore(%arg10 : memref<!tpu.dma_semaphore, #tpu.memory_space<semaphore_mem>>) src(%dma_wait3A_647 : memref<20480x128xf32, #tpu.memory_space<hbm>>) dst(%dma_wait3A_641 : memref<128x128xf32, #tpu.memory_space<vmem>>)
      %dma_wait3A_648 = arith.constant 0 : i32
      %dma_wait3A_649 = arith.constant 0 : i32
      %dma_wait3A_650 = arith.constant 0 : i32
      %dma_wait3A_651 = arith.constant 0 : i32
      %dma_wait3A_652 = arith.constant 0 : i32
      %dma_wait3A_653 = tpu.memref_slice %arg8[%dma_wait3A_648, %dma_wait3A_651, %dma_wait3A_652] : memref<2x128x128xf32, #tpu.memory_space<vmem>> -> memref<1x128x128xf32, #tpu.memory_space<vmem>>
      %dma_wait3A_654 = tpu.memref_squeeze %dma_wait3A_653 : memref<1x128x128xf32, #tpu.memory_space<vmem>> -> memref<128x128xf32, #tpu.memory_space<vmem>>
      %dma_wait3A_655 = arith.constant 0 : i32
      %dma_wait3A_656 = tpu.memref_slice %arg7[%dma_wait3A_649, %dma_wait3A_650, %dma_wait3A_655] : memref<2x28x128xi32, #tpu.memory_space<vmem>> -> memref<1x1x128xi32, #tpu.memory_space<vmem>>
      %dma_wait3A_657 = tpu.memref_squeeze %dma_wait3A_656 : memref<1x1x128xi32, #tpu.memory_space<vmem>> -> memref<128xi32, #tpu.memory_space<vmem>>
      %dma_wait3A_658 = arith.constant 0 : i32
      %dma_wait3A_659 = arith.constant 0 : i32
      %dma_wait3A_660 = tpu.memref_slice %arg9[%dma_wait3A_658, %dma_wait3A_659] : memref<10240x128xf32, #tpu.memory_space<vmem_shared>> -> memref<10240x128xf32, #tpu.memory_space<vmem_shared>>
      tpu.wait_indirect_dma semaphore(%arg12 : memref<!tpu.dma_semaphore, #tpu.memory_space<semaphore_mem>>) src(%dma_wait3A_654 : memref<128x128xf32, #tpu.memory_space<vmem>>) dst(%dma_wait3A_660 : memref<10240x128xf32, #tpu.memory_space<vmem_shared>>)
      %add3A_661 = arith.constant 1 : i32
      %add3A_662 = arith.addi %add3A_586, %add3A_661 : i32
      %dma_start3A_663 = arith.constant 0 : i32
      %dma_start3A_664 = arith.constant 0 : i32
      %dma_start3A_665 = arith.constant 0 : i32
      %dma_start3A_666 = arith.constant 0 : i32
      %dma_start3A_667 = tpu.memref_slice %arg8[%dma_start3A_664, %dma_start3A_665, %dma_start3A_666] : memref<2x128x128xf32, #tpu.memory_space<vmem>> -> memref<1x128x128xf32, #tpu.memory_space<vmem>>
      %dma_start3A_668 = tpu.memref_squeeze %dma_start3A_667 : memref<1x128x128xf32, #tpu.memory_space<vmem>> -> memref<128x128xf32, #tpu.memory_space<vmem>>
      %dma_start3A_669 = arith.constant 0 : i32
      %dma_start3A_670 = tpu.memref_slice %arg6[%dma_start3A_663, %add3A_662, %dma_start3A_669] : memref<2x28x128xi32, #tpu.memory_space<vmem>> -> memref<1x1x128xi32, #tpu.memory_space<vmem>>
      %dma_start3A_671 = tpu.memref_squeeze %dma_start3A_670 : memref<1x1x128xi32, #tpu.memory_space<vmem>> -> memref<128xi32, #tpu.memory_space<vmem>>
      %dma_start3A_672 = arith.constant 0 : i32
      %dma_start3A_673 = arith.constant 0 : i32
      %dma_start3A_674 = tpu.memref_slice %arg2[%dma_start3A_672, %dma_start3A_673] : memref<20480x128xf32, #tpu.memory_space<hbm>> -> memref<20480x128xf32, #tpu.memory_space<hbm>>
      tpu.enqueue_indirect_dma source(%dma_start3A_674 : memref<20480x128xf32, #tpu.memory_space<hbm>>) target(%dma_start3A_668 : memref<128x128xf32, #tpu.memory_space<vmem>>) offsets(%dma_start3A_671 : memref<128xi32, #tpu.memory_space<vmem>>) semaphore(%arg10 : memref<!tpu.dma_semaphore, #tpu.memory_space<semaphore_mem>>)
      %dma_start3A_675 = arith.constant 1 : i32
      %dma_start3A_676 = arith.constant 0 : i32
      %dma_start3A_677 = arith.constant 0 : i32
      %dma_start3A_678 = arith.constant 0 : i32
      %dma_start3A_679 = tpu.memref_slice %arg8[%dma_start3A_675, %dma_start3A_677, %dma_start3A_678] : memref<2x128x128xf32, #tpu.memory_space<vmem>> -> memref<1x128x128xf32, #tpu.memory_space<vmem>>
      %dma_start3A_680 = tpu.memref_squeeze %dma_start3A_679 : memref<1x128x128xf32, #tpu.memory_space<vmem>> -> memref<128x128xf32, #tpu.memory_space<vmem>>
      %dma_start3A_681 = arith.constant 0 : i32
      %dma_start3A_682 = tpu.memref_slice %arg7[%dma_start3A_676, %add3A_586, %dma_start3A_681] : memref<2x28x128xi32, #tpu.memory_space<vmem>> -> memref<1x1x128xi32, #tpu.memory_space<vmem>>
      %dma_start3A_683 = tpu.memref_squeeze %dma_start3A_682 : memref<1x1x128xi32, #tpu.memory_space<vmem>> -> memref<128xi32, #tpu.memory_space<vmem>>
      %dma_start3A_684 = arith.constant 0 : i32
      %dma_start3A_685 = arith.constant 0 : i32
      %dma_start3A_686 = tpu.memref_slice %arg9[%dma_start3A_684, %dma_start3A_685] : memref<10240x128xf32, #tpu.memory_space<vmem_shared>> -> memref<10240x128xf32, #tpu.memory_space<vmem_shared>>
      tpu.enqueue_indirect_dma source(%dma_start3A_680 : memref<128x128xf32, #tpu.memory_space<vmem>>) target(%dma_start3A_686 : memref<10240x128xf32, #tpu.memory_space<vmem_shared>>) offsets(%dma_start3A_683 : memref<128xi32, #tpu.memory_space<vmem>>) semaphore(%arg12 : memref<!tpu.dma_semaphore, #tpu.memory_space<semaphore_mem>>) {add = true}
    }
    %scan3A_148 = arith.constant 13 : i32
    %dma_wait3A_149 = arith.constant 0 : i32
    %dma_wait3A_150 = arith.constant 26 : i32
    %dma_wait3A_151 = arith.constant 0 : i32
    %dma_wait3A_152 = arith.constant 0 : i32
    %dma_wait3A_153 = arith.constant 0 : i32
    %dma_wait3A_154 = tpu.memref_slice %arg8[%dma_wait3A_151, %dma_wait3A_152, %dma_wait3A_153] : memref<2x128x128xf32, #tpu.memory_space<vmem>> -> memref<1x128x128xf32, #tpu.memory_space<vmem>>
    %dma_wait3A_155 = tpu.memref_squeeze %dma_wait3A_154 : memref<1x128x128xf32, #tpu.memory_space<vmem>> -> memref<128x128xf32, #tpu.memory_space<vmem>>
    %dma_wait3A_156 = arith.constant 0 : i32
    %dma_wait3A_157 = tpu.memref_slice %arg6[%dma_wait3A_149, %dma_wait3A_150, %dma_wait3A_156] : memref<2x28x128xi32, #tpu.memory_space<vmem>> -> memref<1x1x128xi32, #tpu.memory_space<vmem>>
    %dma_wait3A_158 = tpu.memref_squeeze %dma_wait3A_157 : memref<1x1x128xi32, #tpu.memory_space<vmem>> -> memref<128xi32, #tpu.memory_space<vmem>>
    %dma_wait3A_159 = arith.constant 0 : i32
    %dma_wait3A_160 = arith.constant 0 : i32
    %dma_wait3A_161 = tpu.memref_slice %arg2[%dma_wait3A_159, %dma_wait3A_160] : memref<20480x128xf32, #tpu.memory_space<hbm>> -> memref<20480x128xf32, #tpu.memory_space<hbm>>
    tpu.wait_indirect_dma semaphore(%arg10 : memref<!tpu.dma_semaphore, #tpu.memory_space<semaphore_mem>>) src(%dma_wait3A_161 : memref<20480x128xf32, #tpu.memory_space<hbm>>) dst(%dma_wait3A_155 : memref<128x128xf32, #tpu.memory_space<vmem>>)
    %dma_wait3A_162 = arith.constant 1 : i32
    %dma_wait3A_163 = arith.constant 0 : i32
    %dma_wait3A_164 = arith.constant 0 : i32
    %dma_wait3A_165 = arith.constant 0 : i32
    %dma_wait3A_166 = arith.constant 0 : i32
    %dma_wait3A_167 = tpu.memref_slice %arg8[%dma_wait3A_162, %dma_wait3A_165, %dma_wait3A_166] : memref<2x128x128xf32, #tpu.memory_space<vmem>> -> memref<1x128x128xf32, #tpu.memory_space<vmem>>
    %dma_wait3A_168 = tpu.memref_squeeze %dma_wait3A_167 : memref<1x128x128xf32, #tpu.memory_space<vmem>> -> memref<128x128xf32, #tpu.memory_space<vmem>>
    %dma_wait3A_169 = arith.constant 0 : i32
    %dma_wait3A_170 = tpu.memref_slice %arg7[%dma_wait3A_163, %dma_wait3A_164, %dma_wait3A_169] : memref<2x28x128xi32, #tpu.memory_space<vmem>> -> memref<1x1x128xi32, #tpu.memory_space<vmem>>
    %dma_wait3A_171 = tpu.memref_squeeze %dma_wait3A_170 : memref<1x1x128xi32, #tpu.memory_space<vmem>> -> memref<128xi32, #tpu.memory_space<vmem>>
    %dma_wait3A_172 = arith.constant 0 : i32
    %dma_wait3A_173 = arith.constant 0 : i32
    %dma_wait3A_174 = tpu.memref_slice %arg9[%dma_wait3A_172, %dma_wait3A_173] : memref<10240x128xf32, #tpu.memory_space<vmem_shared>> -> memref<10240x128xf32, #tpu.memory_space<vmem_shared>>
    tpu.wait_indirect_dma semaphore(%arg12 : memref<!tpu.dma_semaphore, #tpu.memory_space<semaphore_mem>>) src(%dma_wait3A_168 : memref<128x128xf32, #tpu.memory_space<vmem>>) dst(%dma_wait3A_174 : memref<10240x128xf32, #tpu.memory_space<vmem_shared>>)
    %dma_start3A_175 = arith.constant 0 : i32
    %dma_start3A_176 = arith.constant 27 : i32
    %dma_start3A_177 = arith.constant 1 : i32
    %dma_start3A_178 = arith.constant 0 : i32
    %dma_start3A_179 = arith.constant 0 : i32
    %dma_start3A_180 = tpu.memref_slice %arg8[%dma_start3A_177, %dma_start3A_178, %dma_start3A_179] : memref<2x128x128xf32, #tpu.memory_space<vmem>> -> memref<1x128x128xf32, #tpu.memory_space<vmem>>
    %dma_start3A_181 = tpu.memref_squeeze %dma_start3A_180 : memref<1x128x128xf32, #tpu.memory_space<vmem>> -> memref<128x128xf32, #tpu.memory_space<vmem>>
    %dma_start3A_182 = arith.constant 0 : i32
    %dma_start3A_183 = tpu.memref_slice %arg6[%dma_start3A_175, %dma_start3A_176, %dma_start3A_182] : memref<2x28x128xi32, #tpu.memory_space<vmem>> -> memref<1x1x128xi32, #tpu.memory_space<vmem>>
    %dma_start3A_184 = tpu.memref_squeeze %dma_start3A_183 : memref<1x1x128xi32, #tpu.memory_space<vmem>> -> memref<128xi32, #tpu.memory_space<vmem>>
    %dma_start3A_185 = arith.constant 0 : i32
    %dma_start3A_186 = arith.constant 0 : i32
    %dma_start3A_187 = tpu.memref_slice %arg2[%dma_start3A_185, %dma_start3A_186] : memref<20480x128xf32, #tpu.memory_space<hbm>> -> memref<20480x128xf32, #tpu.memory_space<hbm>>
    tpu.enqueue_indirect_dma source(%dma_start3A_187 : memref<20480x128xf32, #tpu.memory_space<hbm>>) target(%dma_start3A_181 : memref<128x128xf32, #tpu.memory_space<vmem>>) offsets(%dma_start3A_184 : memref<128xi32, #tpu.memory_space<vmem>>) semaphore(%arg10 : memref<!tpu.dma_semaphore, #tpu.memory_space<semaphore_mem>>)
    %dma_start3A_188 = arith.constant 0 : i32
    %dma_start3A_189 = arith.constant 0 : i32
    %dma_start3A_190 = arith.constant 26 : i32
    %dma_start3A_191 = arith.constant 0 : i32
    %dma_start3A_192 = arith.constant 0 : i32
    %dma_start3A_193 = tpu.memref_slice %arg8[%dma_start3A_188, %dma_start3A_191, %dma_start3A_192] : memref<2x128x128xf32, #tpu.memory_space<vmem>> -> memref<1x128x128xf32, #tpu.memory_space<vmem>>
    %dma_start3A_194 = tpu.memref_squeeze %dma_start3A_193 : memref<1x128x128xf32, #tpu.memory_space<vmem>> -> memref<128x128xf32, #tpu.memory_space<vmem>>
    %dma_start3A_195 = arith.constant 0 : i32
    %dma_start3A_196 = tpu.memref_slice %arg7[%dma_start3A_189, %dma_start3A_190, %dma_start3A_195] : memref<2x28x128xi32, #tpu.memory_space<vmem>> -> memref<1x1x128xi32, #tpu.memory_space<vmem>>
    %dma_start3A_197 = tpu.memref_squeeze %dma_start3A_196 : memref<1x1x128xi32, #tpu.memory_space<vmem>> -> memref<128xi32, #tpu.memory_space<vmem>>
    %dma_start3A_198 = arith.constant 0 : i32
    %dma_start3A_199 = arith.constant 0 : i32
    %dma_start3A_200 = tpu.memref_slice %arg9[%dma_start3A_198, %dma_start3A_199] : memref<10240x128xf32, #tpu.memory_space<vmem_shared>> -> memref<10240x128xf32, #tpu.memory_space<vmem_shared>>
    tpu.enqueue_indirect_dma source(%dma_start3A_194 : memref<128x128xf32, #tpu.memory_space<vmem>>) target(%dma_start3A_200 : memref<10240x128xf32, #tpu.memory_space<vmem_shared>>) offsets(%dma_start3A_197 : memref<128xi32, #tpu.memory_space<vmem>>) semaphore(%arg12 : memref<!tpu.dma_semaphore, #tpu.memory_space<semaphore_mem>>) {add = true}
    %dma_wait3A_201 = arith.constant 0 : i32
    %dma_wait3A_202 = arith.constant 27 : i32
    %dma_wait3A_203 = arith.constant 1 : i32
    %dma_wait3A_204 = arith.constant 0 : i32
    %dma_wait3A_205 = arith.constant 0 : i32
    %dma_wait3A_206 = tpu.memref_slice %arg8[%dma_wait3A_203, %dma_wait3A_204, %dma_wait3A_205] : memref<2x128x128xf32, #tpu.memory_space<vmem>> -> memref<1x128x128xf32, #tpu.memory_space<vmem>>
    %dma_wait3A_207 = tpu.memref_squeeze %dma_wait3A_206 : memref<1x128x128xf32, #tpu.memory_space<vmem>> -> memref<128x128xf32, #tpu.memory_space<vmem>>
    %dma_wait3A_208 = arith.constant 0 : i32
    %dma_wait3A_209 = tpu.memref_slice %arg6[%dma_wait3A_201, %dma_wait3A_202, %dma_wait3A_208] : memref<2x28x128xi32, #tpu.memory_space<vmem>> -> memref<1x1x128xi32, #tpu.memory_space<vmem>>
    %dma_wait3A_210 = tpu.memref_squeeze %dma_wait3A_209 : memref<1x1x128xi32, #tpu.memory_space<vmem>> -> memref<128xi32, #tpu.memory_space<vmem>>
    %dma_wait3A_211 = arith.constant 0 : i32
    %dma_wait3A_212 = arith.constant 0 : i32
    %dma_wait3A_213 = tpu.memref_slice %arg2[%dma_wait3A_211, %dma_wait3A_212] : memref<20480x128xf32, #tpu.memory_space<hbm>> -> memref<20480x128xf32, #tpu.memory_space<hbm>>
    tpu.wait_indirect_dma semaphore(%arg10 : memref<!tpu.dma_semaphore, #tpu.memory_space<semaphore_mem>>) src(%dma_wait3A_213 : memref<20480x128xf32, #tpu.memory_space<hbm>>) dst(%dma_wait3A_207 : memref<128x128xf32, #tpu.memory_space<vmem>>)
    %dma_wait3A_214 = arith.constant 0 : i32
    %dma_wait3A_215 = arith.constant 0 : i32
    %dma_wait3A_216 = arith.constant 0 : i32
    %dma_wait3A_217 = arith.constant 0 : i32
    %dma_wait3A_218 = arith.constant 0 : i32
    %dma_wait3A_219 = tpu.memref_slice %arg8[%dma_wait3A_214, %dma_wait3A_217, %dma_wait3A_218] : memref<2x128x128xf32, #tpu.memory_space<vmem>> -> memref<1x128x128xf32, #tpu.memory_space<vmem>>
    %dma_wait3A_220 = tpu.memref_squeeze %dma_wait3A_219 : memref<1x128x128xf32, #tpu.memory_space<vmem>> -> memref<128x128xf32, #tpu.memory_space<vmem>>
    %dma_wait3A_221 = arith.constant 0 : i32
    %dma_wait3A_222 = tpu.memref_slice %arg7[%dma_wait3A_215, %dma_wait3A_216, %dma_wait3A_221] : memref<2x28x128xi32, #tpu.memory_space<vmem>> -> memref<1x1x128xi32, #tpu.memory_space<vmem>>
    %dma_wait3A_223 = tpu.memref_squeeze %dma_wait3A_222 : memref<1x1x128xi32, #tpu.memory_space<vmem>> -> memref<128xi32, #tpu.memory_space<vmem>>
    %dma_wait3A_224 = arith.constant 0 : i32
    %dma_wait3A_225 = arith.constant 0 : i32
    %dma_wait3A_226 = tpu.memref_slice %arg9[%dma_wait3A_224, %dma_wait3A_225] : memref<10240x128xf32, #tpu.memory_space<vmem_shared>> -> memref<10240x128xf32, #tpu.memory_space<vmem_shared>>
    tpu.wait_indirect_dma semaphore(%arg12 : memref<!tpu.dma_semaphore, #tpu.memory_space<semaphore_mem>>) src(%dma_wait3A_220 : memref<128x128xf32, #tpu.memory_space<vmem>>) dst(%dma_wait3A_226 : memref<10240x128xf32, #tpu.memory_space<vmem_shared>>)
    %dma_wait3A_227 = arith.constant 1 : i32
    %dma_wait3A_228 = arith.constant 1 : i32
    %dma_wait3A_229 = arith.constant 0 : i32
    %dma_wait3A_230 = arith.constant 0 : i32
    %dma_wait3A_231 = tpu.memref_slice %arg6[%dma_wait3A_228, %dma_wait3A_229, %dma_wait3A_230] : memref<2x28x128xi32, #tpu.memory_space<vmem>> -> memref<1x28x128xi32, #tpu.memory_space<vmem>>
    %dma_wait3A_232 = tpu.memref_squeeze %dma_wait3A_231 : memref<1x28x128xi32, #tpu.memory_space<vmem>> -> memref<28x128xi32, #tpu.memory_space<vmem>>
    %dma_wait3A_233 = arith.constant 0 : i32
    %dma_wait3A_234 = arith.constant 0 : i32
    %dma_wait3A_235 = tpu.memref_slice %arg3[%arg0, %arg1, %dma_wait3A_227, %dma_wait3A_233, %dma_wait3A_234] : memref<2x16x3x28x128xi32, #tpu.memory_space<hbm>> -> memref<1x1x1x28x128xi32, #tpu.memory_space<hbm>>
    %dma_wait3A_236 = tpu.memref_squeeze %dma_wait3A_235 : memref<1x1x1x28x128xi32, #tpu.memory_space<hbm>> -> memref<28x128xi32, #tpu.memory_space<hbm>>
    %dma_wait3A_237 = arith.constant 0 : i32
    %dma_wait3A_238 = arith.constant 0 : i32
    %dma_wait3A_239 = tpu.memref_slice %arg6[%dma_wait3A_228, %dma_wait3A_237, %dma_wait3A_238] : memref<2x28x128xi32, #tpu.memory_space<vmem>> -> memref<1x28x128xi32, #tpu.memory_space<vmem>>
    %dma_wait3A_240 = tpu.memref_squeeze %dma_wait3A_239 : memref<1x28x128xi32, #tpu.memory_space<vmem>> -> memref<28x128xi32, #tpu.memory_space<vmem>>
    %dma_wait3A_241 = arith.constant 0 : i32
    %dma_wait3A_242 = arith.constant 0 : i32
    %dma_wait3A_243 = tpu.memref_slice %arg3[%arg0, %arg1, %dma_wait3A_227, %dma_wait3A_241, %dma_wait3A_242] : memref<2x16x3x28x128xi32, #tpu.memory_space<hbm>> -> memref<1x1x1x28x128xi32, #tpu.memory_space<hbm>>
    %dma_wait3A_244 = tpu.memref_squeeze %dma_wait3A_243 : memref<1x1x1x28x128xi32, #tpu.memory_space<hbm>> -> memref<28x128xi32, #tpu.memory_space<hbm>>
    tpu.wait_dma2 semaphore(%arg11 : memref<!tpu.dma_semaphore, #tpu.memory_space<semaphore_mem>>) src(%dma_wait3A_244 : memref<28x128xi32, #tpu.memory_space<hbm>>) dst(%dma_wait3A_240 : memref<28x128xi32, #tpu.memory_space<vmem>>)
    %dma_wait3A_245 = arith.constant 1 : i32
    %dma_wait3A_246 = arith.constant 1 : i32
    %dma_wait3A_247 = arith.constant 0 : i32
    %dma_wait3A_248 = arith.constant 0 : i32
    %dma_wait3A_249 = tpu.memref_slice %arg7[%dma_wait3A_246, %dma_wait3A_247, %dma_wait3A_248] : memref<2x28x128xi32, #tpu.memory_space<vmem>> -> memref<1x28x128xi32, #tpu.memory_space<vmem>>
    %dma_wait3A_250 = tpu.memref_squeeze %dma_wait3A_249 : memref<1x28x128xi32, #tpu.memory_space<vmem>> -> memref<28x128xi32, #tpu.memory_space<vmem>>
    %dma_wait3A_251 = arith.constant 0 : i32
    %dma_wait3A_252 = arith.constant 0 : i32
    %dma_wait3A_253 = tpu.memref_slice %arg4[%arg1, %dma_wait3A_245, %dma_wait3A_251, %dma_wait3A_252] : memref<16x3x28x128xi32, #tpu.memory_space<hbm>> -> memref<1x1x28x128xi32, #tpu.memory_space<hbm>>
    %dma_wait3A_254 = tpu.memref_squeeze %dma_wait3A_253 : memref<1x1x28x128xi32, #tpu.memory_space<hbm>> -> memref<28x128xi32, #tpu.memory_space<hbm>>
    %dma_wait3A_255 = arith.constant 0 : i32
    %dma_wait3A_256 = arith.constant 0 : i32
    %dma_wait3A_257 = tpu.memref_slice %arg7[%dma_wait3A_246, %dma_wait3A_255, %dma_wait3A_256] : memref<2x28x128xi32, #tpu.memory_space<vmem>> -> memref<1x28x128xi32, #tpu.memory_space<vmem>>
    %dma_wait3A_258 = tpu.memref_squeeze %dma_wait3A_257 : memref<1x28x128xi32, #tpu.memory_space<vmem>> -> memref<28x128xi32, #tpu.memory_space<vmem>>
    %dma_wait3A_259 = arith.constant 0 : i32
    %dma_wait3A_260 = arith.constant 0 : i32
    %dma_wait3A_261 = tpu.memref_slice %arg4[%arg1, %dma_wait3A_245, %dma_wait3A_259, %dma_wait3A_260] : memref<16x3x28x128xi32, #tpu.memory_space<hbm>> -> memref<1x1x28x128xi32, #tpu.memory_space<hbm>>
    %dma_wait3A_262 = tpu.memref_squeeze %dma_wait3A_261 : memref<1x1x28x128xi32, #tpu.memory_space<hbm>> -> memref<28x128xi32, #tpu.memory_space<hbm>>
    tpu.wait_dma2 semaphore(%arg11 : memref<!tpu.dma_semaphore, #tpu.memory_space<semaphore_mem>>) src(%dma_wait3A_262 : memref<28x128xi32, #tpu.memory_space<hbm>>) dst(%dma_wait3A_258 : memref<28x128xi32, #tpu.memory_space<vmem>>)
    %dma_start3A_263 = arith.constant 1 : i32
    %dma_start3A_264 = arith.constant 0 : i32
    %dma_start3A_265 = arith.constant 0 : i32
    %dma_start3A_266 = arith.constant 0 : i32
    %dma_start3A_267 = arith.constant 0 : i32
    %dma_start3A_268 = tpu.memref_slice %arg8[%dma_start3A_265, %dma_start3A_266, %dma_start3A_267] : memref<2x128x128xf32, #tpu.memory_space<vmem>> -> memref<1x128x128xf32, #tpu.memory_space<vmem>>
    %dma_start3A_269 = tpu.memref_squeeze %dma_start3A_268 : memref<1x128x128xf32, #tpu.memory_space<vmem>> -> memref<128x128xf32, #tpu.memory_space<vmem>>
    %dma_start3A_270 = arith.constant 0 : i32
    %dma_start3A_271 = tpu.memref_slice %arg6[%dma_start3A_263, %dma_start3A_264, %dma_start3A_270] : memref<2x28x128xi32, #tpu.memory_space<vmem>> -> memref<1x1x128xi32, #tpu.memory_space<vmem>>
    %dma_start3A_272 = tpu.memref_squeeze %dma_start3A_271 : memref<1x1x128xi32, #tpu.memory_space<vmem>> -> memref<128xi32, #tpu.memory_space<vmem>>
    %dma_start3A_273 = arith.constant 0 : i32
    %dma_start3A_274 = arith.constant 0 : i32
    %dma_start3A_275 = tpu.memref_slice %arg2[%dma_start3A_273, %dma_start3A_274] : memref<20480x128xf32, #tpu.memory_space<hbm>> -> memref<20480x128xf32, #tpu.memory_space<hbm>>
    tpu.enqueue_indirect_dma source(%dma_start3A_275 : memref<20480x128xf32, #tpu.memory_space<hbm>>) target(%dma_start3A_269 : memref<128x128xf32, #tpu.memory_space<vmem>>) offsets(%dma_start3A_272 : memref<128xi32, #tpu.memory_space<vmem>>) semaphore(%arg10 : memref<!tpu.dma_semaphore, #tpu.memory_space<semaphore_mem>>)
    %dma_start3A_276 = arith.constant 1 : i32
    %dma_start3A_277 = arith.constant 0 : i32
    %dma_start3A_278 = arith.constant 27 : i32
    %dma_start3A_279 = arith.constant 0 : i32
    %dma_start3A_280 = arith.constant 0 : i32
    %dma_start3A_281 = tpu.memref_slice %arg8[%dma_start3A_276, %dma_start3A_279, %dma_start3A_280] : memref<2x128x128xf32, #tpu.memory_space<vmem>> -> memref<1x128x128xf32, #tpu.memory_space<vmem>>
    %dma_start3A_282 = tpu.memref_squeeze %dma_start3A_281 : memref<1x128x128xf32, #tpu.memory_space<vmem>> -> memref<128x128xf32, #tpu.memory_space<vmem>>
    %dma_start3A_283 = arith.constant 0 : i32
    %dma_start3A_284 = tpu.memref_slice %arg7[%dma_start3A_277, %dma_start3A_278, %dma_start3A_283] : memref<2x28x128xi32, #tpu.memory_space<vmem>> -> memref<1x1x128xi32, #tpu.memory_space<vmem>>
    %dma_start3A_285 = tpu.memref_squeeze %dma_start3A_284 : memref<1x1x128xi32, #tpu.memory_space<vmem>> -> memref<128xi32, #tpu.memory_space<vmem>>
    %dma_start3A_286 = arith.constant 0 : i32
    %dma_start3A_287 = arith.constant 0 : i32
    %dma_start3A_288 = tpu.memref_slice %arg9[%dma_start3A_286, %dma_start3A_287] : memref<10240x128xf32, #tpu.memory_space<vmem_shared>> -> memref<10240x128xf32, #tpu.memory_space<vmem_shared>>
    tpu.enqueue_indirect_dma source(%dma_start3A_282 : memref<128x128xf32, #tpu.memory_space<vmem>>) target(%dma_start3A_288 : memref<10240x128xf32, #tpu.memory_space<vmem_shared>>) offsets(%dma_start3A_285 : memref<128xi32, #tpu.memory_space<vmem>>) semaphore(%arg12 : memref<!tpu.dma_semaphore, #tpu.memory_space<semaphore_mem>>) {add = true}
    %dma_start3A_289 = arith.constant 2 : i32
    %dma_start3A_290 = arith.constant 0 : i32
    %dma_start3A_291 = arith.constant 0 : i32
    %dma_start3A_292 = arith.constant 0 : i32
    %dma_start3A_293 = tpu.memref_slice %arg6[%dma_start3A_290, %dma_start3A_291, %dma_start3A_292] : memref<2x28x128xi32, #tpu.memory_space<vmem>> -> memref<1x28x128xi32, #tpu.memory_space<vmem>>
    %dma_start3A_294 = tpu.memref_squeeze %dma_start3A_293 : memref<1x28x128xi32, #tpu.memory_space<vmem>> -> memref<28x128xi32, #tpu.memory_space<vmem>>
    %dma_start3A_295 = arith.constant 0 : i32
    %dma_start3A_296 = arith.constant 0 : i32
    %dma_start3A_297 = tpu.memref_slice %arg3[%arg0, %arg1, %dma_start3A_289, %dma_start3A_295, %dma_start3A_296] : memref<2x16x3x28x128xi32, #tpu.memory_space<hbm>> -> memref<1x1x1x28x128xi32, #tpu.memory_space<hbm>>
    %dma_start3A_298 = tpu.memref_squeeze %dma_start3A_297 : memref<1x1x1x28x128xi32, #tpu.memory_space<hbm>> -> memref<28x128xi32, #tpu.memory_space<hbm>>
    %dma_start3A_299 = arith.constant 0 : i32
    %dma_start3A_300 = arith.constant 0 : i32
    %dma_start3A_301 = tpu.memref_slice %arg6[%dma_start3A_290, %dma_start3A_299, %dma_start3A_300] : memref<2x28x128xi32, #tpu.memory_space<vmem>> -> memref<1x28x128xi32, #tpu.memory_space<vmem>>
    %dma_start3A_302 = tpu.memref_squeeze %dma_start3A_301 : memref<1x28x128xi32, #tpu.memory_space<vmem>> -> memref<28x128xi32, #tpu.memory_space<vmem>>
    %dma_start3A_303 = arith.constant 0 : i32
    %dma_start3A_304 = arith.constant 0 : i32
    %dma_start3A_305 = tpu.memref_slice %arg3[%arg0, %arg1, %dma_start3A_289, %dma_start3A_303, %dma_start3A_304] : memref<2x16x3x28x128xi32, #tpu.memory_space<hbm>> -> memref<1x1x1x28x128xi32, #tpu.memory_space<hbm>>
    %dma_start3A_306 = tpu.memref_squeeze %dma_start3A_305 : memref<1x1x1x28x128xi32, #tpu.memory_space<hbm>> -> memref<28x128xi32, #tpu.memory_space<hbm>>
    tpu.enqueue_dma source(%dma_start3A_306 : memref<28x128xi32, #tpu.memory_space<hbm>>) target(%dma_start3A_302 : memref<28x128xi32, #tpu.memory_space<vmem>>) target_semaphore(%arg11 : memref<!tpu.dma_semaphore, #tpu.memory_space<semaphore_mem>>)
    %dma_start3A_307 = arith.constant 2 : i32
    %dma_start3A_308 = arith.constant 0 : i32
    %dma_start3A_309 = arith.constant 0 : i32
    %dma_start3A_310 = arith.constant 0 : i32
    %dma_start3A_311 = tpu.memref_slice %arg7[%dma_start3A_308, %dma_start3A_309, %dma_start3A_310] : memref<2x28x128xi32, #tpu.memory_space<vmem>> -> memref<1x28x128xi32, #tpu.memory_space<vmem>>
    %dma_start3A_312 = tpu.memref_squeeze %dma_start3A_311 : memref<1x28x128xi32, #tpu.memory_space<vmem>> -> memref<28x128xi32, #tpu.memory_space<vmem>>
    %dma_start3A_313 = arith.constant 0 : i32
    %dma_start3A_314 = arith.constant 0 : i32
    %dma_start3A_315 = tpu.memref_slice %arg4[%arg1, %dma_start3A_307, %dma_start3A_313, %dma_start3A_314] : memref<16x3x28x128xi32, #tpu.memory_space<hbm>> -> memref<1x1x28x128xi32, #tpu.memory_space<hbm>>
    %dma_start3A_316 = tpu.memref_squeeze %dma_start3A_315 : memref<1x1x28x128xi32, #tpu.memory_space<hbm>> -> memref<28x128xi32, #tpu.memory_space<hbm>>
    %dma_start3A_317 = arith.constant 0 : i32
    %dma_start3A_318 = arith.constant 0 : i32
    %dma_start3A_319 = tpu.memref_slice %arg7[%dma_start3A_308, %dma_start3A_317, %dma_start3A_318] : memref<2x28x128xi32, #tpu.memory_space<vmem>> -> memref<1x28x128xi32, #tpu.memory_space<vmem>>
    %dma_start3A_320 = tpu.memref_squeeze %dma_start3A_319 : memref<1x28x128xi32, #tpu.memory_space<vmem>> -> memref<28x128xi32, #tpu.memory_space<vmem>>
    %dma_start3A_321 = arith.constant 0 : i32
    %dma_start3A_322 = arith.constant 0 : i32
    %dma_start3A_323 = tpu.memref_slice %arg4[%arg1, %dma_start3A_307, %dma_start3A_321, %dma_start3A_322] : memref<16x3x28x128xi32, #tpu.memory_space<hbm>> -> memref<1x1x28x128xi32, #tpu.memory_space<hbm>>
    %dma_start3A_324 = tpu.memref_squeeze %dma_start3A_323 : memref<1x1x28x128xi32, #tpu.memory_space<hbm>> -> memref<28x128xi32, #tpu.memory_space<hbm>>
    tpu.enqueue_dma source(%dma_start3A_324 : memref<28x128xi32, #tpu.memory_space<hbm>>) target(%dma_start3A_320 : memref<28x128xi32, #tpu.memory_space<vmem>>) target_semaphore(%arg11 : memref<!tpu.dma_semaphore, #tpu.memory_space<semaphore_mem>>)
    %scan3A_325 = arith.constant 0 : i32
    %scan3A_326 = arith.constant 0 : i32
    %scan3A_327 = arith.constant 13 : i32
    %scan3A_328 = arith.addi %scan3A_326, %scan3A_327 : i32
    %scan3A_329 = arith.constant 1 : i32
    scf.for %scan3A_583 = %scan3A_326 to %scan3A_328 step %scan3A_329  : i32 {
      %mul3A_584 = arith.constant 2 : i32
      %mul3A_585 = arith.muli %mul3A_584, %scan3A_583 : i32
      %add3A = arith.constant 1 : i32
      %add3A_586 = arith.addi %mul3A_585, %add3A : i32
      %dma_wait3A_587 = arith.constant 1 : i32
      %dma_wait3A_588 = arith.constant 0 : i32
      %dma_wait3A_589 = arith.constant 0 : i32
      %dma_wait3A_590 = arith.constant 0 : i32
      %dma_wait3A_591 = tpu.memref_slice %arg8[%dma_wait3A_588, %dma_wait3A_589, %dma_wait3A_590] : memref<2x128x128xf32, #tpu.memory_space<vmem>> -> memref<1x128x128xf32, #tpu.memory_space<vmem>>
      %dma_wait3A_592 = tpu.memref_squeeze %dma_wait3A_591 : memref<1x128x128xf32, #tpu.memory_space<vmem>> -> memref<128x128xf32, #tpu.memory_space<vmem>>
      %dma_wait3A_593 = arith.constant 0 : i32
      %dma_wait3A_594 = tpu.memref_slice %arg6[%dma_wait3A_587, %mul3A_585, %dma_wait3A_593] : memref<2x28x128xi32, #tpu.memory_space<vmem>> -> memref<1x1x128xi32, #tpu.memory_space<vmem>>
      %dma_wait3A_595 = tpu.memref_squeeze %dma_wait3A_594 : memref<1x1x128xi32, #tpu.memory_space<vmem>> -> memref<128xi32, #tpu.memory_space<vmem>>
      %dma_wait3A_596 = arith.constant 0 : i32
      %dma_wait3A_597 = arith.constant 0 : i32
      %dma_wait3A_598 = tpu.memref_slice %arg2[%dma_wait3A_596, %dma_wait3A_597] : memref<20480x128xf32, #tpu.memory_space<hbm>> -> memref<20480x128xf32, #tpu.memory_space<hbm>>
      tpu.wait_indirect_dma semaphore(%arg10 : memref<!tpu.dma_semaphore, #tpu.memory_space<semaphore_mem>>) src(%dma_wait3A_598 : memref<20480x128xf32, #tpu.memory_space<hbm>>) dst(%dma_wait3A_592 : memref<128x128xf32, #tpu.memory_space<vmem>>)
      %dma_wait3A_599 = arith.constant 1 : i32
      %dma_wait3A_600 = arith.constant 0 : i32
      %dma_wait3A_601 = arith.constant 0 : i32
      %dma_wait3A_602 = arith.constant 0 : i32
      %dma_wait3A_603 = arith.constant 0 : i32
      %dma_wait3A_604 = tpu.memref_slice %arg8[%dma_wait3A_599, %dma_wait3A_602, %dma_wait3A_603] : memref<2x128x128xf32, #tpu.memory_space<vmem>> -> memref<1x128x128xf32, #tpu.memory_space<vmem>>
      %dma_wait3A_605 = tpu.memref_squeeze %dma_wait3A_604 : memref<1x128x128xf32, #tpu.memory_space<vmem>> -> memref<128x128xf32, #tpu.memory_space<vmem>>
      %dma_wait3A_606 = arith.constant 0 : i32
      %dma_wait3A_607 = tpu.memref_slice %arg7[%dma_wait3A_600, %dma_wait3A_601, %dma_wait3A_606] : memref<2x28x128xi32, #tpu.memory_space<vmem>> -> memref<1x1x128xi32, #tpu.memory_space<vmem>>
      %dma_wait3A_608 = tpu.memref_squeeze %dma_wait3A_607 : memref<1x1x128xi32, #tpu.memory_space<vmem>> -> memref<128xi32, #tpu.memory_space<vmem>>
      %dma_wait3A_609 = arith.constant 0 : i32
      %dma_wait3A_610 = arith.constant 0 : i32
      %dma_wait3A_611 = tpu.memref_slice %arg9[%dma_wait3A_609, %dma_wait3A_610] : memref<10240x128xf32, #tpu.memory_space<vmem_shared>> -> memref<10240x128xf32, #tpu.memory_space<vmem_shared>>
      tpu.wait_indirect_dma semaphore(%arg12 : memref<!tpu.dma_semaphore, #tpu.memory_space<semaphore_mem>>) src(%dma_wait3A_605 : memref<128x128xf32, #tpu.memory_space<vmem>>) dst(%dma_wait3A_611 : memref<10240x128xf32, #tpu.memory_space<vmem_shared>>)
      %dma_start3A_612 = arith.constant 1 : i32
      %dma_start3A_613 = arith.constant 1 : i32
      %dma_start3A_614 = arith.constant 0 : i32
      %dma_start3A_615 = arith.constant 0 : i32
      %dma_start3A_616 = tpu.memref_slice %arg8[%dma_start3A_613, %dma_start3A_614, %dma_start3A_615] : memref<2x128x128xf32, #tpu.memory_space<vmem>> -> memref<1x128x128xf32, #tpu.memory_space<vmem>>
      %dma_start3A_617 = tpu.memref_squeeze %dma_start3A_616 : memref<1x128x128xf32, #tpu.memory_space<vmem>> -> memref<128x128xf32, #tpu.memory_space<vmem>>
      %dma_start3A_618 = arith.constant 0 : i32
      %dma_start3A_619 = tpu.memref_slice %arg6[%dma_start3A_612, %add3A_586, %dma_start3A_618] : memref<2x28x128xi32, #tpu.memory_space<vmem>> -> memref<1x1x128xi32, #tpu.memory_space<vmem>>
      %dma_start3A_620 = tpu.memref_squeeze %dma_start3A_619 : memref<1x1x128xi32, #tpu.memory_space<vmem>> -> memref<128xi32, #tpu.memory_space<vmem>>
      %dma_start3A_621 = arith.constant 0 : i32
      %dma_start3A_622 = arith.constant 0 : i32
      %dma_start3A_623 = tpu.memref_slice %arg2[%dma_start3A_621, %dma_start3A_622] : memref<20480x128xf32, #tpu.memory_space<hbm>> -> memref<20480x128xf32, #tpu.memory_space<hbm>>
      tpu.enqueue_indirect_dma source(%dma_start3A_623 : memref<20480x128xf32, #tpu.memory_space<hbm>>) target(%dma_start3A_617 : memref<128x128xf32, #tpu.memory_space<vmem>>) offsets(%dma_start3A_620 : memref<128xi32, #tpu.memory_space<vmem>>) semaphore(%arg10 : memref<!tpu.dma_semaphore, #tpu.memory_space<semaphore_mem>>)
      %dma_start3A_624 = arith.constant 0 : i32
      %dma_start3A_625 = arith.constant 1 : i32
      %dma_start3A_626 = arith.constant 0 : i32
      %dma_start3A_627 = arith.constant 0 : i32
      %dma_start3A_628 = tpu.memref_slice %arg8[%dma_start3A_624, %dma_start3A_626, %dma_start3A_627] : memref<2x128x128xf32, #tpu.memory_space<vmem>> -> memref<1x128x128xf32, #tpu.memory_space<vmem>>
      %dma_start3A_629 = tpu.memref_squeeze %dma_start3A_628 : memref<1x128x128xf32, #tpu.memory_space<vmem>> -> memref<128x128xf32, #tpu.memory_space<vmem>>
      %dma_start3A_630 = arith.constant 0 : i32
      %dma_start3A_631 = tpu.memref_slice %arg7[%dma_start3A_625, %mul3A_585, %dma_start3A_630] : memref<2x28x128xi32, #tpu.memory_space<vmem>> -> memref<1x1x128xi32, #tpu.memory_space<vmem>>
      %dma_start3A_632 = tpu.memref_squeeze %dma_start3A_631 : memref<1x1x128xi32, #tpu.memory_space<vmem>> -> memref<128xi32, #tpu.memory_space<vmem>>
      %dma_start3A_633 = arith.constant 0 : i32
      %dma_start3A_634 = arith.constant 0 : i32
      %dma_start3A_635 = tpu.memref_slice %arg9[%dma_start3A_633, %dma_start3A_634] : memref<10240x128xf32, #tpu.memory_space<vmem_shared>> -> memref<10240x128xf32, #tpu.memory_space<vmem_shared>>
      tpu.enqueue_indirect_dma source(%dma_start3A_629 : memref<128x128xf32, #tpu.memory_space<vmem>>) target(%dma_start3A_635 : memref<10240x128xf32, #tpu.memory_space<vmem_shared>>) offsets(%dma_start3A_632 : memref<128xi32, #tpu.memory_space<vmem>>) semaphore(%arg12 : memref<!tpu.dma_semaphore, #tpu.memory_space<semaphore_mem>>) {add = true}
      %dma_wait3A_636 = arith.constant 1 : i32
      %dma_wait3A_637 = arith.constant 1 : i32
      %dma_wait3A_638 = arith.constant 0 : i32
      %dma_wait3A_639 = arith.constant 0 : i32
      %dma_wait3A_640 = tpu.memref_slice %arg8[%dma_wait3A_637, %dma_wait3A_638, %dma_wait3A_639] : memref<2x128x128xf32, #tpu.memory_space<vmem>> -> memref<1x128x128xf32, #tpu.memory_space<vmem>>
      %dma_wait3A_641 = tpu.memref_squeeze %dma_wait3A_640 : memref<1x128x128xf32, #tpu.memory_space<vmem>> -> memref<128x128xf32, #tpu.memory_space<vmem>>
      %dma_wait3A_642 = arith.constant 0 : i32
      %dma_wait3A_643 = tpu.memref_slice %arg6[%dma_wait3A_636, %add3A_586, %dma_wait3A_642] : memref<2x28x128xi32, #tpu.memory_space<vmem>> -> memref<1x1x128xi32, #tpu.memory_space<vmem>>
      %dma_wait3A_644 = tpu.memref_squeeze %dma_wait3A_643 : memref<1x1x128xi32, #tpu.memory_space<vmem>> -> memref<128xi32, #tpu.memory_space<vmem>>
      %dma_wait3A_645 = arith.constant 0 : i32
      %dma_wait3A_646 = arith.constant 0 : i32
      %dma_wait3A_647 = tpu.memref_slice %arg2[%dma_wait3A_645, %dma_wait3A_646] : memref<20480x128xf32, #tpu.memory_space<hbm>> -> memref<20480x128xf32, #tpu.memory_space<hbm>>
      tpu.wait_indirect_dma semaphore(%arg10 : memref<!tpu.dma_semaphore, #tpu.memory_space<semaphore_mem>>) src(%dma_wait3A_647 : memref<20480x128xf32, #tpu.memory_space<hbm>>) dst(%dma_wait3A_641 : memref<128x128xf32, #tpu.memory_space<vmem>>)
      %dma_wait3A_648 = arith.constant 0 : i32
      %dma_wait3A_649 = arith.constant 0 : i32
      %dma_wait3A_650 = arith.constant 0 : i32
      %dma_wait3A_651 = arith.constant 0 : i32
      %dma_wait3A_652 = arith.constant 0 : i32
      %dma_wait3A_653 = tpu.memref_slice %arg8[%dma_wait3A_648, %dma_wait3A_651, %dma_wait3A_652] : memref<2x128x128xf32, #tpu.memory_space<vmem>> -> memref<1x128x128xf32, #tpu.memory_space<vmem>>
      %dma_wait3A_654 = tpu.memref_squeeze %dma_wait3A_653 : memref<1x128x128xf32, #tpu.memory_space<vmem>> -> memref<128x128xf32, #tpu.memory_space<vmem>>
      %dma_wait3A_655 = arith.constant 0 : i32
      %dma_wait3A_656 = tpu.memref_slice %arg7[%dma_wait3A_649, %dma_wait3A_650, %dma_wait3A_655] : memref<2x28x128xi32, #tpu.memory_space<vmem>> -> memref<1x1x128xi32, #tpu.memory_space<vmem>>
      %dma_wait3A_657 = tpu.memref_squeeze %dma_wait3A_656 : memref<1x1x128xi32, #tpu.memory_space<vmem>> -> memref<128xi32, #tpu.memory_space<vmem>>
      %dma_wait3A_658 = arith.constant 0 : i32
      %dma_wait3A_659 = arith.constant 0 : i32
      %dma_wait3A_660 = tpu.memref_slice %arg9[%dma_wait3A_658, %dma_wait3A_659] : memref<10240x128xf32, #tpu.memory_space<vmem_shared>> -> memref<10240x128xf32, #tpu.memory_space<vmem_shared>>
      tpu.wait_indirect_dma semaphore(%arg12 : memref<!tpu.dma_semaphore, #tpu.memory_space<semaphore_mem>>) src(%dma_wait3A_654 : memref<128x128xf32, #tpu.memory_space<vmem>>) dst(%dma_wait3A_660 : memref<10240x128xf32, #tpu.memory_space<vmem_shared>>)
      %add3A_661 = arith.constant 1 : i32
      %add3A_662 = arith.addi %add3A_586, %add3A_661 : i32
      %dma_start3A_663 = arith.constant 1 : i32
      %dma_start3A_664 = arith.constant 0 : i32
      %dma_start3A_665 = arith.constant 0 : i32
      %dma_start3A_666 = arith.constant 0 : i32
      %dma_start3A_667 = tpu.memref_slice %arg8[%dma_start3A_664, %dma_start3A_665, %dma_start3A_666] : memref<2x128x128xf32, #tpu.memory_space<vmem>> -> memref<1x128x128xf32, #tpu.memory_space<vmem>>
      %dma_start3A_668 = tpu.memref_squeeze %dma_start3A_667 : memref<1x128x128xf32, #tpu.memory_space<vmem>> -> memref<128x128xf32, #tpu.memory_space<vmem>>
      %dma_start3A_669 = arith.constant 0 : i32
      %dma_start3A_670 = tpu.memref_slice %arg6[%dma_start3A_663, %add3A_662, %dma_start3A_669] : memref<2x28x128xi32, #tpu.memory_space<vmem>> -> memref<1x1x128xi32, #tpu.memory_space<vmem>>
      %dma_start3A_671 = tpu.memref_squeeze %dma_start3A_670 : memref<1x1x128xi32, #tpu.memory_space<vmem>> -> memref<128xi32, #tpu.memory_space<vmem>>
      %dma_start3A_672 = arith.constant 0 : i32
      %dma_start3A_673 = arith.constant 0 : i32
      %dma_start3A_674 = tpu.memref_slice %arg2[%dma_start3A_672, %dma_start3A_673] : memref<20480x128xf32, #tpu.memory_space<hbm>> -> memref<20480x128xf32, #tpu.memory_space<hbm>>
      tpu.enqueue_indirect_dma source(%dma_start3A_674 : memref<20480x128xf32, #tpu.memory_space<hbm>>) target(%dma_start3A_668 : memref<128x128xf32, #tpu.memory_space<vmem>>) offsets(%dma_start3A_671 : memref<128xi32, #tpu.memory_space<vmem>>) semaphore(%arg10 : memref<!tpu.dma_semaphore, #tpu.memory_space<semaphore_mem>>)
      %dma_start3A_675 = arith.constant 1 : i32
      %dma_start3A_676 = arith.constant 1 : i32
      %dma_start3A_677 = arith.constant 0 : i32
      %dma_start3A_678 = arith.constant 0 : i32
      %dma_start3A_679 = tpu.memref_slice %arg8[%dma_start3A_675, %dma_start3A_677, %dma_start3A_678] : memref<2x128x128xf32, #tpu.memory_space<vmem>> -> memref<1x128x128xf32, #tpu.memory_space<vmem>>
      %dma_start3A_680 = tpu.memref_squeeze %dma_start3A_679 : memref<1x128x128xf32, #tpu.memory_space<vmem>> -> memref<128x128xf32, #tpu.memory_space<vmem>>
      %dma_start3A_681 = arith.constant 0 : i32
      %dma_start3A_682 = tpu.memref_slice %arg7[%dma_start3A_676, %add3A_586, %dma_start3A_681] : memref<2x28x128xi32, #tpu.memory_space<vmem>> -> memref<1x1x128xi32, #tpu.memory_space<vmem>>
      %dma_start3A_683 = tpu.memref_squeeze %dma_start3A_682 : memref<1x1x128xi32, #tpu.memory_space<vmem>> -> memref<128xi32, #tpu.memory_space<vmem>>
      %dma_start3A_684 = arith.constant 0 : i32
      %dma_start3A_685 = arith.constant 0 : i32
      %dma_start3A_686 = tpu.memref_slice %arg9[%dma_start3A_684, %dma_start3A_685] : memref<10240x128xf32, #tpu.memory_space<vmem_shared>> -> memref<10240x128xf32, #tpu.memory_space<vmem_shared>>
      tpu.enqueue_indirect_dma source(%dma_start3A_680 : memref<128x128xf32, #tpu.memory_space<vmem>>) target(%dma_start3A_686 : memref<10240x128xf32, #tpu.memory_space<vmem_shared>>) offsets(%dma_start3A_683 : memref<128xi32, #tpu.memory_space<vmem>>) semaphore(%arg12 : memref<!tpu.dma_semaphore, #tpu.memory_space<semaphore_mem>>) {add = true}
    }
    %scan3A_330 = arith.constant 13 : i32
    %dma_wait3A_331 = arith.constant 1 : i32
    %dma_wait3A_332 = arith.constant 26 : i32
    %dma_wait3A_333 = arith.constant 0 : i32
    %dma_wait3A_334 = arith.constant 0 : i32
    %dma_wait3A_335 = arith.constant 0 : i32
    %dma_wait3A_336 = tpu.memref_slice %arg8[%dma_wait3A_333, %dma_wait3A_334, %dma_wait3A_335] : memref<2x128x128xf32, #tpu.memory_space<vmem>> -> memref<1x128x128xf32, #tpu.memory_space<vmem>>
    %dma_wait3A_337 = tpu.memref_squeeze %dma_wait3A_336 : memref<1x128x128xf32, #tpu.memory_space<vmem>> -> memref<128x128xf32, #tpu.memory_space<vmem>>
    %dma_wait3A_338 = arith.constant 0 : i32
    %dma_wait3A_339 = tpu.memref_slice %arg6[%dma_wait3A_331, %dma_wait3A_332, %dma_wait3A_338] : memref<2x28x128xi32, #tpu.memory_space<vmem>> -> memref<1x1x128xi32, #tpu.memory_space<vmem>>
    %dma_wait3A_340 = tpu.memref_squeeze %dma_wait3A_339 : memref<1x1x128xi32, #tpu.memory_space<vmem>> -> memref<128xi32, #tpu.memory_space<vmem>>
    %dma_wait3A_341 = arith.constant 0 : i32
    %dma_wait3A_342 = arith.constant 0 : i32
    %dma_wait3A_343 = tpu.memref_slice %arg2[%dma_wait3A_341, %dma_wait3A_342] : memref<20480x128xf32, #tpu.memory_space<hbm>> -> memref<20480x128xf32, #tpu.memory_space<hbm>>
    tpu.wait_indirect_dma semaphore(%arg10 : memref<!tpu.dma_semaphore, #tpu.memory_space<semaphore_mem>>) src(%dma_wait3A_343 : memref<20480x128xf32, #tpu.memory_space<hbm>>) dst(%dma_wait3A_337 : memref<128x128xf32, #tpu.memory_space<vmem>>)
    %dma_wait3A_344 = arith.constant 1 : i32
    %dma_wait3A_345 = arith.constant 0 : i32
    %dma_wait3A_346 = arith.constant 0 : i32
    %dma_wait3A_347 = arith.constant 0 : i32
    %dma_wait3A_348 = arith.constant 0 : i32
    %dma_wait3A_349 = tpu.memref_slice %arg8[%dma_wait3A_344, %dma_wait3A_347, %dma_wait3A_348] : memref<2x128x128xf32, #tpu.memory_space<vmem>> -> memref<1x128x128xf32, #tpu.memory_space<vmem>>
    %dma_wait3A_350 = tpu.memref_squeeze %dma_wait3A_349 : memref<1x128x128xf32, #tpu.memory_space<vmem>> -> memref<128x128xf32, #tpu.memory_space<vmem>>
    %dma_wait3A_351 = arith.constant 0 : i32
    %dma_wait3A_352 = tpu.memref_slice %arg7[%dma_wait3A_345, %dma_wait3A_346, %dma_wait3A_351] : memref<2x28x128xi32, #tpu.memory_space<vmem>> -> memref<1x1x128xi32, #tpu.memory_space<vmem>>
    %dma_wait3A_353 = tpu.memref_squeeze %dma_wait3A_352 : memref<1x1x128xi32, #tpu.memory_space<vmem>> -> memref<128xi32, #tpu.memory_space<vmem>>
    %dma_wait3A_354 = arith.constant 0 : i32
    %dma_wait3A_355 = arith.constant 0 : i32
    %dma_wait3A_356 = tpu.memref_slice %arg9[%dma_wait3A_354, %dma_wait3A_355] : memref<10240x128xf32, #tpu.memory_space<vmem_shared>> -> memref<10240x128xf32, #tpu.memory_space<vmem_shared>>
    tpu.wait_indirect_dma semaphore(%arg12 : memref<!tpu.dma_semaphore, #tpu.memory_space<semaphore_mem>>) src(%dma_wait3A_350 : memref<128x128xf32, #tpu.memory_space<vmem>>) dst(%dma_wait3A_356 : memref<10240x128xf32, #tpu.memory_space<vmem_shared>>)
    %dma_start3A_357 = arith.constant 1 : i32
    %dma_start3A_358 = arith.constant 27 : i32
    %dma_start3A_359 = arith.constant 1 : i32
    %dma_start3A_360 = arith.constant 0 : i32
    %dma_start3A_361 = arith.constant 0 : i32
    %dma_start3A_362 = tpu.memref_slice %arg8[%dma_start3A_359, %dma_start3A_360, %dma_start3A_361] : memref<2x128x128xf32, #tpu.memory_space<vmem>> -> memref<1x128x128xf32, #tpu.memory_space<vmem>>
    %dma_start3A_363 = tpu.memref_squeeze %dma_start3A_362 : memref<1x128x128xf32, #tpu.memory_space<vmem>> -> memref<128x128xf32, #tpu.memory_space<vmem>>
    %dma_start3A_364 = arith.constant 0 : i32
    %dma_start3A_365 = tpu.memref_slice %arg6[%dma_start3A_357, %dma_start3A_358, %dma_start3A_364] : memref<2x28x128xi32, #tpu.memory_space<vmem>> -> memref<1x1x128xi32, #tpu.memory_space<vmem>>
    %dma_start3A_366 = tpu.memref_squeeze %dma_start3A_365 : memref<1x1x128xi32, #tpu.memory_space<vmem>> -> memref<128xi32, #tpu.memory_space<vmem>>
    %dma_start3A_367 = arith.constant 0 : i32
    %dma_start3A_368 = arith.constant 0 : i32
    %dma_start3A_369 = tpu.memref_slice %arg2[%dma_start3A_367, %dma_start3A_368] : memref<20480x128xf32, #tpu.memory_space<hbm>> -> memref<20480x128xf32, #tpu.memory_space<hbm>>
    tpu.enqueue_indirect_dma source(%dma_start3A_369 : memref<20480x128xf32, #tpu.memory_space<hbm>>) target(%dma_start3A_363 : memref<128x128xf32, #tpu.memory_space<vmem>>) offsets(%dma_start3A_366 : memref<128xi32, #tpu.memory_space<vmem>>) semaphore(%arg10 : memref<!tpu.dma_semaphore, #tpu.memory_space<semaphore_mem>>)
    %dma_start3A_370 = arith.constant 0 : i32
    %dma_start3A_371 = arith.constant 1 : i32
    %dma_start3A_372 = arith.constant 26 : i32
    %dma_start3A_373 = arith.constant 0 : i32
    %dma_start3A_374 = arith.constant 0 : i32
    %dma_start3A_375 = tpu.memref_slice %arg8[%dma_start3A_370, %dma_start3A_373, %dma_start3A_374] : memref<2x128x128xf32, #tpu.memory_space<vmem>> -> memref<1x128x128xf32, #tpu.memory_space<vmem>>
    %dma_start3A_376 = tpu.memref_squeeze %dma_start3A_375 : memref<1x128x128xf32, #tpu.memory_space<vmem>> -> memref<128x128xf32, #tpu.memory_space<vmem>>
    %dma_start3A_377 = arith.constant 0 : i32
    %dma_start3A_378 = tpu.memref_slice %arg7[%dma_start3A_371, %dma_start3A_372, %dma_start3A_377] : memref<2x28x128xi32, #tpu.memory_space<vmem>> -> memref<1x1x128xi32, #tpu.memory_space<vmem>>
    %dma_start3A_379 = tpu.memref_squeeze %dma_start3A_378 : memref<1x1x128xi32, #tpu.memory_space<vmem>> -> memref<128xi32, #tpu.memory_space<vmem>>
    %dma_start3A_380 = arith.constant 0 : i32
    %dma_start3A_381 = arith.constant 0 : i32
    %dma_start3A_382 = tpu.memref_slice %arg9[%dma_start3A_380, %dma_start3A_381] : memref<10240x128xf32, #tpu.memory_space<vmem_shared>> -> memref<10240x128xf32, #tpu.memory_space<vmem_shared>>
    tpu.enqueue_indirect_dma source(%dma_start3A_376 : memref<128x128xf32, #tpu.memory_space<vmem>>) target(%dma_start3A_382 : memref<10240x128xf32, #tpu.memory_space<vmem_shared>>) offsets(%dma_start3A_379 : memref<128xi32, #tpu.memory_space<vmem>>) semaphore(%arg12 : memref<!tpu.dma_semaphore, #tpu.memory_space<semaphore_mem>>) {add = true}
    %dma_wait3A_383 = arith.constant 1 : i32
    %dma_wait3A_384 = arith.constant 27 : i32
    %dma_wait3A_385 = arith.constant 1 : i32
    %dma_wait3A_386 = arith.constant 0 : i32
    %dma_wait3A_387 = arith.constant 0 : i32
    %dma_wait3A_388 = tpu.memref_slice %arg8[%dma_wait3A_385, %dma_wait3A_386, %dma_wait3A_387] : memref<2x128x128xf32, #tpu.memory_space<vmem>> -> memref<1x128x128xf32, #tpu.memory_space<vmem>>
    %dma_wait3A_389 = tpu.memref_squeeze %dma_wait3A_388 : memref<1x128x128xf32, #tpu.memory_space<vmem>> -> memref<128x128xf32, #tpu.memory_space<vmem>>
    %dma_wait3A_390 = arith.constant 0 : i32
    %dma_wait3A_391 = tpu.memref_slice %arg6[%dma_wait3A_383, %dma_wait3A_384, %dma_wait3A_390] : memref<2x28x128xi32, #tpu.memory_space<vmem>> -> memref<1x1x128xi32, #tpu.memory_space<vmem>>
    %dma_wait3A_392 = tpu.memref_squeeze %dma_wait3A_391 : memref<1x1x128xi32, #tpu.memory_space<vmem>> -> memref<128xi32, #tpu.memory_space<vmem>>
    %dma_wait3A_393 = arith.constant 0 : i32
    %dma_wait3A_394 = arith.constant 0 : i32
    %dma_wait3A_395 = tpu.memref_slice %arg2[%dma_wait3A_393, %dma_wait3A_394] : memref<20480x128xf32, #tpu.memory_space<hbm>> -> memref<20480x128xf32, #tpu.memory_space<hbm>>
    tpu.wait_indirect_dma semaphore(%arg10 : memref<!tpu.dma_semaphore, #tpu.memory_space<semaphore_mem>>) src(%dma_wait3A_395 : memref<20480x128xf32, #tpu.memory_space<hbm>>) dst(%dma_wait3A_389 : memref<128x128xf32, #tpu.memory_space<vmem>>)
    %dma_wait3A_396 = arith.constant 0 : i32
    %dma_wait3A_397 = arith.constant 0 : i32
    %dma_wait3A_398 = arith.constant 0 : i32
    %dma_wait3A_399 = arith.constant 0 : i32
    %dma_wait3A_400 = arith.constant 0 : i32
    %dma_wait3A_401 = tpu.memref_slice %arg8[%dma_wait3A_396, %dma_wait3A_399, %dma_wait3A_400] : memref<2x128x128xf32, #tpu.memory_space<vmem>> -> memref<1x128x128xf32, #tpu.memory_space<vmem>>
    %dma_wait3A_402 = tpu.memref_squeeze %dma_wait3A_401 : memref<1x128x128xf32, #tpu.memory_space<vmem>> -> memref<128x128xf32, #tpu.memory_space<vmem>>
    %dma_wait3A_403 = arith.constant 0 : i32
    %dma_wait3A_404 = tpu.memref_slice %arg7[%dma_wait3A_397, %dma_wait3A_398, %dma_wait3A_403] : memref<2x28x128xi32, #tpu.memory_space<vmem>> -> memref<1x1x128xi32, #tpu.memory_space<vmem>>
    %dma_wait3A_405 = tpu.memref_squeeze %dma_wait3A_404 : memref<1x1x128xi32, #tpu.memory_space<vmem>> -> memref<128xi32, #tpu.memory_space<vmem>>
    %dma_wait3A_406 = arith.constant 0 : i32
    %dma_wait3A_407 = arith.constant 0 : i32
    %dma_wait3A_408 = tpu.memref_slice %arg9[%dma_wait3A_406, %dma_wait3A_407] : memref<10240x128xf32, #tpu.memory_space<vmem_shared>> -> memref<10240x128xf32, #tpu.memory_space<vmem_shared>>
    tpu.wait_indirect_dma semaphore(%arg12 : memref<!tpu.dma_semaphore, #tpu.memory_space<semaphore_mem>>) src(%dma_wait3A_402 : memref<128x128xf32, #tpu.memory_space<vmem>>) dst(%dma_wait3A_408 : memref<10240x128xf32, #tpu.memory_space<vmem_shared>>)
    %dma_wait3A_409 = arith.constant 2 : i32
    %dma_wait3A_410 = arith.constant 0 : i32
    %dma_wait3A_411 = arith.constant 0 : i32
    %dma_wait3A_412 = arith.constant 0 : i32
    %dma_wait3A_413 = tpu.memref_slice %arg6[%dma_wait3A_410, %dma_wait3A_411, %dma_wait3A_412] : memref<2x28x128xi32, #tpu.memory_space<vmem>> -> memref<1x28x128xi32, #tpu.memory_space<vmem>>
    %dma_wait3A_414 = tpu.memref_squeeze %dma_wait3A_413 : memref<1x28x128xi32, #tpu.memory_space<vmem>> -> memref<28x128xi32, #tpu.memory_space<vmem>>
    %dma_wait3A_415 = arith.constant 0 : i32
    %dma_wait3A_416 = arith.constant 0 : i32
    %dma_wait3A_417 = tpu.memref_slice %arg3[%arg0, %arg1, %dma_wait3A_409, %dma_wait3A_415, %dma_wait3A_416] : memref<2x16x3x28x128xi32, #tpu.memory_space<hbm>> -> memref<1x1x1x28x128xi32, #tpu.memory_space<hbm>>
    %dma_wait3A_418 = tpu.memref_squeeze %dma_wait3A_417 : memref<1x1x1x28x128xi32, #tpu.memory_space<hbm>> -> memref<28x128xi32, #tpu.memory_space<hbm>>
    %dma_wait3A_419 = arith.constant 0 : i32
    %dma_wait3A_420 = arith.constant 0 : i32
    %dma_wait3A_421 = tpu.memref_slice %arg6[%dma_wait3A_410, %dma_wait3A_419, %dma_wait3A_420] : memref<2x28x128xi32, #tpu.memory_space<vmem>> -> memref<1x28x128xi32, #tpu.memory_space<vmem>>
    %dma_wait3A_422 = tpu.memref_squeeze %dma_wait3A_421 : memref<1x28x128xi32, #tpu.memory_space<vmem>> -> memref<28x128xi32, #tpu.memory_space<vmem>>
    %dma_wait3A_423 = arith.constant 0 : i32
    %dma_wait3A_424 = arith.constant 0 : i32
    %dma_wait3A_425 = tpu.memref_slice %arg3[%arg0, %arg1, %dma_wait3A_409, %dma_wait3A_423, %dma_wait3A_424] : memref<2x16x3x28x128xi32, #tpu.memory_space<hbm>> -> memref<1x1x1x28x128xi32, #tpu.memory_space<hbm>>
    %dma_wait3A_426 = tpu.memref_squeeze %dma_wait3A_425 : memref<1x1x1x28x128xi32, #tpu.memory_space<hbm>> -> memref<28x128xi32, #tpu.memory_space<hbm>>
    tpu.wait_dma2 semaphore(%arg11 : memref<!tpu.dma_semaphore, #tpu.memory_space<semaphore_mem>>) src(%dma_wait3A_426 : memref<28x128xi32, #tpu.memory_space<hbm>>) dst(%dma_wait3A_422 : memref<28x128xi32, #tpu.memory_space<vmem>>)
    %dma_wait3A_427 = arith.constant 2 : i32
    %dma_wait3A_428 = arith.constant 0 : i32
    %dma_wait3A_429 = arith.constant 0 : i32
    %dma_wait3A_430 = arith.constant 0 : i32
    %dma_wait3A_431 = tpu.memref_slice %arg7[%dma_wait3A_428, %dma_wait3A_429, %dma_wait3A_430] : memref<2x28x128xi32, #tpu.memory_space<vmem>> -> memref<1x28x128xi32, #tpu.memory_space<vmem>>
    %dma_wait3A_432 = tpu.memref_squeeze %dma_wait3A_431 : memref<1x28x128xi32, #tpu.memory_space<vmem>> -> memref<28x128xi32, #tpu.memory_space<vmem>>
    %dma_wait3A_433 = arith.constant 0 : i32
    %dma_wait3A_434 = arith.constant 0 : i32
    %dma_wait3A_435 = tpu.memref_slice %arg4[%arg1, %dma_wait3A_427, %dma_wait3A_433, %dma_wait3A_434] : memref<16x3x28x128xi32, #tpu.memory_space<hbm>> -> memref<1x1x28x128xi32, #tpu.memory_space<hbm>>
    %dma_wait3A_436 = tpu.memref_squeeze %dma_wait3A_435 : memref<1x1x28x128xi32, #tpu.memory_space<hbm>> -> memref<28x128xi32, #tpu.memory_space<hbm>>
    %dma_wait3A_437 = arith.constant 0 : i32
    %dma_wait3A_438 = arith.constant 0 : i32
    %dma_wait3A_439 = tpu.memref_slice %arg7[%dma_wait3A_428, %dma_wait3A_437, %dma_wait3A_438] : memref<2x28x128xi32, #tpu.memory_space<vmem>> -> memref<1x28x128xi32, #tpu.memory_space<vmem>>
    %dma_wait3A_440 = tpu.memref_squeeze %dma_wait3A_439 : memref<1x28x128xi32, #tpu.memory_space<vmem>> -> memref<28x128xi32, #tpu.memory_space<vmem>>
    %dma_wait3A_441 = arith.constant 0 : i32
    %dma_wait3A_442 = arith.constant 0 : i32
    %dma_wait3A_443 = tpu.memref_slice %arg4[%arg1, %dma_wait3A_427, %dma_wait3A_441, %dma_wait3A_442] : memref<16x3x28x128xi32, #tpu.memory_space<hbm>> -> memref<1x1x28x128xi32, #tpu.memory_space<hbm>>
    %dma_wait3A_444 = tpu.memref_squeeze %dma_wait3A_443 : memref<1x1x28x128xi32, #tpu.memory_space<hbm>> -> memref<28x128xi32, #tpu.memory_space<hbm>>
    tpu.wait_dma2 semaphore(%arg11 : memref<!tpu.dma_semaphore, #tpu.memory_space<semaphore_mem>>) src(%dma_wait3A_444 : memref<28x128xi32, #tpu.memory_space<hbm>>) dst(%dma_wait3A_440 : memref<28x128xi32, #tpu.memory_space<vmem>>)
    %dma_start3A_445 = arith.constant 0 : i32
    %dma_start3A_446 = arith.constant 0 : i32
    %dma_start3A_447 = arith.constant 0 : i32
    %dma_start3A_448 = arith.constant 0 : i32
    %dma_start3A_449 = arith.constant 0 : i32
    %dma_start3A_450 = tpu.memref_slice %arg8[%dma_start3A_447, %dma_start3A_448, %dma_start3A_449] : memref<2x128x128xf32, #tpu.memory_space<vmem>> -> memref<1x128x128xf32, #tpu.memory_space<vmem>>
    %dma_start3A_451 = tpu.memref_squeeze %dma_start3A_450 : memref<1x128x128xf32, #tpu.memory_space<vmem>> -> memref<128x128xf32, #tpu.memory_space<vmem>>
    %dma_start3A_452 = arith.constant 0 : i32
    %dma_start3A_453 = tpu.memref_slice %arg6[%dma_start3A_445, %dma_start3A_446, %dma_start3A_452] : memref<2x28x128xi32, #tpu.memory_space<vmem>> -> memref<1x1x128xi32, #tpu.memory_space<vmem>>
    %dma_start3A_454 = tpu.memref_squeeze %dma_start3A_453 : memref<1x1x128xi32, #tpu.memory_space<vmem>> -> memref<128xi32, #tpu.memory_space<vmem>>
    %dma_start3A_455 = arith.constant 0 : i32
    %dma_start3A_456 = arith.constant 0 : i32
    %dma_start3A_457 = tpu.memref_slice %arg2[%dma_start3A_455, %dma_start3A_456] : memref<20480x128xf32, #tpu.memory_space<hbm>> -> memref<20480x128xf32, #tpu.memory_space<hbm>>
    tpu.enqueue_indirect_dma source(%dma_start3A_457 : memref<20480x128xf32, #tpu.memory_space<hbm>>) target(%dma_start3A_451 : memref<128x128xf32, #tpu.memory_space<vmem>>) offsets(%dma_start3A_454 : memref<128xi32, #tpu.memory_space<vmem>>) semaphore(%arg10 : memref<!tpu.dma_semaphore, #tpu.memory_space<semaphore_mem>>)
    %dma_start3A_458 = arith.constant 1 : i32
    %dma_start3A_459 = arith.constant 1 : i32
    %dma_start3A_460 = arith.constant 27 : i32
    %dma_start3A_461 = arith.constant 0 : i32
    %dma_start3A_462 = arith.constant 0 : i32
    %dma_start3A_463 = tpu.memref_slice %arg8[%dma_start3A_458, %dma_start3A_461, %dma_start3A_462] : memref<2x128x128xf32, #tpu.memory_space<vmem>> -> memref<1x128x128xf32, #tpu.memory_space<vmem>>
    %dma_start3A_464 = tpu.memref_squeeze %dma_start3A_463 : memref<1x128x128xf32, #tpu.memory_space<vmem>> -> memref<128x128xf32, #tpu.memory_space<vmem>>
    %dma_start3A_465 = arith.constant 0 : i32
    %dma_start3A_466 = tpu.memref_slice %arg7[%dma_start3A_459, %dma_start3A_460, %dma_start3A_465] : memref<2x28x128xi32, #tpu.memory_space<vmem>> -> memref<1x1x128xi32, #tpu.memory_space<vmem>>
    %dma_start3A_467 = tpu.memref_squeeze %dma_start3A_466 : memref<1x1x128xi32, #tpu.memory_space<vmem>> -> memref<128xi32, #tpu.memory_space<vmem>>
    %dma_start3A_468 = arith.constant 0 : i32
    %dma_start3A_469 = arith.constant 0 : i32
    %dma_start3A_470 = tpu.memref_slice %arg9[%dma_start3A_468, %dma_start3A_469] : memref<10240x128xf32, #tpu.memory_space<vmem_shared>> -> memref<10240x128xf32, #tpu.memory_space<vmem_shared>>
    tpu.enqueue_indirect_dma source(%dma_start3A_464 : memref<128x128xf32, #tpu.memory_space<vmem>>) target(%dma_start3A_470 : memref<10240x128xf32, #tpu.memory_space<vmem_shared>>) offsets(%dma_start3A_467 : memref<128xi32, #tpu.memory_space<vmem>>) semaphore(%arg12 : memref<!tpu.dma_semaphore, #tpu.memory_space<semaphore_mem>>) {add = true}
    %scan3A_471 = arith.constant 0 : i32
    %scan3A_472 = arith.constant 0 : i32
    %scan3A_473 = arith.constant 13 : i32
    %scan3A_474 = arith.addi %scan3A_472, %scan3A_473 : i32
    %scan3A_475 = arith.constant 1 : i32
    scf.for %scan3A_583 = %scan3A_472 to %scan3A_474 step %scan3A_475  : i32 {
      %mul3A_584 = arith.constant 2 : i32
      %mul3A_585 = arith.muli %mul3A_584, %scan3A_583 : i32
      %add3A = arith.constant 1 : i32
      %add3A_586 = arith.addi %mul3A_585, %add3A : i32
      %dma_wait3A_587 = arith.constant 0 : i32
      %dma_wait3A_588 = arith.constant 0 : i32
      %dma_wait3A_589 = arith.constant 0 : i32
      %dma_wait3A_590 = arith.constant 0 : i32
      %dma_wait3A_591 = tpu.memref_slice %arg8[%dma_wait3A_588, %dma_wait3A_589, %dma_wait3A_590] : memref<2x128x128xf32, #tpu.memory_space<vmem>> -> memref<1x128x128xf32, #tpu.memory_space<vmem>>
      %dma_wait3A_592 = tpu.memref_squeeze %dma_wait3A_591 : memref<1x128x128xf32, #tpu.memory_space<vmem>> -> memref<128x128xf32, #tpu.memory_space<vmem>>
      %dma_wait3A_593 = arith.constant 0 : i32
      %dma_wait3A_594 = tpu.memref_slice %arg6[%dma_wait3A_587, %mul3A_585, %dma_wait3A_593] : memref<2x28x128xi32, #tpu.memory_space<vmem>> -> memref<1x1x128xi32, #tpu.memory_space<vmem>>
      %dma_wait3A_595 = tpu.memref_squeeze %dma_wait3A_594 : memref<1x1x128xi32, #tpu.memory_space<vmem>> -> memref<128xi32, #tpu.memory_space<vmem>>
      %dma_wait3A_596 = arith.constant 0 : i32
      %dma_wait3A_597 = arith.constant 0 : i32
      %dma_wait3A_598 = tpu.memref_slice %arg2[%dma_wait3A_596, %dma_wait3A_597] : memref<20480x128xf32, #tpu.memory_space<hbm>> -> memref<20480x128xf32, #tpu.memory_space<hbm>>
      tpu.wait_indirect_dma semaphore(%arg10 : memref<!tpu.dma_semaphore, #tpu.memory_space<semaphore_mem>>) src(%dma_wait3A_598 : memref<20480x128xf32, #tpu.memory_space<hbm>>) dst(%dma_wait3A_592 : memref<128x128xf32, #tpu.memory_space<vmem>>)
      %dma_wait3A_599 = arith.constant 1 : i32
      %dma_wait3A_600 = arith.constant 0 : i32
      %dma_wait3A_601 = arith.constant 0 : i32
      %dma_wait3A_602 = arith.constant 0 : i32
      %dma_wait3A_603 = arith.constant 0 : i32
      %dma_wait3A_604 = tpu.memref_slice %arg8[%dma_wait3A_599, %dma_wait3A_602, %dma_wait3A_603] : memref<2x128x128xf32, #tpu.memory_space<vmem>> -> memref<1x128x128xf32, #tpu.memory_space<vmem>>
      %dma_wait3A_605 = tpu.memref_squeeze %dma_wait3A_604 : memref<1x128x128xf32, #tpu.memory_space<vmem>> -> memref<128x128xf32, #tpu.memory_space<vmem>>
      %dma_wait3A_606 = arith.constant 0 : i32
      %dma_wait3A_607 = tpu.memref_slice %arg7[%dma_wait3A_600, %dma_wait3A_601, %dma_wait3A_606] : memref<2x28x128xi32, #tpu.memory_space<vmem>> -> memref<1x1x128xi32, #tpu.memory_space<vmem>>
      %dma_wait3A_608 = tpu.memref_squeeze %dma_wait3A_607 : memref<1x1x128xi32, #tpu.memory_space<vmem>> -> memref<128xi32, #tpu.memory_space<vmem>>
      %dma_wait3A_609 = arith.constant 0 : i32
      %dma_wait3A_610 = arith.constant 0 : i32
      %dma_wait3A_611 = tpu.memref_slice %arg9[%dma_wait3A_609, %dma_wait3A_610] : memref<10240x128xf32, #tpu.memory_space<vmem_shared>> -> memref<10240x128xf32, #tpu.memory_space<vmem_shared>>
      tpu.wait_indirect_dma semaphore(%arg12 : memref<!tpu.dma_semaphore, #tpu.memory_space<semaphore_mem>>) src(%dma_wait3A_605 : memref<128x128xf32, #tpu.memory_space<vmem>>) dst(%dma_wait3A_611 : memref<10240x128xf32, #tpu.memory_space<vmem_shared>>)
      %dma_start3A_612 = arith.constant 0 : i32
      %dma_start3A_613 = arith.constant 1 : i32
      %dma_start3A_614 = arith.constant 0 : i32
      %dma_start3A_615 = arith.constant 0 : i32
      %dma_start3A_616 = tpu.memref_slice %arg8[%dma_start3A_613, %dma_start3A_614, %dma_start3A_615] : memref<2x128x128xf32, #tpu.memory_space<vmem>> -> memref<1x128x128xf32, #tpu.memory_space<vmem>>
      %dma_start3A_617 = tpu.memref_squeeze %dma_start3A_616 : memref<1x128x128xf32, #tpu.memory_space<vmem>> -> memref<128x128xf32, #tpu.memory_space<vmem>>
      %dma_start3A_618 = arith.constant 0 : i32
      %dma_start3A_619 = tpu.memref_slice %arg6[%dma_start3A_612, %add3A_586, %dma_start3A_618] : memref<2x28x128xi32, #tpu.memory_space<vmem>> -> memref<1x1x128xi32, #tpu.memory_space<vmem>>
      %dma_start3A_620 = tpu.memref_squeeze %dma_start3A_619 : memref<1x1x128xi32, #tpu.memory_space<vmem>> -> memref<128xi32, #tpu.memory_space<vmem>>
      %dma_start3A_621 = arith.constant 0 : i32
      %dma_start3A_622 = arith.constant 0 : i32
      %dma_start3A_623 = tpu.memref_slice %arg2[%dma_start3A_621, %dma_start3A_622] : memref<20480x128xf32, #tpu.memory_space<hbm>> -> memref<20480x128xf32, #tpu.memory_space<hbm>>
      tpu.enqueue_indirect_dma source(%dma_start3A_623 : memref<20480x128xf32, #tpu.memory_space<hbm>>) target(%dma_start3A_617 : memref<128x128xf32, #tpu.memory_space<vmem>>) offsets(%dma_start3A_620 : memref<128xi32, #tpu.memory_space<vmem>>) semaphore(%arg10 : memref<!tpu.dma_semaphore, #tpu.memory_space<semaphore_mem>>)
      %dma_start3A_624 = arith.constant 0 : i32
      %dma_start3A_625 = arith.constant 0 : i32
      %dma_start3A_626 = arith.constant 0 : i32
      %dma_start3A_627 = arith.constant 0 : i32
      %dma_start3A_628 = tpu.memref_slice %arg8[%dma_start3A_624, %dma_start3A_626, %dma_start3A_627] : memref<2x128x128xf32, #tpu.memory_space<vmem>> -> memref<1x128x128xf32, #tpu.memory_space<vmem>>
      %dma_start3A_629 = tpu.memref_squeeze %dma_start3A_628 : memref<1x128x128xf32, #tpu.memory_space<vmem>> -> memref<128x128xf32, #tpu.memory_space<vmem>>
      %dma_start3A_630 = arith.constant 0 : i32
      %dma_start3A_631 = tpu.memref_slice %arg7[%dma_start3A_625, %mul3A_585, %dma_start3A_630] : memref<2x28x128xi32, #tpu.memory_space<vmem>> -> memref<1x1x128xi32, #tpu.memory_space<vmem>>
      %dma_start3A_632 = tpu.memref_squeeze %dma_start3A_631 : memref<1x1x128xi32, #tpu.memory_space<vmem>> -> memref<128xi32, #tpu.memory_space<vmem>>
      %dma_start3A_633 = arith.constant 0 : i32
      %dma_start3A_634 = arith.constant 0 : i32
      %dma_start3A_635 = tpu.memref_slice %arg9[%dma_start3A_633, %dma_start3A_634] : memref<10240x128xf32, #tpu.memory_space<vmem_shared>> -> memref<10240x128xf32, #tpu.memory_space<vmem_shared>>
      tpu.enqueue_indirect_dma source(%dma_start3A_629 : memref<128x128xf32, #tpu.memory_space<vmem>>) target(%dma_start3A_635 : memref<10240x128xf32, #tpu.memory_space<vmem_shared>>) offsets(%dma_start3A_632 : memref<128xi32, #tpu.memory_space<vmem>>) semaphore(%arg12 : memref<!tpu.dma_semaphore, #tpu.memory_space<semaphore_mem>>) {add = true}
      %dma_wait3A_636 = arith.constant 0 : i32
      %dma_wait3A_637 = arith.constant 1 : i32
      %dma_wait3A_638 = arith.constant 0 : i32
      %dma_wait3A_639 = arith.constant 0 : i32
      %dma_wait3A_640 = tpu.memref_slice %arg8[%dma_wait3A_637, %dma_wait3A_638, %dma_wait3A_639] : memref<2x128x128xf32, #tpu.memory_space<vmem>> -> memref<1x128x128xf32, #tpu.memory_space<vmem>>
      %dma_wait3A_641 = tpu.memref_squeeze %dma_wait3A_640 : memref<1x128x128xf32, #tpu.memory_space<vmem>> -> memref<128x128xf32, #tpu.memory_space<vmem>>
      %dma_wait3A_642 = arith.constant 0 : i32
      %dma_wait3A_643 = tpu.memref_slice %arg6[%dma_wait3A_636, %add3A_586, %dma_wait3A_642] : memref<2x28x128xi32, #tpu.memory_space<vmem>> -> memref<1x1x128xi32, #tpu.memory_space<vmem>>
      %dma_wait3A_644 = tpu.memref_squeeze %dma_wait3A_643 : memref<1x1x128xi32, #tpu.memory_space<vmem>> -> memref<128xi32, #tpu.memory_space<vmem>>
      %dma_wait3A_645 = arith.constant 0 : i32
      %dma_wait3A_646 = arith.constant 0 : i32
      %dma_wait3A_647 = tpu.memref_slice %arg2[%dma_wait3A_645, %dma_wait3A_646] : memref<20480x128xf32, #tpu.memory_space<hbm>> -> memref<20480x128xf32, #tpu.memory_space<hbm>>
      tpu.wait_indirect_dma semaphore(%arg10 : memref<!tpu.dma_semaphore, #tpu.memory_space<semaphore_mem>>) src(%dma_wait3A_647 : memref<20480x128xf32, #tpu.memory_space<hbm>>) dst(%dma_wait3A_641 : memref<128x128xf32, #tpu.memory_space<vmem>>)
      %dma_wait3A_648 = arith.constant 0 : i32
      %dma_wait3A_649 = arith.constant 0 : i32
      %dma_wait3A_650 = arith.constant 0 : i32
      %dma_wait3A_651 = arith.constant 0 : i32
      %dma_wait3A_652 = arith.constant 0 : i32
      %dma_wait3A_653 = tpu.memref_slice %arg8[%dma_wait3A_648, %dma_wait3A_651, %dma_wait3A_652] : memref<2x128x128xf32, #tpu.memory_space<vmem>> -> memref<1x128x128xf32, #tpu.memory_space<vmem>>
      %dma_wait3A_654 = tpu.memref_squeeze %dma_wait3A_653 : memref<1x128x128xf32, #tpu.memory_space<vmem>> -> memref<128x128xf32, #tpu.memory_space<vmem>>
      %dma_wait3A_655 = arith.constant 0 : i32
      %dma_wait3A_656 = tpu.memref_slice %arg7[%dma_wait3A_649, %dma_wait3A_650, %dma_wait3A_655] : memref<2x28x128xi32, #tpu.memory_space<vmem>> -> memref<1x1x128xi32, #tpu.memory_space<vmem>>
      %dma_wait3A_657 = tpu.memref_squeeze %dma_wait3A_656 : memref<1x1x128xi32, #tpu.memory_space<vmem>> -> memref<128xi32, #tpu.memory_space<vmem>>
      %dma_wait3A_658 = arith.constant 0 : i32
      %dma_wait3A_659 = arith.constant 0 : i32
      %dma_wait3A_660 = tpu.memref_slice %arg9[%dma_wait3A_658, %dma_wait3A_659] : memref<10240x128xf32, #tpu.memory_space<vmem_shared>> -> memref<10240x128xf32, #tpu.memory_space<vmem_shared>>
      tpu.wait_indirect_dma semaphore(%arg12 : memref<!tpu.dma_semaphore, #tpu.memory_space<semaphore_mem>>) src(%dma_wait3A_654 : memref<128x128xf32, #tpu.memory_space<vmem>>) dst(%dma_wait3A_660 : memref<10240x128xf32, #tpu.memory_space<vmem_shared>>)
      %add3A_661 = arith.constant 1 : i32
      %add3A_662 = arith.addi %add3A_586, %add3A_661 : i32
      %dma_start3A_663 = arith.constant 0 : i32
      %dma_start3A_664 = arith.constant 0 : i32
      %dma_start3A_665 = arith.constant 0 : i32
      %dma_start3A_666 = arith.constant 0 : i32
      %dma_start3A_667 = tpu.memref_slice %arg8[%dma_start3A_664, %dma_start3A_665, %dma_start3A_666] : memref<2x128x128xf32, #tpu.memory_space<vmem>> -> memref<1x128x128xf32, #tpu.memory_space<vmem>>
      %dma_start3A_668 = tpu.memref_squeeze %dma_start3A_667 : memref<1x128x128xf32, #tpu.memory_space<vmem>> -> memref<128x128xf32, #tpu.memory_space<vmem>>
      %dma_start3A_669 = arith.constant 0 : i32
      %dma_start3A_670 = tpu.memref_slice %arg6[%dma_start3A_663, %add3A_662, %dma_start3A_669] : memref<2x28x128xi32, #tpu.memory_space<vmem>> -> memref<1x1x128xi32, #tpu.memory_space<vmem>>
      %dma_start3A_671 = tpu.memref_squeeze %dma_start3A_670 : memref<1x1x128xi32, #tpu.memory_space<vmem>> -> memref<128xi32, #tpu.memory_space<vmem>>
      %dma_start3A_672 = arith.constant 0 : i32
      %dma_start3A_673 = arith.constant 0 : i32
      %dma_start3A_674 = tpu.memref_slice %arg2[%dma_start3A_672, %dma_start3A_673] : memref<20480x128xf32, #tpu.memory_space<hbm>> -> memref<20480x128xf32, #tpu.memory_space<hbm>>
      tpu.enqueue_indirect_dma source(%dma_start3A_674 : memref<20480x128xf32, #tpu.memory_space<hbm>>) target(%dma_start3A_668 : memref<128x128xf32, #tpu.memory_space<vmem>>) offsets(%dma_start3A_671 : memref<128xi32, #tpu.memory_space<vmem>>) semaphore(%arg10 : memref<!tpu.dma_semaphore, #tpu.memory_space<semaphore_mem>>)
      %dma_start3A_675 = arith.constant 1 : i32
      %dma_start3A_676 = arith.constant 0 : i32
      %dma_start3A_677 = arith.constant 0 : i32
      %dma_start3A_678 = arith.constant 0 : i32
      %dma_start3A_679 = tpu.memref_slice %arg8[%dma_start3A_675, %dma_start3A_677, %dma_start3A_678] : memref<2x128x128xf32, #tpu.memory_space<vmem>> -> memref<1x128x128xf32, #tpu.memory_space<vmem>>
      %dma_start3A_680 = tpu.memref_squeeze %dma_start3A_679 : memref<1x128x128xf32, #tpu.memory_space<vmem>> -> memref<128x128xf32, #tpu.memory_space<vmem>>
      %dma_start3A_681 = arith.constant 0 : i32
      %dma_start3A_682 = tpu.memref_slice %arg7[%dma_start3A_676, %add3A_586, %dma_start3A_681] : memref<2x28x128xi32, #tpu.memory_space<vmem>> -> memref<1x1x128xi32, #tpu.memory_space<vmem>>
      %dma_start3A_683 = tpu.memref_squeeze %dma_start3A_682 : memref<1x1x128xi32, #tpu.memory_space<vmem>> -> memref<128xi32, #tpu.memory_space<vmem>>
      %dma_start3A_684 = arith.constant 0 : i32
      %dma_start3A_685 = arith.constant 0 : i32
      %dma_start3A_686 = tpu.memref_slice %arg9[%dma_start3A_684, %dma_start3A_685] : memref<10240x128xf32, #tpu.memory_space<vmem_shared>> -> memref<10240x128xf32, #tpu.memory_space<vmem_shared>>
      tpu.enqueue_indirect_dma source(%dma_start3A_680 : memref<128x128xf32, #tpu.memory_space<vmem>>) target(%dma_start3A_686 : memref<10240x128xf32, #tpu.memory_space<vmem_shared>>) offsets(%dma_start3A_683 : memref<128xi32, #tpu.memory_space<vmem>>) semaphore(%arg12 : memref<!tpu.dma_semaphore, #tpu.memory_space<semaphore_mem>>) {add = true}
    }
    %scan3A_476 = arith.constant 13 : i32
    %dma_wait3A_477 = arith.constant 0 : i32
    %dma_wait3A_478 = arith.constant 26 : i32
    %dma_wait3A_479 = arith.constant 0 : i32
    %dma_wait3A_480 = arith.constant 0 : i32
    %dma_wait3A_481 = arith.constant 0 : i32
    %dma_wait3A_482 = tpu.memref_slice %arg8[%dma_wait3A_479, %dma_wait3A_480, %dma_wait3A_481] : memref<2x128x128xf32, #tpu.memory_space<vmem>> -> memref<1x128x128xf32, #tpu.memory_space<vmem>>
    %dma_wait3A_483 = tpu.memref_squeeze %dma_wait3A_482 : memref<1x128x128xf32, #tpu.memory_space<vmem>> -> memref<128x128xf32, #tpu.memory_space<vmem>>
    %dma_wait3A_484 = arith.constant 0 : i32
    %dma_wait3A_485 = tpu.memref_slice %arg6[%dma_wait3A_477, %dma_wait3A_478, %dma_wait3A_484] : memref<2x28x128xi32, #tpu.memory_space<vmem>> -> memref<1x1x128xi32, #tpu.memory_space<vmem>>
    %dma_wait3A_486 = tpu.memref_squeeze %dma_wait3A_485 : memref<1x1x128xi32, #tpu.memory_space<vmem>> -> memref<128xi32, #tpu.memory_space<vmem>>
    %dma_wait3A_487 = arith.constant 0 : i32
    %dma_wait3A_488 = arith.constant 0 : i32
    %dma_wait3A_489 = tpu.memref_slice %arg2[%dma_wait3A_487, %dma_wait3A_488] : memref<20480x128xf32, #tpu.memory_space<hbm>> -> memref<20480x128xf32, #tpu.memory_space<hbm>>
    tpu.wait_indirect_dma semaphore(%arg10 : memref<!tpu.dma_semaphore, #tpu.memory_space<semaphore_mem>>) src(%dma_wait3A_489 : memref<20480x128xf32, #tpu.memory_space<hbm>>) dst(%dma_wait3A_483 : memref<128x128xf32, #tpu.memory_space<vmem>>)
    %dma_wait3A_490 = arith.constant 1 : i32
    %dma_wait3A_491 = arith.constant 0 : i32
    %dma_wait3A_492 = arith.constant 0 : i32
    %dma_wait3A_493 = arith.constant 0 : i32
    %dma_wait3A_494 = arith.constant 0 : i32
    %dma_wait3A_495 = tpu.memref_slice %arg8[%dma_wait3A_490, %dma_wait3A_493, %dma_wait3A_494] : memref<2x128x128xf32, #tpu.memory_space<vmem>> -> memref<1x128x128xf32, #tpu.memory_space<vmem>>
    %dma_wait3A_496 = tpu.memref_squeeze %dma_wait3A_495 : memref<1x128x128xf32, #tpu.memory_space<vmem>> -> memref<128x128xf32, #tpu.memory_space<vmem>>
    %dma_wait3A_497 = arith.constant 0 : i32
    %dma_wait3A_498 = tpu.memref_slice %arg7[%dma_wait3A_491, %dma_wait3A_492, %dma_wait3A_497] : memref<2x28x128xi32, #tpu.memory_space<vmem>> -> memref<1x1x128xi32, #tpu.memory_space<vmem>>
    %dma_wait3A_499 = tpu.memref_squeeze %dma_wait3A_498 : memref<1x1x128xi32, #tpu.memory_space<vmem>> -> memref<128xi32, #tpu.memory_space<vmem>>
    %dma_wait3A_500 = arith.constant 0 : i32
    %dma_wait3A_501 = arith.constant 0 : i32
    %dma_wait3A_502 = tpu.memref_slice %arg9[%dma_wait3A_500, %dma_wait3A_501] : memref<10240x128xf32, #tpu.memory_space<vmem_shared>> -> memref<10240x128xf32, #tpu.memory_space<vmem_shared>>
    tpu.wait_indirect_dma semaphore(%arg12 : memref<!tpu.dma_semaphore, #tpu.memory_space<semaphore_mem>>) src(%dma_wait3A_496 : memref<128x128xf32, #tpu.memory_space<vmem>>) dst(%dma_wait3A_502 : memref<10240x128xf32, #tpu.memory_space<vmem_shared>>)
    %dma_start3A_503 = arith.constant 0 : i32
    %dma_start3A_504 = arith.constant 27 : i32
    %dma_start3A_505 = arith.constant 1 : i32
    %dma_start3A_506 = arith.constant 0 : i32
    %dma_start3A_507 = arith.constant 0 : i32
    %dma_start3A_508 = tpu.memref_slice %arg8[%dma_start3A_505, %dma_start3A_506, %dma_start3A_507] : memref<2x128x128xf32, #tpu.memory_space<vmem>> -> memref<1x128x128xf32, #tpu.memory_space<vmem>>
    %dma_start3A_509 = tpu.memref_squeeze %dma_start3A_508 : memref<1x128x128xf32, #tpu.memory_space<vmem>> -> memref<128x128xf32, #tpu.memory_space<vmem>>
    %dma_start3A_510 = arith.constant 0 : i32
    %dma_start3A_511 = tpu.memref_slice %arg6[%dma_start3A_503, %dma_start3A_504, %dma_start3A_510] : memref<2x28x128xi32, #tpu.memory_space<vmem>> -> memref<1x1x128xi32, #tpu.memory_space<vmem>>
    %dma_start3A_512 = tpu.memref_squeeze %dma_start3A_511 : memref<1x1x128xi32, #tpu.memory_space<vmem>> -> memref<128xi32, #tpu.memory_space<vmem>>
    %dma_start3A_513 = arith.constant 0 : i32
    %dma_start3A_514 = arith.constant 0 : i32
    %dma_start3A_515 = tpu.memref_slice %arg2[%dma_start3A_513, %dma_start3A_514] : memref<20480x128xf32, #tpu.memory_space<hbm>> -> memref<20480x128xf32, #tpu.memory_space<hbm>>
    tpu.enqueue_indirect_dma source(%dma_start3A_515 : memref<20480x128xf32, #tpu.memory_space<hbm>>) target(%dma_start3A_509 : memref<128x128xf32, #tpu.memory_space<vmem>>) offsets(%dma_start3A_512 : memref<128xi32, #tpu.memory_space<vmem>>) semaphore(%arg10 : memref<!tpu.dma_semaphore, #tpu.memory_space<semaphore_mem>>)
    %dma_start3A_516 = arith.constant 0 : i32
    %dma_start3A_517 = arith.constant 0 : i32
    %dma_start3A_518 = arith.constant 26 : i32
    %dma_start3A_519 = arith.constant 0 : i32
    %dma_start3A_520 = arith.constant 0 : i32
    %dma_start3A_521 = tpu.memref_slice %arg8[%dma_start3A_516, %dma_start3A_519, %dma_start3A_520] : memref<2x128x128xf32, #tpu.memory_space<vmem>> -> memref<1x128x128xf32, #tpu.memory_space<vmem>>
    %dma_start3A_522 = tpu.memref_squeeze %dma_start3A_521 : memref<1x128x128xf32, #tpu.memory_space<vmem>> -> memref<128x128xf32, #tpu.memory_space<vmem>>
    %dma_start3A_523 = arith.constant 0 : i32
    %dma_start3A_524 = tpu.memref_slice %arg7[%dma_start3A_517, %dma_start3A_518, %dma_start3A_523] : memref<2x28x128xi32, #tpu.memory_space<vmem>> -> memref<1x1x128xi32, #tpu.memory_space<vmem>>
    %dma_start3A_525 = tpu.memref_squeeze %dma_start3A_524 : memref<1x1x128xi32, #tpu.memory_space<vmem>> -> memref<128xi32, #tpu.memory_space<vmem>>
    %dma_start3A_526 = arith.constant 0 : i32
    %dma_start3A_527 = arith.constant 0 : i32
    %dma_start3A_528 = tpu.memref_slice %arg9[%dma_start3A_526, %dma_start3A_527] : memref<10240x128xf32, #tpu.memory_space<vmem_shared>> -> memref<10240x128xf32, #tpu.memory_space<vmem_shared>>
    tpu.enqueue_indirect_dma source(%dma_start3A_522 : memref<128x128xf32, #tpu.memory_space<vmem>>) target(%dma_start3A_528 : memref<10240x128xf32, #tpu.memory_space<vmem_shared>>) offsets(%dma_start3A_525 : memref<128xi32, #tpu.memory_space<vmem>>) semaphore(%arg12 : memref<!tpu.dma_semaphore, #tpu.memory_space<semaphore_mem>>) {add = true}
    %dma_wait3A_529 = arith.constant 0 : i32
    %dma_wait3A_530 = arith.constant 27 : i32
    %dma_wait3A_531 = arith.constant 1 : i32
    %dma_wait3A_532 = arith.constant 0 : i32
    %dma_wait3A_533 = arith.constant 0 : i32
    %dma_wait3A_534 = tpu.memref_slice %arg8[%dma_wait3A_531, %dma_wait3A_532, %dma_wait3A_533] : memref<2x128x128xf32, #tpu.memory_space<vmem>> -> memref<1x128x128xf32, #tpu.memory_space<vmem>>
    %dma_wait3A_535 = tpu.memref_squeeze %dma_wait3A_534 : memref<1x128x128xf32, #tpu.memory_space<vmem>> -> memref<128x128xf32, #tpu.memory_space<vmem>>
    %dma_wait3A_536 = arith.constant 0 : i32
    %dma_wait3A_537 = tpu.memref_slice %arg6[%dma_wait3A_529, %dma_wait3A_530, %dma_wait3A_536] : memref<2x28x128xi32, #tpu.memory_space<vmem>> -> memref<1x1x128xi32, #tpu.memory_space<vmem>>
    %dma_wait3A_538 = tpu.memref_squeeze %dma_wait3A_537 : memref<1x1x128xi32, #tpu.memory_space<vmem>> -> memref<128xi32, #tpu.memory_space<vmem>>
    %dma_wait3A_539 = arith.constant 0 : i32
    %dma_wait3A_540 = arith.constant 0 : i32
    %dma_wait3A_541 = tpu.memref_slice %arg2[%dma_wait3A_539, %dma_wait3A_540] : memref<20480x128xf32, #tpu.memory_space<hbm>> -> memref<20480x128xf32, #tpu.memory_space<hbm>>
    tpu.wait_indirect_dma semaphore(%arg10 : memref<!tpu.dma_semaphore, #tpu.memory_space<semaphore_mem>>) src(%dma_wait3A_541 : memref<20480x128xf32, #tpu.memory_space<hbm>>) dst(%dma_wait3A_535 : memref<128x128xf32, #tpu.memory_space<vmem>>)
    %dma_wait3A_542 = arith.constant 0 : i32
    %dma_wait3A_543 = arith.constant 0 : i32
    %dma_wait3A_544 = arith.constant 0 : i32
    %dma_wait3A_545 = arith.constant 0 : i32
    %dma_wait3A_546 = arith.constant 0 : i32
    %dma_wait3A_547 = tpu.memref_slice %arg8[%dma_wait3A_542, %dma_wait3A_545, %dma_wait3A_546] : memref<2x128x128xf32, #tpu.memory_space<vmem>> -> memref<1x128x128xf32, #tpu.memory_space<vmem>>
    %dma_wait3A_548 = tpu.memref_squeeze %dma_wait3A_547 : memref<1x128x128xf32, #tpu.memory_space<vmem>> -> memref<128x128xf32, #tpu.memory_space<vmem>>
    %dma_wait3A_549 = arith.constant 0 : i32
    %dma_wait3A_550 = tpu.memref_slice %arg7[%dma_wait3A_543, %dma_wait3A_544, %dma_wait3A_549] : memref<2x28x128xi32, #tpu.memory_space<vmem>> -> memref<1x1x128xi32, #tpu.memory_space<vmem>>
    %dma_wait3A_551 = tpu.memref_squeeze %dma_wait3A_550 : memref<1x1x128xi32, #tpu.memory_space<vmem>> -> memref<128xi32, #tpu.memory_space<vmem>>
    %dma_wait3A_552 = arith.constant 0 : i32
    %dma_wait3A_553 = arith.constant 0 : i32
    %dma_wait3A_554 = tpu.memref_slice %arg9[%dma_wait3A_552, %dma_wait3A_553] : memref<10240x128xf32, #tpu.memory_space<vmem_shared>> -> memref<10240x128xf32, #tpu.memory_space<vmem_shared>>
    tpu.wait_indirect_dma semaphore(%arg12 : memref<!tpu.dma_semaphore, #tpu.memory_space<semaphore_mem>>) src(%dma_wait3A_548 : memref<128x128xf32, #tpu.memory_space<vmem>>) dst(%dma_wait3A_554 : memref<10240x128xf32, #tpu.memory_space<vmem_shared>>)
    %dma_start3A_555 = arith.constant 1 : i32
    %dma_start3A_556 = arith.constant 0 : i32
    %dma_start3A_557 = arith.constant 27 : i32
    %dma_start3A_558 = arith.constant 0 : i32
    %dma_start3A_559 = arith.constant 0 : i32
    %dma_start3A_560 = tpu.memref_slice %arg8[%dma_start3A_555, %dma_start3A_558, %dma_start3A_559] : memref<2x128x128xf32, #tpu.memory_space<vmem>> -> memref<1x128x128xf32, #tpu.memory_space<vmem>>
    %dma_start3A_561 = tpu.memref_squeeze %dma_start3A_560 : memref<1x128x128xf32, #tpu.memory_space<vmem>> -> memref<128x128xf32, #tpu.memory_space<vmem>>
    %dma_start3A_562 = arith.constant 0 : i32
    %dma_start3A_563 = tpu.memref_slice %arg7[%dma_start3A_556, %dma_start3A_557, %dma_start3A_562] : memref<2x28x128xi32, #tpu.memory_space<vmem>> -> memref<1x1x128xi32, #tpu.memory_space<vmem>>
    %dma_start3A_564 = tpu.memref_squeeze %dma_start3A_563 : memref<1x1x128xi32, #tpu.memory_space<vmem>> -> memref<128xi32, #tpu.memory_space<vmem>>
    %dma_start3A_565 = arith.constant 0 : i32
    %dma_start3A_566 = arith.constant 0 : i32
    %dma_start3A_567 = tpu.memref_slice %arg9[%dma_start3A_565, %dma_start3A_566] : memref<10240x128xf32, #tpu.memory_space<vmem_shared>> -> memref<10240x128xf32, #tpu.memory_space<vmem_shared>>
    tpu.enqueue_indirect_dma source(%dma_start3A_561 : memref<128x128xf32, #tpu.memory_space<vmem>>) target(%dma_start3A_567 : memref<10240x128xf32, #tpu.memory_space<vmem_shared>>) offsets(%dma_start3A_564 : memref<128xi32, #tpu.memory_space<vmem>>) semaphore(%arg12 : memref<!tpu.dma_semaphore, #tpu.memory_space<semaphore_mem>>) {add = true}
    %dma_wait3A_568 = arith.constant 1 : i32
    %dma_wait3A_569 = arith.constant 0 : i32
    %dma_wait3A_570 = arith.constant 0 : i32
    %dma_wait3A_571 = arith.constant 0 : i32
    %dma_wait3A_572 = arith.constant 0 : i32
    %dma_wait3A_573 = tpu.memref_slice %arg8[%dma_wait3A_568, %dma_wait3A_571, %dma_wait3A_572] : memref<2x128x128xf32, #tpu.memory_space<vmem>> -> memref<1x128x128xf32, #tpu.memory_space<vmem>>
    %dma_wait3A_574 = tpu.memref_squeeze %dma_wait3A_573 : memref<1x128x128xf32, #tpu.memory_space<vmem>> -> memref<128x128xf32, #tpu.memory_space<vmem>>
    %dma_wait3A_575 = arith.constant 0 : i32
    %dma_wait3A_576 = tpu.memref_slice %arg7[%dma_wait3A_569, %dma_wait3A_570, %dma_wait3A_575] : memref<2x28x128xi32, #tpu.memory_space<vmem>> -> memref<1x1x128xi32, #tpu.memory_space<vmem>>
    %dma_wait3A_577 = tpu.memref_squeeze %dma_wait3A_576 : memref<1x1x128xi32, #tpu.memory_space<vmem>> -> memref<128xi32, #tpu.memory_space<vmem>>
    %dma_wait3A_578 = arith.constant 0 : i32
    %dma_wait3A_579 = arith.constant 0 : i32
    %dma_wait3A_580 = tpu.memref_slice %arg9[%dma_wait3A_578, %dma_wait3A_579] : memref<10240x128xf32, #tpu.memory_space<vmem_shared>> -> memref<10240x128xf32, #tpu.memory_space<vmem_shared>>
    tpu.wait_indirect_dma semaphore(%arg12 : memref<!tpu.dma_semaphore, #tpu.memory_space<semaphore_mem>>) src(%dma_wait3A_574 : memref<128x128xf32, #tpu.memory_space<vmem>>) dst(%dma_wait3A_580 : memref<10240x128xf32, #tpu.memory_space<vmem_shared>>)
    %barrier3A_581 = arith.constant 0 : index
    tpu.barrier barrier_id(%barrier3A_581)
    %mul3A = arith.constant 640 : i32
    %mul3A_582 = arith.muli %arg1, %mul3A : i32
    "tpu.region"() ({
      %run_scoped3A = tpu.sem_alloc : memref<!tpu.dma_semaphore, #tpu.memory_space<semaphore_mem>>
      %dma_start3A_583 = arith.constant 0 : i32
      %dma_start3A_584 = tpu.memref_slice %arg5[%arg0, %mul3A_582, %dma_start3A_583] : memref<2x10240x128xf32, #tpu.memory_space<hbm>> -> memref<1x640x128xf32, #tpu.memory_space<hbm>>
      %dma_start3A_585 = tpu.memref_squeeze %dma_start3A_584 : memref<1x640x128xf32, #tpu.memory_space<hbm>> -> memref<640x128xf32, #tpu.memory_space<hbm>>
      %dma_start3A_586 = arith.constant 0 : i32
      %dma_start3A_587 = tpu.memref_slice %arg9[%mul3A_582, %dma_start3A_586] : memref<10240x128xf32, #tpu.memory_space<vmem_shared>> -> memref<640x128xf32, #tpu.memory_space<vmem_shared>>
      tpu.enqueue_dma source(%dma_start3A_587 : memref<640x128xf32, #tpu.memory_space<vmem_shared>>) target(%dma_start3A_585 : memref<640x128xf32, #tpu.memory_space<hbm>>) target_semaphore(%run_scoped3A : memref<!tpu.dma_semaphore, #tpu.memory_space<semaphore_mem>>)
      %dma_wait3A_588 = arith.constant 0 : i32
      %dma_wait3A_589 = tpu.memref_slice %arg5[%arg0, %mul3A_582, %dma_wait3A_588] : memref<2x10240x128xf32, #tpu.memory_space<hbm>> -> memref<1x640x128xf32, #tpu.memory_space<hbm>>
      %dma_wait3A_590 = tpu.memref_squeeze %dma_wait3A_589 : memref<1x640x128xf32, #tpu.memory_space<hbm>> -> memref<640x128xf32, #tpu.memory_space<hbm>>
      %dma_wait3A_591 = arith.constant 0 : i32
      %dma_wait3A_592 = tpu.memref_slice %arg9[%mul3A_582, %dma_wait3A_591] : memref<10240x128xf32, #tpu.memory_space<vmem_shared>> -> memref<640x128xf32, #tpu.memory_space<vmem_shared>>
      tpu.wait_dma2 semaphore(%run_scoped3A : memref<!tpu.dma_semaphore, #tpu.memory_space<semaphore_mem>>) src(%dma_wait3A_592 : memref<640x128xf32, #tpu.memory_space<vmem_shared>>) dst(%dma_wait3A_590 : memref<640x128xf32, #tpu.memory_space<hbm>>)
      tpu.yield
    }) : () -> ()
    return
  }
}

#map = affine_map<(d0, d1) -> (0, 0, 0)>
#map1 = affine_map<(d0, d1) -> (0, 0)>
module attributes {stable_mosaic.version = 14 : i64} {
  func.func @body(%arg0: i32, %arg1: i32, %arg2: memref<32x42x128xi32, #tpu.memory_space<hbm>>, %arg3: memref<32x10240xf32, #tpu.memory_space<hbm>>, %arg4: memref<42x128xi32, #tpu.memory_space<vmem>>, %arg5: memref<10240xf32, #tpu.memory_space<vmem>>) attributes {dimension_semantics = [#tpu.dimension_semantics<core_parallel>, #tpu.dimension_semantics<subcore_parallel>], iteration_bounds = array<i64: 2, 16>, scalar_prefetch = 0 : i64, scratch_operands = 2 : i64, tpu.core_type = #tpu.core_type<sc_vector_subcore>, window_params = [{transform_indices = #map}, {transform_indices = #map1}]} {
    %mul3A = arith.constant 16 : i32
    %mul3A_0 = arith.muli %arg0, %mul3A : i32
    %add3A = arith.addi %mul3A_0, %arg1 : i32
    "tpu.region"() ({
      %run_scoped3A = tpu.sem_alloc : memref<!tpu.dma_semaphore, #tpu.memory_space<semaphore_mem>>
      %dma_start3A = arith.constant 0 : i32
      %dma_start3A_13 = arith.constant 0 : i32
      %dma_start3A_14 = tpu.memref_slice %arg2[%add3A, %dma_start3A, %dma_start3A_13] : memref<32x42x128xi32, #tpu.memory_space<hbm>> -> memref<1x42x128xi32, #tpu.memory_space<hbm>>
      %dma_start3A_15 = tpu.memref_squeeze %dma_start3A_14 : memref<1x42x128xi32, #tpu.memory_space<hbm>> -> memref<42x128xi32, #tpu.memory_space<hbm>>
      %dma_start3A_16 = arith.constant 0 : i32
      %dma_start3A_17 = arith.constant 0 : i32
      %dma_start3A_18 = tpu.memref_slice %arg2[%add3A, %dma_start3A_16, %dma_start3A_17] : memref<32x42x128xi32, #tpu.memory_space<hbm>> -> memref<1x42x128xi32, #tpu.memory_space<hbm>>
      %dma_start3A_19 = tpu.memref_squeeze %dma_start3A_18 : memref<1x42x128xi32, #tpu.memory_space<hbm>> -> memref<42x128xi32, #tpu.memory_space<hbm>>
      tpu.enqueue_dma source(%dma_start3A_19 : memref<42x128xi32, #tpu.memory_space<hbm>>) target(%arg4 : memref<42x128xi32, #tpu.memory_space<vmem>>) target_semaphore(%run_scoped3A : memref<!tpu.dma_semaphore, #tpu.memory_space<semaphore_mem>>)
      %dma_wait3A = arith.constant 0 : i32
      %dma_wait3A_20 = arith.constant 0 : i32
      %dma_wait3A_21 = tpu.memref_slice %arg2[%add3A, %dma_wait3A, %dma_wait3A_20] : memref<32x42x128xi32, #tpu.memory_space<hbm>> -> memref<1x42x128xi32, #tpu.memory_space<hbm>>
      %dma_wait3A_22 = tpu.memref_squeeze %dma_wait3A_21 : memref<1x42x128xi32, #tpu.memory_space<hbm>> -> memref<42x128xi32, #tpu.memory_space<hbm>>
      %dma_wait3A_23 = arith.constant 0 : i32
      %dma_wait3A_24 = arith.constant 0 : i32
      %dma_wait3A_25 = tpu.memref_slice %arg2[%add3A, %dma_wait3A_23, %dma_wait3A_24] : memref<32x42x128xi32, #tpu.memory_space<hbm>> -> memref<1x42x128xi32, #tpu.memory_space<hbm>>
      %dma_wait3A_26 = tpu.memref_squeeze %dma_wait3A_25 : memref<1x42x128xi32, #tpu.memory_space<hbm>> -> memref<42x128xi32, #tpu.memory_space<hbm>>
      tpu.wait_dma2 semaphore(%run_scoped3A : memref<!tpu.dma_semaphore, #tpu.memory_space<semaphore_mem>>) src(%dma_wait3A_26 : memref<42x128xi32, #tpu.memory_space<hbm>>) dst(%arg4 : memref<42x128xi32, #tpu.memory_space<vmem>>)
      tpu.yield
    }) : () -> ()
    %scan3A = arith.constant 0 : i32
    %scan3A_1 = arith.constant 0 : i32
    %scan3A_2 = arith.constant 640 : i32
    %scan3A_3 = arith.addi %scan3A_1, %scan3A_2 : i32
    %scan3A_4 = arith.constant 1 : i32
    scf.for %scan3A_13 = %scan3A_1 to %scan3A_3 step %scan3A_4  : i32 {
      %broadcast_in_dim3A_14 = arith.constant 0.000000e+00 : f32
      %broadcast_in_dim3A_15 = vector.broadcast %broadcast_in_dim3A_14 : f32 to vector<16xf32>
      %mul3A_16 = arith.constant 16 : i32
      %mul3A_17 = arith.muli %scan3A_13, %mul3A_16 : i32
      %swap3A = arith.index_cast %mul3A_17 : i32 to index
      %swap3A_18 = tpu.vector_load %arg5[%swap3A] {strides = array<i32>} : memref<10240xf32, #tpu.memory_space<vmem>>, vector<16xf32>,
      tpu.vector_store %arg5[%swap3A], %broadcast_in_dim3A_15 {strides = array<i32>} : memref<10240xf32, #tpu.memory_space<vmem>>, vector<16xf32>,
    }
    %scan3A_5 = arith.constant 640 : i32
    %broadcast_in_dim3A = arith.constant 1.000000e+00 : f32
    %broadcast_in_dim3A_6 = vector.broadcast %broadcast_in_dim3A : f32 to vector<16xf32>
    %scan3A_7 = arith.constant 0 : i32
    %scan3A_8 = arith.constant 0 : i32
    %scan3A_9 = arith.constant 336 : i32
    %scan3A_10 = arith.addi %scan3A_8, %scan3A_9 : i32
    %scan3A_11 = arith.constant 1 : i32
    scf.for %scan3A_13 = %scan3A_8 to %scan3A_10 step %scan3A_11  : i32 {
      %jit3A = arith.constant 8 : i32
      %div3A = arith.divsi %scan3A_13, %jit3A : i32
      %sign3A = arith.constant 0 : i32
      %sign3A_14 = arith.cmpi sgt, %scan3A_13, %sign3A : i32
      %sign3A_15 = arith.extui %sign3A_14 : i1 to i32
      %sign3A_16 = arith.constant 0 : i32
      %sign3A_17 = arith.cmpi slt, %scan3A_13, %sign3A_16 : i32
      %sign3A_18 = arith.extui %sign3A_17 : i1 to i32
      %sign3A_19 = arith.subi %sign3A_15, %sign3A_18 : i32
      %sign3A_20 = arith.constant 0 : i32
      %sign3A_21 = arith.cmpi sgt, %jit3A, %sign3A_20 : i32
      %sign3A_22 = arith.extui %sign3A_21 : i1 to i32
      %sign3A_23 = arith.constant 0 : i32
      %sign3A_24 = arith.cmpi slt, %jit3A, %sign3A_23 : i32
      %sign3A_25 = arith.extui %sign3A_24 : i1 to i32
      %sign3A_26 = arith.subi %sign3A_22, %sign3A_25 : i32
      %ne3A = arith.cmpi ne, %sign3A_19, %sign3A_26 : i32
      %rem3A = arith.remsi %scan3A_13, %jit3A : i32
      %ne3A_27 = arith.constant 0 : i32
      %ne3A_28 = arith.cmpi ne, %rem3A, %ne3A_27 : i32
      %and3A = arith.andi %ne3A, %ne3A_28 : i1
      %sub3A = arith.constant 1 : i32
      %sub3A_29 = arith.subi %div3A, %sub3A : i32
      %select_n3A = arith.select %and3A, %sub3A_29, %div3A : i32
      %jit3A_30 = arith.constant 8 : i32
      %eq3A = arith.constant 0 : i32
      %eq3A_31 = arith.cmpi eq, %jit3A_30, %eq3A : i32
      %jit3A_32 = arith.constant 1 : i32
      %select_n3A_33 = arith.select %eq3A_31, %jit3A_32, %jit3A_30 : i32
      %rem3A_34 = arith.remsi %scan3A_13, %select_n3A_33 : i32
      %ne3A_35 = arith.constant 0 : i32
      %ne3A_36 = arith.cmpi ne, %rem3A_34, %ne3A_35 : i32
      %lt3A = arith.constant 0 : i32
      %lt3A_37 = arith.cmpi slt, %rem3A_34, %lt3A : i32
      %lt3A_38 = arith.constant 0 : i32
      %lt3A_39 = arith.cmpi slt, %select_n3A_33, %lt3A_38 : i32
      %ne3A_40 = arith.xori %lt3A_37, %lt3A_39 : i1
      %and3A_41 = arith.andi %ne3A_40, %ne3A_36 : i1
      %add3A_42 = arith.addi %rem3A_34, %select_n3A_33 : i32
      %select_n3A_43 = arith.select %and3A_41, %add3A_42, %rem3A_34 : i32
      %mul3A_44 = arith.constant 16 : i32
      %mul3A_45 = arith.muli %select_n3A_43, %mul3A_44 : i32
      %get3A = arith.index_cast %select_n3A : i32 to index
      %get3A_46 = arith.index_cast %mul3A_45 : i32 to index
      %get3A_47 = tpu.vector_load %arg4[%get3A, %get3A_46] {strides = array<i32>} : memref<42x128xi32, #tpu.memory_space<vmem>>, vector<16xi32>,
      tpu.vector_store_idx %arg5[%get3A_47], %broadcast_in_dim3A_6 {add = true} : memref<10240xf32, #tpu.memory_space<vmem>>[vector<16xi32>], vector<16xf32>,
    }
    %scan3A_12 = arith.constant 336 : i32
    "tpu.region"() ({
      %run_scoped3A = tpu.sem_alloc : memref<!tpu.dma_semaphore, #tpu.memory_space<semaphore_mem>>
      %dma_start3A = arith.constant 0 : i32
      %dma_start3A_13 = tpu.memref_slice %arg3[%add3A, %dma_start3A] : memref<32x10240xf32, #tpu.memory_space<hbm>> -> memref<1x10240xf32, #tpu.memory_space<hbm>>
      %dma_start3A_14 = tpu.memref_squeeze %dma_start3A_13 : memref<1x10240xf32, #tpu.memory_space<hbm>> -> memref<10240xf32, #tpu.memory_space<hbm>>
      %dma_start3A_15 = arith.constant 0 : i32
      %dma_start3A_16 = tpu.memref_slice %arg3[%add3A, %dma_start3A_15] : memref<32x10240xf32, #tpu.memory_space<hbm>> -> memref<1x10240xf32, #tpu.memory_space<hbm>>
      %dma_start3A_17 = tpu.memref_squeeze %dma_start3A_16 : memref<1x10240xf32, #tpu.memory_space<hbm>> -> memref<10240xf32, #tpu.memory_space<hbm>>
      tpu.enqueue_dma source(%arg5 : memref<10240xf32, #tpu.memory_space<vmem>>) target(%dma_start3A_17 : memref<10240xf32, #tpu.memory_space<hbm>>) target_semaphore(%run_scoped3A : memref<!tpu.dma_semaphore, #tpu.memory_space<semaphore_mem>>)
      %dma_wait3A = arith.constant 0 : i32
      %dma_wait3A_18 = tpu.memref_slice %arg3[%add3A, %dma_wait3A] : memref<32x10240xf32, #tpu.memory_space<hbm>> -> memref<1x10240xf32, #tpu.memory_space<hbm>>
      %dma_wait3A_19 = tpu.memref_squeeze %dma_wait3A_18 : memref<1x10240xf32, #tpu.memory_space<hbm>> -> memref<10240xf32, #tpu.memory_space<hbm>>
      %dma_wait3A_20 = arith.constant 0 : i32
      %dma_wait3A_21 = tpu.memref_slice %arg3[%add3A, %dma_wait3A_20] : memref<32x10240xf32, #tpu.memory_space<hbm>> -> memref<1x10240xf32, #tpu.memory_space<hbm>>
      %dma_wait3A_22 = tpu.memref_squeeze %dma_wait3A_21 : memref<1x10240xf32, #tpu.memory_space<hbm>> -> memref<10240xf32, #tpu.memory_space<hbm>>
      tpu.wait_dma2 semaphore(%run_scoped3A : memref<!tpu.dma_semaphore, #tpu.memory_space<semaphore_mem>>) src(%arg5 : memref<10240xf32, #tpu.memory_space<vmem>>) dst(%dma_wait3A_22 : memref<10240xf32, #tpu.memory_space<hbm>>)
      tpu.yield
    }) : () -> ()
    return
  }
}

#map = affine_map<(d0, d1) -> (0, 0)>
#map1 = affine_map<(d0, d1) -> (0, 0, 0, 0)>
#map2 = affine_map<(d0, d1) -> (0, 0, 0)>
module attributes {stable_mosaic.version = 14 : i64} {
  func.func @body(%arg0: i32, %arg1: i32, %arg2: memref<10240x128xf32, #tpu.memory_space<hbm>>, %arg3: memref<32x3x14x128xi32, #tpu.memory_space<hbm>>, %arg4: memref<32x3x14x128xi32, #tpu.memory_space<hbm>>, %arg5: memref<2x10240x128xf32, #tpu.memory_space<hbm>>, %arg6: memref<2x14x128xi32, #tpu.memory_space<vmem>>, %arg7: memref<2x14x128xi32, #tpu.memory_space<vmem>>, %arg8: memref<2x128x128xf32, #tpu.memory_space<vmem>>, %arg9: memref<10240x128xf32, #tpu.memory_space<vmem_shared>>, %arg10: memref<!tpu.dma_semaphore, #tpu.memory_space<semaphore_mem>>, %arg11: memref<!tpu.dma_semaphore, #tpu.memory_space<semaphore_mem>>, %arg12: memref<!tpu.dma_semaphore, #tpu.memory_space<semaphore_mem>>) attributes {dimension_semantics = [#tpu.dimension_semantics<core_parallel>, #tpu.dimension_semantics<subcore_parallel>], iteration_bounds = array<i64: 2, 16>, scalar_prefetch = 0 : i64, scratch_operands = 7 : i64, tpu.core_type = #tpu.core_type<sc_vector_subcore>, window_params = [{transform_indices = #map}, {transform_indices = #map1}, {transform_indices = #map1}, {transform_indices = #map2}]} {
    %mul3A = arith.constant 16 : i32
    %mul3A_0 = arith.muli %arg0, %mul3A : i32
    %add3A = arith.addi %mul3A_0, %arg1 : i32
    %dma_start3A = arith.constant 0 : i32
    %dma_start3A_1 = arith.constant 0 : i32
    %dma_start3A_2 = arith.constant 0 : i32
    %dma_start3A_3 = arith.constant 0 : i32
    %dma_start3A_4 = tpu.memref_slice %arg6[%dma_start3A_1, %dma_start3A_2, %dma_start3A_3] : memref<2x14x128xi32, #tpu.memory_space<vmem>> -> memref<1x14x128xi32, #tpu.memory_space<vmem>>
    %dma_start3A_5 = tpu.memref_squeeze %dma_start3A_4 : memref<1x14x128xi32, #tpu.memory_space<vmem>> -> memref<14x128xi32, #tpu.memory_space<vmem>>
    %dma_start3A_6 = arith.constant 0 : i32
    %dma_start3A_7 = arith.constant 0 : i32
    %dma_start3A_8 = tpu.memref_slice %arg3[%add3A, %dma_start3A, %dma_start3A_6, %dma_start3A_7] : memref<32x3x14x128xi32, #tpu.memory_space<hbm>> -> memref<1x1x14x128xi32, #tpu.memory_space<hbm>>
    %dma_start3A_9 = tpu.memref_squeeze %dma_start3A_8 : memref<1x1x14x128xi32, #tpu.memory_space<hbm>> -> memref<14x128xi32, #tpu.memory_space<hbm>>
    %dma_start3A_10 = arith.constant 0 : i32
    %dma_start3A_11 = arith.constant 0 : i32
    %dma_start3A_12 = tpu.memref_slice %arg6[%dma_start3A_1, %dma_start3A_10, %dma_start3A_11] : memref<2x14x128xi32, #tpu.memory_space<vmem>> -> memref<1x14x128xi32, #tpu.memory_space<vmem>>
    %dma_start3A_13 = tpu.memref_squeeze %dma_start3A_12 : memref<1x14x128xi32, #tpu.memory_space<vmem>> -> memref<14x128xi32, #tpu.memory_space<vmem>>
    %dma_start3A_14 = arith.constant 0 : i32
    %dma_start3A_15 = arith.constant 0 : i32
    %dma_start3A_16 = tpu.memref_slice %arg3[%add3A, %dma_start3A, %dma_start3A_14, %dma_start3A_15] : memref<32x3x14x128xi32, #tpu.memory_space<hbm>> -> memref<1x1x14x128xi32, #tpu.memory_space<hbm>>
    %dma_start3A_17 = tpu.memref_squeeze %dma_start3A_16 : memref<1x1x14x128xi32, #tpu.memory_space<hbm>> -> memref<14x128xi32, #tpu.memory_space<hbm>>
    tpu.enqueue_dma source(%dma_start3A_17 : memref<14x128xi32, #tpu.memory_space<hbm>>) target(%dma_start3A_13 : memref<14x128xi32, #tpu.memory_space<vmem>>) target_semaphore(%arg11 : memref<!tpu.dma_semaphore, #tpu.memory_space<semaphore_mem>>)
    %dma_start3A_18 = arith.constant 0 : i32
    %dma_start3A_19 = arith.constant 0 : i32
    %dma_start3A_20 = arith.constant 0 : i32
    %dma_start3A_21 = arith.constant 0 : i32
    %dma_start3A_22 = tpu.memref_slice %arg7[%dma_start3A_19, %dma_start3A_20, %dma_start3A_21] : memref<2x14x128xi32, #tpu.memory_space<vmem>> -> memref<1x14x128xi32, #tpu.memory_space<vmem>>
    %dma_start3A_23 = tpu.memref_squeeze %dma_start3A_22 : memref<1x14x128xi32, #tpu.memory_space<vmem>> -> memref<14x128xi32, #tpu.memory_space<vmem>>
    %dma_start3A_24 = arith.constant 0 : i32
    %dma_start3A_25 = arith.constant 0 : i32
    %dma_start3A_26 = tpu.memref_slice %arg4[%add3A, %dma_start3A_18, %dma_start3A_24, %dma_start3A_25] : memref<32x3x14x128xi32, #tpu.memory_space<hbm>> -> memref<1x1x14x128xi32, #tpu.memory_space<hbm>>
    %dma_start3A_27 = tpu.memref_squeeze %dma_start3A_26 : memref<1x1x14x128xi32, #tpu.memory_space<hbm>> -> memref<14x128xi32, #tpu.memory_space<hbm>>
    %dma_start3A_28 = arith.constant 0 : i32
    %dma_start3A_29 = arith.constant 0 : i32
    %dma_start3A_30 = tpu.memref_slice %arg7[%dma_start3A_19, %dma_start3A_28, %dma_start3A_29] : memref<2x14x128xi32, #tpu.memory_space<vmem>> -> memref<1x14x128xi32, #tpu.memory_space<vmem>>
    %dma_start3A_31 = tpu.memref_squeeze %dma_start3A_30 : memref<1x14x128xi32, #tpu.memory_space<vmem>> -> memref<14x128xi32, #tpu.memory_space<vmem>>
    %dma_start3A_32 = arith.constant 0 : i32
    %dma_start3A_33 = arith.constant 0 : i32
    %dma_start3A_34 = tpu.memref_slice %arg4[%add3A, %dma_start3A_18, %dma_start3A_32, %dma_start3A_33] : memref<32x3x14x128xi32, #tpu.memory_space<hbm>> -> memref<1x1x14x128xi32, #tpu.memory_space<hbm>>
    %dma_start3A_35 = tpu.memref_squeeze %dma_start3A_34 : memref<1x1x14x128xi32, #tpu.memory_space<hbm>> -> memref<14x128xi32, #tpu.memory_space<hbm>>
    tpu.enqueue_dma source(%dma_start3A_35 : memref<14x128xi32, #tpu.memory_space<hbm>>) target(%dma_start3A_31 : memref<14x128xi32, #tpu.memory_space<vmem>>) target_semaphore(%arg11 : memref<!tpu.dma_semaphore, #tpu.memory_space<semaphore_mem>>)
    %scan3A = arith.constant 0 : i32
    %scan3A_36 = arith.constant 0 : i32
    %scan3A_37 = arith.constant 1024 : i32
    %scan3A_38 = arith.addi %scan3A_36, %scan3A_37 : i32
    %scan3A_39 = arith.constant 1 : i32
    scf.for %scan3A_585 = %scan3A_36 to %scan3A_38 step %scan3A_39  : i32 {
      %jit3A = arith.constant 8 : i32
      %div3A = arith.divsi %scan3A_585, %jit3A : i32
      %sign3A = arith.constant 0 : i32
      %sign3A_586 = arith.cmpi sgt, %scan3A_585, %sign3A : i32
      %sign3A_587 = arith.extui %sign3A_586 : i1 to i32
      %sign3A_588 = arith.constant 0 : i32
      %sign3A_589 = arith.cmpi slt, %scan3A_585, %sign3A_588 : i32
      %sign3A_590 = arith.extui %sign3A_589 : i1 to i32
      %sign3A_591 = arith.subi %sign3A_587, %sign3A_590 : i32
      %sign3A_592 = arith.constant 0 : i32
      %sign3A_593 = arith.cmpi sgt, %jit3A, %sign3A_592 : i32
      %sign3A_594 = arith.extui %sign3A_593 : i1 to i32
      %sign3A_595 = arith.constant 0 : i32
      %sign3A_596 = arith.cmpi slt, %jit3A, %sign3A_595 : i32
      %sign3A_597 = arith.extui %sign3A_596 : i1 to i32
      %sign3A_598 = arith.subi %sign3A_594, %sign3A_597 : i32
      %ne3A = arith.cmpi ne, %sign3A_591, %sign3A_598 : i32
      %rem3A = arith.remsi %scan3A_585, %jit3A : i32
      %ne3A_599 = arith.constant 0 : i32
      %ne3A_600 = arith.cmpi ne, %rem3A, %ne3A_599 : i32
      %and3A = arith.andi %ne3A, %ne3A_600 : i1
      %sub3A = arith.constant 1 : i32
      %sub3A_601 = arith.subi %div3A, %sub3A : i32
      %select_n3A = arith.select %and3A, %sub3A_601, %div3A : i32
      %jit3A_602 = arith.constant 8 : i32
      %eq3A = arith.constant 0 : i32
      %eq3A_603 = arith.cmpi eq, %jit3A_602, %eq3A : i32
      %jit3A_604 = arith.constant 1 : i32
      %select_n3A_605 = arith.select %eq3A_603, %jit3A_604, %jit3A_602 : i32
      %rem3A_606 = arith.remsi %scan3A_585, %select_n3A_605 : i32
      %ne3A_607 = arith.constant 0 : i32
      %ne3A_608 = arith.cmpi ne, %rem3A_606, %ne3A_607 : i32
      %lt3A = arith.constant 0 : i32
      %lt3A_609 = arith.cmpi slt, %rem3A_606, %lt3A : i32
      %lt3A_610 = arith.constant 0 : i32
      %lt3A_611 = arith.cmpi slt, %select_n3A_605, %lt3A_610 : i32
      %ne3A_612 = arith.xori %lt3A_609, %lt3A_611 : i1
      %and3A_613 = arith.andi %ne3A_612, %ne3A_608 : i1
      %add3A_614 = arith.addi %rem3A_606, %select_n3A_605 : i32
      %select_n3A_615 = arith.select %and3A_613, %add3A_614, %rem3A_606 : i32
      %broadcast_in_dim3A = arith.constant 0.000000e+00 : f32
      %broadcast_in_dim3A_616 = vector.broadcast %broadcast_in_dim3A : f32 to vector<16xf32>
      %mul3A_617 = arith.constant 16 : i32
      %mul3A_618 = arith.muli %select_n3A_615, %mul3A_617 : i32
      %swap3A = arith.constant 0 : i32
      %swap3A_619 = arith.index_cast %swap3A : i32 to index
      %swap3A_620 = arith.index_cast %select_n3A : i32 to index
      %swap3A_621 = arith.index_cast %mul3A_618 : i32 to index
      %swap3A_622 = tpu.vector_load %arg8[%swap3A_619, %swap3A_620, %swap3A_621] {strides = array<i32>} : memref<2x128x128xf32, #tpu.memory_space<vmem>>, vector<16xf32>,
      tpu.vector_store %arg8[%swap3A_619, %swap3A_620, %swap3A_621], %broadcast_in_dim3A_616 {strides = array<i32>} : memref<2x128x128xf32, #tpu.memory_space<vmem>>, vector<16xf32>,
      %mul3A_623 = arith.constant 16 : i32
      %mul3A_624 = arith.muli %select_n3A_615, %mul3A_623 : i32
      %swap3A_625 = arith.constant 1 : i32
      %swap3A_626 = arith.index_cast %swap3A_625 : i32 to index
      %swap3A_627 = arith.index_cast %select_n3A : i32 to index
      %swap3A_628 = arith.index_cast %mul3A_624 : i32 to index
      %swap3A_629 = tpu.vector_load %arg8[%swap3A_626, %swap3A_627, %swap3A_628] {strides = array<i32>} : memref<2x128x128xf32, #tpu.memory_space<vmem>>, vector<16xf32>,
      tpu.vector_store %arg8[%swap3A_626, %swap3A_627, %swap3A_628], %broadcast_in_dim3A_616 {strides = array<i32>} : memref<2x128x128xf32, #tpu.memory_space<vmem>>, vector<16xf32>,
    }
    %scan3A_40 = arith.constant 1024 : i32
    %scan3A_41 = arith.constant 0 : i32
    %scan3A_42 = arith.constant 0 : i32
    %scan3A_43 = arith.constant 5 : i32
    %scan3A_44 = arith.addi %scan3A_42, %scan3A_43 : i32
    %scan3A_45 = arith.constant 1 : i32
    scf.for %scan3A_585 = %scan3A_42 to %scan3A_44 step %scan3A_45  : i32 {
      %mul3A_586 = arith.constant 640 : i32
      %mul3A_587 = arith.muli %arg1, %mul3A_586 : i32
      %mul3A_588 = arith.constant 128 : i32
      %mul3A_589 = arith.muli %scan3A_585, %mul3A_588 : i32
      %add3A_590 = arith.addi %mul3A_587, %mul3A_589 : i32
      %run_scoped3A = arith.constant 0 : i32
      "tpu.region"() ({
        %run_scoped3A_591 = tpu.sem_alloc : memref<!tpu.dma_semaphore, #tpu.memory_space<semaphore_mem>>
        %dma_start3A_592 = arith.constant 0 : i32
        %dma_start3A_593 = arith.constant 0 : i32
        %dma_start3A_594 = tpu.memref_slice %arg8[%run_scoped3A, %dma_start3A_592, %dma_start3A_593] : memref<2x128x128xf32, #tpu.memory_space<vmem>> -> memref<1x128x128xf32, #tpu.memory_space<vmem>>
        %dma_start3A_595 = tpu.memref_squeeze %dma_start3A_594 : memref<1x128x128xf32, #tpu.memory_space<vmem>> -> memref<128x128xf32, #tpu.memory_space<vmem>>
        %dma_start3A_596 = arith.constant 0 : i32
        %dma_start3A_597 = tpu.memref_slice %arg9[%add3A_590, %dma_start3A_596] : memref<10240x128xf32, #tpu.memory_space<vmem_shared>> -> memref<128x128xf32, #tpu.memory_space<vmem_shared>>
        %dma_start3A_598 = arith.constant 0 : i32
        %dma_start3A_599 = tpu.memref_slice %arg9[%add3A_590, %dma_start3A_598] : memref<10240x128xf32, #tpu.memory_space<vmem_shared>> -> memref<128x128xf32, #tpu.memory_space<vmem_shared>>
        %dma_start3A_600 = arith.constant 0 : i32
        %dma_start3A_601 = arith.constant 0 : i32
        %dma_start3A_602 = tpu.memref_slice %arg8[%run_scoped3A, %dma_start3A_600, %dma_start3A_601] : memref<2x128x128xf32, #tpu.memory_space<vmem>> -> memref<1x128x128xf32, #tpu.memory_space<vmem>>
        %dma_start3A_603 = tpu.memref_squeeze %dma_start3A_602 : memref<1x128x128xf32, #tpu.memory_space<vmem>> -> memref<128x128xf32, #tpu.memory_space<vmem>>
        tpu.enqueue_dma source(%dma_start3A_603 : memref<128x128xf32, #tpu.memory_space<vmem>>) target(%dma_start3A_599 : memref<128x128xf32, #tpu.memory_space<vmem_shared>>) target_semaphore(%run_scoped3A_591 : memref<!tpu.dma_semaphore, #tpu.memory_space<semaphore_mem>>)
        %dma_wait3A_604 = arith.constant 0 : i32
        %dma_wait3A_605 = arith.constant 0 : i32
        %dma_wait3A_606 = tpu.memref_slice %arg8[%run_scoped3A, %dma_wait3A_604, %dma_wait3A_605] : memref<2x128x128xf32, #tpu.memory_space<vmem>> -> memref<1x128x128xf32, #tpu.memory_space<vmem>>
        %dma_wait3A_607 = tpu.memref_squeeze %dma_wait3A_606 : memref<1x128x128xf32, #tpu.memory_space<vmem>> -> memref<128x128xf32, #tpu.memory_space<vmem>>
        %dma_wait3A_608 = arith.constant 0 : i32
        %dma_wait3A_609 = tpu.memref_slice %arg9[%add3A_590, %dma_wait3A_608] : memref<10240x128xf32, #tpu.memory_space<vmem_shared>> -> memref<128x128xf32, #tpu.memory_space<vmem_shared>>
        %dma_wait3A_610 = arith.constant 0 : i32
        %dma_wait3A_611 = tpu.memref_slice %arg9[%add3A_590, %dma_wait3A_610] : memref<10240x128xf32, #tpu.memory_space<vmem_shared>> -> memref<128x128xf32, #tpu.memory_space<vmem_shared>>
        %dma_wait3A_612 = arith.constant 0 : i32
        %dma_wait3A_613 = arith.constant 0 : i32
        %dma_wait3A_614 = tpu.memref_slice %arg8[%run_scoped3A, %dma_wait3A_612, %dma_wait3A_613] : memref<2x128x128xf32, #tpu.memory_space<vmem>> -> memref<1x128x128xf32, #tpu.memory_space<vmem>>
        %dma_wait3A_615 = tpu.memref_squeeze %dma_wait3A_614 : memref<1x128x128xf32, #tpu.memory_space<vmem>> -> memref<128x128xf32, #tpu.memory_space<vmem>>
        tpu.wait_dma2 semaphore(%run_scoped3A_591 : memref<!tpu.dma_semaphore, #tpu.memory_space<semaphore_mem>>) src(%dma_wait3A_615 : memref<128x128xf32, #tpu.memory_space<vmem>>) dst(%dma_wait3A_611 : memref<128x128xf32, #tpu.memory_space<vmem_shared>>)
        tpu.yield
      }) : () -> ()
    }
    %scan3A_46 = arith.constant 5 : i32
    %barrier3A = arith.constant 0 : index
    tpu.barrier barrier_id(%barrier3A)
    %dma_wait3A = arith.constant 0 : i32
    %dma_wait3A_47 = arith.constant 0 : i32
    %dma_wait3A_48 = arith.constant 0 : i32
    %dma_wait3A_49 = arith.constant 0 : i32
    %dma_wait3A_50 = tpu.memref_slice %arg6[%dma_wait3A_47, %dma_wait3A_48, %dma_wait3A_49] : memref<2x14x128xi32, #tpu.memory_space<vmem>> -> memref<1x14x128xi32, #tpu.memory_space<vmem>>
    %dma_wait3A_51 = tpu.memref_squeeze %dma_wait3A_50 : memref<1x14x128xi32, #tpu.memory_space<vmem>> -> memref<14x128xi32, #tpu.memory_space<vmem>>
    %dma_wait3A_52 = arith.constant 0 : i32
    %dma_wait3A_53 = arith.constant 0 : i32
    %dma_wait3A_54 = tpu.memref_slice %arg3[%add3A, %dma_wait3A, %dma_wait3A_52, %dma_wait3A_53] : memref<32x3x14x128xi32, #tpu.memory_space<hbm>> -> memref<1x1x14x128xi32, #tpu.memory_space<hbm>>
    %dma_wait3A_55 = tpu.memref_squeeze %dma_wait3A_54 : memref<1x1x14x128xi32, #tpu.memory_space<hbm>> -> memref<14x128xi32, #tpu.memory_space<hbm>>
    %dma_wait3A_56 = arith.constant 0 : i32
    %dma_wait3A_57 = arith.constant 0 : i32
    %dma_wait3A_58 = tpu.memref_slice %arg6[%dma_wait3A_47, %dma_wait3A_56, %dma_wait3A_57] : memref<2x14x128xi32, #tpu.memory_space<vmem>> -> memref<1x14x128xi32, #tpu.memory_space<vmem>>
    %dma_wait3A_59 = tpu.memref_squeeze %dma_wait3A_58 : memref<1x14x128xi32, #tpu.memory_space<vmem>> -> memref<14x128xi32, #tpu.memory_space<vmem>>
    %dma_wait3A_60 = arith.constant 0 : i32
    %dma_wait3A_61 = arith.constant 0 : i32
    %dma_wait3A_62 = tpu.memref_slice %arg3[%add3A, %dma_wait3A, %dma_wait3A_60, %dma_wait3A_61] : memref<32x3x14x128xi32, #tpu.memory_space<hbm>> -> memref<1x1x14x128xi32, #tpu.memory_space<hbm>>
    %dma_wait3A_63 = tpu.memref_squeeze %dma_wait3A_62 : memref<1x1x14x128xi32, #tpu.memory_space<hbm>> -> memref<14x128xi32, #tpu.memory_space<hbm>>
    tpu.wait_dma2 semaphore(%arg11 : memref<!tpu.dma_semaphore, #tpu.memory_space<semaphore_mem>>) src(%dma_wait3A_63 : memref<14x128xi32, #tpu.memory_space<hbm>>) dst(%dma_wait3A_59 : memref<14x128xi32, #tpu.memory_space<vmem>>)
    %dma_wait3A_64 = arith.constant 0 : i32
    %dma_wait3A_65 = arith.constant 0 : i32
    %dma_wait3A_66 = arith.constant 0 : i32
    %dma_wait3A_67 = arith.constant 0 : i32
    %dma_wait3A_68 = tpu.memref_slice %arg7[%dma_wait3A_65, %dma_wait3A_66, %dma_wait3A_67] : memref<2x14x128xi32, #tpu.memory_space<vmem>> -> memref<1x14x128xi32, #tpu.memory_space<vmem>>
    %dma_wait3A_69 = tpu.memref_squeeze %dma_wait3A_68 : memref<1x14x128xi32, #tpu.memory_space<vmem>> -> memref<14x128xi32, #tpu.memory_space<vmem>>
    %dma_wait3A_70 = arith.constant 0 : i32
    %dma_wait3A_71 = arith.constant 0 : i32
    %dma_wait3A_72 = tpu.memref_slice %arg4[%add3A, %dma_wait3A_64, %dma_wait3A_70, %dma_wait3A_71] : memref<32x3x14x128xi32, #tpu.memory_space<hbm>> -> memref<1x1x14x128xi32, #tpu.memory_space<hbm>>
    %dma_wait3A_73 = tpu.memref_squeeze %dma_wait3A_72 : memref<1x1x14x128xi32, #tpu.memory_space<hbm>> -> memref<14x128xi32, #tpu.memory_space<hbm>>
    %dma_wait3A_74 = arith.constant 0 : i32
    %dma_wait3A_75 = arith.constant 0 : i32
    %dma_wait3A_76 = tpu.memref_slice %arg7[%dma_wait3A_65, %dma_wait3A_74, %dma_wait3A_75] : memref<2x14x128xi32, #tpu.memory_space<vmem>> -> memref<1x14x128xi32, #tpu.memory_space<vmem>>
    %dma_wait3A_77 = tpu.memref_squeeze %dma_wait3A_76 : memref<1x14x128xi32, #tpu.memory_space<vmem>> -> memref<14x128xi32, #tpu.memory_space<vmem>>
    %dma_wait3A_78 = arith.constant 0 : i32
    %dma_wait3A_79 = arith.constant 0 : i32
    %dma_wait3A_80 = tpu.memref_slice %arg4[%add3A, %dma_wait3A_64, %dma_wait3A_78, %dma_wait3A_79] : memref<32x3x14x128xi32, #tpu.memory_space<hbm>> -> memref<1x1x14x128xi32, #tpu.memory_space<hbm>>
    %dma_wait3A_81 = tpu.memref_squeeze %dma_wait3A_80 : memref<1x1x14x128xi32, #tpu.memory_space<hbm>> -> memref<14x128xi32, #tpu.memory_space<hbm>>
    tpu.wait_dma2 semaphore(%arg11 : memref<!tpu.dma_semaphore, #tpu.memory_space<semaphore_mem>>) src(%dma_wait3A_81 : memref<14x128xi32, #tpu.memory_space<hbm>>) dst(%dma_wait3A_77 : memref<14x128xi32, #tpu.memory_space<vmem>>)
    %dma_start3A_82 = arith.constant 1 : i32
    %dma_start3A_83 = arith.constant 0 : i32
    %dma_start3A_84 = arith.constant 0 : i32
    %dma_start3A_85 = arith.constant 0 : i32
    %dma_start3A_86 = arith.constant 0 : i32
    %dma_start3A_87 = tpu.memref_slice %arg8[%dma_start3A_82, %dma_start3A_85, %dma_start3A_86] : memref<2x128x128xf32, #tpu.memory_space<vmem>> -> memref<1x128x128xf32, #tpu.memory_space<vmem>>
    %dma_start3A_88 = tpu.memref_squeeze %dma_start3A_87 : memref<1x128x128xf32, #tpu.memory_space<vmem>> -> memref<128x128xf32, #tpu.memory_space<vmem>>
    %dma_start3A_89 = arith.constant 0 : i32
    %dma_start3A_90 = tpu.memref_slice %arg7[%dma_start3A_83, %dma_start3A_84, %dma_start3A_89] : memref<2x14x128xi32, #tpu.memory_space<vmem>> -> memref<1x1x128xi32, #tpu.memory_space<vmem>>
    %dma_start3A_91 = tpu.memref_squeeze %dma_start3A_90 : memref<1x1x128xi32, #tpu.memory_space<vmem>> -> memref<128xi32, #tpu.memory_space<vmem>>
    %dma_start3A_92 = arith.constant 0 : i32
    %dma_start3A_93 = arith.constant 0 : i32
    %dma_start3A_94 = tpu.memref_slice %arg9[%dma_start3A_92, %dma_start3A_93] : memref<10240x128xf32, #tpu.memory_space<vmem_shared>> -> memref<10240x128xf32, #tpu.memory_space<vmem_shared>>
    tpu.enqueue_indirect_dma source(%dma_start3A_88 : memref<128x128xf32, #tpu.memory_space<vmem>>) target(%dma_start3A_94 : memref<10240x128xf32, #tpu.memory_space<vmem_shared>>) offsets(%dma_start3A_91 : memref<128xi32, #tpu.memory_space<vmem>>) semaphore(%arg12 : memref<!tpu.dma_semaphore, #tpu.memory_space<semaphore_mem>>) {add = true}
    %dma_start3A_95 = arith.constant 0 : i32
    %dma_start3A_96 = arith.constant 0 : i32
    %dma_start3A_97 = arith.constant 0 : i32
    %dma_start3A_98 = arith.constant 0 : i32
    %dma_start3A_99 = arith.constant 0 : i32
    %dma_start3A_100 = tpu.memref_slice %arg8[%dma_start3A_97, %dma_start3A_98, %dma_start3A_99] : memref<2x128x128xf32, #tpu.memory_space<vmem>> -> memref<1x128x128xf32, #tpu.memory_space<vmem>>
    %dma_start3A_101 = tpu.memref_squeeze %dma_start3A_100 : memref<1x128x128xf32, #tpu.memory_space<vmem>> -> memref<128x128xf32, #tpu.memory_space<vmem>>
    %dma_start3A_102 = arith.constant 0 : i32
    %dma_start3A_103 = tpu.memref_slice %arg6[%dma_start3A_95, %dma_start3A_96, %dma_start3A_102] : memref<2x14x128xi32, #tpu.memory_space<vmem>> -> memref<1x1x128xi32, #tpu.memory_space<vmem>>
    %dma_start3A_104 = tpu.memref_squeeze %dma_start3A_103 : memref<1x1x128xi32, #tpu.memory_space<vmem>> -> memref<128xi32, #tpu.memory_space<vmem>>
    %dma_start3A_105 = arith.constant 0 : i32
    %dma_start3A_106 = arith.constant 0 : i32
    %dma_start3A_107 = tpu.memref_slice %arg2[%dma_start3A_105, %dma_start3A_106] : memref<10240x128xf32, #tpu.memory_space<hbm>> -> memref<10240x128xf32, #tpu.memory_space<hbm>>
    tpu.enqueue_indirect_dma source(%dma_start3A_107 : memref<10240x128xf32, #tpu.memory_space<hbm>>) target(%dma_start3A_101 : memref<128x128xf32, #tpu.memory_space<vmem>>) offsets(%dma_start3A_104 : memref<128xi32, #tpu.memory_space<vmem>>) semaphore(%arg10 : memref<!tpu.dma_semaphore, #tpu.memory_space<semaphore_mem>>)
    %dma_start3A_108 = arith.constant 1 : i32
    %dma_start3A_109 = arith.constant 1 : i32
    %dma_start3A_110 = arith.constant 0 : i32
    %dma_start3A_111 = arith.constant 0 : i32
    %dma_start3A_112 = tpu.memref_slice %arg6[%dma_start3A_109, %dma_start3A_110, %dma_start3A_111] : memref<2x14x128xi32, #tpu.memory_space<vmem>> -> memref<1x14x128xi32, #tpu.memory_space<vmem>>
    %dma_start3A_113 = tpu.memref_squeeze %dma_start3A_112 : memref<1x14x128xi32, #tpu.memory_space<vmem>> -> memref<14x128xi32, #tpu.memory_space<vmem>>
    %dma_start3A_114 = arith.constant 0 : i32
    %dma_start3A_115 = arith.constant 0 : i32
    %dma_start3A_116 = tpu.memref_slice %arg3[%add3A, %dma_start3A_108, %dma_start3A_114, %dma_start3A_115] : memref<32x3x14x128xi32, #tpu.memory_space<hbm>> -> memref<1x1x14x128xi32, #tpu.memory_space<hbm>>
    %dma_start3A_117 = tpu.memref_squeeze %dma_start3A_116 : memref<1x1x14x128xi32, #tpu.memory_space<hbm>> -> memref<14x128xi32, #tpu.memory_space<hbm>>
    %dma_start3A_118 = arith.constant 0 : i32
    %dma_start3A_119 = arith.constant 0 : i32
    %dma_start3A_120 = tpu.memref_slice %arg6[%dma_start3A_109, %dma_start3A_118, %dma_start3A_119] : memref<2x14x128xi32, #tpu.memory_space<vmem>> -> memref<1x14x128xi32, #tpu.memory_space<vmem>>
    %dma_start3A_121 = tpu.memref_squeeze %dma_start3A_120 : memref<1x14x128xi32, #tpu.memory_space<vmem>> -> memref<14x128xi32, #tpu.memory_space<vmem>>
    %dma_start3A_122 = arith.constant 0 : i32
    %dma_start3A_123 = arith.constant 0 : i32
    %dma_start3A_124 = tpu.memref_slice %arg3[%add3A, %dma_start3A_108, %dma_start3A_122, %dma_start3A_123] : memref<32x3x14x128xi32, #tpu.memory_space<hbm>> -> memref<1x1x14x128xi32, #tpu.memory_space<hbm>>
    %dma_start3A_125 = tpu.memref_squeeze %dma_start3A_124 : memref<1x1x14x128xi32, #tpu.memory_space<hbm>> -> memref<14x128xi32, #tpu.memory_space<hbm>>
    tpu.enqueue_dma source(%dma_start3A_125 : memref<14x128xi32, #tpu.memory_space<hbm>>) target(%dma_start3A_121 : memref<14x128xi32, #tpu.memory_space<vmem>>) target_semaphore(%arg11 : memref<!tpu.dma_semaphore, #tpu.memory_space<semaphore_mem>>)
    %dma_start3A_126 = arith.constant 1 : i32
    %dma_start3A_127 = arith.constant 1 : i32
    %dma_start3A_128 = arith.constant 0 : i32
    %dma_start3A_129 = arith.constant 0 : i32
    %dma_start3A_130 = tpu.memref_slice %arg7[%dma_start3A_127, %dma_start3A_128, %dma_start3A_129] : memref<2x14x128xi32, #tpu.memory_space<vmem>> -> memref<1x14x128xi32, #tpu.memory_space<vmem>>
    %dma_start3A_131 = tpu.memref_squeeze %dma_start3A_130 : memref<1x14x128xi32, #tpu.memory_space<vmem>> -> memref<14x128xi32, #tpu.memory_space<vmem>>
    %dma_start3A_132 = arith.constant 0 : i32
    %dma_start3A_133 = arith.constant 0 : i32
    %dma_start3A_134 = tpu.memref_slice %arg4[%add3A, %dma_start3A_126, %dma_start3A_132, %dma_start3A_133] : memref<32x3x14x128xi32, #tpu.memory_space<hbm>> -> memref<1x1x14x128xi32, #tpu.memory_space<hbm>>
    %dma_start3A_135 = tpu.memref_squeeze %dma_start3A_134 : memref<1x1x14x128xi32, #tpu.memory_space<hbm>> -> memref<14x128xi32, #tpu.memory_space<hbm>>
    %dma_start3A_136 = arith.constant 0 : i32
    %dma_start3A_137 = arith.constant 0 : i32
    %dma_start3A_138 = tpu.memref_slice %arg7[%dma_start3A_127, %dma_start3A_136, %dma_start3A_137] : memref<2x14x128xi32, #tpu.memory_space<vmem>> -> memref<1x14x128xi32, #tpu.memory_space<vmem>>
    %dma_start3A_139 = tpu.memref_squeeze %dma_start3A_138 : memref<1x14x128xi32, #tpu.memory_space<vmem>> -> memref<14x128xi32, #tpu.memory_space<vmem>>
    %dma_start3A_140 = arith.constant 0 : i32
    %dma_start3A_141 = arith.constant 0 : i32
    %dma_start3A_142 = tpu.memref_slice %arg4[%add3A, %dma_start3A_126, %dma_start3A_140, %dma_start3A_141] : memref<32x3x14x128xi32, #tpu.memory_space<hbm>> -> memref<1x1x14x128xi32, #tpu.memory_space<hbm>>
    %dma_start3A_143 = tpu.memref_squeeze %dma_start3A_142 : memref<1x1x14x128xi32, #tpu.memory_space<hbm>> -> memref<14x128xi32, #tpu.memory_space<hbm>>
    tpu.enqueue_dma source(%dma_start3A_143 : memref<14x128xi32, #tpu.memory_space<hbm>>) target(%dma_start3A_139 : memref<14x128xi32, #tpu.memory_space<vmem>>) target_semaphore(%arg11 : memref<!tpu.dma_semaphore, #tpu.memory_space<semaphore_mem>>)
    %scan3A_144 = arith.constant 0 : i32
    %scan3A_145 = arith.constant 0 : i32
    %scan3A_146 = arith.constant 6 : i32
    %scan3A_147 = arith.addi %scan3A_145, %scan3A_146 : i32
    %scan3A_148 = arith.constant 1 : i32
    scf.for %scan3A_585 = %scan3A_145 to %scan3A_147 step %scan3A_148  : i32 {
      %mul3A_586 = arith.constant 2 : i32
      %mul3A_587 = arith.muli %mul3A_586, %scan3A_585 : i32
      %add3A_588 = arith.constant 1 : i32
      %add3A_589 = arith.addi %mul3A_587, %add3A_588 : i32
      %dma_wait3A_590 = arith.constant 0 : i32
      %dma_wait3A_591 = arith.constant 0 : i32
      %dma_wait3A_592 = arith.constant 0 : i32
      %dma_wait3A_593 = arith.constant 0 : i32
      %dma_wait3A_594 = tpu.memref_slice %arg8[%dma_wait3A_591, %dma_wait3A_592, %dma_wait3A_593] : memref<2x128x128xf32, #tpu.memory_space<vmem>> -> memref<1x128x128xf32, #tpu.memory_space<vmem>>
      %dma_wait3A_595 = tpu.memref_squeeze %dma_wait3A_594 : memref<1x128x128xf32, #tpu.memory_space<vmem>> -> memref<128x128xf32, #tpu.memory_space<vmem>>
      %dma_wait3A_596 = arith.constant 0 : i32
      %dma_wait3A_597 = tpu.memref_slice %arg6[%dma_wait3A_590, %mul3A_587, %dma_wait3A_596] : memref<2x14x128xi32, #tpu.memory_space<vmem>> -> memref<1x1x128xi32, #tpu.memory_space<vmem>>
      %dma_wait3A_598 = tpu.memref_squeeze %dma_wait3A_597 : memref<1x1x128xi32, #tpu.memory_space<vmem>> -> memref<128xi32, #tpu.memory_space<vmem>>
      %dma_wait3A_599 = arith.constant 0 : i32
      %dma_wait3A_600 = arith.constant 0 : i32
      %dma_wait3A_601 = tpu.memref_slice %arg2[%dma_wait3A_599, %dma_wait3A_600] : memref<10240x128xf32, #tpu.memory_space<hbm>> -> memref<10240x128xf32, #tpu.memory_space<hbm>>
      tpu.wait_indirect_dma semaphore(%arg10 : memref<!tpu.dma_semaphore, #tpu.memory_space<semaphore_mem>>) src(%dma_wait3A_601 : memref<10240x128xf32, #tpu.memory_space<hbm>>) dst(%dma_wait3A_595 : memref<128x128xf32, #tpu.memory_space<vmem>>)
      %dma_wait3A_602 = arith.constant 1 : i32
      %dma_wait3A_603 = arith.constant 0 : i32
      %dma_wait3A_604 = arith.constant 0 : i32
      %dma_wait3A_605 = arith.constant 0 : i32
      %dma_wait3A_606 = arith.constant 0 : i32
      %dma_wait3A_607 = tpu.memref_slice %arg8[%dma_wait3A_602, %dma_wait3A_605, %dma_wait3A_606] : memref<2x128x128xf32, #tpu.memory_space<vmem>> -> memref<1x128x128xf32, #tpu.memory_space<vmem>>
      %dma_wait3A_608 = tpu.memref_squeeze %dma_wait3A_607 : memref<1x128x128xf32, #tpu.memory_space<vmem>> -> memref<128x128xf32, #tpu.memory_space<vmem>>
      %dma_wait3A_609 = arith.constant 0 : i32
      %dma_wait3A_610 = tpu.memref_slice %arg7[%dma_wait3A_603, %dma_wait3A_604, %dma_wait3A_609] : memref<2x14x128xi32, #tpu.memory_space<vmem>> -> memref<1x1x128xi32, #tpu.memory_space<vmem>>
      %dma_wait3A_611 = tpu.memref_squeeze %dma_wait3A_610 : memref<1x1x128xi32, #tpu.memory_space<vmem>> -> memref<128xi32, #tpu.memory_space<vmem>>
      %dma_wait3A_612 = arith.constant 0 : i32
      %dma_wait3A_613 = arith.constant 0 : i32
      %dma_wait3A_614 = tpu.memref_slice %arg9[%dma_wait3A_612, %dma_wait3A_613] : memref<10240x128xf32, #tpu.memory_space<vmem_shared>> -> memref<10240x128xf32, #tpu.memory_space<vmem_shared>>
      tpu.wait_indirect_dma semaphore(%arg12 : memref<!tpu.dma_semaphore, #tpu.memory_space<semaphore_mem>>) src(%dma_wait3A_608 : memref<128x128xf32, #tpu.memory_space<vmem>>) dst(%dma_wait3A_614 : memref<10240x128xf32, #tpu.memory_space<vmem_shared>>)
      %dma_start3A_615 = arith.constant 0 : i32
      %dma_start3A_616 = arith.constant 1 : i32
      %dma_start3A_617 = arith.constant 0 : i32
      %dma_start3A_618 = arith.constant 0 : i32
      %dma_start3A_619 = tpu.memref_slice %arg8[%dma_start3A_616, %dma_start3A_617, %dma_start3A_618] : memref<2x128x128xf32, #tpu.memory_space<vmem>> -> memref<1x128x128xf32, #tpu.memory_space<vmem>>
      %dma_start3A_620 = tpu.memref_squeeze %dma_start3A_619 : memref<1x128x128xf32, #tpu.memory_space<vmem>> -> memref<128x128xf32, #tpu.memory_space<vmem>>
      %dma_start3A_621 = arith.constant 0 : i32
      %dma_start3A_622 = tpu.memref_slice %arg6[%dma_start3A_615, %add3A_589, %dma_start3A_621] : memref<2x14x128xi32, #tpu.memory_space<vmem>> -> memref<1x1x128xi32, #tpu.memory_space<vmem>>
      %dma_start3A_623 = tpu.memref_squeeze %dma_start3A_622 : memref<1x1x128xi32, #tpu.memory_space<vmem>> -> memref<128xi32, #tpu.memory_space<vmem>>
      %dma_start3A_624 = arith.constant 0 : i32
      %dma_start3A_625 = arith.constant 0 : i32
      %dma_start3A_626 = tpu.memref_slice %arg2[%dma_start3A_624, %dma_start3A_625] : memref<10240x128xf32, #tpu.memory_space<hbm>> -> memref<10240x128xf32, #tpu.memory_space<hbm>>
      tpu.enqueue_indirect_dma source(%dma_start3A_626 : memref<10240x128xf32, #tpu.memory_space<hbm>>) target(%dma_start3A_620 : memref<128x128xf32, #tpu.memory_space<vmem>>) offsets(%dma_start3A_623 : memref<128xi32, #tpu.memory_space<vmem>>) semaphore(%arg10 : memref<!tpu.dma_semaphore, #tpu.memory_space<semaphore_mem>>)
      %dma_start3A_627 = arith.constant 0 : i32
      %dma_start3A_628 = arith.constant 0 : i32
      %dma_start3A_629 = arith.constant 0 : i32
      %dma_start3A_630 = arith.constant 0 : i32
      %dma_start3A_631 = tpu.memref_slice %arg8[%dma_start3A_627, %dma_start3A_629, %dma_start3A_630] : memref<2x128x128xf32, #tpu.memory_space<vmem>> -> memref<1x128x128xf32, #tpu.memory_space<vmem>>
      %dma_start3A_632 = tpu.memref_squeeze %dma_start3A_631 : memref<1x128x128xf32, #tpu.memory_space<vmem>> -> memref<128x128xf32, #tpu.memory_space<vmem>>
      %dma_start3A_633 = arith.constant 0 : i32
      %dma_start3A_634 = tpu.memref_slice %arg7[%dma_start3A_628, %mul3A_587, %dma_start3A_633] : memref<2x14x128xi32, #tpu.memory_space<vmem>> -> memref<1x1x128xi32, #tpu.memory_space<vmem>>
      %dma_start3A_635 = tpu.memref_squeeze %dma_start3A_634 : memref<1x1x128xi32, #tpu.memory_space<vmem>> -> memref<128xi32, #tpu.memory_space<vmem>>
      %dma_start3A_636 = arith.constant 0 : i32
      %dma_start3A_637 = arith.constant 0 : i32
      %dma_start3A_638 = tpu.memref_slice %arg9[%dma_start3A_636, %dma_start3A_637] : memref<10240x128xf32, #tpu.memory_space<vmem_shared>> -> memref<10240x128xf32, #tpu.memory_space<vmem_shared>>
      tpu.enqueue_indirect_dma source(%dma_start3A_632 : memref<128x128xf32, #tpu.memory_space<vmem>>) target(%dma_start3A_638 : memref<10240x128xf32, #tpu.memory_space<vmem_shared>>) offsets(%dma_start3A_635 : memref<128xi32, #tpu.memory_space<vmem>>) semaphore(%arg12 : memref<!tpu.dma_semaphore, #tpu.memory_space<semaphore_mem>>) {add = true}
      %dma_wait3A_639 = arith.constant 0 : i32
      %dma_wait3A_640 = arith.constant 1 : i32
      %dma_wait3A_641 = arith.constant 0 : i32
      %dma_wait3A_642 = arith.constant 0 : i32
      %dma_wait3A_643 = tpu.memref_slice %arg8[%dma_wait3A_640, %dma_wait3A_641, %dma_wait3A_642] : memref<2x128x128xf32, #tpu.memory_space<vmem>> -> memref<1x128x128xf32, #tpu.memory_space<vmem>>
      %dma_wait3A_644 = tpu.memref_squeeze %dma_wait3A_643 : memref<1x128x128xf32, #tpu.memory_space<vmem>> -> memref<128x128xf32, #tpu.memory_space<vmem>>
      %dma_wait3A_645 = arith.constant 0 : i32
      %dma_wait3A_646 = tpu.memref_slice %arg6[%dma_wait3A_639, %add3A_589, %dma_wait3A_645] : memref<2x14x128xi32, #tpu.memory_space<vmem>> -> memref<1x1x128xi32, #tpu.memory_space<vmem>>
      %dma_wait3A_647 = tpu.memref_squeeze %dma_wait3A_646 : memref<1x1x128xi32, #tpu.memory_space<vmem>> -> memref<128xi32, #tpu.memory_space<vmem>>
      %dma_wait3A_648 = arith.constant 0 : i32
      %dma_wait3A_649 = arith.constant 0 : i32
      %dma_wait3A_650 = tpu.memref_slice %arg2[%dma_wait3A_648, %dma_wait3A_649] : memref<10240x128xf32, #tpu.memory_space<hbm>> -> memref<10240x128xf32, #tpu.memory_space<hbm>>
      tpu.wait_indirect_dma semaphore(%arg10 : memref<!tpu.dma_semaphore, #tpu.memory_space<semaphore_mem>>) src(%dma_wait3A_650 : memref<10240x128xf32, #tpu.memory_space<hbm>>) dst(%dma_wait3A_644 : memref<128x128xf32, #tpu.memory_space<vmem>>)
      %dma_wait3A_651 = arith.constant 0 : i32
      %dma_wait3A_652 = arith.constant 0 : i32
      %dma_wait3A_653 = arith.constant 0 : i32
      %dma_wait3A_654 = arith.constant 0 : i32
      %dma_wait3A_655 = arith.constant 0 : i32
      %dma_wait3A_656 = tpu.memref_slice %arg8[%dma_wait3A_651, %dma_wait3A_654, %dma_wait3A_655] : memref<2x128x128xf32, #tpu.memory_space<vmem>> -> memref<1x128x128xf32, #tpu.memory_space<vmem>>
      %dma_wait3A_657 = tpu.memref_squeeze %dma_wait3A_656 : memref<1x128x128xf32, #tpu.memory_space<vmem>> -> memref<128x128xf32, #tpu.memory_space<vmem>>
      %dma_wait3A_658 = arith.constant 0 : i32
      %dma_wait3A_659 = tpu.memref_slice %arg7[%dma_wait3A_652, %dma_wait3A_653, %dma_wait3A_658] : memref<2x14x128xi32, #tpu.memory_space<vmem>> -> memref<1x1x128xi32, #tpu.memory_space<vmem>>
      %dma_wait3A_660 = tpu.memref_squeeze %dma_wait3A_659 : memref<1x1x128xi32, #tpu.memory_space<vmem>> -> memref<128xi32, #tpu.memory_space<vmem>>
      %dma_wait3A_661 = arith.constant 0 : i32
      %dma_wait3A_662 = arith.constant 0 : i32
      %dma_wait3A_663 = tpu.memref_slice %arg9[%dma_wait3A_661, %dma_wait3A_662] : memref<10240x128xf32, #tpu.memory_space<vmem_shared>> -> memref<10240x128xf32, #tpu.memory_space<vmem_shared>>
      tpu.wait_indirect_dma semaphore(%arg12 : memref<!tpu.dma_semaphore, #tpu.memory_space<semaphore_mem>>) src(%dma_wait3A_657 : memref<128x128xf32, #tpu.memory_space<vmem>>) dst(%dma_wait3A_663 : memref<10240x128xf32, #tpu.memory_space<vmem_shared>>)
      %add3A_664 = arith.constant 1 : i32
      %add3A_665 = arith.addi %add3A_589, %add3A_664 : i32
      %dma_start3A_666 = arith.constant 0 : i32
      %dma_start3A_667 = arith.constant 0 : i32
      %dma_start3A_668 = arith.constant 0 : i32
      %dma_start3A_669 = arith.constant 0 : i32
      %dma_start3A_670 = tpu.memref_slice %arg8[%dma_start3A_667, %dma_start3A_668, %dma_start3A_669] : memref<2x128x128xf32, #tpu.memory_space<vmem>> -> memref<1x128x128xf32, #tpu.memory_space<vmem>>
      %dma_start3A_671 = tpu.memref_squeeze %dma_start3A_670 : memref<1x128x128xf32, #tpu.memory_space<vmem>> -> memref<128x128xf32, #tpu.memory_space<vmem>>
      %dma_start3A_672 = arith.constant 0 : i32
      %dma_start3A_673 = tpu.memref_slice %arg6[%dma_start3A_666, %add3A_665, %dma_start3A_672] : memref<2x14x128xi32, #tpu.memory_space<vmem>> -> memref<1x1x128xi32, #tpu.memory_space<vmem>>
      %dma_start3A_674 = tpu.memref_squeeze %dma_start3A_673 : memref<1x1x128xi32, #tpu.memory_space<vmem>> -> memref<128xi32, #tpu.memory_space<vmem>>
      %dma_start3A_675 = arith.constant 0 : i32
      %dma_start3A_676 = arith.constant 0 : i32
      %dma_start3A_677 = tpu.memref_slice %arg2[%dma_start3A_675, %dma_start3A_676] : memref<10240x128xf32, #tpu.memory_space<hbm>> -> memref<10240x128xf32, #tpu.memory_space<hbm>>
      tpu.enqueue_indirect_dma source(%dma_start3A_677 : memref<10240x128xf32, #tpu.memory_space<hbm>>) target(%dma_start3A_671 : memref<128x128xf32, #tpu.memory_space<vmem>>) offsets(%dma_start3A_674 : memref<128xi32, #tpu.memory_space<vmem>>) semaphore(%arg10 : memref<!tpu.dma_semaphore, #tpu.memory_space<semaphore_mem>>)
      %dma_start3A_678 = arith.constant 1 : i32
      %dma_start3A_679 = arith.constant 0 : i32
      %dma_start3A_680 = arith.constant 0 : i32
      %dma_start3A_681 = arith.constant 0 : i32
      %dma_start3A_682 = tpu.memref_slice %arg8[%dma_start3A_678, %dma_start3A_680, %dma_start3A_681] : memref<2x128x128xf32, #tpu.memory_space<vmem>> -> memref<1x128x128xf32, #tpu.memory_space<vmem>>
      %dma_start3A_683 = tpu.memref_squeeze %dma_start3A_682 : memref<1x128x128xf32, #tpu.memory_space<vmem>> -> memref<128x128xf32, #tpu.memory_space<vmem>>
      %dma_start3A_684 = arith.constant 0 : i32
      %dma_start3A_685 = tpu.memref_slice %arg7[%dma_start3A_679, %add3A_589, %dma_start3A_684] : memref<2x14x128xi32, #tpu.memory_space<vmem>> -> memref<1x1x128xi32, #tpu.memory_space<vmem>>
      %dma_start3A_686 = tpu.memref_squeeze %dma_start3A_685 : memref<1x1x128xi32, #tpu.memory_space<vmem>> -> memref<128xi32, #tpu.memory_space<vmem>>
      %dma_start3A_687 = arith.constant 0 : i32
      %dma_start3A_688 = arith.constant 0 : i32
      %dma_start3A_689 = tpu.memref_slice %arg9[%dma_start3A_687, %dma_start3A_688] : memref<10240x128xf32, #tpu.memory_space<vmem_shared>> -> memref<10240x128xf32, #tpu.memory_space<vmem_shared>>
      tpu.enqueue_indirect_dma source(%dma_start3A_683 : memref<128x128xf32, #tpu.memory_space<vmem>>) target(%dma_start3A_689 : memref<10240x128xf32, #tpu.memory_space<vmem_shared>>) offsets(%dma_start3A_686 : memref<128xi32, #tpu.memory_space<vmem>>) semaphore(%arg12 : memref<!tpu.dma_semaphore, #tpu.memory_space<semaphore_mem>>) {add = true}
    }
    %scan3A_149 = arith.constant 6 : i32
    %dma_wait3A_150 = arith.constant 0 : i32
    %dma_wait3A_151 = arith.constant 12 : i32
    %dma_wait3A_152 = arith.constant 0 : i32
    %dma_wait3A_153 = arith.constant 0 : i32
    %dma_wait3A_154 = arith.constant 0 : i32
    %dma_wait3A_155 = tpu.memref_slice %arg8[%dma_wait3A_152, %dma_wait3A_153, %dma_wait3A_154] : memref<2x128x128xf32, #tpu.memory_space<vmem>> -> memref<1x128x128xf32, #tpu.memory_space<vmem>>
    %dma_wait3A_156 = tpu.memref_squeeze %dma_wait3A_155 : memref<1x128x128xf32, #tpu.memory_space<vmem>> -> memref<128x128xf32, #tpu.memory_space<vmem>>
    %dma_wait3A_157 = arith.constant 0 : i32
    %dma_wait3A_158 = tpu.memref_slice %arg6[%dma_wait3A_150, %dma_wait3A_151, %dma_wait3A_157] : memref<2x14x128xi32, #tpu.memory_space<vmem>> -> memref<1x1x128xi32, #tpu.memory_space<vmem>>
    %dma_wait3A_159 = tpu.memref_squeeze %dma_wait3A_158 : memref<1x1x128xi32, #tpu.memory_space<vmem>> -> memref<128xi32, #tpu.memory_space<vmem>>
    %dma_wait3A_160 = arith.constant 0 : i32
    %dma_wait3A_161 = arith.constant 0 : i32
    %dma_wait3A_162 = tpu.memref_slice %arg2[%dma_wait3A_160, %dma_wait3A_161] : memref<10240x128xf32, #tpu.memory_space<hbm>> -> memref<10240x128xf32, #tpu.memory_space<hbm>>
    tpu.wait_indirect_dma semaphore(%arg10 : memref<!tpu.dma_semaphore, #tpu.memory_space<semaphore_mem>>) src(%dma_wait3A_162 : memref<10240x128xf32, #tpu.memory_space<hbm>>) dst(%dma_wait3A_156 : memref<128x128xf32, #tpu.memory_space<vmem>>)
    %dma_wait3A_163 = arith.constant 1 : i32
    %dma_wait3A_164 = arith.constant 0 : i32
    %dma_wait3A_165 = arith.constant 0 : i32
    %dma_wait3A_166 = arith.constant 0 : i32
    %dma_wait3A_167 = arith.constant 0 : i32
    %dma_wait3A_168 = tpu.memref_slice %arg8[%dma_wait3A_163, %dma_wait3A_166, %dma_wait3A_167] : memref<2x128x128xf32, #tpu.memory_space<vmem>> -> memref<1x128x128xf32, #tpu.memory_space<vmem>>
    %dma_wait3A_169 = tpu.memref_squeeze %dma_wait3A_168 : memref<1x128x128xf32, #tpu.memory_space<vmem>> -> memref<128x128xf32, #tpu.memory_space<vmem>>
    %dma_wait3A_170 = arith.constant 0 : i32
    %dma_wait3A_171 = tpu.memref_slice %arg7[%dma_wait3A_164, %dma_wait3A_165, %dma_wait3A_170] : memref<2x14x128xi32, #tpu.memory_space<vmem>> -> memref<1x1x128xi32, #tpu.memory_space<vmem>>
    %dma_wait3A_172 = tpu.memref_squeeze %dma_wait3A_171 : memref<1x1x128xi32, #tpu.memory_space<vmem>> -> memref<128xi32, #tpu.memory_space<vmem>>
    %dma_wait3A_173 = arith.constant 0 : i32
    %dma_wait3A_174 = arith.constant 0 : i32
    %dma_wait3A_175 = tpu.memref_slice %arg9[%dma_wait3A_173, %dma_wait3A_174] : memref<10240x128xf32, #tpu.memory_space<vmem_shared>> -> memref<10240x128xf32, #tpu.memory_space<vmem_shared>>
    tpu.wait_indirect_dma semaphore(%arg12 : memref<!tpu.dma_semaphore, #tpu.memory_space<semaphore_mem>>) src(%dma_wait3A_169 : memref<128x128xf32, #tpu.memory_space<vmem>>) dst(%dma_wait3A_175 : memref<10240x128xf32, #tpu.memory_space<vmem_shared>>)
    %dma_start3A_176 = arith.constant 0 : i32
    %dma_start3A_177 = arith.constant 13 : i32
    %dma_start3A_178 = arith.constant 1 : i32
    %dma_start3A_179 = arith.constant 0 : i32
    %dma_start3A_180 = arith.constant 0 : i32
    %dma_start3A_181 = tpu.memref_slice %arg8[%dma_start3A_178, %dma_start3A_179, %dma_start3A_180] : memref<2x128x128xf32, #tpu.memory_space<vmem>> -> memref<1x128x128xf32, #tpu.memory_space<vmem>>
    %dma_start3A_182 = tpu.memref_squeeze %dma_start3A_181 : memref<1x128x128xf32, #tpu.memory_space<vmem>> -> memref<128x128xf32, #tpu.memory_space<vmem>>
    %dma_start3A_183 = arith.constant 0 : i32
    %dma_start3A_184 = tpu.memref_slice %arg6[%dma_start3A_176, %dma_start3A_177, %dma_start3A_183] : memref<2x14x128xi32, #tpu.memory_space<vmem>> -> memref<1x1x128xi32, #tpu.memory_space<vmem>>
    %dma_start3A_185 = tpu.memref_squeeze %dma_start3A_184 : memref<1x1x128xi32, #tpu.memory_space<vmem>> -> memref<128xi32, #tpu.memory_space<vmem>>
    %dma_start3A_186 = arith.constant 0 : i32
    %dma_start3A_187 = arith.constant 0 : i32
    %dma_start3A_188 = tpu.memref_slice %arg2[%dma_start3A_186, %dma_start3A_187] : memref<10240x128xf32, #tpu.memory_space<hbm>> -> memref<10240x128xf32, #tpu.memory_space<hbm>>
    tpu.enqueue_indirect_dma source(%dma_start3A_188 : memref<10240x128xf32, #tpu.memory_space<hbm>>) target(%dma_start3A_182 : memref<128x128xf32, #tpu.memory_space<vmem>>) offsets(%dma_start3A_185 : memref<128xi32, #tpu.memory_space<vmem>>) semaphore(%arg10 : memref<!tpu.dma_semaphore, #tpu.memory_space<semaphore_mem>>)
    %dma_start3A_189 = arith.constant 0 : i32
    %dma_start3A_190 = arith.constant 0 : i32
    %dma_start3A_191 = arith.constant 12 : i32
    %dma_start3A_192 = arith.constant 0 : i32
    %dma_start3A_193 = arith.constant 0 : i32
    %dma_start3A_194 = tpu.memref_slice %arg8[%dma_start3A_189, %dma_start3A_192, %dma_start3A_193] : memref<2x128x128xf32, #tpu.memory_space<vmem>> -> memref<1x128x128xf32, #tpu.memory_space<vmem>>
    %dma_start3A_195 = tpu.memref_squeeze %dma_start3A_194 : memref<1x128x128xf32, #tpu.memory_space<vmem>> -> memref<128x128xf32, #tpu.memory_space<vmem>>
    %dma_start3A_196 = arith.constant 0 : i32
    %dma_start3A_197 = tpu.memref_slice %arg7[%dma_start3A_190, %dma_start3A_191, %dma_start3A_196] : memref<2x14x128xi32, #tpu.memory_space<vmem>> -> memref<1x1x128xi32, #tpu.memory_space<vmem>>
    %dma_start3A_198 = tpu.memref_squeeze %dma_start3A_197 : memref<1x1x128xi32, #tpu.memory_space<vmem>> -> memref<128xi32, #tpu.memory_space<vmem>>
    %dma_start3A_199 = arith.constant 0 : i32
    %dma_start3A_200 = arith.constant 0 : i32
    %dma_start3A_201 = tpu.memref_slice %arg9[%dma_start3A_199, %dma_start3A_200] : memref<10240x128xf32, #tpu.memory_space<vmem_shared>> -> memref<10240x128xf32, #tpu.memory_space<vmem_shared>>
    tpu.enqueue_indirect_dma source(%dma_start3A_195 : memref<128x128xf32, #tpu.memory_space<vmem>>) target(%dma_start3A_201 : memref<10240x128xf32, #tpu.memory_space<vmem_shared>>) offsets(%dma_start3A_198 : memref<128xi32, #tpu.memory_space<vmem>>) semaphore(%arg12 : memref<!tpu.dma_semaphore, #tpu.memory_space<semaphore_mem>>) {add = true}
    %dma_wait3A_202 = arith.constant 0 : i32
    %dma_wait3A_203 = arith.constant 13 : i32
    %dma_wait3A_204 = arith.constant 1 : i32
    %dma_wait3A_205 = arith.constant 0 : i32
    %dma_wait3A_206 = arith.constant 0 : i32
    %dma_wait3A_207 = tpu.memref_slice %arg8[%dma_wait3A_204, %dma_wait3A_205, %dma_wait3A_206] : memref<2x128x128xf32, #tpu.memory_space<vmem>> -> memref<1x128x128xf32, #tpu.memory_space<vmem>>
    %dma_wait3A_208 = tpu.memref_squeeze %dma_wait3A_207 : memref<1x128x128xf32, #tpu.memory_space<vmem>> -> memref<128x128xf32, #tpu.memory_space<vmem>>
    %dma_wait3A_209 = arith.constant 0 : i32
    %dma_wait3A_210 = tpu.memref_slice %arg6[%dma_wait3A_202, %dma_wait3A_203, %dma_wait3A_209] : memref<2x14x128xi32, #tpu.memory_space<vmem>> -> memref<1x1x128xi32, #tpu.memory_space<vmem>>
    %dma_wait3A_211 = tpu.memref_squeeze %dma_wait3A_210 : memref<1x1x128xi32, #tpu.memory_space<vmem>> -> memref<128xi32, #tpu.memory_space<vmem>>
    %dma_wait3A_212 = arith.constant 0 : i32
    %dma_wait3A_213 = arith.constant 0 : i32
    %dma_wait3A_214 = tpu.memref_slice %arg2[%dma_wait3A_212, %dma_wait3A_213] : memref<10240x128xf32, #tpu.memory_space<hbm>> -> memref<10240x128xf32, #tpu.memory_space<hbm>>
    tpu.wait_indirect_dma semaphore(%arg10 : memref<!tpu.dma_semaphore, #tpu.memory_space<semaphore_mem>>) src(%dma_wait3A_214 : memref<10240x128xf32, #tpu.memory_space<hbm>>) dst(%dma_wait3A_208 : memref<128x128xf32, #tpu.memory_space<vmem>>)
    %dma_wait3A_215 = arith.constant 0 : i32
    %dma_wait3A_216 = arith.constant 0 : i32
    %dma_wait3A_217 = arith.constant 0 : i32
    %dma_wait3A_218 = arith.constant 0 : i32
    %dma_wait3A_219 = arith.constant 0 : i32
    %dma_wait3A_220 = tpu.memref_slice %arg8[%dma_wait3A_215, %dma_wait3A_218, %dma_wait3A_219] : memref<2x128x128xf32, #tpu.memory_space<vmem>> -> memref<1x128x128xf32, #tpu.memory_space<vmem>>
    %dma_wait3A_221 = tpu.memref_squeeze %dma_wait3A_220 : memref<1x128x128xf32, #tpu.memory_space<vmem>> -> memref<128x128xf32, #tpu.memory_space<vmem>>
    %dma_wait3A_222 = arith.constant 0 : i32
    %dma_wait3A_223 = tpu.memref_slice %arg7[%dma_wait3A_216, %dma_wait3A_217, %dma_wait3A_222] : memref<2x14x128xi32, #tpu.memory_space<vmem>> -> memref<1x1x128xi32, #tpu.memory_space<vmem>>
    %dma_wait3A_224 = tpu.memref_squeeze %dma_wait3A_223 : memref<1x1x128xi32, #tpu.memory_space<vmem>> -> memref<128xi32, #tpu.memory_space<vmem>>
    %dma_wait3A_225 = arith.constant 0 : i32
    %dma_wait3A_226 = arith.constant 0 : i32
    %dma_wait3A_227 = tpu.memref_slice %arg9[%dma_wait3A_225, %dma_wait3A_226] : memref<10240x128xf32, #tpu.memory_space<vmem_shared>> -> memref<10240x128xf32, #tpu.memory_space<vmem_shared>>
    tpu.wait_indirect_dma semaphore(%arg12 : memref<!tpu.dma_semaphore, #tpu.memory_space<semaphore_mem>>) src(%dma_wait3A_221 : memref<128x128xf32, #tpu.memory_space<vmem>>) dst(%dma_wait3A_227 : memref<10240x128xf32, #tpu.memory_space<vmem_shared>>)
    %dma_wait3A_228 = arith.constant 1 : i32
    %dma_wait3A_229 = arith.constant 1 : i32
    %dma_wait3A_230 = arith.constant 0 : i32
    %dma_wait3A_231 = arith.constant 0 : i32
    %dma_wait3A_232 = tpu.memref_slice %arg6[%dma_wait3A_229, %dma_wait3A_230, %dma_wait3A_231] : memref<2x14x128xi32, #tpu.memory_space<vmem>> -> memref<1x14x128xi32, #tpu.memory_space<vmem>>
    %dma_wait3A_233 = tpu.memref_squeeze %dma_wait3A_232 : memref<1x14x128xi32, #tpu.memory_space<vmem>> -> memref<14x128xi32, #tpu.memory_space<vmem>>
    %dma_wait3A_234 = arith.constant 0 : i32
    %dma_wait3A_235 = arith.constant 0 : i32
    %dma_wait3A_236 = tpu.memref_slice %arg3[%add3A, %dma_wait3A_228, %dma_wait3A_234, %dma_wait3A_235] : memref<32x3x14x128xi32, #tpu.memory_space<hbm>> -> memref<1x1x14x128xi32, #tpu.memory_space<hbm>>
    %dma_wait3A_237 = tpu.memref_squeeze %dma_wait3A_236 : memref<1x1x14x128xi32, #tpu.memory_space<hbm>> -> memref<14x128xi32, #tpu.memory_space<hbm>>
    %dma_wait3A_238 = arith.constant 0 : i32
    %dma_wait3A_239 = arith.constant 0 : i32
    %dma_wait3A_240 = tpu.memref_slice %arg6[%dma_wait3A_229, %dma_wait3A_238, %dma_wait3A_239] : memref<2x14x128xi32, #tpu.memory_space<vmem>> -> memref<1x14x128xi32, #tpu.memory_space<vmem>>
    %dma_wait3A_241 = tpu.memref_squeeze %dma_wait3A_240 : memref<1x14x128xi32, #tpu.memory_space<vmem>> -> memref<14x128xi32, #tpu.memory_space<vmem>>
    %dma_wait3A_242 = arith.constant 0 : i32
    %dma_wait3A_243 = arith.constant 0 : i32
    %dma_wait3A_244 = tpu.memref_slice %arg3[%add3A, %dma_wait3A_228, %dma_wait3A_242, %dma_wait3A_243] : memref<32x3x14x128xi32, #tpu.memory_space<hbm>> -> memref<1x1x14x128xi32, #tpu.memory_space<hbm>>
    %dma_wait3A_245 = tpu.memref_squeeze %dma_wait3A_244 : memref<1x1x14x128xi32, #tpu.memory_space<hbm>> -> memref<14x128xi32, #tpu.memory_space<hbm>>
    tpu.wait_dma2 semaphore(%arg11 : memref<!tpu.dma_semaphore, #tpu.memory_space<semaphore_mem>>) src(%dma_wait3A_245 : memref<14x128xi32, #tpu.memory_space<hbm>>) dst(%dma_wait3A_241 : memref<14x128xi32, #tpu.memory_space<vmem>>)
    %dma_wait3A_246 = arith.constant 1 : i32
    %dma_wait3A_247 = arith.constant 1 : i32
    %dma_wait3A_248 = arith.constant 0 : i32
    %dma_wait3A_249 = arith.constant 0 : i32
    %dma_wait3A_250 = tpu.memref_slice %arg7[%dma_wait3A_247, %dma_wait3A_248, %dma_wait3A_249] : memref<2x14x128xi32, #tpu.memory_space<vmem>> -> memref<1x14x128xi32, #tpu.memory_space<vmem>>
    %dma_wait3A_251 = tpu.memref_squeeze %dma_wait3A_250 : memref<1x14x128xi32, #tpu.memory_space<vmem>> -> memref<14x128xi32, #tpu.memory_space<vmem>>
    %dma_wait3A_252 = arith.constant 0 : i32
    %dma_wait3A_253 = arith.constant 0 : i32
    %dma_wait3A_254 = tpu.memref_slice %arg4[%add3A, %dma_wait3A_246, %dma_wait3A_252, %dma_wait3A_253] : memref<32x3x14x128xi32, #tpu.memory_space<hbm>> -> memref<1x1x14x128xi32, #tpu.memory_space<hbm>>
    %dma_wait3A_255 = tpu.memref_squeeze %dma_wait3A_254 : memref<1x1x14x128xi32, #tpu.memory_space<hbm>> -> memref<14x128xi32, #tpu.memory_space<hbm>>
    %dma_wait3A_256 = arith.constant 0 : i32
    %dma_wait3A_257 = arith.constant 0 : i32
    %dma_wait3A_258 = tpu.memref_slice %arg7[%dma_wait3A_247, %dma_wait3A_256, %dma_wait3A_257] : memref<2x14x128xi32, #tpu.memory_space<vmem>> -> memref<1x14x128xi32, #tpu.memory_space<vmem>>
    %dma_wait3A_259 = tpu.memref_squeeze %dma_wait3A_258 : memref<1x14x128xi32, #tpu.memory_space<vmem>> -> memref<14x128xi32, #tpu.memory_space<vmem>>
    %dma_wait3A_260 = arith.constant 0 : i32
    %dma_wait3A_261 = arith.constant 0 : i32
    %dma_wait3A_262 = tpu.memref_slice %arg4[%add3A, %dma_wait3A_246, %dma_wait3A_260, %dma_wait3A_261] : memref<32x3x14x128xi32, #tpu.memory_space<hbm>> -> memref<1x1x14x128xi32, #tpu.memory_space<hbm>>
    %dma_wait3A_263 = tpu.memref_squeeze %dma_wait3A_262 : memref<1x1x14x128xi32, #tpu.memory_space<hbm>> -> memref<14x128xi32, #tpu.memory_space<hbm>>
    tpu.wait_dma2 semaphore(%arg11 : memref<!tpu.dma_semaphore, #tpu.memory_space<semaphore_mem>>) src(%dma_wait3A_263 : memref<14x128xi32, #tpu.memory_space<hbm>>) dst(%dma_wait3A_259 : memref<14x128xi32, #tpu.memory_space<vmem>>)
    %dma_start3A_264 = arith.constant 1 : i32
    %dma_start3A_265 = arith.constant 0 : i32
    %dma_start3A_266 = arith.constant 0 : i32
    %dma_start3A_267 = arith.constant 0 : i32
    %dma_start3A_268 = arith.constant 0 : i32
    %dma_start3A_269 = tpu.memref_slice %arg8[%dma_start3A_266, %dma_start3A_267, %dma_start3A_268] : memref<2x128x128xf32, #tpu.memory_space<vmem>> -> memref<1x128x128xf32, #tpu.memory_space<vmem>>
    %dma_start3A_270 = tpu.memref_squeeze %dma_start3A_269 : memref<1x128x128xf32, #tpu.memory_space<vmem>> -> memref<128x128xf32, #tpu.memory_space<vmem>>
    %dma_start3A_271 = arith.constant 0 : i32
    %dma_start3A_272 = tpu.memref_slice %arg6[%dma_start3A_264, %dma_start3A_265, %dma_start3A_271] : memref<2x14x128xi32, #tpu.memory_space<vmem>> -> memref<1x1x128xi32, #tpu.memory_space<vmem>>
    %dma_start3A_273 = tpu.memref_squeeze %dma_start3A_272 : memref<1x1x128xi32, #tpu.memory_space<vmem>> -> memref<128xi32, #tpu.memory_space<vmem>>
    %dma_start3A_274 = arith.constant 0 : i32
    %dma_start3A_275 = arith.constant 0 : i32
    %dma_start3A_276 = tpu.memref_slice %arg2[%dma_start3A_274, %dma_start3A_275] : memref<10240x128xf32, #tpu.memory_space<hbm>> -> memref<10240x128xf32, #tpu.memory_space<hbm>>
    tpu.enqueue_indirect_dma source(%dma_start3A_276 : memref<10240x128xf32, #tpu.memory_space<hbm>>) target(%dma_start3A_270 : memref<128x128xf32, #tpu.memory_space<vmem>>) offsets(%dma_start3A_273 : memref<128xi32, #tpu.memory_space<vmem>>) semaphore(%arg10 : memref<!tpu.dma_semaphore, #tpu.memory_space<semaphore_mem>>)
    %dma_start3A_277 = arith.constant 1 : i32
    %dma_start3A_278 = arith.constant 0 : i32
    %dma_start3A_279 = arith.constant 13 : i32
    %dma_start3A_280 = arith.constant 0 : i32
    %dma_start3A_281 = arith.constant 0 : i32
    %dma_start3A_282 = tpu.memref_slice %arg8[%dma_start3A_277, %dma_start3A_280, %dma_start3A_281] : memref<2x128x128xf32, #tpu.memory_space<vmem>> -> memref<1x128x128xf32, #tpu.memory_space<vmem>>
    %dma_start3A_283 = tpu.memref_squeeze %dma_start3A_282 : memref<1x128x128xf32, #tpu.memory_space<vmem>> -> memref<128x128xf32, #tpu.memory_space<vmem>>
    %dma_start3A_284 = arith.constant 0 : i32
    %dma_start3A_285 = tpu.memref_slice %arg7[%dma_start3A_278, %dma_start3A_279, %dma_start3A_284] : memref<2x14x128xi32, #tpu.memory_space<vmem>> -> memref<1x1x128xi32, #tpu.memory_space<vmem>>
    %dma_start3A_286 = tpu.memref_squeeze %dma_start3A_285 : memref<1x1x128xi32, #tpu.memory_space<vmem>> -> memref<128xi32, #tpu.memory_space<vmem>>
    %dma_start3A_287 = arith.constant 0 : i32
    %dma_start3A_288 = arith.constant 0 : i32
    %dma_start3A_289 = tpu.memref_slice %arg9[%dma_start3A_287, %dma_start3A_288] : memref<10240x128xf32, #tpu.memory_space<vmem_shared>> -> memref<10240x128xf32, #tpu.memory_space<vmem_shared>>
    tpu.enqueue_indirect_dma source(%dma_start3A_283 : memref<128x128xf32, #tpu.memory_space<vmem>>) target(%dma_start3A_289 : memref<10240x128xf32, #tpu.memory_space<vmem_shared>>) offsets(%dma_start3A_286 : memref<128xi32, #tpu.memory_space<vmem>>) semaphore(%arg12 : memref<!tpu.dma_semaphore, #tpu.memory_space<semaphore_mem>>) {add = true}
    %dma_start3A_290 = arith.constant 2 : i32
    %dma_start3A_291 = arith.constant 0 : i32
    %dma_start3A_292 = arith.constant 0 : i32
    %dma_start3A_293 = arith.constant 0 : i32
    %dma_start3A_294 = tpu.memref_slice %arg6[%dma_start3A_291, %dma_start3A_292, %dma_start3A_293] : memref<2x14x128xi32, #tpu.memory_space<vmem>> -> memref<1x14x128xi32, #tpu.memory_space<vmem>>
    %dma_start3A_295 = tpu.memref_squeeze %dma_start3A_294 : memref<1x14x128xi32, #tpu.memory_space<vmem>> -> memref<14x128xi32, #tpu.memory_space<vmem>>
    %dma_start3A_296 = arith.constant 0 : i32
    %dma_start3A_297 = arith.constant 0 : i32
    %dma_start3A_298 = tpu.memref_slice %arg3[%add3A, %dma_start3A_290, %dma_start3A_296, %dma_start3A_297] : memref<32x3x14x128xi32, #tpu.memory_space<hbm>> -> memref<1x1x14x128xi32, #tpu.memory_space<hbm>>
    %dma_start3A_299 = tpu.memref_squeeze %dma_start3A_298 : memref<1x1x14x128xi32, #tpu.memory_space<hbm>> -> memref<14x128xi32, #tpu.memory_space<hbm>>
    %dma_start3A_300 = arith.constant 0 : i32
    %dma_start3A_301 = arith.constant 0 : i32
    %dma_start3A_302 = tpu.memref_slice %arg6[%dma_start3A_291, %dma_start3A_300, %dma_start3A_301] : memref<2x14x128xi32, #tpu.memory_space<vmem>> -> memref<1x14x128xi32, #tpu.memory_space<vmem>>
    %dma_start3A_303 = tpu.memref_squeeze %dma_start3A_302 : memref<1x14x128xi32, #tpu.memory_space<vmem>> -> memref<14x128xi32, #tpu.memory_space<vmem>>
    %dma_start3A_304 = arith.constant 0 : i32
    %dma_start3A_305 = arith.constant 0 : i32
    %dma_start3A_306 = tpu.memref_slice %arg3[%add3A, %dma_start3A_290, %dma_start3A_304, %dma_start3A_305] : memref<32x3x14x128xi32, #tpu.memory_space<hbm>> -> memref<1x1x14x128xi32, #tpu.memory_space<hbm>>
    %dma_start3A_307 = tpu.memref_squeeze %dma_start3A_306 : memref<1x1x14x128xi32, #tpu.memory_space<hbm>> -> memref<14x128xi32, #tpu.memory_space<hbm>>
    tpu.enqueue_dma source(%dma_start3A_307 : memref<14x128xi32, #tpu.memory_space<hbm>>) target(%dma_start3A_303 : memref<14x128xi32, #tpu.memory_space<vmem>>) target_semaphore(%arg11 : memref<!tpu.dma_semaphore, #tpu.memory_space<semaphore_mem>>)
    %dma_start3A_308 = arith.constant 2 : i32
    %dma_start3A_309 = arith.constant 0 : i32
    %dma_start3A_310 = arith.constant 0 : i32
    %dma_start3A_311 = arith.constant 0 : i32
    %dma_start3A_312 = tpu.memref_slice %arg7[%dma_start3A_309, %dma_start3A_310, %dma_start3A_311] : memref<2x14x128xi32, #tpu.memory_space<vmem>> -> memref<1x14x128xi32, #tpu.memory_space<vmem>>
    %dma_start3A_313 = tpu.memref_squeeze %dma_start3A_312 : memref<1x14x128xi32, #tpu.memory_space<vmem>> -> memref<14x128xi32, #tpu.memory_space<vmem>>
    %dma_start3A_314 = arith.constant 0 : i32
    %dma_start3A_315 = arith.constant 0 : i32
    %dma_start3A_316 = tpu.memref_slice %arg4[%add3A, %dma_start3A_308, %dma_start3A_314, %dma_start3A_315] : memref<32x3x14x128xi32, #tpu.memory_space<hbm>> -> memref<1x1x14x128xi32, #tpu.memory_space<hbm>>
    %dma_start3A_317 = tpu.memref_squeeze %dma_start3A_316 : memref<1x1x14x128xi32, #tpu.memory_space<hbm>> -> memref<14x128xi32, #tpu.memory_space<hbm>>
    %dma_start3A_318 = arith.constant 0 : i32
    %dma_start3A_319 = arith.constant 0 : i32
    %dma_start3A_320 = tpu.memref_slice %arg7[%dma_start3A_309, %dma_start3A_318, %dma_start3A_319] : memref<2x14x128xi32, #tpu.memory_space<vmem>> -> memref<1x14x128xi32, #tpu.memory_space<vmem>>
    %dma_start3A_321 = tpu.memref_squeeze %dma_start3A_320 : memref<1x14x128xi32, #tpu.memory_space<vmem>> -> memref<14x128xi32, #tpu.memory_space<vmem>>
    %dma_start3A_322 = arith.constant 0 : i32
    %dma_start3A_323 = arith.constant 0 : i32
    %dma_start3A_324 = tpu.memref_slice %arg4[%add3A, %dma_start3A_308, %dma_start3A_322, %dma_start3A_323] : memref<32x3x14x128xi32, #tpu.memory_space<hbm>> -> memref<1x1x14x128xi32, #tpu.memory_space<hbm>>
    %dma_start3A_325 = tpu.memref_squeeze %dma_start3A_324 : memref<1x1x14x128xi32, #tpu.memory_space<hbm>> -> memref<14x128xi32, #tpu.memory_space<hbm>>
    tpu.enqueue_dma source(%dma_start3A_325 : memref<14x128xi32, #tpu.memory_space<hbm>>) target(%dma_start3A_321 : memref<14x128xi32, #tpu.memory_space<vmem>>) target_semaphore(%arg11 : memref<!tpu.dma_semaphore, #tpu.memory_space<semaphore_mem>>)
    %scan3A_326 = arith.constant 0 : i32
    %scan3A_327 = arith.constant 0 : i32
    %scan3A_328 = arith.constant 6 : i32
    %scan3A_329 = arith.addi %scan3A_327, %scan3A_328 : i32
    %scan3A_330 = arith.constant 1 : i32
    scf.for %scan3A_585 = %scan3A_327 to %scan3A_329 step %scan3A_330  : i32 {
      %mul3A_586 = arith.constant 2 : i32
      %mul3A_587 = arith.muli %mul3A_586, %scan3A_585 : i32
      %add3A_588 = arith.constant 1 : i32
      %add3A_589 = arith.addi %mul3A_587, %add3A_588 : i32
      %dma_wait3A_590 = arith.constant 1 : i32
      %dma_wait3A_591 = arith.constant 0 : i32
      %dma_wait3A_592 = arith.constant 0 : i32
      %dma_wait3A_593 = arith.constant 0 : i32
      %dma_wait3A_594 = tpu.memref_slice %arg8[%dma_wait3A_591, %dma_wait3A_592, %dma_wait3A_593] : memref<2x128x128xf32, #tpu.memory_space<vmem>> -> memref<1x128x128xf32, #tpu.memory_space<vmem>>
      %dma_wait3A_595 = tpu.memref_squeeze %dma_wait3A_594 : memref<1x128x128xf32, #tpu.memory_space<vmem>> -> memref<128x128xf32, #tpu.memory_space<vmem>>
      %dma_wait3A_596 = arith.constant 0 : i32
      %dma_wait3A_597 = tpu.memref_slice %arg6[%dma_wait3A_590, %mul3A_587, %dma_wait3A_596] : memref<2x14x128xi32, #tpu.memory_space<vmem>> -> memref<1x1x128xi32, #tpu.memory_space<vmem>>
      %dma_wait3A_598 = tpu.memref_squeeze %dma_wait3A_597 : memref<1x1x128xi32, #tpu.memory_space<vmem>> -> memref<128xi32, #tpu.memory_space<vmem>>
      %dma_wait3A_599 = arith.constant 0 : i32
      %dma_wait3A_600 = arith.constant 0 : i32
      %dma_wait3A_601 = tpu.memref_slice %arg2[%dma_wait3A_599, %dma_wait3A_600] : memref<10240x128xf32, #tpu.memory_space<hbm>> -> memref<10240x128xf32, #tpu.memory_space<hbm>>
      tpu.wait_indirect_dma semaphore(%arg10 : memref<!tpu.dma_semaphore, #tpu.memory_space<semaphore_mem>>) src(%dma_wait3A_601 : memref<10240x128xf32, #tpu.memory_space<hbm>>) dst(%dma_wait3A_595 : memref<128x128xf32, #tpu.memory_space<vmem>>)
      %dma_wait3A_602 = arith.constant 1 : i32
      %dma_wait3A_603 = arith.constant 0 : i32
      %dma_wait3A_604 = arith.constant 0 : i32
      %dma_wait3A_605 = arith.constant 0 : i32
      %dma_wait3A_606 = arith.constant 0 : i32
      %dma_wait3A_607 = tpu.memref_slice %arg8[%dma_wait3A_602, %dma_wait3A_605, %dma_wait3A_606] : memref<2x128x128xf32, #tpu.memory_space<vmem>> -> memref<1x128x128xf32, #tpu.memory_space<vmem>>
      %dma_wait3A_608 = tpu.memref_squeeze %dma_wait3A_607 : memref<1x128x128xf32, #tpu.memory_space<vmem>> -> memref<128x128xf32, #tpu.memory_space<vmem>>
      %dma_wait3A_609 = arith.constant 0 : i32
      %dma_wait3A_610 = tpu.memref_slice %arg7[%dma_wait3A_603, %dma_wait3A_604, %dma_wait3A_609] : memref<2x14x128xi32, #tpu.memory_space<vmem>> -> memref<1x1x128xi32, #tpu.memory_space<vmem>>
      %dma_wait3A_611 = tpu.memref_squeeze %dma_wait3A_610 : memref<1x1x128xi32, #tpu.memory_space<vmem>> -> memref<128xi32, #tpu.memory_space<vmem>>
      %dma_wait3A_612 = arith.constant 0 : i32
      %dma_wait3A_613 = arith.constant 0 : i32
      %dma_wait3A_614 = tpu.memref_slice %arg9[%dma_wait3A_612, %dma_wait3A_613] : memref<10240x128xf32, #tpu.memory_space<vmem_shared>> -> memref<10240x128xf32, #tpu.memory_space<vmem_shared>>
      tpu.wait_indirect_dma semaphore(%arg12 : memref<!tpu.dma_semaphore, #tpu.memory_space<semaphore_mem>>) src(%dma_wait3A_608 : memref<128x128xf32, #tpu.memory_space<vmem>>) dst(%dma_wait3A_614 : memref<10240x128xf32, #tpu.memory_space<vmem_shared>>)
      %dma_start3A_615 = arith.constant 1 : i32
      %dma_start3A_616 = arith.constant 1 : i32
      %dma_start3A_617 = arith.constant 0 : i32
      %dma_start3A_618 = arith.constant 0 : i32
      %dma_start3A_619 = tpu.memref_slice %arg8[%dma_start3A_616, %dma_start3A_617, %dma_start3A_618] : memref<2x128x128xf32, #tpu.memory_space<vmem>> -> memref<1x128x128xf32, #tpu.memory_space<vmem>>
      %dma_start3A_620 = tpu.memref_squeeze %dma_start3A_619 : memref<1x128x128xf32, #tpu.memory_space<vmem>> -> memref<128x128xf32, #tpu.memory_space<vmem>>
      %dma_start3A_621 = arith.constant 0 : i32
      %dma_start3A_622 = tpu.memref_slice %arg6[%dma_start3A_615, %add3A_589, %dma_start3A_621] : memref<2x14x128xi32, #tpu.memory_space<vmem>> -> memref<1x1x128xi32, #tpu.memory_space<vmem>>
      %dma_start3A_623 = tpu.memref_squeeze %dma_start3A_622 : memref<1x1x128xi32, #tpu.memory_space<vmem>> -> memref<128xi32, #tpu.memory_space<vmem>>
      %dma_start3A_624 = arith.constant 0 : i32
      %dma_start3A_625 = arith.constant 0 : i32
      %dma_start3A_626 = tpu.memref_slice %arg2[%dma_start3A_624, %dma_start3A_625] : memref<10240x128xf32, #tpu.memory_space<hbm>> -> memref<10240x128xf32, #tpu.memory_space<hbm>>
      tpu.enqueue_indirect_dma source(%dma_start3A_626 : memref<10240x128xf32, #tpu.memory_space<hbm>>) target(%dma_start3A_620 : memref<128x128xf32, #tpu.memory_space<vmem>>) offsets(%dma_start3A_623 : memref<128xi32, #tpu.memory_space<vmem>>) semaphore(%arg10 : memref<!tpu.dma_semaphore, #tpu.memory_space<semaphore_mem>>)
      %dma_start3A_627 = arith.constant 0 : i32
      %dma_start3A_628 = arith.constant 1 : i32
      %dma_start3A_629 = arith.constant 0 : i32
      %dma_start3A_630 = arith.constant 0 : i32
      %dma_start3A_631 = tpu.memref_slice %arg8[%dma_start3A_627, %dma_start3A_629, %dma_start3A_630] : memref<2x128x128xf32, #tpu.memory_space<vmem>> -> memref<1x128x128xf32, #tpu.memory_space<vmem>>
      %dma_start3A_632 = tpu.memref_squeeze %dma_start3A_631 : memref<1x128x128xf32, #tpu.memory_space<vmem>> -> memref<128x128xf32, #tpu.memory_space<vmem>>
      %dma_start3A_633 = arith.constant 0 : i32
      %dma_start3A_634 = tpu.memref_slice %arg7[%dma_start3A_628, %mul3A_587, %dma_start3A_633] : memref<2x14x128xi32, #tpu.memory_space<vmem>> -> memref<1x1x128xi32, #tpu.memory_space<vmem>>
      %dma_start3A_635 = tpu.memref_squeeze %dma_start3A_634 : memref<1x1x128xi32, #tpu.memory_space<vmem>> -> memref<128xi32, #tpu.memory_space<vmem>>
      %dma_start3A_636 = arith.constant 0 : i32
      %dma_start3A_637 = arith.constant 0 : i32
      %dma_start3A_638 = tpu.memref_slice %arg9[%dma_start3A_636, %dma_start3A_637] : memref<10240x128xf32, #tpu.memory_space<vmem_shared>> -> memref<10240x128xf32, #tpu.memory_space<vmem_shared>>
      tpu.enqueue_indirect_dma source(%dma_start3A_632 : memref<128x128xf32, #tpu.memory_space<vmem>>) target(%dma_start3A_638 : memref<10240x128xf32, #tpu.memory_space<vmem_shared>>) offsets(%dma_start3A_635 : memref<128xi32, #tpu.memory_space<vmem>>) semaphore(%arg12 : memref<!tpu.dma_semaphore, #tpu.memory_space<semaphore_mem>>) {add = true}
      %dma_wait3A_639 = arith.constant 1 : i32
      %dma_wait3A_640 = arith.constant 1 : i32
      %dma_wait3A_641 = arith.constant 0 : i32
      %dma_wait3A_642 = arith.constant 0 : i32
      %dma_wait3A_643 = tpu.memref_slice %arg8[%dma_wait3A_640, %dma_wait3A_641, %dma_wait3A_642] : memref<2x128x128xf32, #tpu.memory_space<vmem>> -> memref<1x128x128xf32, #tpu.memory_space<vmem>>
      %dma_wait3A_644 = tpu.memref_squeeze %dma_wait3A_643 : memref<1x128x128xf32, #tpu.memory_space<vmem>> -> memref<128x128xf32, #tpu.memory_space<vmem>>
      %dma_wait3A_645 = arith.constant 0 : i32
      %dma_wait3A_646 = tpu.memref_slice %arg6[%dma_wait3A_639, %add3A_589, %dma_wait3A_645] : memref<2x14x128xi32, #tpu.memory_space<vmem>> -> memref<1x1x128xi32, #tpu.memory_space<vmem>>
      %dma_wait3A_647 = tpu.memref_squeeze %dma_wait3A_646 : memref<1x1x128xi32, #tpu.memory_space<vmem>> -> memref<128xi32, #tpu.memory_space<vmem>>
      %dma_wait3A_648 = arith.constant 0 : i32
      %dma_wait3A_649 = arith.constant 0 : i32
      %dma_wait3A_650 = tpu.memref_slice %arg2[%dma_wait3A_648, %dma_wait3A_649] : memref<10240x128xf32, #tpu.memory_space<hbm>> -> memref<10240x128xf32, #tpu.memory_space<hbm>>
      tpu.wait_indirect_dma semaphore(%arg10 : memref<!tpu.dma_semaphore, #tpu.memory_space<semaphore_mem>>) src(%dma_wait3A_650 : memref<10240x128xf32, #tpu.memory_space<hbm>>) dst(%dma_wait3A_644 : memref<128x128xf32, #tpu.memory_space<vmem>>)
      %dma_wait3A_651 = arith.constant 0 : i32
      %dma_wait3A_652 = arith.constant 0 : i32
      %dma_wait3A_653 = arith.constant 0 : i32
      %dma_wait3A_654 = arith.constant 0 : i32
      %dma_wait3A_655 = arith.constant 0 : i32
      %dma_wait3A_656 = tpu.memref_slice %arg8[%dma_wait3A_651, %dma_wait3A_654, %dma_wait3A_655] : memref<2x128x128xf32, #tpu.memory_space<vmem>> -> memref<1x128x128xf32, #tpu.memory_space<vmem>>
      %dma_wait3A_657 = tpu.memref_squeeze %dma_wait3A_656 : memref<1x128x128xf32, #tpu.memory_space<vmem>> -> memref<128x128xf32, #tpu.memory_space<vmem>>
      %dma_wait3A_658 = arith.constant 0 : i32
      %dma_wait3A_659 = tpu.memref_slice %arg7[%dma_wait3A_652, %dma_wait3A_653, %dma_wait3A_658] : memref<2x14x128xi32, #tpu.memory_space<vmem>> -> memref<1x1x128xi32, #tpu.memory_space<vmem>>
      %dma_wait3A_660 = tpu.memref_squeeze %dma_wait3A_659 : memref<1x1x128xi32, #tpu.memory_space<vmem>> -> memref<128xi32, #tpu.memory_space<vmem>>
      %dma_wait3A_661 = arith.constant 0 : i32
      %dma_wait3A_662 = arith.constant 0 : i32
      %dma_wait3A_663 = tpu.memref_slice %arg9[%dma_wait3A_661, %dma_wait3A_662] : memref<10240x128xf32, #tpu.memory_space<vmem_shared>> -> memref<10240x128xf32, #tpu.memory_space<vmem_shared>>
      tpu.wait_indirect_dma semaphore(%arg12 : memref<!tpu.dma_semaphore, #tpu.memory_space<semaphore_mem>>) src(%dma_wait3A_657 : memref<128x128xf32, #tpu.memory_space<vmem>>) dst(%dma_wait3A_663 : memref<10240x128xf32, #tpu.memory_space<vmem_shared>>)
      %add3A_664 = arith.constant 1 : i32
      %add3A_665 = arith.addi %add3A_589, %add3A_664 : i32
      %dma_start3A_666 = arith.constant 1 : i32
      %dma_start3A_667 = arith.constant 0 : i32
      %dma_start3A_668 = arith.constant 0 : i32
      %dma_start3A_669 = arith.constant 0 : i32
      %dma_start3A_670 = tpu.memref_slice %arg8[%dma_start3A_667, %dma_start3A_668, %dma_start3A_669] : memref<2x128x128xf32, #tpu.memory_space<vmem>> -> memref<1x128x128xf32, #tpu.memory_space<vmem>>
      %dma_start3A_671 = tpu.memref_squeeze %dma_start3A_670 : memref<1x128x128xf32, #tpu.memory_space<vmem>> -> memref<128x128xf32, #tpu.memory_space<vmem>>
      %dma_start3A_672 = arith.constant 0 : i32
      %dma_start3A_673 = tpu.memref_slice %arg6[%dma_start3A_666, %add3A_665, %dma_start3A_672] : memref<2x14x128xi32, #tpu.memory_space<vmem>> -> memref<1x1x128xi32, #tpu.memory_space<vmem>>
      %dma_start3A_674 = tpu.memref_squeeze %dma_start3A_673 : memref<1x1x128xi32, #tpu.memory_space<vmem>> -> memref<128xi32, #tpu.memory_space<vmem>>
      %dma_start3A_675 = arith.constant 0 : i32
      %dma_start3A_676 = arith.constant 0 : i32
      %dma_start3A_677 = tpu.memref_slice %arg2[%dma_start3A_675, %dma_start3A_676] : memref<10240x128xf32, #tpu.memory_space<hbm>> -> memref<10240x128xf32, #tpu.memory_space<hbm>>
      tpu.enqueue_indirect_dma source(%dma_start3A_677 : memref<10240x128xf32, #tpu.memory_space<hbm>>) target(%dma_start3A_671 : memref<128x128xf32, #tpu.memory_space<vmem>>) offsets(%dma_start3A_674 : memref<128xi32, #tpu.memory_space<vmem>>) semaphore(%arg10 : memref<!tpu.dma_semaphore, #tpu.memory_space<semaphore_mem>>)
      %dma_start3A_678 = arith.constant 1 : i32
      %dma_start3A_679 = arith.constant 1 : i32
      %dma_start3A_680 = arith.constant 0 : i32
      %dma_start3A_681 = arith.constant 0 : i32
      %dma_start3A_682 = tpu.memref_slice %arg8[%dma_start3A_678, %dma_start3A_680, %dma_start3A_681] : memref<2x128x128xf32, #tpu.memory_space<vmem>> -> memref<1x128x128xf32, #tpu.memory_space<vmem>>
      %dma_start3A_683 = tpu.memref_squeeze %dma_start3A_682 : memref<1x128x128xf32, #tpu.memory_space<vmem>> -> memref<128x128xf32, #tpu.memory_space<vmem>>
      %dma_start3A_684 = arith.constant 0 : i32
      %dma_start3A_685 = tpu.memref_slice %arg7[%dma_start3A_679, %add3A_589, %dma_start3A_684] : memref<2x14x128xi32, #tpu.memory_space<vmem>> -> memref<1x1x128xi32, #tpu.memory_space<vmem>>
      %dma_start3A_686 = tpu.memref_squeeze %dma_start3A_685 : memref<1x1x128xi32, #tpu.memory_space<vmem>> -> memref<128xi32, #tpu.memory_space<vmem>>
      %dma_start3A_687 = arith.constant 0 : i32
      %dma_start3A_688 = arith.constant 0 : i32
      %dma_start3A_689 = tpu.memref_slice %arg9[%dma_start3A_687, %dma_start3A_688] : memref<10240x128xf32, #tpu.memory_space<vmem_shared>> -> memref<10240x128xf32, #tpu.memory_space<vmem_shared>>
      tpu.enqueue_indirect_dma source(%dma_start3A_683 : memref<128x128xf32, #tpu.memory_space<vmem>>) target(%dma_start3A_689 : memref<10240x128xf32, #tpu.memory_space<vmem_shared>>) offsets(%dma_start3A_686 : memref<128xi32, #tpu.memory_space<vmem>>) semaphore(%arg12 : memref<!tpu.dma_semaphore, #tpu.memory_space<semaphore_mem>>) {add = true}
    }
    %scan3A_331 = arith.constant 6 : i32
    %dma_wait3A_332 = arith.constant 1 : i32
    %dma_wait3A_333 = arith.constant 12 : i32
    %dma_wait3A_334 = arith.constant 0 : i32
    %dma_wait3A_335 = arith.constant 0 : i32
    %dma_wait3A_336 = arith.constant 0 : i32
    %dma_wait3A_337 = tpu.memref_slice %arg8[%dma_wait3A_334, %dma_wait3A_335, %dma_wait3A_336] : memref<2x128x128xf32, #tpu.memory_space<vmem>> -> memref<1x128x128xf32, #tpu.memory_space<vmem>>
    %dma_wait3A_338 = tpu.memref_squeeze %dma_wait3A_337 : memref<1x128x128xf32, #tpu.memory_space<vmem>> -> memref<128x128xf32, #tpu.memory_space<vmem>>
    %dma_wait3A_339 = arith.constant 0 : i32
    %dma_wait3A_340 = tpu.memref_slice %arg6[%dma_wait3A_332, %dma_wait3A_333, %dma_wait3A_339] : memref<2x14x128xi32, #tpu.memory_space<vmem>> -> memref<1x1x128xi32, #tpu.memory_space<vmem>>
    %dma_wait3A_341 = tpu.memref_squeeze %dma_wait3A_340 : memref<1x1x128xi32, #tpu.memory_space<vmem>> -> memref<128xi32, #tpu.memory_space<vmem>>
    %dma_wait3A_342 = arith.constant 0 : i32
    %dma_wait3A_343 = arith.constant 0 : i32
    %dma_wait3A_344 = tpu.memref_slice %arg2[%dma_wait3A_342, %dma_wait3A_343] : memref<10240x128xf32, #tpu.memory_space<hbm>> -> memref<10240x128xf32, #tpu.memory_space<hbm>>
    tpu.wait_indirect_dma semaphore(%arg10 : memref<!tpu.dma_semaphore, #tpu.memory_space<semaphore_mem>>) src(%dma_wait3A_344 : memref<10240x128xf32, #tpu.memory_space<hbm>>) dst(%dma_wait3A_338 : memref<128x128xf32, #tpu.memory_space<vmem>>)
    %dma_wait3A_345 = arith.constant 1 : i32
    %dma_wait3A_346 = arith.constant 0 : i32
    %dma_wait3A_347 = arith.constant 0 : i32
    %dma_wait3A_348 = arith.constant 0 : i32
    %dma_wait3A_349 = arith.constant 0 : i32
    %dma_wait3A_350 = tpu.memref_slice %arg8[%dma_wait3A_345, %dma_wait3A_348, %dma_wait3A_349] : memref<2x128x128xf32, #tpu.memory_space<vmem>> -> memref<1x128x128xf32, #tpu.memory_space<vmem>>
    %dma_wait3A_351 = tpu.memref_squeeze %dma_wait3A_350 : memref<1x128x128xf32, #tpu.memory_space<vmem>> -> memref<128x128xf32, #tpu.memory_space<vmem>>
    %dma_wait3A_352 = arith.constant 0 : i32
    %dma_wait3A_353 = tpu.memref_slice %arg7[%dma_wait3A_346, %dma_wait3A_347, %dma_wait3A_352] : memref<2x14x128xi32, #tpu.memory_space<vmem>> -> memref<1x1x128xi32, #tpu.memory_space<vmem>>
    %dma_wait3A_354 = tpu.memref_squeeze %dma_wait3A_353 : memref<1x1x128xi32, #tpu.memory_space<vmem>> -> memref<128xi32, #tpu.memory_space<vmem>>
    %dma_wait3A_355 = arith.constant 0 : i32
    %dma_wait3A_356 = arith.constant 0 : i32
    %dma_wait3A_357 = tpu.memref_slice %arg9[%dma_wait3A_355, %dma_wait3A_356] : memref<10240x128xf32, #tpu.memory_space<vmem_shared>> -> memref<10240x128xf32, #tpu.memory_space<vmem_shared>>
    tpu.wait_indirect_dma semaphore(%arg12 : memref<!tpu.dma_semaphore, #tpu.memory_space<semaphore_mem>>) src(%dma_wait3A_351 : memref<128x128xf32, #tpu.memory_space<vmem>>) dst(%dma_wait3A_357 : memref<10240x128xf32, #tpu.memory_space<vmem_shared>>)
    %dma_start3A_358 = arith.constant 1 : i32
    %dma_start3A_359 = arith.constant 13 : i32
    %dma_start3A_360 = arith.constant 1 : i32
    %dma_start3A_361 = arith.constant 0 : i32
    %dma_start3A_362 = arith.constant 0 : i32
    %dma_start3A_363 = tpu.memref_slice %arg8[%dma_start3A_360, %dma_start3A_361, %dma_start3A_362] : memref<2x128x128xf32, #tpu.memory_space<vmem>> -> memref<1x128x128xf32, #tpu.memory_space<vmem>>
    %dma_start3A_364 = tpu.memref_squeeze %dma_start3A_363 : memref<1x128x128xf32, #tpu.memory_space<vmem>> -> memref<128x128xf32, #tpu.memory_space<vmem>>
    %dma_start3A_365 = arith.constant 0 : i32
    %dma_start3A_366 = tpu.memref_slice %arg6[%dma_start3A_358, %dma_start3A_359, %dma_start3A_365] : memref<2x14x128xi32, #tpu.memory_space<vmem>> -> memref<1x1x128xi32, #tpu.memory_space<vmem>>
    %dma_start3A_367 = tpu.memref_squeeze %dma_start3A_366 : memref<1x1x128xi32, #tpu.memory_space<vmem>> -> memref<128xi32, #tpu.memory_space<vmem>>
    %dma_start3A_368 = arith.constant 0 : i32
    %dma_start3A_369 = arith.constant 0 : i32
    %dma_start3A_370 = tpu.memref_slice %arg2[%dma_start3A_368, %dma_start3A_369] : memref<10240x128xf32, #tpu.memory_space<hbm>> -> memref<10240x128xf32, #tpu.memory_space<hbm>>
    tpu.enqueue_indirect_dma source(%dma_start3A_370 : memref<10240x128xf32, #tpu.memory_space<hbm>>) target(%dma_start3A_364 : memref<128x128xf32, #tpu.memory_space<vmem>>) offsets(%dma_start3A_367 : memref<128xi32, #tpu.memory_space<vmem>>) semaphore(%arg10 : memref<!tpu.dma_semaphore, #tpu.memory_space<semaphore_mem>>)
    %dma_start3A_371 = arith.constant 0 : i32
    %dma_start3A_372 = arith.constant 1 : i32
    %dma_start3A_373 = arith.constant 12 : i32
    %dma_start3A_374 = arith.constant 0 : i32
    %dma_start3A_375 = arith.constant 0 : i32
    %dma_start3A_376 = tpu.memref_slice %arg8[%dma_start3A_371, %dma_start3A_374, %dma_start3A_375] : memref<2x128x128xf32, #tpu.memory_space<vmem>> -> memref<1x128x128xf32, #tpu.memory_space<vmem>>
    %dma_start3A_377 = tpu.memref_squeeze %dma_start3A_376 : memref<1x128x128xf32, #tpu.memory_space<vmem>> -> memref<128x128xf32, #tpu.memory_space<vmem>>
    %dma_start3A_378 = arith.constant 0 : i32
    %dma_start3A_379 = tpu.memref_slice %arg7[%dma_start3A_372, %dma_start3A_373, %dma_start3A_378] : memref<2x14x128xi32, #tpu.memory_space<vmem>> -> memref<1x1x128xi32, #tpu.memory_space<vmem>>
    %dma_start3A_380 = tpu.memref_squeeze %dma_start3A_379 : memref<1x1x128xi32, #tpu.memory_space<vmem>> -> memref<128xi32, #tpu.memory_space<vmem>>
    %dma_start3A_381 = arith.constant 0 : i32
    %dma_start3A_382 = arith.constant 0 : i32
    %dma_start3A_383 = tpu.memref_slice %arg9[%dma_start3A_381, %dma_start3A_382] : memref<10240x128xf32, #tpu.memory_space<vmem_shared>> -> memref<10240x128xf32, #tpu.memory_space<vmem_shared>>
    tpu.enqueue_indirect_dma source(%dma_start3A_377 : memref<128x128xf32, #tpu.memory_space<vmem>>) target(%dma_start3A_383 : memref<10240x128xf32, #tpu.memory_space<vmem_shared>>) offsets(%dma_start3A_380 : memref<128xi32, #tpu.memory_space<vmem>>) semaphore(%arg12 : memref<!tpu.dma_semaphore, #tpu.memory_space<semaphore_mem>>) {add = true}
    %dma_wait3A_384 = arith.constant 1 : i32
    %dma_wait3A_385 = arith.constant 13 : i32
    %dma_wait3A_386 = arith.constant 1 : i32
    %dma_wait3A_387 = arith.constant 0 : i32
    %dma_wait3A_388 = arith.constant 0 : i32
    %dma_wait3A_389 = tpu.memref_slice %arg8[%dma_wait3A_386, %dma_wait3A_387, %dma_wait3A_388] : memref<2x128x128xf32, #tpu.memory_space<vmem>> -> memref<1x128x128xf32, #tpu.memory_space<vmem>>
    %dma_wait3A_390 = tpu.memref_squeeze %dma_wait3A_389 : memref<1x128x128xf32, #tpu.memory_space<vmem>> -> memref<128x128xf32, #tpu.memory_space<vmem>>
    %dma_wait3A_391 = arith.constant 0 : i32
    %dma_wait3A_392 = tpu.memref_slice %arg6[%dma_wait3A_384, %dma_wait3A_385, %dma_wait3A_391] : memref<2x14x128xi32, #tpu.memory_space<vmem>> -> memref<1x1x128xi32, #tpu.memory_space<vmem>>
    %dma_wait3A_393 = tpu.memref_squeeze %dma_wait3A_392 : memref<1x1x128xi32, #tpu.memory_space<vmem>> -> memref<128xi32, #tpu.memory_space<vmem>>
    %dma_wait3A_394 = arith.constant 0 : i32
    %dma_wait3A_395 = arith.constant 0 : i32
    %dma_wait3A_396 = tpu.memref_slice %arg2[%dma_wait3A_394, %dma_wait3A_395] : memref<10240x128xf32, #tpu.memory_space<hbm>> -> memref<10240x128xf32, #tpu.memory_space<hbm>>
    tpu.wait_indirect_dma semaphore(%arg10 : memref<!tpu.dma_semaphore, #tpu.memory_space<semaphore_mem>>) src(%dma_wait3A_396 : memref<10240x128xf32, #tpu.memory_space<hbm>>) dst(%dma_wait3A_390 : memref<128x128xf32, #tpu.memory_space<vmem>>)
    %dma_wait3A_397 = arith.constant 0 : i32
    %dma_wait3A_398 = arith.constant 0 : i32
    %dma_wait3A_399 = arith.constant 0 : i32
    %dma_wait3A_400 = arith.constant 0 : i32
    %dma_wait3A_401 = arith.constant 0 : i32
    %dma_wait3A_402 = tpu.memref_slice %arg8[%dma_wait3A_397, %dma_wait3A_400, %dma_wait3A_401] : memref<2x128x128xf32, #tpu.memory_space<vmem>> -> memref<1x128x128xf32, #tpu.memory_space<vmem>>
    %dma_wait3A_403 = tpu.memref_squeeze %dma_wait3A_402 : memref<1x128x128xf32, #tpu.memory_space<vmem>> -> memref<128x128xf32, #tpu.memory_space<vmem>>
    %dma_wait3A_404 = arith.constant 0 : i32
    %dma_wait3A_405 = tpu.memref_slice %arg7[%dma_wait3A_398, %dma_wait3A_399, %dma_wait3A_404] : memref<2x14x128xi32, #tpu.memory_space<vmem>> -> memref<1x1x128xi32, #tpu.memory_space<vmem>>
    %dma_wait3A_406 = tpu.memref_squeeze %dma_wait3A_405 : memref<1x1x128xi32, #tpu.memory_space<vmem>> -> memref<128xi32, #tpu.memory_space<vmem>>
    %dma_wait3A_407 = arith.constant 0 : i32
    %dma_wait3A_408 = arith.constant 0 : i32
    %dma_wait3A_409 = tpu.memref_slice %arg9[%dma_wait3A_407, %dma_wait3A_408] : memref<10240x128xf32, #tpu.memory_space<vmem_shared>> -> memref<10240x128xf32, #tpu.memory_space<vmem_shared>>
    tpu.wait_indirect_dma semaphore(%arg12 : memref<!tpu.dma_semaphore, #tpu.memory_space<semaphore_mem>>) src(%dma_wait3A_403 : memref<128x128xf32, #tpu.memory_space<vmem>>) dst(%dma_wait3A_409 : memref<10240x128xf32, #tpu.memory_space<vmem_shared>>)
    %dma_wait3A_410 = arith.constant 2 : i32
    %dma_wait3A_411 = arith.constant 0 : i32
    %dma_wait3A_412 = arith.constant 0 : i32
    %dma_wait3A_413 = arith.constant 0 : i32
    %dma_wait3A_414 = tpu.memref_slice %arg6[%dma_wait3A_411, %dma_wait3A_412, %dma_wait3A_413] : memref<2x14x128xi32, #tpu.memory_space<vmem>> -> memref<1x14x128xi32, #tpu.memory_space<vmem>>
    %dma_wait3A_415 = tpu.memref_squeeze %dma_wait3A_414 : memref<1x14x128xi32, #tpu.memory_space<vmem>> -> memref<14x128xi32, #tpu.memory_space<vmem>>
    %dma_wait3A_416 = arith.constant 0 : i32
    %dma_wait3A_417 = arith.constant 0 : i32
    %dma_wait3A_418 = tpu.memref_slice %arg3[%add3A, %dma_wait3A_410, %dma_wait3A_416, %dma_wait3A_417] : memref<32x3x14x128xi32, #tpu.memory_space<hbm>> -> memref<1x1x14x128xi32, #tpu.memory_space<hbm>>
    %dma_wait3A_419 = tpu.memref_squeeze %dma_wait3A_418 : memref<1x1x14x128xi32, #tpu.memory_space<hbm>> -> memref<14x128xi32, #tpu.memory_space<hbm>>
    %dma_wait3A_420 = arith.constant 0 : i32
    %dma_wait3A_421 = arith.constant 0 : i32
    %dma_wait3A_422 = tpu.memref_slice %arg6[%dma_wait3A_411, %dma_wait3A_420, %dma_wait3A_421] : memref<2x14x128xi32, #tpu.memory_space<vmem>> -> memref<1x14x128xi32, #tpu.memory_space<vmem>>
    %dma_wait3A_423 = tpu.memref_squeeze %dma_wait3A_422 : memref<1x14x128xi32, #tpu.memory_space<vmem>> -> memref<14x128xi32, #tpu.memory_space<vmem>>
    %dma_wait3A_424 = arith.constant 0 : i32
    %dma_wait3A_425 = arith.constant 0 : i32
    %dma_wait3A_426 = tpu.memref_slice %arg3[%add3A, %dma_wait3A_410, %dma_wait3A_424, %dma_wait3A_425] : memref<32x3x14x128xi32, #tpu.memory_space<hbm>> -> memref<1x1x14x128xi32, #tpu.memory_space<hbm>>
    %dma_wait3A_427 = tpu.memref_squeeze %dma_wait3A_426 : memref<1x1x14x128xi32, #tpu.memory_space<hbm>> -> memref<14x128xi32, #tpu.memory_space<hbm>>
    tpu.wait_dma2 semaphore(%arg11 : memref<!tpu.dma_semaphore, #tpu.memory_space<semaphore_mem>>) src(%dma_wait3A_427 : memref<14x128xi32, #tpu.memory_space<hbm>>) dst(%dma_wait3A_423 : memref<14x128xi32, #tpu.memory_space<vmem>>)
    %dma_wait3A_428 = arith.constant 2 : i32
    %dma_wait3A_429 = arith.constant 0 : i32
    %dma_wait3A_430 = arith.constant 0 : i32
    %dma_wait3A_431 = arith.constant 0 : i32
    %dma_wait3A_432 = tpu.memref_slice %arg7[%dma_wait3A_429, %dma_wait3A_430, %dma_wait3A_431] : memref<2x14x128xi32, #tpu.memory_space<vmem>> -> memref<1x14x128xi32, #tpu.memory_space<vmem>>
    %dma_wait3A_433 = tpu.memref_squeeze %dma_wait3A_432 : memref<1x14x128xi32, #tpu.memory_space<vmem>> -> memref<14x128xi32, #tpu.memory_space<vmem>>
    %dma_wait3A_434 = arith.constant 0 : i32
    %dma_wait3A_435 = arith.constant 0 : i32
    %dma_wait3A_436 = tpu.memref_slice %arg4[%add3A, %dma_wait3A_428, %dma_wait3A_434, %dma_wait3A_435] : memref<32x3x14x128xi32, #tpu.memory_space<hbm>> -> memref<1x1x14x128xi32, #tpu.memory_space<hbm>>
    %dma_wait3A_437 = tpu.memref_squeeze %dma_wait3A_436 : memref<1x1x14x128xi32, #tpu.memory_space<hbm>> -> memref<14x128xi32, #tpu.memory_space<hbm>>
    %dma_wait3A_438 = arith.constant 0 : i32
    %dma_wait3A_439 = arith.constant 0 : i32
    %dma_wait3A_440 = tpu.memref_slice %arg7[%dma_wait3A_429, %dma_wait3A_438, %dma_wait3A_439] : memref<2x14x128xi32, #tpu.memory_space<vmem>> -> memref<1x14x128xi32, #tpu.memory_space<vmem>>
    %dma_wait3A_441 = tpu.memref_squeeze %dma_wait3A_440 : memref<1x14x128xi32, #tpu.memory_space<vmem>> -> memref<14x128xi32, #tpu.memory_space<vmem>>
    %dma_wait3A_442 = arith.constant 0 : i32
    %dma_wait3A_443 = arith.constant 0 : i32
    %dma_wait3A_444 = tpu.memref_slice %arg4[%add3A, %dma_wait3A_428, %dma_wait3A_442, %dma_wait3A_443] : memref<32x3x14x128xi32, #tpu.memory_space<hbm>> -> memref<1x1x14x128xi32, #tpu.memory_space<hbm>>
    %dma_wait3A_445 = tpu.memref_squeeze %dma_wait3A_444 : memref<1x1x14x128xi32, #tpu.memory_space<hbm>> -> memref<14x128xi32, #tpu.memory_space<hbm>>
    tpu.wait_dma2 semaphore(%arg11 : memref<!tpu.dma_semaphore, #tpu.memory_space<semaphore_mem>>) src(%dma_wait3A_445 : memref<14x128xi32, #tpu.memory_space<hbm>>) dst(%dma_wait3A_441 : memref<14x128xi32, #tpu.memory_space<vmem>>)
    %dma_start3A_446 = arith.constant 0 : i32
    %dma_start3A_447 = arith.constant 0 : i32
    %dma_start3A_448 = arith.constant 0 : i32
    %dma_start3A_449 = arith.constant 0 : i32
    %dma_start3A_450 = arith.constant 0 : i32
    %dma_start3A_451 = tpu.memref_slice %arg8[%dma_start3A_448, %dma_start3A_449, %dma_start3A_450] : memref<2x128x128xf32, #tpu.memory_space<vmem>> -> memref<1x128x128xf32, #tpu.memory_space<vmem>>
    %dma_start3A_452 = tpu.memref_squeeze %dma_start3A_451 : memref<1x128x128xf32, #tpu.memory_space<vmem>> -> memref<128x128xf32, #tpu.memory_space<vmem>>
    %dma_start3A_453 = arith.constant 0 : i32
    %dma_start3A_454 = tpu.memref_slice %arg6[%dma_start3A_446, %dma_start3A_447, %dma_start3A_453] : memref<2x14x128xi32, #tpu.memory_space<vmem>> -> memref<1x1x128xi32, #tpu.memory_space<vmem>>
    %dma_start3A_455 = tpu.memref_squeeze %dma_start3A_454 : memref<1x1x128xi32, #tpu.memory_space<vmem>> -> memref<128xi32, #tpu.memory_space<vmem>>
    %dma_start3A_456 = arith.constant 0 : i32
    %dma_start3A_457 = arith.constant 0 : i32
    %dma_start3A_458 = tpu.memref_slice %arg2[%dma_start3A_456, %dma_start3A_457] : memref<10240x128xf32, #tpu.memory_space<hbm>> -> memref<10240x128xf32, #tpu.memory_space<hbm>>
    tpu.enqueue_indirect_dma source(%dma_start3A_458 : memref<10240x128xf32, #tpu.memory_space<hbm>>) target(%dma_start3A_452 : memref<128x128xf32, #tpu.memory_space<vmem>>) offsets(%dma_start3A_455 : memref<128xi32, #tpu.memory_space<vmem>>) semaphore(%arg10 : memref<!tpu.dma_semaphore, #tpu.memory_space<semaphore_mem>>)
    %dma_start3A_459 = arith.constant 1 : i32
    %dma_start3A_460 = arith.constant 1 : i32
    %dma_start3A_461 = arith.constant 13 : i32
    %dma_start3A_462 = arith.constant 0 : i32
    %dma_start3A_463 = arith.constant 0 : i32
    %dma_start3A_464 = tpu.memref_slice %arg8[%dma_start3A_459, %dma_start3A_462, %dma_start3A_463] : memref<2x128x128xf32, #tpu.memory_space<vmem>> -> memref<1x128x128xf32, #tpu.memory_space<vmem>>
    %dma_start3A_465 = tpu.memref_squeeze %dma_start3A_464 : memref<1x128x128xf32, #tpu.memory_space<vmem>> -> memref<128x128xf32, #tpu.memory_space<vmem>>
    %dma_start3A_466 = arith.constant 0 : i32
    %dma_start3A_467 = tpu.memref_slice %arg7[%dma_start3A_460, %dma_start3A_461, %dma_start3A_466] : memref<2x14x128xi32, #tpu.memory_space<vmem>> -> memref<1x1x128xi32, #tpu.memory_space<vmem>>
    %dma_start3A_468 = tpu.memref_squeeze %dma_start3A_467 : memref<1x1x128xi32, #tpu.memory_space<vmem>> -> memref<128xi32, #tpu.memory_space<vmem>>
    %dma_start3A_469 = arith.constant 0 : i32
    %dma_start3A_470 = arith.constant 0 : i32
    %dma_start3A_471 = tpu.memref_slice %arg9[%dma_start3A_469, %dma_start3A_470] : memref<10240x128xf32, #tpu.memory_space<vmem_shared>> -> memref<10240x128xf32, #tpu.memory_space<vmem_shared>>
    tpu.enqueue_indirect_dma source(%dma_start3A_465 : memref<128x128xf32, #tpu.memory_space<vmem>>) target(%dma_start3A_471 : memref<10240x128xf32, #tpu.memory_space<vmem_shared>>) offsets(%dma_start3A_468 : memref<128xi32, #tpu.memory_space<vmem>>) semaphore(%arg12 : memref<!tpu.dma_semaphore, #tpu.memory_space<semaphore_mem>>) {add = true}
    %scan3A_472 = arith.constant 0 : i32
    %scan3A_473 = arith.constant 0 : i32
    %scan3A_474 = arith.constant 6 : i32
    %scan3A_475 = arith.addi %scan3A_473, %scan3A_474 : i32
    %scan3A_476 = arith.constant 1 : i32
    scf.for %scan3A_585 = %scan3A_473 to %scan3A_475 step %scan3A_476  : i32 {
      %mul3A_586 = arith.constant 2 : i32
      %mul3A_587 = arith.muli %mul3A_586, %scan3A_585 : i32
      %add3A_588 = arith.constant 1 : i32
      %add3A_589 = arith.addi %mul3A_587, %add3A_588 : i32
      %dma_wait3A_590 = arith.constant 0 : i32
      %dma_wait3A_591 = arith.constant 0 : i32
      %dma_wait3A_592 = arith.constant 0 : i32
      %dma_wait3A_593 = arith.constant 0 : i32
      %dma_wait3A_594 = tpu.memref_slice %arg8[%dma_wait3A_591, %dma_wait3A_592, %dma_wait3A_593] : memref<2x128x128xf32, #tpu.memory_space<vmem>> -> memref<1x128x128xf32, #tpu.memory_space<vmem>>
      %dma_wait3A_595 = tpu.memref_squeeze %dma_wait3A_594 : memref<1x128x128xf32, #tpu.memory_space<vmem>> -> memref<128x128xf32, #tpu.memory_space<vmem>>
      %dma_wait3A_596 = arith.constant 0 : i32
      %dma_wait3A_597 = tpu.memref_slice %arg6[%dma_wait3A_590, %mul3A_587, %dma_wait3A_596] : memref<2x14x128xi32, #tpu.memory_space<vmem>> -> memref<1x1x128xi32, #tpu.memory_space<vmem>>
      %dma_wait3A_598 = tpu.memref_squeeze %dma_wait3A_597 : memref<1x1x128xi32, #tpu.memory_space<vmem>> -> memref<128xi32, #tpu.memory_space<vmem>>
      %dma_wait3A_599 = arith.constant 0 : i32
      %dma_wait3A_600 = arith.constant 0 : i32
      %dma_wait3A_601 = tpu.memref_slice %arg2[%dma_wait3A_599, %dma_wait3A_600] : memref<10240x128xf32, #tpu.memory_space<hbm>> -> memref<10240x128xf32, #tpu.memory_space<hbm>>
      tpu.wait_indirect_dma semaphore(%arg10 : memref<!tpu.dma_semaphore, #tpu.memory_space<semaphore_mem>>) src(%dma_wait3A_601 : memref<10240x128xf32, #tpu.memory_space<hbm>>) dst(%dma_wait3A_595 : memref<128x128xf32, #tpu.memory_space<vmem>>)
      %dma_wait3A_602 = arith.constant 1 : i32
      %dma_wait3A_603 = arith.constant 0 : i32
      %dma_wait3A_604 = arith.constant 0 : i32
      %dma_wait3A_605 = arith.constant 0 : i32
      %dma_wait3A_606 = arith.constant 0 : i32
      %dma_wait3A_607 = tpu.memref_slice %arg8[%dma_wait3A_602, %dma_wait3A_605, %dma_wait3A_606] : memref<2x128x128xf32, #tpu.memory_space<vmem>> -> memref<1x128x128xf32, #tpu.memory_space<vmem>>
      %dma_wait3A_608 = tpu.memref_squeeze %dma_wait3A_607 : memref<1x128x128xf32, #tpu.memory_space<vmem>> -> memref<128x128xf32, #tpu.memory_space<vmem>>
      %dma_wait3A_609 = arith.constant 0 : i32
      %dma_wait3A_610 = tpu.memref_slice %arg7[%dma_wait3A_603, %dma_wait3A_604, %dma_wait3A_609] : memref<2x14x128xi32, #tpu.memory_space<vmem>> -> memref<1x1x128xi32, #tpu.memory_space<vmem>>
      %dma_wait3A_611 = tpu.memref_squeeze %dma_wait3A_610 : memref<1x1x128xi32, #tpu.memory_space<vmem>> -> memref<128xi32, #tpu.memory_space<vmem>>
      %dma_wait3A_612 = arith.constant 0 : i32
      %dma_wait3A_613 = arith.constant 0 : i32
      %dma_wait3A_614 = tpu.memref_slice %arg9[%dma_wait3A_612, %dma_wait3A_613] : memref<10240x128xf32, #tpu.memory_space<vmem_shared>> -> memref<10240x128xf32, #tpu.memory_space<vmem_shared>>
      tpu.wait_indirect_dma semaphore(%arg12 : memref<!tpu.dma_semaphore, #tpu.memory_space<semaphore_mem>>) src(%dma_wait3A_608 : memref<128x128xf32, #tpu.memory_space<vmem>>) dst(%dma_wait3A_614 : memref<10240x128xf32, #tpu.memory_space<vmem_shared>>)
      %dma_start3A_615 = arith.constant 0 : i32
      %dma_start3A_616 = arith.constant 1 : i32
      %dma_start3A_617 = arith.constant 0 : i32
      %dma_start3A_618 = arith.constant 0 : i32
      %dma_start3A_619 = tpu.memref_slice %arg8[%dma_start3A_616, %dma_start3A_617, %dma_start3A_618] : memref<2x128x128xf32, #tpu.memory_space<vmem>> -> memref<1x128x128xf32, #tpu.memory_space<vmem>>
      %dma_start3A_620 = tpu.memref_squeeze %dma_start3A_619 : memref<1x128x128xf32, #tpu.memory_space<vmem>> -> memref<128x128xf32, #tpu.memory_space<vmem>>
      %dma_start3A_621 = arith.constant 0 : i32
      %dma_start3A_622 = tpu.memref_slice %arg6[%dma_start3A_615, %add3A_589, %dma_start3A_621] : memref<2x14x128xi32, #tpu.memory_space<vmem>> -> memref<1x1x128xi32, #tpu.memory_space<vmem>>
      %dma_start3A_623 = tpu.memref_squeeze %dma_start3A_622 : memref<1x1x128xi32, #tpu.memory_space<vmem>> -> memref<128xi32, #tpu.memory_space<vmem>>
      %dma_start3A_624 = arith.constant 0 : i32
      %dma_start3A_625 = arith.constant 0 : i32
      %dma_start3A_626 = tpu.memref_slice %arg2[%dma_start3A_624, %dma_start3A_625] : memref<10240x128xf32, #tpu.memory_space<hbm>> -> memref<10240x128xf32, #tpu.memory_space<hbm>>
      tpu.enqueue_indirect_dma source(%dma_start3A_626 : memref<10240x128xf32, #tpu.memory_space<hbm>>) target(%dma_start3A_620 : memref<128x128xf32, #tpu.memory_space<vmem>>) offsets(%dma_start3A_623 : memref<128xi32, #tpu.memory_space<vmem>>) semaphore(%arg10 : memref<!tpu.dma_semaphore, #tpu.memory_space<semaphore_mem>>)
      %dma_start3A_627 = arith.constant 0 : i32
      %dma_start3A_628 = arith.constant 0 : i32
      %dma_start3A_629 = arith.constant 0 : i32
      %dma_start3A_630 = arith.constant 0 : i32
      %dma_start3A_631 = tpu.memref_slice %arg8[%dma_start3A_627, %dma_start3A_629, %dma_start3A_630] : memref<2x128x128xf32, #tpu.memory_space<vmem>> -> memref<1x128x128xf32, #tpu.memory_space<vmem>>
      %dma_start3A_632 = tpu.memref_squeeze %dma_start3A_631 : memref<1x128x128xf32, #tpu.memory_space<vmem>> -> memref<128x128xf32, #tpu.memory_space<vmem>>
      %dma_start3A_633 = arith.constant 0 : i32
      %dma_start3A_634 = tpu.memref_slice %arg7[%dma_start3A_628, %mul3A_587, %dma_start3A_633] : memref<2x14x128xi32, #tpu.memory_space<vmem>> -> memref<1x1x128xi32, #tpu.memory_space<vmem>>
      %dma_start3A_635 = tpu.memref_squeeze %dma_start3A_634 : memref<1x1x128xi32, #tpu.memory_space<vmem>> -> memref<128xi32, #tpu.memory_space<vmem>>
      %dma_start3A_636 = arith.constant 0 : i32
      %dma_start3A_637 = arith.constant 0 : i32
      %dma_start3A_638 = tpu.memref_slice %arg9[%dma_start3A_636, %dma_start3A_637] : memref<10240x128xf32, #tpu.memory_space<vmem_shared>> -> memref<10240x128xf32, #tpu.memory_space<vmem_shared>>
      tpu.enqueue_indirect_dma source(%dma_start3A_632 : memref<128x128xf32, #tpu.memory_space<vmem>>) target(%dma_start3A_638 : memref<10240x128xf32, #tpu.memory_space<vmem_shared>>) offsets(%dma_start3A_635 : memref<128xi32, #tpu.memory_space<vmem>>) semaphore(%arg12 : memref<!tpu.dma_semaphore, #tpu.memory_space<semaphore_mem>>) {add = true}
      %dma_wait3A_639 = arith.constant 0 : i32
      %dma_wait3A_640 = arith.constant 1 : i32
      %dma_wait3A_641 = arith.constant 0 : i32
      %dma_wait3A_642 = arith.constant 0 : i32
      %dma_wait3A_643 = tpu.memref_slice %arg8[%dma_wait3A_640, %dma_wait3A_641, %dma_wait3A_642] : memref<2x128x128xf32, #tpu.memory_space<vmem>> -> memref<1x128x128xf32, #tpu.memory_space<vmem>>
      %dma_wait3A_644 = tpu.memref_squeeze %dma_wait3A_643 : memref<1x128x128xf32, #tpu.memory_space<vmem>> -> memref<128x128xf32, #tpu.memory_space<vmem>>
      %dma_wait3A_645 = arith.constant 0 : i32
      %dma_wait3A_646 = tpu.memref_slice %arg6[%dma_wait3A_639, %add3A_589, %dma_wait3A_645] : memref<2x14x128xi32, #tpu.memory_space<vmem>> -> memref<1x1x128xi32, #tpu.memory_space<vmem>>
      %dma_wait3A_647 = tpu.memref_squeeze %dma_wait3A_646 : memref<1x1x128xi32, #tpu.memory_space<vmem>> -> memref<128xi32, #tpu.memory_space<vmem>>
      %dma_wait3A_648 = arith.constant 0 : i32
      %dma_wait3A_649 = arith.constant 0 : i32
      %dma_wait3A_650 = tpu.memref_slice %arg2[%dma_wait3A_648, %dma_wait3A_649] : memref<10240x128xf32, #tpu.memory_space<hbm>> -> memref<10240x128xf32, #tpu.memory_space<hbm>>
      tpu.wait_indirect_dma semaphore(%arg10 : memref<!tpu.dma_semaphore, #tpu.memory_space<semaphore_mem>>) src(%dma_wait3A_650 : memref<10240x128xf32, #tpu.memory_space<hbm>>) dst(%dma_wait3A_644 : memref<128x128xf32, #tpu.memory_space<vmem>>)
      %dma_wait3A_651 = arith.constant 0 : i32
      %dma_wait3A_652 = arith.constant 0 : i32
      %dma_wait3A_653 = arith.constant 0 : i32
      %dma_wait3A_654 = arith.constant 0 : i32
      %dma_wait3A_655 = arith.constant 0 : i32
      %dma_wait3A_656 = tpu.memref_slice %arg8[%dma_wait3A_651, %dma_wait3A_654, %dma_wait3A_655] : memref<2x128x128xf32, #tpu.memory_space<vmem>> -> memref<1x128x128xf32, #tpu.memory_space<vmem>>
      %dma_wait3A_657 = tpu.memref_squeeze %dma_wait3A_656 : memref<1x128x128xf32, #tpu.memory_space<vmem>> -> memref<128x128xf32, #tpu.memory_space<vmem>>
      %dma_wait3A_658 = arith.constant 0 : i32
      %dma_wait3A_659 = tpu.memref_slice %arg7[%dma_wait3A_652, %dma_wait3A_653, %dma_wait3A_658] : memref<2x14x128xi32, #tpu.memory_space<vmem>> -> memref<1x1x128xi32, #tpu.memory_space<vmem>>
      %dma_wait3A_660 = tpu.memref_squeeze %dma_wait3A_659 : memref<1x1x128xi32, #tpu.memory_space<vmem>> -> memref<128xi32, #tpu.memory_space<vmem>>
      %dma_wait3A_661 = arith.constant 0 : i32
      %dma_wait3A_662 = arith.constant 0 : i32
      %dma_wait3A_663 = tpu.memref_slice %arg9[%dma_wait3A_661, %dma_wait3A_662] : memref<10240x128xf32, #tpu.memory_space<vmem_shared>> -> memref<10240x128xf32, #tpu.memory_space<vmem_shared>>
      tpu.wait_indirect_dma semaphore(%arg12 : memref<!tpu.dma_semaphore, #tpu.memory_space<semaphore_mem>>) src(%dma_wait3A_657 : memref<128x128xf32, #tpu.memory_space<vmem>>) dst(%dma_wait3A_663 : memref<10240x128xf32, #tpu.memory_space<vmem_shared>>)
      %add3A_664 = arith.constant 1 : i32
      %add3A_665 = arith.addi %add3A_589, %add3A_664 : i32
      %dma_start3A_666 = arith.constant 0 : i32
      %dma_start3A_667 = arith.constant 0 : i32
      %dma_start3A_668 = arith.constant 0 : i32
      %dma_start3A_669 = arith.constant 0 : i32
      %dma_start3A_670 = tpu.memref_slice %arg8[%dma_start3A_667, %dma_start3A_668, %dma_start3A_669] : memref<2x128x128xf32, #tpu.memory_space<vmem>> -> memref<1x128x128xf32, #tpu.memory_space<vmem>>
      %dma_start3A_671 = tpu.memref_squeeze %dma_start3A_670 : memref<1x128x128xf32, #tpu.memory_space<vmem>> -> memref<128x128xf32, #tpu.memory_space<vmem>>
      %dma_start3A_672 = arith.constant 0 : i32
      %dma_start3A_673 = tpu.memref_slice %arg6[%dma_start3A_666, %add3A_665, %dma_start3A_672] : memref<2x14x128xi32, #tpu.memory_space<vmem>> -> memref<1x1x128xi32, #tpu.memory_space<vmem>>
      %dma_start3A_674 = tpu.memref_squeeze %dma_start3A_673 : memref<1x1x128xi32, #tpu.memory_space<vmem>> -> memref<128xi32, #tpu.memory_space<vmem>>
      %dma_start3A_675 = arith.constant 0 : i32
      %dma_start3A_676 = arith.constant 0 : i32
      %dma_start3A_677 = tpu.memref_slice %arg2[%dma_start3A_675, %dma_start3A_676] : memref<10240x128xf32, #tpu.memory_space<hbm>> -> memref<10240x128xf32, #tpu.memory_space<hbm>>
      tpu.enqueue_indirect_dma source(%dma_start3A_677 : memref<10240x128xf32, #tpu.memory_space<hbm>>) target(%dma_start3A_671 : memref<128x128xf32, #tpu.memory_space<vmem>>) offsets(%dma_start3A_674 : memref<128xi32, #tpu.memory_space<vmem>>) semaphore(%arg10 : memref<!tpu.dma_semaphore, #tpu.memory_space<semaphore_mem>>)
      %dma_start3A_678 = arith.constant 1 : i32
      %dma_start3A_679 = arith.constant 0 : i32
      %dma_start3A_680 = arith.constant 0 : i32
      %dma_start3A_681 = arith.constant 0 : i32
      %dma_start3A_682 = tpu.memref_slice %arg8[%dma_start3A_678, %dma_start3A_680, %dma_start3A_681] : memref<2x128x128xf32, #tpu.memory_space<vmem>> -> memref<1x128x128xf32, #tpu.memory_space<vmem>>
      %dma_start3A_683 = tpu.memref_squeeze %dma_start3A_682 : memref<1x128x128xf32, #tpu.memory_space<vmem>> -> memref<128x128xf32, #tpu.memory_space<vmem>>
      %dma_start3A_684 = arith.constant 0 : i32
      %dma_start3A_685 = tpu.memref_slice %arg7[%dma_start3A_679, %add3A_589, %dma_start3A_684] : memref<2x14x128xi32, #tpu.memory_space<vmem>> -> memref<1x1x128xi32, #tpu.memory_space<vmem>>
      %dma_start3A_686 = tpu.memref_squeeze %dma_start3A_685 : memref<1x1x128xi32, #tpu.memory_space<vmem>> -> memref<128xi32, #tpu.memory_space<vmem>>
      %dma_start3A_687 = arith.constant 0 : i32
      %dma_start3A_688 = arith.constant 0 : i32
      %dma_start3A_689 = tpu.memref_slice %arg9[%dma_start3A_687, %dma_start3A_688] : memref<10240x128xf32, #tpu.memory_space<vmem_shared>> -> memref<10240x128xf32, #tpu.memory_space<vmem_shared>>
      tpu.enqueue_indirect_dma source(%dma_start3A_683 : memref<128x128xf32, #tpu.memory_space<vmem>>) target(%dma_start3A_689 : memref<10240x128xf32, #tpu.memory_space<vmem_shared>>) offsets(%dma_start3A_686 : memref<128xi32, #tpu.memory_space<vmem>>) semaphore(%arg12 : memref<!tpu.dma_semaphore, #tpu.memory_space<semaphore_mem>>) {add = true}
    }
    %scan3A_477 = arith.constant 6 : i32
    %dma_wait3A_478 = arith.constant 0 : i32
    %dma_wait3A_479 = arith.constant 12 : i32
    %dma_wait3A_480 = arith.constant 0 : i32
    %dma_wait3A_481 = arith.constant 0 : i32
    %dma_wait3A_482 = arith.constant 0 : i32
    %dma_wait3A_483 = tpu.memref_slice %arg8[%dma_wait3A_480, %dma_wait3A_481, %dma_wait3A_482] : memref<2x128x128xf32, #tpu.memory_space<vmem>> -> memref<1x128x128xf32, #tpu.memory_space<vmem>>
    %dma_wait3A_484 = tpu.memref_squeeze %dma_wait3A_483 : memref<1x128x128xf32, #tpu.memory_space<vmem>> -> memref<128x128xf32, #tpu.memory_space<vmem>>
    %dma_wait3A_485 = arith.constant 0 : i32
    %dma_wait3A_486 = tpu.memref_slice %arg6[%dma_wait3A_478, %dma_wait3A_479, %dma_wait3A_485] : memref<2x14x128xi32, #tpu.memory_space<vmem>> -> memref<1x1x128xi32, #tpu.memory_space<vmem>>
    %dma_wait3A_487 = tpu.memref_squeeze %dma_wait3A_486 : memref<1x1x128xi32, #tpu.memory_space<vmem>> -> memref<128xi32, #tpu.memory_space<vmem>>
    %dma_wait3A_488 = arith.constant 0 : i32
    %dma_wait3A_489 = arith.constant 0 : i32
    %dma_wait3A_490 = tpu.memref_slice %arg2[%dma_wait3A_488, %dma_wait3A_489] : memref<10240x128xf32, #tpu.memory_space<hbm>> -> memref<10240x128xf32, #tpu.memory_space<hbm>>
    tpu.wait_indirect_dma semaphore(%arg10 : memref<!tpu.dma_semaphore, #tpu.memory_space<semaphore_mem>>) src(%dma_wait3A_490 : memref<10240x128xf32, #tpu.memory_space<hbm>>) dst(%dma_wait3A_484 : memref<128x128xf32, #tpu.memory_space<vmem>>)
    %dma_wait3A_491 = arith.constant 1 : i32
    %dma_wait3A_492 = arith.constant 0 : i32
    %dma_wait3A_493 = arith.constant 0 : i32
    %dma_wait3A_494 = arith.constant 0 : i32
    %dma_wait3A_495 = arith.constant 0 : i32
    %dma_wait3A_496 = tpu.memref_slice %arg8[%dma_wait3A_491, %dma_wait3A_494, %dma_wait3A_495] : memref<2x128x128xf32, #tpu.memory_space<vmem>> -> memref<1x128x128xf32, #tpu.memory_space<vmem>>
    %dma_wait3A_497 = tpu.memref_squeeze %dma_wait3A_496 : memref<1x128x128xf32, #tpu.memory_space<vmem>> -> memref<128x128xf32, #tpu.memory_space<vmem>>
    %dma_wait3A_498 = arith.constant 0 : i32
    %dma_wait3A_499 = tpu.memref_slice %arg7[%dma_wait3A_492, %dma_wait3A_493, %dma_wait3A_498] : memref<2x14x128xi32, #tpu.memory_space<vmem>> -> memref<1x1x128xi32, #tpu.memory_space<vmem>>
    %dma_wait3A_500 = tpu.memref_squeeze %dma_wait3A_499 : memref<1x1x128xi32, #tpu.memory_space<vmem>> -> memref<128xi32, #tpu.memory_space<vmem>>
    %dma_wait3A_501 = arith.constant 0 : i32
    %dma_wait3A_502 = arith.constant 0 : i32
    %dma_wait3A_503 = tpu.memref_slice %arg9[%dma_wait3A_501, %dma_wait3A_502] : memref<10240x128xf32, #tpu.memory_space<vmem_shared>> -> memref<10240x128xf32, #tpu.memory_space<vmem_shared>>
    tpu.wait_indirect_dma semaphore(%arg12 : memref<!tpu.dma_semaphore, #tpu.memory_space<semaphore_mem>>) src(%dma_wait3A_497 : memref<128x128xf32, #tpu.memory_space<vmem>>) dst(%dma_wait3A_503 : memref<10240x128xf32, #tpu.memory_space<vmem_shared>>)
    %dma_start3A_504 = arith.constant 0 : i32
    %dma_start3A_505 = arith.constant 13 : i32
    %dma_start3A_506 = arith.constant 1 : i32
    %dma_start3A_507 = arith.constant 0 : i32
    %dma_start3A_508 = arith.constant 0 : i32
    %dma_start3A_509 = tpu.memref_slice %arg8[%dma_start3A_506, %dma_start3A_507, %dma_start3A_508] : memref<2x128x128xf32, #tpu.memory_space<vmem>> -> memref<1x128x128xf32, #tpu.memory_space<vmem>>
    %dma_start3A_510 = tpu.memref_squeeze %dma_start3A_509 : memref<1x128x128xf32, #tpu.memory_space<vmem>> -> memref<128x128xf32, #tpu.memory_space<vmem>>
    %dma_start3A_511 = arith.constant 0 : i32
    %dma_start3A_512 = tpu.memref_slice %arg6[%dma_start3A_504, %dma_start3A_505, %dma_start3A_511] : memref<2x14x128xi32, #tpu.memory_space<vmem>> -> memref<1x1x128xi32, #tpu.memory_space<vmem>>
    %dma_start3A_513 = tpu.memref_squeeze %dma_start3A_512 : memref<1x1x128xi32, #tpu.memory_space<vmem>> -> memref<128xi32, #tpu.memory_space<vmem>>
    %dma_start3A_514 = arith.constant 0 : i32
    %dma_start3A_515 = arith.constant 0 : i32
    %dma_start3A_516 = tpu.memref_slice %arg2[%dma_start3A_514, %dma_start3A_515] : memref<10240x128xf32, #tpu.memory_space<hbm>> -> memref<10240x128xf32, #tpu.memory_space<hbm>>
    tpu.enqueue_indirect_dma source(%dma_start3A_516 : memref<10240x128xf32, #tpu.memory_space<hbm>>) target(%dma_start3A_510 : memref<128x128xf32, #tpu.memory_space<vmem>>) offsets(%dma_start3A_513 : memref<128xi32, #tpu.memory_space<vmem>>) semaphore(%arg10 : memref<!tpu.dma_semaphore, #tpu.memory_space<semaphore_mem>>)
    %dma_start3A_517 = arith.constant 0 : i32
    %dma_start3A_518 = arith.constant 0 : i32
    %dma_start3A_519 = arith.constant 12 : i32
    %dma_start3A_520 = arith.constant 0 : i32
    %dma_start3A_521 = arith.constant 0 : i32
    %dma_start3A_522 = tpu.memref_slice %arg8[%dma_start3A_517, %dma_start3A_520, %dma_start3A_521] : memref<2x128x128xf32, #tpu.memory_space<vmem>> -> memref<1x128x128xf32, #tpu.memory_space<vmem>>
    %dma_start3A_523 = tpu.memref_squeeze %dma_start3A_522 : memref<1x128x128xf32, #tpu.memory_space<vmem>> -> memref<128x128xf32, #tpu.memory_space<vmem>>
    %dma_start3A_524 = arith.constant 0 : i32
    %dma_start3A_525 = tpu.memref_slice %arg7[%dma_start3A_518, %dma_start3A_519, %dma_start3A_524] : memref<2x14x128xi32, #tpu.memory_space<vmem>> -> memref<1x1x128xi32, #tpu.memory_space<vmem>>
    %dma_start3A_526 = tpu.memref_squeeze %dma_start3A_525 : memref<1x1x128xi32, #tpu.memory_space<vmem>> -> memref<128xi32, #tpu.memory_space<vmem>>
    %dma_start3A_527 = arith.constant 0 : i32
    %dma_start3A_528 = arith.constant 0 : i32
    %dma_start3A_529 = tpu.memref_slice %arg9[%dma_start3A_527, %dma_start3A_528] : memref<10240x128xf32, #tpu.memory_space<vmem_shared>> -> memref<10240x128xf32, #tpu.memory_space<vmem_shared>>
    tpu.enqueue_indirect_dma source(%dma_start3A_523 : memref<128x128xf32, #tpu.memory_space<vmem>>) target(%dma_start3A_529 : memref<10240x128xf32, #tpu.memory_space<vmem_shared>>) offsets(%dma_start3A_526 : memref<128xi32, #tpu.memory_space<vmem>>) semaphore(%arg12 : memref<!tpu.dma_semaphore, #tpu.memory_space<semaphore_mem>>) {add = true}
    %dma_wait3A_530 = arith.constant 0 : i32
    %dma_wait3A_531 = arith.constant 13 : i32
    %dma_wait3A_532 = arith.constant 1 : i32
    %dma_wait3A_533 = arith.constant 0 : i32
    %dma_wait3A_534 = arith.constant 0 : i32
    %dma_wait3A_535 = tpu.memref_slice %arg8[%dma_wait3A_532, %dma_wait3A_533, %dma_wait3A_534] : memref<2x128x128xf32, #tpu.memory_space<vmem>> -> memref<1x128x128xf32, #tpu.memory_space<vmem>>
    %dma_wait3A_536 = tpu.memref_squeeze %dma_wait3A_535 : memref<1x128x128xf32, #tpu.memory_space<vmem>> -> memref<128x128xf32, #tpu.memory_space<vmem>>
    %dma_wait3A_537 = arith.constant 0 : i32
    %dma_wait3A_538 = tpu.memref_slice %arg6[%dma_wait3A_530, %dma_wait3A_531, %dma_wait3A_537] : memref<2x14x128xi32, #tpu.memory_space<vmem>> -> memref<1x1x128xi32, #tpu.memory_space<vmem>>
    %dma_wait3A_539 = tpu.memref_squeeze %dma_wait3A_538 : memref<1x1x128xi32, #tpu.memory_space<vmem>> -> memref<128xi32, #tpu.memory_space<vmem>>
    %dma_wait3A_540 = arith.constant 0 : i32
    %dma_wait3A_541 = arith.constant 0 : i32
    %dma_wait3A_542 = tpu.memref_slice %arg2[%dma_wait3A_540, %dma_wait3A_541] : memref<10240x128xf32, #tpu.memory_space<hbm>> -> memref<10240x128xf32, #tpu.memory_space<hbm>>
    tpu.wait_indirect_dma semaphore(%arg10 : memref<!tpu.dma_semaphore, #tpu.memory_space<semaphore_mem>>) src(%dma_wait3A_542 : memref<10240x128xf32, #tpu.memory_space<hbm>>) dst(%dma_wait3A_536 : memref<128x128xf32, #tpu.memory_space<vmem>>)
    %dma_wait3A_543 = arith.constant 0 : i32
    %dma_wait3A_544 = arith.constant 0 : i32
    %dma_wait3A_545 = arith.constant 0 : i32
    %dma_wait3A_546 = arith.constant 0 : i32
    %dma_wait3A_547 = arith.constant 0 : i32
    %dma_wait3A_548 = tpu.memref_slice %arg8[%dma_wait3A_543, %dma_wait3A_546, %dma_wait3A_547] : memref<2x128x128xf32, #tpu.memory_space<vmem>> -> memref<1x128x128xf32, #tpu.memory_space<vmem>>
    %dma_wait3A_549 = tpu.memref_squeeze %dma_wait3A_548 : memref<1x128x128xf32, #tpu.memory_space<vmem>> -> memref<128x128xf32, #tpu.memory_space<vmem>>
    %dma_wait3A_550 = arith.constant 0 : i32
    %dma_wait3A_551 = tpu.memref_slice %arg7[%dma_wait3A_544, %dma_wait3A_545, %dma_wait3A_550] : memref<2x14x128xi32, #tpu.memory_space<vmem>> -> memref<1x1x128xi32, #tpu.memory_space<vmem>>
    %dma_wait3A_552 = tpu.memref_squeeze %dma_wait3A_551 : memref<1x1x128xi32, #tpu.memory_space<vmem>> -> memref<128xi32, #tpu.memory_space<vmem>>
    %dma_wait3A_553 = arith.constant 0 : i32
    %dma_wait3A_554 = arith.constant 0 : i32
    %dma_wait3A_555 = tpu.memref_slice %arg9[%dma_wait3A_553, %dma_wait3A_554] : memref<10240x128xf32, #tpu.memory_space<vmem_shared>> -> memref<10240x128xf32, #tpu.memory_space<vmem_shared>>
    tpu.wait_indirect_dma semaphore(%arg12 : memref<!tpu.dma_semaphore, #tpu.memory_space<semaphore_mem>>) src(%dma_wait3A_549 : memref<128x128xf32, #tpu.memory_space<vmem>>) dst(%dma_wait3A_555 : memref<10240x128xf32, #tpu.memory_space<vmem_shared>>)
    %dma_start3A_556 = arith.constant 1 : i32
    %dma_start3A_557 = arith.constant 0 : i32
    %dma_start3A_558 = arith.constant 13 : i32
    %dma_start3A_559 = arith.constant 0 : i32
    %dma_start3A_560 = arith.constant 0 : i32
    %dma_start3A_561 = tpu.memref_slice %arg8[%dma_start3A_556, %dma_start3A_559, %dma_start3A_560] : memref<2x128x128xf32, #tpu.memory_space<vmem>> -> memref<1x128x128xf32, #tpu.memory_space<vmem>>
    %dma_start3A_562 = tpu.memref_squeeze %dma_start3A_561 : memref<1x128x128xf32, #tpu.memory_space<vmem>> -> memref<128x128xf32, #tpu.memory_space<vmem>>
    %dma_start3A_563 = arith.constant 0 : i32
    %dma_start3A_564 = tpu.memref_slice %arg7[%dma_start3A_557, %dma_start3A_558, %dma_start3A_563] : memref<2x14x128xi32, #tpu.memory_space<vmem>> -> memref<1x1x128xi32, #tpu.memory_space<vmem>>
    %dma_start3A_565 = tpu.memref_squeeze %dma_start3A_564 : memref<1x1x128xi32, #tpu.memory_space<vmem>> -> memref<128xi32, #tpu.memory_space<vmem>>
    %dma_start3A_566 = arith.constant 0 : i32
    %dma_start3A_567 = arith.constant 0 : i32
    %dma_start3A_568 = tpu.memref_slice %arg9[%dma_start3A_566, %dma_start3A_567] : memref<10240x128xf32, #tpu.memory_space<vmem_shared>> -> memref<10240x128xf32, #tpu.memory_space<vmem_shared>>
    tpu.enqueue_indirect_dma source(%dma_start3A_562 : memref<128x128xf32, #tpu.memory_space<vmem>>) target(%dma_start3A_568 : memref<10240x128xf32, #tpu.memory_space<vmem_shared>>) offsets(%dma_start3A_565 : memref<128xi32, #tpu.memory_space<vmem>>) semaphore(%arg12 : memref<!tpu.dma_semaphore, #tpu.memory_space<semaphore_mem>>) {add = true}
    %dma_wait3A_569 = arith.constant 1 : i32
    %dma_wait3A_570 = arith.constant 0 : i32
    %dma_wait3A_571 = arith.constant 0 : i32
    %dma_wait3A_572 = arith.constant 0 : i32
    %dma_wait3A_573 = arith.constant 0 : i32
    %dma_wait3A_574 = tpu.memref_slice %arg8[%dma_wait3A_569, %dma_wait3A_572, %dma_wait3A_573] : memref<2x128x128xf32, #tpu.memory_space<vmem>> -> memref<1x128x128xf32, #tpu.memory_space<vmem>>
    %dma_wait3A_575 = tpu.memref_squeeze %dma_wait3A_574 : memref<1x128x128xf32, #tpu.memory_space<vmem>> -> memref<128x128xf32, #tpu.memory_space<vmem>>
    %dma_wait3A_576 = arith.constant 0 : i32
    %dma_wait3A_577 = tpu.memref_slice %arg7[%dma_wait3A_570, %dma_wait3A_571, %dma_wait3A_576] : memref<2x14x128xi32, #tpu.memory_space<vmem>> -> memref<1x1x128xi32, #tpu.memory_space<vmem>>
    %dma_wait3A_578 = tpu.memref_squeeze %dma_wait3A_577 : memref<1x1x128xi32, #tpu.memory_space<vmem>> -> memref<128xi32, #tpu.memory_space<vmem>>
    %dma_wait3A_579 = arith.constant 0 : i32
    %dma_wait3A_580 = arith.constant 0 : i32
    %dma_wait3A_581 = tpu.memref_slice %arg9[%dma_wait3A_579, %dma_wait3A_580] : memref<10240x128xf32, #tpu.memory_space<vmem_shared>> -> memref<10240x128xf32, #tpu.memory_space<vmem_shared>>
    tpu.wait_indirect_dma semaphore(%arg12 : memref<!tpu.dma_semaphore, #tpu.memory_space<semaphore_mem>>) src(%dma_wait3A_575 : memref<128x128xf32, #tpu.memory_space<vmem>>) dst(%dma_wait3A_581 : memref<10240x128xf32, #tpu.memory_space<vmem_shared>>)
    %barrier3A_582 = arith.constant 0 : index
    tpu.barrier barrier_id(%barrier3A_582)
    %mul3A_583 = arith.constant 640 : i32
    %mul3A_584 = arith.muli %arg1, %mul3A_583 : i32
    "tpu.region"() ({
      %run_scoped3A = tpu.sem_alloc : memref<!tpu.dma_semaphore, #tpu.memory_space<semaphore_mem>>
      %dma_start3A_585 = arith.constant 0 : i32
      %dma_start3A_586 = tpu.memref_slice %arg5[%arg0, %mul3A_584, %dma_start3A_585] : memref<2x10240x128xf32, #tpu.memory_space<hbm>> -> memref<1x640x128xf32, #tpu.memory_space<hbm>>
      %dma_start3A_587 = tpu.memref_squeeze %dma_start3A_586 : memref<1x640x128xf32, #tpu.memory_space<hbm>> -> memref<640x128xf32, #tpu.memory_space<hbm>>
      %dma_start3A_588 = arith.constant 0 : i32
      %dma_start3A_589 = tpu.memref_slice %arg9[%mul3A_584, %dma_start3A_588] : memref<10240x128xf32, #tpu.memory_space<vmem_shared>> -> memref<640x128xf32, #tpu.memory_space<vmem_shared>>
      tpu.enqueue_dma source(%dma_start3A_589 : memref<640x128xf32, #tpu.memory_space<vmem_shared>>) target(%dma_start3A_587 : memref<640x128xf32, #tpu.memory_space<hbm>>) target_semaphore(%run_scoped3A : memref<!tpu.dma_semaphore, #tpu.memory_space<semaphore_mem>>)
      %dma_wait3A_590 = arith.constant 0 : i32
      %dma_wait3A_591 = tpu.memref_slice %arg5[%arg0, %mul3A_584, %dma_wait3A_590] : memref<2x10240x128xf32, #tpu.memory_space<hbm>> -> memref<1x640x128xf32, #tpu.memory_space<hbm>>
      %dma_wait3A_592 = tpu.memref_squeeze %dma_wait3A_591 : memref<1x640x128xf32, #tpu.memory_space<hbm>> -> memref<640x128xf32, #tpu.memory_space<hbm>>
      %dma_wait3A_593 = arith.constant 0 : i32
      %dma_wait3A_594 = tpu.memref_slice %arg9[%mul3A_584, %dma_wait3A_593] : memref<10240x128xf32, #tpu.memory_space<vmem_shared>> -> memref<640x128xf32, #tpu.memory_space<vmem_shared>>
      tpu.wait_dma2 semaphore(%run_scoped3A : memref<!tpu.dma_semaphore, #tpu.memory_space<semaphore_mem>>) src(%dma_wait3A_594 : memref<640x128xf32, #tpu.memory_space<vmem_shared>>) dst(%dma_wait3A_592 : memref<640x128xf32, #tpu.memory_space<hbm>>)
      tpu.yield
    }) : () -> ()
    return
  }
}

module attributes {stable_mosaic.version = 14 : i64} {
  func.func @_scale_body(%arg0: i32, %arg1: i32, %arg2: memref<32x2048xf32, #tpu.memory_space<vmem>>, %arg3: memref<2048x128xf32, #tpu.memory_space<vmem>>, %arg4: memref<2048x128xf32, #tpu.memory_space<vmem>>, %arg5: memref<2048x1xf32, #tpu.memory_space<vmem>>) attributes {dimension_semantics = [#tpu.dimension_semantics<arbitrary>, #tpu.dimension_semantics<arbitrary>], iteration_bounds = array<i64: 2, 5>, scalar_prefetch = 0 : i64, scratch_operands = 0 : i64, tpu.core_type = #tpu.core_type<tc>, window_params = [{transform_indices = @transform_0, window_bounds = array<i64: 32, 2048>}, {transform_indices = @transform_1, window_bounds = array<i64: 2048, 128>}, {transform_indices = @transform_2, window_bounds = array<i64: 2048, 128>}, {transform_indices = @transform_3, window_bounds = array<i64: 2048, 1>}]} {
    %get3A = arith.constant 0 : index
    %get3A_0 = arith.constant 0 : index
    %get3A_1 = vector.load %arg2[%get3A, %get3A_0] : memref<32x2048xf32, #tpu.memory_space<vmem>>, vector<32x2048xf32>
    %reduce_sum3A = arith.constant dense<0.000000e+00> : vector<2048xf32>
    %reduce_sum3A_2 = vector.multi_reduction <add>, %get3A_1, %reduce_sum3A [0] : vector<32x2048xf32> to vector<2048xf32>
    %gt3A = arith.constant 0.000000e+00 : f32
    %gt3A_3 = vector.broadcast %gt3A : f32 to vector<2048xf32>
    %gt3A_4 = arith.cmpf ogt, %reduce_sum3A_2, %gt3A_3 : vector<2048xf32>
    %rsqrt3A = math.rsqrt %reduce_sum3A_2 : vector<2048xf32>
    %jit3A = arith.constant 0.000000e+00 : f32
    %broadcast_in_dim3A = vector.broadcast %jit3A : f32 to vector<2048xf32>
    %select_n3A = arith.select %gt3A_4, %rsqrt3A, %broadcast_in_dim3A : vector<2048xi1>, vector<2048xf32>
    %get3A_5 = arith.constant 0 : index
    %get3A_6 = arith.constant 0 : index
    %get3A_7 = vector.load %arg3[%get3A_5, %get3A_6] : memref<2048x128xf32, #tpu.memory_space<vmem>>, vector<2048x128xf32>
    %broadcast_in_dim3A_8 = vector.shape_cast %select_n3A : vector<2048xf32> to vector<2048x1xf32>
    %mul3A = vector.broadcast %broadcast_in_dim3A_8 : vector<2048x1xf32> to vector<2048x128xf32>
    %mul3A_9 = arith.mulf %get3A_7, %mul3A : vector<2048x128xf32>
    %swap3A = arith.constant 0 : index
    %swap3A_10 = arith.constant 0 : index
    %swap3A_11 = vector.load %arg4[%swap3A, %swap3A_10] : memref<2048x128xf32, #tpu.memory_space<vmem>>, vector<2048x128xf32>
    tpu.vector_store %arg4[%swap3A, %swap3A_10], %mul3A_9 {strides = array<i32>} : memref<2048x128xf32, #tpu.memory_space<vmem>>, vector<2048x128xf32>,
    %broadcast_in_dim3A_12 = vector.shape_cast %select_n3A : vector<2048xf32> to vector<2048x1xf32>
    %swap3A_13 = arith.constant 0 : index
    %swap3A_14 = arith.constant 0 : index
    %swap3A_15 = vector.load %arg5[%swap3A_13, %swap3A_14] : memref<2048x1xf32, #tpu.memory_space<vmem>>, vector<2048x1xf32>
    tpu.vector_store %arg5[%swap3A_13, %swap3A_14], %broadcast_in_dim3A_12 {strides = array<i32>} : memref<2048x1xf32, #tpu.memory_space<vmem>>, vector<2048x1xf32>,
    return
  }
  func.func @transform_0(%arg0: i32, %arg1: i32) -> (i32, i32) {
    %c0_i32 = arith.constant 0 : i32
    %c0_i32_0 = arith.constant 0 : i32
    return %c0_i32, %arg1 : i32, i32
  }
  func.func @transform_1(%arg0: i32, %arg1: i32) -> (i32, i32) {
    %c0_i32 = arith.constant 0 : i32
    return %arg1, %arg0 : i32, i32
  }
  func.func @transform_2(%arg0: i32, %arg1: i32) -> (i32, i32) {
    %mul3A = arith.constant 5 : i32
    %mul3A_0 = arith.muli %arg0, %mul3A : i32
    %add3A = arith.addi %mul3A_0, %arg1 : i32
    %c0_i32 = arith.constant 0 : i32
    %c0_i32_1 = arith.constant 0 : i32
    return %add3A, %c0_i32 : i32, i32
  }
  func.func @transform_3(%arg0: i32, %arg1: i32) -> (i32, i32) {
    %c0_i32 = arith.constant 0 : i32
    %c0_i32_0 = arith.constant 0 : i32
    return %arg1, %c0_i32 : i32, i32
  }
}

module attributes {stable_mosaic.version = 14 : i64} {
  func.func @_mlp_body(%arg0: i32, %arg1: memref<2x2048x128xf32, #tpu.memory_space<vmem>>, %arg2: memref<2048x1xf32, #tpu.memory_space<vmem>>, %arg3: memref<2x128x512xf32, #tpu.memory_space<vmem>>, %arg4: memref<1x512xf32, #tpu.memory_space<vmem>>, %arg5: memref<512x128xf32, #tpu.memory_space<vmem>>, %arg6: memref<2048x128xf32, #tpu.memory_space<vmem>>) attributes {dimension_semantics = [#tpu.dimension_semantics<arbitrary>], iteration_bounds = array<i64: 5>, scalar_prefetch = 0 : i64, scratch_operands = 0 : i64, tpu.core_type = #tpu.core_type<tc>, window_params = [{transform_indices = @transform_0, window_bounds = array<i64: 2, 2048, 128>}, {transform_indices = @transform_1, window_bounds = array<i64: 2048, 1>}, {pipeline_mode = #tpu.pipeline_mode<synchronous>, transform_indices = @transform_2, window_bounds = array<i64: 2, 128, 512>}, {pipeline_mode = #tpu.pipeline_mode<synchronous>, transform_indices = @transform_3, window_bounds = array<i64: 1, 512>}, {pipeline_mode = #tpu.pipeline_mode<synchronous>, transform_indices = @transform_4, window_bounds = array<i64: 512, 128>}, {transform_indices = @transform_5, window_bounds = array<i64: 2048, 128>}]} {
    %get3A = arith.constant 0 : index
    %get3A_0 = arith.constant 0 : index
    %get3A_1 = vector.load %arg2[%get3A, %get3A_0] : memref<2048x1xf32, #tpu.memory_space<vmem>>, vector<2048x1xf32>
    %get3A_2 = arith.constant 0 : index
    %get3A_3 = arith.constant 0 : index
    %get3A_4 = arith.constant 0 : index
    %get3A_5 = vector.load %arg1[%get3A_2, %get3A_3, %get3A_4] : memref<2x2048x128xf32, #tpu.memory_space<vmem>>, vector<1x2048x128xf32>
    %get3A_6 = vector.shape_cast %get3A_5 : vector<1x2048x128xf32> to vector<2048x128xf32>
    %mul3A = vector.broadcast %get3A_1 : vector<2048x1xf32> to vector<2048x128xf32>
    %mul3A_7 = arith.mulf %get3A_6, %mul3A : vector<2048x128xf32>
    %get3A_8 = arith.constant 0 : index
    %get3A_9 = arith.constant 0 : index
    %get3A_10 = arith.constant 0 : index
    %get3A_11 = vector.load %arg3[%get3A_8, %get3A_9, %get3A_10] : memref<2x128x512xf32, #tpu.memory_space<vmem>>, vector<1x128x512xf32>
    %get3A_12 = vector.shape_cast %get3A_11 : vector<1x128x512xf32> to vector<128x512xf32>
    %dot_general3A = arith.constant dense<0.000000e+00> : vector<2048x512xf32>
    %dot_general3A_13 = tpu.matmul %mul3A_7, %get3A_12, %dot_general3A {dimension_numbers = #tpu.dot_dimension_numbers<[1], [0], [0], [1], [0, 0, 1, 1], [], []>, transpose_lhs_hint = false} : vector<2048x128xf32>, vector<128x512xf32>, vector<2048x512xf32> -> vector<2048x512xf32>
    %get3A_14 = arith.constant 1 : index
    %get3A_15 = arith.constant 0 : index
    %get3A_16 = arith.constant 0 : index
    %get3A_17 = vector.load %arg1[%get3A_14, %get3A_15, %get3A_16] : memref<2x2048x128xf32, #tpu.memory_space<vmem>>, vector<1x2048x128xf32>
    %get3A_18 = vector.shape_cast %get3A_17 : vector<1x2048x128xf32> to vector<2048x128xf32>
    %mul3A_19 = vector.broadcast %get3A_1 : vector<2048x1xf32> to vector<2048x128xf32>
    %mul3A_20 = arith.mulf %get3A_18, %mul3A_19 : vector<2048x128xf32>
    %get3A_21 = arith.constant 1 : index
    %get3A_22 = arith.constant 0 : index
    %get3A_23 = arith.constant 0 : index
    %get3A_24 = vector.load %arg3[%get3A_21, %get3A_22, %get3A_23] : memref<2x128x512xf32, #tpu.memory_space<vmem>>, vector<1x128x512xf32>
    %get3A_25 = vector.shape_cast %get3A_24 : vector<1x128x512xf32> to vector<128x512xf32>
    %dot_general3A_26 = arith.constant dense<0.000000e+00> : vector<2048x512xf32>
    %dot_general3A_27 = tpu.matmul %mul3A_20, %get3A_25, %dot_general3A_26 {dimension_numbers = #tpu.dot_dimension_numbers<[1], [0], [0], [1], [0, 0, 1, 1], [], []>, transpose_lhs_hint = false} : vector<2048x128xf32>, vector<128x512xf32>, vector<2048x512xf32> -> vector<2048x512xf32>
    %add3A = arith.addf %dot_general3A_13, %dot_general3A_27 : vector<2048x512xf32>
    %get3A_28 = arith.constant 0 : index
    %get3A_29 = arith.constant 0 : index
    %get3A_30 = vector.load %arg4[%get3A_28, %get3A_29] : memref<1x512xf32, #tpu.memory_space<vmem>>, vector<1x512xf32>
    %add3A_31 = vector.broadcast %get3A_30 : vector<1x512xf32> to vector<2048x512xf32>
    %add3A_32 = arith.addf %add3A, %add3A_31 : vector<2048x512xf32>
    %max3A = arith.constant 0.000000e+00 : f32
    %max3A_33 = vector.broadcast %max3A : f32 to vector<2048x512xf32>
    %max3A_34 = arith.maximumf %add3A_32, %max3A_33 : vector<2048x512xf32>
    %get3A_35 = arith.constant 0 : index
    %get3A_36 = arith.constant 0 : index
    %get3A_37 = vector.load %arg5[%get3A_35, %get3A_36] : memref<512x128xf32, #tpu.memory_space<vmem>>, vector<512x128xf32>
    %dot_general3A_38 = arith.constant dense<0.000000e+00> : vector<2048x128xf32>
    %dot_general3A_39 = tpu.matmul %max3A_34, %get3A_37, %dot_general3A_38 {dimension_numbers = #tpu.dot_dimension_numbers<[1], [0], [0], [1], [0, 0, 1, 1], [], []>, transpose_lhs_hint = false} : vector<2048x512xf32>, vector<512x128xf32>, vector<2048x128xf32> -> vector<2048x128xf32>
    %mul3A_40 = vector.broadcast %get3A_1 : vector<2048x1xf32> to vector<2048x128xf32>
    %mul3A_41 = arith.mulf %dot_general3A_39, %mul3A_40 : vector<2048x128xf32>
    %swap3A = arith.constant 0 : index
    %swap3A_42 = arith.constant 0 : index
    %swap3A_43 = vector.load %arg6[%swap3A, %swap3A_42] : memref<2048x128xf32, #tpu.memory_space<vmem>>, vector<2048x128xf32>
    tpu.vector_store %arg6[%swap3A, %swap3A_42], %mul3A_41 {strides = array<i32>} : memref<2048x128xf32, #tpu.memory_space<vmem>>, vector<2048x128xf32>,
    return
  }
  func.func @transform_0(%arg0: i32) -> (i32, i32, i32) {
    %c0_i32 = arith.constant 0 : i32
    %c0_i32_0 = arith.constant 0 : i32
    %c0_i32_1 = arith.constant 0 : i32
    return %c0_i32, %arg0, %c0_i32_0 : i32, i32, i32
  }
  func.func @transform_1(%arg0: i32) -> (i32, i32) {
    %c0_i32 = arith.constant 0 : i32
    %c0_i32_0 = arith.constant 0 : i32
    return %arg0, %c0_i32 : i32, i32
  }
  func.func @transform_2(%arg0: i32) -> (i32, i32, i32) {
    %c0_i32 = arith.constant 0 : i32
    %c0_i32_0 = arith.constant 0 : i32
    %c0_i32_1 = arith.constant 0 : i32
    %c0_i32_2 = arith.constant 0 : i32
    return %c0_i32, %c0_i32_0, %c0_i32_1 : i32, i32, i32
  }
  func.func @transform_3(%arg0: i32) -> (i32, i32) {
    %c0_i32 = arith.constant 0 : i32
    %c0_i32_0 = arith.constant 0 : i32
    %c0_i32_1 = arith.constant 0 : i32
    return %c0_i32, %c0_i32_0 : i32, i32
  }
  func.func @transform_4(%arg0: i32) -> (i32, i32) {
    %c0_i32 = arith.constant 0 : i32
    %c0_i32_0 = arith.constant 0 : i32
    %c0_i32_1 = arith.constant 0 : i32
    return %c0_i32, %c0_i32_0 : i32, i32
  }
  func.func @transform_5(%arg0: i32) -> (i32, i32) {
    %c0_i32 = arith.constant 0 : i32
    %c0_i32_0 = arith.constant 0 : i32
    return %arg0, %c0_i32 : i32, i32
  }
}

module attributes {stable_mosaic.version = 14 : i64} {
  func.func @_out_body(%arg0: i32, %arg1: memref<2x2048x128xf32, #tpu.memory_space<vmem>>, %arg2: memref<2048x1xf32, #tpu.memory_space<vmem>>, %arg3: memref<1x128xf32, #tpu.memory_space<vmem>>, %arg4: memref<2048x128xf32, #tpu.memory_space<vmem>>) attributes {dimension_semantics = [#tpu.dimension_semantics<arbitrary>], iteration_bounds = array<i64: 5>, scalar_prefetch = 0 : i64, scratch_operands = 0 : i64, tpu.core_type = #tpu.core_type<tc>, window_params = [{transform_indices = @transform_0, window_bounds = array<i64: 2, 2048, 128>}, {transform_indices = @transform_1, window_bounds = array<i64: 2048, 1>}, {pipeline_mode = #tpu.pipeline_mode<synchronous>, transform_indices = @transform_2, window_bounds = array<i64: 1, 128>}, {transform_indices = @transform_3, window_bounds = array<i64: 2048, 128>}]} {
    %get3A = arith.constant 0 : index
    %get3A_0 = arith.constant 0 : index
    %get3A_1 = arith.constant 0 : index
    %get3A_2 = vector.load %arg1[%get3A, %get3A_0, %get3A_1] : memref<2x2048x128xf32, #tpu.memory_space<vmem>>, vector<1x2048x128xf32>
    %get3A_3 = vector.shape_cast %get3A_2 : vector<1x2048x128xf32> to vector<2048x128xf32>
    %get3A_4 = arith.constant 1 : index
    %get3A_5 = arith.constant 0 : index
    %get3A_6 = arith.constant 0 : index
    %get3A_7 = vector.load %arg1[%get3A_4, %get3A_5, %get3A_6] : memref<2x2048x128xf32, #tpu.memory_space<vmem>>, vector<1x2048x128xf32>
    %get3A_8 = vector.shape_cast %get3A_7 : vector<1x2048x128xf32> to vector<2048x128xf32>
    %add3A = arith.addf %get3A_3, %get3A_8 : vector<2048x128xf32>
    %get3A_9 = arith.constant 0 : index
    %get3A_10 = arith.constant 0 : index
    %get3A_11 = vector.load %arg2[%get3A_9, %get3A_10] : memref<2048x1xf32, #tpu.memory_space<vmem>>, vector<2048x1xf32>
    %mul3A = vector.broadcast %get3A_11 : vector<2048x1xf32> to vector<2048x128xf32>
    %mul3A_12 = arith.mulf %add3A, %mul3A : vector<2048x128xf32>
    %get3A_13 = arith.constant 0 : index
    %get3A_14 = arith.constant 0 : index
    %get3A_15 = vector.load %arg3[%get3A_13, %get3A_14] : memref<1x128xf32, #tpu.memory_space<vmem>>, vector<1x128xf32>
    %add3A_16 = vector.broadcast %get3A_15 : vector<1x128xf32> to vector<2048x128xf32>
    %add3A_17 = arith.addf %mul3A_12, %add3A_16 : vector<2048x128xf32>
    %reduce_max3A = arith.constant dense<0xFF800000> : vector<2048xf32>
    %reduce_max3A_18 = vector.multi_reduction <maximumf>, %add3A_17, %reduce_max3A [1] : vector<2048x128xf32> to vector<2048xf32>
    %broadcast_in_dim3A = vector.shape_cast %reduce_max3A_18 : vector<2048xf32> to vector<2048x1xf32>
    %sub3A = vector.broadcast %broadcast_in_dim3A : vector<2048x1xf32> to vector<2048x128xf32>
    %sub3A_19 = arith.subf %add3A_17, %sub3A : vector<2048x128xf32>
    %exp3A = math.exp %sub3A_19 : vector<2048x128xf32>
    %sub3A_20 = vector.broadcast %broadcast_in_dim3A : vector<2048x1xf32> to vector<2048x128xf32>
    %sub3A_21 = arith.subf %add3A_17, %sub3A_20 : vector<2048x128xf32>
    %reduce_sum3A = arith.constant dense<0.000000e+00> : vector<2048xf32>
    %reduce_sum3A_22 = vector.multi_reduction <add>, %exp3A, %reduce_sum3A [1] : vector<2048x128xf32> to vector<2048xf32>
    %broadcast_in_dim3A_23 = vector.shape_cast %reduce_sum3A_22 : vector<2048xf32> to vector<2048x1xf32>
    %log3A = math.log %broadcast_in_dim3A_23 : vector<2048x1xf32>
    %sub3A_24 = vector.broadcast %log3A : vector<2048x1xf32> to vector<2048x128xf32>
    %sub3A_25 = arith.subf %sub3A_21, %sub3A_24 : vector<2048x128xf32>
    %swap3A = arith.constant 0 : index
    %swap3A_26 = arith.constant 0 : index
    %swap3A_27 = vector.load %arg4[%swap3A, %swap3A_26] : memref<2048x128xf32, #tpu.memory_space<vmem>>, vector<2048x128xf32>
    tpu.vector_store %arg4[%swap3A, %swap3A_26], %sub3A_25 {strides = array<i32>} : memref<2048x128xf32, #tpu.memory_space<vmem>>, vector<2048x128xf32>,
    return
  }
  func.func @transform_0(%arg0: i32) -> (i32, i32, i32) {
    %c0_i32 = arith.constant 0 : i32
    %c0_i32_0 = arith.constant 0 : i32
    %c0_i32_1 = arith.constant 0 : i32
    return %c0_i32, %arg0, %c0_i32_0 : i32, i32, i32
  }
  func.func @transform_1(%arg0: i32) -> (i32, i32) {
    %c0_i32 = arith.constant 0 : i32
    %c0_i32_0 = arith.constant 0 : i32
    return %arg0, %c0_i32 : i32, i32
  }
  func.func @transform_2(%arg0: i32) -> (i32, i32) {
    %c0_i32 = arith.constant 0 : i32
    %c0_i32_0 = arith.constant 0 : i32
    %c0_i32_1 = arith.constant 0 : i32
    return %c0_i32, %c0_i32_0 : i32, i32
  }
  func.func @transform_3(%arg0: i32) -> (i32, i32) {
    %c0_i32 = arith.constant 0 : i32
    %c0_i32_0 = arith.constant 0 : i32
    return %arg0, %c0_i32 : i32, i32
  }
}

</mosaic_0001>

<sc_bundles>
// kernel: kernel.11.cloned.1.call-start
scs
__scs_entry_jumppad:
0x0: {  	(pc) =	sbr.rel $0x88, $3  }
0x1: {  	(tag) =	ssettag $0x0;
	lr =	simm.s32 $0x1  }
0x2: {  	[smem:$0x3F9B] =	sst lr;
	_ =	strace $0xD0000000  }
0x3: {  	_ = 	snop  }
0x4: {  	_ = 	snop  }
0x5: {  	_ = 	snop  }
0x6: {  	_ = 	snop  }
0x7: {  	_ = 	snop  }
__scs_overlays_trampoline_lowered:
0x8: {  	[smem:$0x3FAA] =	sst s0  }
0x9: {  	[smem:$0x3FAB] =	sst s1  }
0xa: {  	[smem:$0x3FAC] =	sst s2  }
0xb: {  	[smem:$0x3FAD] =	sst s3  }
0xc: {  	[smem:$0x3FAE] =	sst s4  }
0xd: {  	[smem:$0x3FAF] =	sst s5  }
0xe: {  	[smem:$0x3FB0] =	sst s6  }
0xf: {  	[smem:$0x3FB1] =	sst s7  }
0x10: {  	[smem:$0x3FB2] =	sst s8  }
0x11: {  	[smem:$0x3FB3] =	sst s9;
	s0 =	simm.s32 @!p0 $0x0  }
0x12: {  	s1 =	sld [smem:$0x3F99];
	s0 =	simm.s32 @p0 $0x1  }
0x13: {  	[smem:$0x3FB4] =	sst s0;
	s0 =	simm.s32 @!p1 $0x0  }
0x14: {  	s2 =	sld [smem:$0x3F98];
	s0 =	simm.s32 @p1 $0x1  }
0x15: {  	[smem:$0x3FB5] =	sst s0;
	s0 =	simm.s32 @!p2 $0x0  }
0x16: {  	s3 =	sld [smem:$0x3FDB];
	s0 =	simm.s32 @p2 $0x1  }
0x17: {  	s4 =	simm.s32 $0x1BF5;
	[smem:$0x3FB7] =	sst s0  }
0x18: {  	s0 =	sld [smem:$0x3F9A];
	_ =	swait.ge [sflag:s4], $0x0  }
0x19: {  	s7 =	sld [smem:$0x3F9B]  }
0x1a: {  	s8 =	sadd.s32 $0xFFFFE003, lr  }
0x1b: {  	s9 =	sadd.s32 $0xFFFFFEF7, lr;
	s5 =	simm.s32 $0xFFFFFFFF;
	p2 =	slt.u32 s8, $0xFFFFF086  }
0x1c: {  	p1 =	slt.u32 s9, $0xF7A;
	s5 =	simm.s32 @!p2 $0x0  }
0x1d: {  	s5 =	simm.s32 @p1 $0x1;
	p0 =	seq.s32 s7, s2  }
0x1e: {  	s7 =	smul.u32 @!p0 $0xF7A, s2;
	p2 =	seq.s32 @!p0 s5, $0x0  }
0x1f: {  	s9 =	smul.u32 $0xF7A, s1;
	s8 =	simm.s32 @!p0 $0x1BF5;
	p2 =	por !p2, p0  }
0x20: {  	[sflag:s8] =	ssyncset.s32 @!p0 $0xFFFFF086;
	s6 =	sadd.s32 @!p0 s3, s7;
	s7 =	simm.s32 @!p0 $0x108  }
0x21: {  	s3 =	sadd.s32 s3, s9;
	s6 =	sadd.s32 @!p0 $0x88, s6;
	s7 =	simm.s32 @p2 $0x1082  }
0x22: {  	[simem:s7], [sflag:s8] =	dma.local @!p0 [hbm:s6], $0xF7A  }
0x23: {  	s9 =	sor.u32 $0xD0000000, s2;
	s6 =	simm.s32 $0x108;
	_ =	swait.ge @!p0 [sflag:s8], $0x0  }
0x24: {  	s3 =	sadd.s32 $0x88, s3;
	s6 =	simm.s32 @!p1 $0x1082;
	[sflag:s4] =	ssyncset.s32 $0xFFFFF086  }
0x25: {  	[simem:s6], [sflag:s4] =	dma.local [hbm:s3], $0xF7A  }
0x26: {  	[smem:$0x3F9B] =	sst s1;
	(tag) =	ssettag s2;
	_ =	strace s9  }
0x27: {  	s1 =	sld [smem:$0x3FAB]  }
0x28: {  	s2 =	sld [smem:$0x3FAC]  }
0x29: {  	s4 =	sld [smem:$0x3FAE]  }
0x2a: {  	p0 =	seq.s32 s5, $0x0;
	s5 =	sld [smem:$0x3FAF]  }
0x2b: {  	s6 =	sld [smem:$0x3FB0]  }
0x2c: {  	s7 =	sld [smem:$0x3FB1]  }
0x2d: {  	s3 =	simm.s32 $0x108;
	s8 =	sld [smem:$0x3FB2]  }
0x2e: {  	s3 =	simm.s32 @!p0 $0x1082;
	s9 =	sld [smem:$0x3FB3]  }
0x2f: {  	lr =	sadd.s32 s0, s3;
	s0 =	sld [smem:$0x3FAA]  }
0x30: {  	s3 =	sld [smem:$0x3FAD]  }
0x31: {  	[smem:$0x3FB6] =	sst s10  }
0x32: {  	s10 =	sld [smem:$0x3FB4];
	_ =	sdelay $0x3  }
0x33: {  	p0 =	seq.s32 s10, $0x1;
	s10 =	sld [smem:$0x3FB6];
	_ =	sdelay $0x3  }
0x34: {  	[smem:$0x3FB6] =	sst s10  }
0x35: {  	s10 =	sld [smem:$0x3FB5];
	_ =	sdelay $0x3  }
0x36: {  	p1 =	seq.s32 s10, $0x1;
	s10 =	sld [smem:$0x3FB6];
	_ =	sdelay $0x3  }
0x37: {  	[smem:$0x3FB6] =	sst s10  }
0x38: {  	s10 =	sld [smem:$0x3FB7]  }
0x39: {  	_ = 	snop;
	(pc) =	sbr.ind lr, $3  }
0x3a: {  	_ = 	snop  }
0x3b: {  	_ = 	snop  }
0x3c: {  	p2 =	seq.s32 s10, $0x1;
	s10 =	sld [smem:$0x3FB6]  }
0x3d: {  	_ =	shalt  }
0x3e: {  	_ =	shalt  }
0x3f: {  	_ =	shalt  }
0x40: {  	_ =	shalt  }
0x41: {  	_ =	shalt  }
0x42: {  	_ =	shalt  }
0x43: {  	_ =	shalt  }
0x44: {  	_ =	shalt  }
0x45: {  	_ =	shalt  }
0x46: {  	_ =	shalt  }
0x47: {  	_ =	shalt  }
0x48: {  	_ =	shalt  }
0x49: {  	_ =	shalt  }
0x4a: {  	_ =	shalt  }
0x4b: {  	_ =	shalt  }
0x4c: {  	_ =	shalt  }
0x4d: {  	_ =	shalt  }
0x4e: {  	_ =	shalt  }
0x4f: {  	_ =	shalt  }
0x50: {  	_ =	shalt  }
0x51: {  	_ =	shalt  }
0x52: {  	_ =	shalt  }
0x53: {  	_ =	shalt  }
0x54: {  	_ =	shalt  }
0x55: {  	_ =	shalt  }
0x56: {  	_ =	shalt  }
0x57: {  	_ =	shalt  }
0x58: {  	_ =	shalt  }
0x59: {  	_ =	shalt  }
0x5a: {  	_ =	shalt  }
0x5b: {  	_ =	shalt  }
0x5c: {  	_ =	shalt  }
0x5d: {  	_ =	shalt  }
0x5e: {  	_ =	shalt  }
0x5f: {  	_ =	shalt  }
0x60: {  	_ =	shalt  }
0x61: {  	_ =	shalt  }
0x62: {  	_ =	shalt  }
0x63: {  	_ =	shalt  }
0x64: {  	_ =	shalt  }
0x65: {  	_ =	shalt  }
0x66: {  	_ =	shalt  }
0x67: {  	_ =	shalt  }
0x68: {  	_ =	shalt  }
0x69: {  	_ =	shalt  }
0x6a: {  	_ =	shalt  }
0x6b: {  	_ =	shalt  }
0x6c: {  	_ =	shalt  }
0x6d: {  	_ =	shalt  }
0x6e: {  	_ =	shalt  }
0x6f: {  	_ =	shalt  }
0x70: {  	_ =	shalt  }
0x71: {  	_ =	shalt  }
0x72: {  	_ =	shalt  }
0x73: {  	_ =	shalt  }
0x74: {  	_ =	shalt  }
0x75: {  	_ =	shalt  }
0x76: {  	_ =	shalt  }
0x77: {  	_ =	shalt  }
0x78: {  	_ =	shalt  }
0x79: {  	_ =	shalt  }
0x7a: {  	_ =	shalt  }
0x7b: {  	_ =	shalt  }
0x7c: {  	_ =	shalt  }
0x7d: {  	_ =	shalt  }
0x7e: {  	_ =	shalt  }
0x7f: {  	_ =	shalt  }
0x80: {  	_ =	shalt  }
0x81: {  	_ =	shalt  }
0x82: {  	_ =	shalt  }
0x83: {  	_ =	shalt  }
0x84: {  	_ =	shalt  }
0x85: {  	_ =	shalt  }
0x86: {  	_ =	shalt  }
0x87: {  	_ =	shalt  }
.Lfunc_end0:
.L_simem_size_0:
called_computation.1_lowered:
.L_overlay_start_0:
0x88: {  	s2 =	sld [smem:$0x3FD9]  }
0x89: {  	s3 =	sld [smem:$0x3FFE];
	_ =	sdelay $0x1  }
0x8a: {  	s1 =	srdreg.scid  }
0x8b: {  	s0 =	sand.u32 $0x1, s1  }
0x8c: {  	s17 =	sshll.u32 s0, $0xA;
	s2 =	sadd.s32 s3, s2  }
0x8d: {  	s2 =	sadd.s32 s2, s17  }
0x8e: {  	[smem:$0x3FC2] =	sst s2  }
0x8f: {  	_ = 	snop  }
0x90: {  	s2 =	sld [smem:$0x3FD0];
	(tm) =	ssettm $0x1  }
0x91: {  	s18 =	sld [smem:$0x3FFB];
	_ =	sdelay $0x3  }
0x92: {  	_ =	strace s18  }
0x93: {  	s3 =	sld [smem:$0x3FFC];
	_ =	sdelay $0x3  }
0x94: {  	_ =	strace s3  }
0x95: {  	s3 =	sld [smem:$0x3FFD];
	_ =	sdelay $0x3  }
0x96: {  	_ =	strace s3  }
0x97: {  	_ =	strace $0x8FFFFFFF  }
0x98: {  	s19 =	sld [smem:$0x3FDB];
	_ =	sdelay $0x1  }
0x99: {  	s4 =	simm.s32 $_scs_section_size  }
0x9a: {  	s5 =	simm.s32 $_size__tile_overlayer_lowered;
	s6 =	simm.s32 $_tile_overlayer_lowered  }
0x9b: {  	s22 =	simm.s32 $0x1BFF;
	s21 =	sshll.u32 s6, $0x1;
	s3 =	sadd.s32 s4, s19  }
0x9c: {  	s7 =	simm.s32 $0x0;
	s20 =	sshll.u32 s5, $0x1;
	s5 =	sadd.s32 s21, s3  }
0x9d: {  	[timem:s7], [sflag:s22] =	dma.local [hbm:s5], s20  }
0x9e: {  	_ =	swait.ge [sflag:s22], s20  }
0x9f: {  	s4 =	ssub.s32 $0x0, s20;
	[sflag:s22] =	ssyncset.done $0x0  }
0xa0: {  	[sflag:s22] =	ssyncadd.s32 s4;
	_ =	sdelay $0x1  }
0xa1: {  	s23 =	simm.s32 $0x1B8B  }
0xa2: {  	_ =	swait.ge [sflag:s23], $0x1  }
0xa3: {  	[sflag:s23] =	ssyncset.done $0x0  }
0xa4: {  	s25 =	simm.s32 $0x1B8E;
	s24 =	sld [smem:$0x3FFE];
	[sflag:s23] =	ssyncadd.s32 $0xFFFFFFFF  }
0xa5: {  	s26 =	simm.s32 $execute0_lowered;
	[smem:$0x3FD2] =	sst s25  }
0xa6: {  	s5 =	sshll.u32 s26, $0x1;
	_ =	strace $0x80000049;
	[dreg:$0x1] =	wrdreg $0xFFFFFFFF  }
0xa7: {  	s28 =	simm.s32 $_size_execute0_lowered;
	s3 =	sadd.s32 s3, s5;
	[dreg:$0x0] =	wrdreg $0x0  }
0xa8: {  	s5 =	sshll.u32 s28, $0x1;
	[dreg:$0x2] =	wrdreg s3  }
0xa9: {  	[dreg:$0x3] =	wrdreg s5  }
0xaa: {  	[dreg:$0x4] =	wrdreg $0xC0  }
0xab: {  	_ =	task [dreg:s7], $0x5FFFF  }
0xac: {  	[dreg:$0x1] =	wrdreg $0xFFFFFFFF  }
0xad: {  	[dreg:$0x0] =	wrdreg $0x60  }
0xae: {  	[dreg:$0x2] =	wrdreg s24  }
0xaf: {  	[dreg:$0x3] =	wrdreg s2  }
0xb0: {  	[dreg:$0x4] =	wrdreg $0xC0000  }
0xb1: {  	[dreg:$0x5] =	wrdreg $0x9  }
0xb2: {  	_ =	task.clear_ibuf [dreg:s7], $0x6FFFF;
	_ =	strace $0x90000049  }
0xb3: {  	s29 =	simm.s32 $0x9;
	_ =	strace $0x8000004B  }
0xb4: {  	_ =	swait.ge [sflag:s29], $0x1  }
0xb5: {  	[sflag:s29] =	ssyncadd.s32 $0xFFFFFFFF  }
0xb6: {  	_ =	strace $0x9000004B  }
0xb7: {  	_ =	sfence  }
0xb8: {  	s30 =	sld [smem:$0x0];
	_ =	sdelay $0x2  }
0xb9: {  	s31 =	sshll.u32 s1, $0xD;
	s1 =	sshrl.u32 s1, $0x2  }
0xba: {  	s3 =	sand.u32 $0x4000, s31;
	s1 =	sadd.s32 s1, s30  }
0xbb: {  	s0 =	sor.u32 s3, s0;
	s1 =	sshll.u32 s1, $0x11  }
0xbc: {  	s0 =	sor.u32 s1, s0  }
0xbd: {  	s0 =	sadd.s32 $0x8F2B, s0  }
0xbe: {  	[sflag:s0] =	ssyncadd.remote.s32 $0x1  }
0xbf: {  	_ =	sfence.sel $0xFFFF  }
0xc0: {  	[dreg:$0x0] =	wrdreg $0xFFFFFFFF;
	(pc) =	sbr.abs _section_cstart, $3  }
0xc1: {  	[dreg:$0x1] =	wrdreg $0xFFFFFFFF  }
0xc2: {  	_ =	task.clear_ibuf [dreg:s7], $0x2FFFF;
	_ =	strace $0x9FFFFFFF  }
0xc3: {  	(tm) =	ssettm $0x7FFFFFFF  }
tec
execute0_lowered:
.L_overlay_start_1:
0x0: {  	(tag) =	ssettag $0x1  }
0x1: {  	s0 =	rddreg [dreg:$0x0]  }
0x2: {  	s1 =	rddreg [dreg:$0x1];
	s10 =	stileid.u32  }
0x3: {  	s3 =	srdreg.scid;
	s2 =	rddreg [dreg:$0x2]  }
0x4: {  	s18 =	simm.s32 $0x2000;
	s19 =	simm.s32 $0x4000;
	s20 =	simm.s32 $0x4  }
0x5: {  	s21 =	simm.s32 $0x2;
	s28 =	simm.s32 $0x3;
	s5 =	smul.u32 $0x3000, s10  }
0x6: {  	s29 =	simm.s32 $0xD80;
	s30 =	simm.s32 $0x2D00;
	s8 =	smul.u32 $0x14000, s10  }
0x7: {  	s31 =	simm.s32 $0x2D80;
	s6 =	sand.u32 $0x1, s3;
	s23 =	smul.u32 $0x50000, s10  }
0x8: {  	s3 =	simm.s32 $0x0;
	s4 =	sadd.s32 $0x17A00, s0;
	s7 =	smul.u32 $0x140000, s6  }
0x9: {  	[smem:$0x7FF] =	sst s3;
	s22 =	smul.u32 $0x30000, s6;
	s6 =	ssub.s32 $0x2, s6  }
0xa: {  	_ =	strace $0x8000004A;
	s9 =	sshrl.u32 s5, $0x3;
	s24 =	sshrl.u32 s6, $0x1  }
0xb: {  	s25 =	sshrl.u32 s23, $0x2;
	s23 =	simm.s32 $0x8000;
	s11 =	sadd.s32 s9, s0  }
0xc: {  	s7 =	sadd.s32 s8, s7;
	s5 =	sadd.s32 s5, s22;
	s13 =	ssub.s32 s6, s24  }
0xd: {  	s22 =	simm.s32 $0x80;
	s24 =	simm.s32 $0x1000;
	s7 =	sshrl.u32 s7, $0x3  }
0xe: {  	s5 =	sshrl.u32 s5, $0x3;
	s26 =	sadd.s32 $0x11A00, s11;
	s9 =	sadd.s32 $0x11C00, s11  }
0xf: {  	s11 =	sadd.s32 $0x11E00, s11;
	s13 =	smax.u32 s13, $0x1;
	s0 =	sadd.s32 s7, s0  }
0x10: {  	s5 =	sadd.s32 s1, s5;
	[dreg:$0x4] =	wrdreg s26;
	s7 =	sadd.s32 s25, s2  }
0x11: {  	s26 =	simm.s32 $0x1;
	s1 =	simm.s32 $0x0;
	s8 =	sadd.s32 $0x200, s5  }
0x12: {  	s10 =	sadd.s32 $0x400, s5;
	s12 =	sadd.s32 $0x67A00, s0;
	s14 =	sadd.s32 $0x4000, s7  }
0x13: {  	v0 =	vimm.f32 $0.0e+00;
	s15 =	sadd.s32 $0x8000, s7;
	s16 =	sadd.s32 $0xC000, s7;
	s17 =	sadd.s32 $0x10000, s7  }
.LBB2_1:
0x14: {  	[tilespmem:s3], [sflag:$0x2] =	stream.linear.gather [hbm4b:s5+s3], $0xE00, $0x38;
	v63 =	vld [tilespmem:$0x0]  }
0x15: {  	s0 =	rddreg [dreg:$0x4]  }
0x16: {  	[tilespmem:s18], [sflag:$0x2] =	stream.linear.gather [hbm4b:s0+s3], $0xE00, $0x38;
	v63 =	vld [tilespmem:$0x0]  }
0x17: {  	s25 =	sand.u32 $0x3FF0, s3;
	s0 =	simm.s32 $0x10  }
.LBB2_2:
0x18: {  	p0 =	sne.s32 s0, $0x3FF0;
	[tilespmem:s25+$0x4000] =	vst v0;
	s6 =	smov.u32 s0;
	s0 =	sadd.s32 $0x10, s0  }
.Ltmp0:
0x19: {  	[tilespmem:s25+$0x8000] =	vst v0;
	(pc) =	sbr.rel @p0 .LBB2_2-.Ltmp0, $2  }
0x1a: {  	_ =	sdelay $0x2  }
0x1b: {  	s25 =	sand.u32 $0x3FF0, s6  }
0x1c: {  	[tilespmem:s25+$0x4000] =	vst v0  }
0x1d: {  	[tilespmem:s25+$0x8000] =	vst v0  }
0x1e: {  	[spmem:s7] =	stream.linear.scatter [tilespmem:s19], [sflag:$0x4], $0x4000, $0x38;
	v63 =	vld [tilespmem:$0x0]  }
0x1f: {  	_ =	swait.ge [sflag:s20], $0x4000  }
0x20: {  	[sflag:s20] =	ssyncset.done $0x0  }
0x21: {  	[sflag:s20] =	ssyncadd.s32 $0xFFFFC000  }
0x22: {  	[spmem:s14] =	stream.linear.scatter [tilespmem:s19], [sflag:$0x4], $0x4000, $0x38;
	v63 =	vld [tilespmem:$0x0]  }
0x23: {  	_ =	swait.ge [sflag:s20], $0x4000  }
0x24: {  	[sflag:s20] =	ssyncset.done $0x0  }
0x25: {  	[sflag:s20] =	ssyncadd.s32 $0xFFFFC000  }
0x26: {  	[spmem:s15] =	stream.linear.scatter [tilespmem:s19], [sflag:$0x4], $0x4000, $0x38;
	v63 =	vld [tilespmem:$0x0]  }
0x27: {  	_ =	swait.ge [sflag:s20], $0x4000  }
0x28: {  	[sflag:s20] =	ssyncset.done $0x0  }
0x29: {  	[sflag:s20] =	ssyncadd.s32 $0xFFFFC000  }
0x2a: {  	[spmem:s16] =	stream.linear.scatter [tilespmem:s19], [sflag:$0x4], $0x4000, $0x38;
	v63 =	vld [tilespmem:$0x0]  }
0x2b: {  	_ =	swait.ge [sflag:s20], $0x4000  }
0x2c: {  	[sflag:s20] =	ssyncset.done $0x0  }
0x2d: {  	[sflag:s20] =	ssyncadd.s32 $0xFFFFC000  }
0x2e: {  	[spmem:s17] =	stream.linear.scatter [tilespmem:s19], [sflag:$0x4], $0x4000, $0x38;
	v63 =	vld [tilespmem:$0x0]  }
0x2f: {  	_ =	swait.ge [sflag:s20], $0x4000  }
0x30: {  	[sflag:s20] =	ssyncset.done $0x0  }
0x31: {  	[sflag:s20] =	ssyncadd.s32 $0xFFFFC000  }
0x32: {  	[bflag:$0x0] =	sbarrier.arrive $0xFFFF  }
0x33: {  	_ =	swait.ge [sflag:s21], $0xE00  }
0x34: {  	[sflag:s21] =	ssyncset.done $0x0  }
0x35: {  	[sflag:s21] =	ssyncadd.s32 $0xFFFFF200  }
0x36: {  	_ =	swait.ge [sflag:s21], $0xE00  }
0x37: {  	[sflag:s21] =	ssyncset.done $0x0  }
0x38: {  	[sflag:s21] =	ssyncadd.s32 $0xFFFFF200  }
0x39: {  	[spmem:s2] =	stream.indirect.scatter.add.f32 [tilespmem:s23], [sflag:$0x3], $0x80, s18, s22, $0xb8;
	v63 =	vld [tilespmem:$0x0]  }
0x3a: {  	s0 =	simm.s32 $0x0  }
0x3b: {  	[tilespmem:s19], [sflag:$0x1] =	stream.indirect.gather [hbm4b:s4+s22], $0x80, s0, s22, $0xb8;
	v63 =	vld [tilespmem:$0x0]  }
0x3c: {  	_ = 	snop  }
0x3d: {  	[tilespmem:s24], [sflag:$0x2] =	stream.linear.gather [hbm4b:s8+s0], $0xE00, $0x38;
	v63 =	vld [tilespmem:$0x0]  }
0x3e: {  	s6 =	simm.s32 $0x3000  }
0x3f: {  	[tilespmem:s6], [sflag:$0x2] =	stream.linear.gather [hbm4b:s9+s0], $0xE00, $0x38;
	v63 =	vld [tilespmem:$0x0]  }
0x40: {  	_ =	swait.ge [sflag:s26], $0x4000  }
0x41: {  	[sflag:s26] =	ssyncset.done $0x0  }
0x42: {  	[sflag:s26] =	ssyncadd.s32 $0xFFFFC000  }
0x43: {  	_ =	swait.ge [sflag:s28], $0x4000  }
0x44: {  	[sflag:s28] =	ssyncset.done $0x0  }
0x45: {  	s25 =	simm.s32 $0x80;
	[sflag:s28] =	ssyncadd.s32 $0xFFFFC000  }
0x46: {  	[tilespmem:s23], [sflag:$0x1] =	stream.indirect.gather [hbm4b:s4+s22], $0x80, s25, s22, $0xb8;
	v63 =	vld [tilespmem:$0x0]  }
0x47: {  	s6 =	simm.s32 $0x2000  }
0x48: {  	[spmem:s2] =	stream.indirect.scatter.add.f32 [tilespmem:s19], [sflag:$0x3], $0x80, s6, s22, $0xb8;
	v63 =	vld [tilespmem:$0x0]  }
0x49: {  	_ =	swait.ge [sflag:s26], $0x4000  }
0x4a: {  	[sflag:s26] =	ssyncset.done $0x0  }
0x4b: {  	[sflag:s26] =	ssyncadd.s32 $0xFFFFC000  }
0x4c: {  	_ =	swait.ge [sflag:s28], $0x4000  }
0x4d: {  	[sflag:s28] =	ssyncset.done $0x0  }
0x4e: {  	s25 =	simm.s32 $0x100;
	[sflag:s28] =	ssyncadd.s32 $0xFFFFC000  }
0x4f: {  	[tilespmem:s19], [sflag:$0x1] =	stream.indirect.gather [hbm4b:s4+s22], $0x80, s25, s22, $0xb8;
	v63 =	vld [tilespmem:$0x0]  }
0x50: {  	s0 =	simm.s32 $0x400;
	s25 =	simm.s32 $0x2080  }
.LBB2_4:
0x51: {  	[spmem:s2] =	stream.indirect.scatter.add.f32 [tilespmem:s23], [sflag:$0x3], $0x80, s25, s22, $0xb8;
	v63 =	vld [tilespmem:$0x0]  }
0x52: {  	s6 =	smov.u32 s0  }
0x53: {  	p0 =	sne.s32 s0, $0x3000;
	s0 =	sadd.s32 $0x400, s0;
	_ =	swait.ge [sflag:s26], $0x4000  }
0x54: {  	[sflag:s26] =	ssyncset.done $0x0  }
0x55: {  	[sflag:s26] =	ssyncadd.s32 $0xFFFFC000  }
0x56: {  	_ =	swait.ge [sflag:s28], $0x4000  }
0x57: {  	s6 =	sshra.s32 s6, $0x2;
	[sflag:s28] =	ssyncset.done $0x0  }
0x58: {  	s25 =	sadd.s32 $0x80, s6;
	[sflag:s28] =	ssyncadd.s32 $0xFFFFC000  }
0x59: {  	[tilespmem:s23], [sflag:$0x1] =	stream.indirect.gather [hbm4b:s4+s22], $0x80, s25, s22, $0xb8;
	v63 =	vld [tilespmem:$0x0]  }
0x5a: {  	s25 =	sadd.s32 $0x2000, s6  }
0x5b: {  	[spmem:s2] =	stream.indirect.scatter.add.f32 [tilespmem:s19], [sflag:$0x3], $0x80, s25, s22, $0xb8;
	v63 =	vld [tilespmem:$0x0]  }
0x5c: {  	_ =	swait.ge [sflag:s26], $0x4000  }
0x5d: {  	[sflag:s26] =	ssyncset.done $0x0  }
0x5e: {  	[sflag:s26] =	ssyncadd.s32 $0xFFFFC000  }
.Ltmp1:
0x5f: {  	_ =	swait.ge [sflag:s28], $0x4000;
	(pc) =	sbr.rel @p0 .LBB2_4-.Ltmp1, $4  }
0x60: {  	[sflag:s28] =	ssyncset.done $0x0  }
0x61: {  	s25 =	sadd.s32 $0x100, s6;
	[sflag:s28] =	ssyncadd.s32 $0xFFFFC000  }
0x62: {  	[tilespmem:s19], [sflag:$0x1] =	stream.indirect.gather [hbm4b:s4+s22], $0x80, s25, s22, $0xb8;
	v63 =	vld [tilespmem:$0x0]  }
0x63: {  	s25 =	sadd.s32 $0x2080, s6  }
0x64: {  	[spmem:s2] =	stream.indirect.scatter.add.f32 [tilespmem:s23], [sflag:$0x3], $0x80, s25, s22, $0xb8;
	v63 =	vld [tilespmem:$0x0]  }
0x65: {  	_ =	swait.ge [sflag:s26], $0x4000  }
0x66: {  	[sflag:s26] =	ssyncset.done $0x0  }
0x67: {  	[sflag:s26] =	ssyncadd.s32 $0xFFFFC000  }
0x68: {  	_ =	swait.ge [sflag:s28], $0x4000  }
0x69: {  	[sflag:s28] =	ssyncset.done $0x0  }
0x6a: {  	[sflag:s28] =	ssyncadd.s32 $0xFFFFC000  }
0x6b: {  	[tilespmem:s23], [sflag:$0x1] =	stream.indirect.gather [hbm4b:s4+s22], $0x80, s29, s22, $0xb8;
	v63 =	vld [tilespmem:$0x0]  }
0x6c: {  	_ = 	snop  }
0x6d: {  	[spmem:s2] =	stream.indirect.scatter.add.f32 [tilespmem:s19], [sflag:$0x3], $0x80, s30, s22, $0xb8;
	v63 =	vld [tilespmem:$0x0]  }
0x6e: {  	_ =	swait.ge [sflag:s26], $0x4000  }
0x6f: {  	[sflag:s26] =	ssyncset.done $0x0  }
0x70: {  	[sflag:s26] =	ssyncadd.s32 $0xFFFFC000  }
0x71: {  	_ =	swait.ge [sflag:s28], $0x4000  }
0x72: {  	[sflag:s28] =	ssyncset.done $0x0  }
0x73: {  	[sflag:s28] =	ssyncadd.s32 $0xFFFFC000  }
0x74: {  	_ =	swait.ge [sflag:s21], $0xE00  }
0x75: {  	[sflag:s21] =	ssyncset.done $0x0  }
0x76: {  	[sflag:s21] =	ssyncadd.s32 $0xFFFFF200  }
0x77: {  	_ =	swait.ge [sflag:s21], $0xE00  }
0x78: {  	[sflag:s21] =	ssyncset.done $0x0  }
0x79: {  	[sflag:s21] =	ssyncadd.s32 $0xFFFFF200  }
0x7a: {  	[tilespmem:s19], [sflag:$0x1] =	stream.indirect.gather [hbm4b:s4+s22], $0x80, s24, s22, $0xb8;
	v63 =	vld [tilespmem:$0x0]  }
0x7b: {  	_ = 	snop  }
0x7c: {  	[spmem:s2] =	stream.indirect.scatter.add.f32 [tilespmem:s23], [sflag:$0x3], $0x80, s31, s22, $0xb8;
	v63 =	vld [tilespmem:$0x0]  }
0x7d: {  	_ = 	snop  }
0x7e: {  	[tilespmem:s3], [sflag:$0x2] =	stream.linear.gather [hbm4b:s10+s3], $0xE00, $0x38;
	v63 =	vld [tilespmem:$0x0]  }
0x7f: {  	_ = 	snop  }
0x80: {  	[tilespmem:s18], [sflag:$0x2] =	stream.linear.gather [hbm4b:s11+s3], $0xE00, $0x38;
	v63 =	vld [tilespmem:$0x0]  }
0x81: {  	_ =	swait.ge [sflag:s26], $0x4000  }
0x82: {  	[sflag:s26] =	ssyncset.done $0x0  }
0x83: {  	[sflag:s26] =	ssyncadd.s32 $0xFFFFC000  }
0x84: {  	_ =	swait.ge [sflag:s28], $0x4000  }
0x85: {  	[sflag:s28] =	ssyncset.done $0x0  }
0x86: {  	s0 =	simm.s32 $0x1080;
	[sflag:s28] =	ssyncadd.s32 $0xFFFFC000  }
0x87: {  	[tilespmem:s23], [sflag:$0x1] =	stream.indirect.gather [hbm4b:s4+s22], $0x80, s0, s22, $0xb8;
	v63 =	vld [tilespmem:$0x0]  }
0x88: {  	s6 =	simm.s32 $0x3000  }
0x89: {  	[spmem:s2] =	stream.indirect.scatter.add.f32 [tilespmem:s19], [sflag:$0x3], $0x80, s6, s22, $0xb8;
	v63 =	vld [tilespmem:$0x0]  }
0x8a: {  	_ =	swait.ge [sflag:s26], $0x4000  }
0x8b: {  	[sflag:s26] =	ssyncset.done $0x0  }
0x8c: {  	[sflag:s26] =	ssyncadd.s32 $0xFFFFC000  }
0x8d: {  	_ =	swait.ge [sflag:s28], $0x4000  }
0x8e: {  	[sflag:s28] =	ssyncset.done $0x0  }
0x8f: {  	s25 =	simm.s32 $0x1100;
	[sflag:s28] =	ssyncadd.s32 $0xFFFFC000  }
0x90: {  	[tilespmem:s19], [sflag:$0x1] =	stream.indirect.gather [hbm4b:s4+s22], $0x80, s25, s22, $0xb8;
	v63 =	vld [tilespmem:$0x0]  }
0x91: {  	s0 =	simm.s32 $0xFFFFD000;
	s25 =	simm.s32 $0x3080  }
.LBB2_6:
0x92: {  	[spmem:s2] =	stream.indirect.scatter.add.f32 [tilespmem:s23], [sflag:$0x3], $0x80, s25, s22, $0xb8;
	v63 =	vld [tilespmem:$0x0]  }
0x93: {  	s6 =	smov.u32 s0  }
0x94: {  	p0 =	sne.s32 s0, $0xFFFFFC00;
	s0 =	sadd.s32 $0x400, s0;
	_ =	swait.ge [sflag:s26], $0x4000  }
0x95: {  	[sflag:s26] =	ssyncset.done $0x0  }
0x96: {  	[sflag:s26] =	ssyncadd.s32 $0xFFFFC000  }
0x97: {  	_ =	swait.ge [sflag:s28], $0x4000  }
0x98: {  	s6 =	sshra.s32 s6, $0x2;
	[sflag:s28] =	ssyncset.done $0x0  }
0x99: {  	s25 =	sadd.s32 $0x1D80, s6;
	[sflag:s28] =	ssyncadd.s32 $0xFFFFC000  }
0x9a: {  	[tilespmem:s23], [sflag:$0x1] =	stream.indirect.gather [hbm4b:s4+s22], $0x80, s25, s22, $0xb8;
	v63 =	vld [tilespmem:$0x0]  }
0x9b: {  	s25 =	sadd.s32 $0x3D00, s6  }
0x9c: {  	[spmem:s2] =	stream.indirect.scatter.add.f32 [tilespmem:s19], [sflag:$0x3], $0x80, s25, s22, $0xb8;
	v63 =	vld [tilespmem:$0x0]  }
0x9d: {  	_ =	swait.ge [sflag:s26], $0x4000  }
0x9e: {  	[sflag:s26] =	ssyncset.done $0x0  }
0x9f: {  	[sflag:s26] =	ssyncadd.s32 $0xFFFFC000  }
.Ltmp2:
0xa0: {  	_ =	swait.ge [sflag:s28], $0x4000;
	(pc) =	sbr.rel @p0 .LBB2_6-.Ltmp2, $4  }
0xa1: {  	[sflag:s28] =	ssyncset.done $0x0  }
0xa2: {  	s25 =	sadd.s32 $0x1E00, s6;
	[sflag:s28] =	ssyncadd.s32 $0xFFFFC000  }
0xa3: {  	[tilespmem:s19], [sflag:$0x1] =	stream.indirect.gather [hbm4b:s4+s22], $0x80, s25, s22, $0xb8;
	v63 =	vld [tilespmem:$0x0]  }
0xa4: {  	s25 =	sadd.s32 $0x3D80, s6  }
0xa5: {  	[spmem:s2] =	stream.indirect.scatter.add.f32 [tilespmem:s23], [sflag:$0x3], $0x80, s25, s22, $0xb8;
	v63 =	vld [tilespmem:$0x0]  }
0xa6: {  	_ =	swait.ge [sflag:s26], $0x4000  }
0xa7: {  	[sflag:s26] =	ssyncset.done $0x0  }
0xa8: {  	[sflag:s26] =	ssyncadd.s32 $0xFFFFC000  }
0xa9: {  	_ =	swait.ge [sflag:s28], $0x4000  }
0xaa: {  	[sflag:s28] =	ssyncset.done $0x0  }
0xab: {  	s0 =	simm.s32 $0x1D80;
	[sflag:s28] =	ssyncadd.s32 $0xFFFFC000  }
0xac: {  	[tilespmem:s23], [sflag:$0x1] =	stream.indirect.gather [hbm4b:s4+s22], $0x80, s0, s22, $0xb8;
	v63 =	vld [tilespmem:$0x0]  }
0xad: {  	s6 =	simm.s32 $0x3D00  }
0xae: {  	[spmem:s2] =	stream.indirect.scatter.add.f32 [tilespmem:s19], [sflag:$0x3], $0x80, s6, s22, $0xb8;
	v63 =	vld [tilespmem:$0x0]  }
0xaf: {  	_ =	swait.ge [sflag:s26], $0x4000  }
0xb0: {  	[sflag:s26] =	ssyncset.done $0x0  }
0xb1: {  	[sflag:s26] =	ssyncadd.s32 $0xFFFFC000  }
0xb2: {  	_ =	swait.ge [sflag:s28], $0x4000  }
0xb3: {  	[sflag:s28] =	ssyncset.done $0x0  }
0xb4: {  	[sflag:s28] =	ssyncadd.s32 $0xFFFFC000  }
0xb5: {  	_ =	swait.ge [sflag:s21], $0xE00  }
0xb6: {  	[sflag:s21] =	ssyncset.done $0x0  }
0xb7: {  	[sflag:s21] =	ssyncadd.s32 $0xFFFFF200  }
0xb8: {  	_ =	swait.ge [sflag:s21], $0xE00  }
0xb9: {  	[sflag:s21] =	ssyncset.done $0x0  }
0xba: {  	s25 =	simm.s32 $0x0;
	[sflag:s21] =	ssyncadd.s32 $0xFFFFF200  }
0xbb: {  	[tilespmem:s19], [sflag:$0x1] =	stream.indirect.gather [hbm4b:s4+s22], $0x80, s25, s22, $0xb8;
	v63 =	vld [tilespmem:$0x0]  }
0xbc: {  	s6 =	simm.s32 $0x3D80  }
0xbd: {  	[spmem:s2] =	stream.indirect.scatter.add.f32 [tilespmem:s23], [sflag:$0x3], $0x80, s6, s22, $0xb8;
	v63 =	vld [tilespmem:$0x0]  }
0xbe: {  	_ =	swait.ge [sflag:s26], $0x4000  }
0xbf: {  	[sflag:s26] =	ssyncset.done $0x0  }
0xc0: {  	[sflag:s26] =	ssyncadd.s32 $0xFFFFC000  }
0xc1: {  	_ =	swait.ge [sflag:s28], $0x4000  }
0xc2: {  	[sflag:s28] =	ssyncset.done $0x0  }
0xc3: {  	s25 =	simm.s32 $0x80;
	[sflag:s28] =	ssyncadd.s32 $0xFFFFC000  }
0xc4: {  	[tilespmem:s23], [sflag:$0x1] =	stream.indirect.gather [hbm4b:s4+s22], $0x80, s25, s22, $0xb8;
	v63 =	vld [tilespmem:$0x0]  }
0xc5: {  	s6 =	simm.s32 $0x2000  }
0xc6: {  	[spmem:s2] =	stream.indirect.scatter.add.f32 [tilespmem:s19], [sflag:$0x3], $0x80, s6, s22, $0xb8;
	v63 =	vld [tilespmem:$0x0]  }
0xc7: {  	_ =	swait.ge [sflag:s26], $0x4000  }
0xc8: {  	[sflag:s26] =	ssyncset.done $0x0  }
0xc9: {  	[sflag:s26] =	ssyncadd.s32 $0xFFFFC000  }
0xca: {  	_ =	swait.ge [sflag:s28], $0x4000  }
0xcb: {  	[sflag:s28] =	ssyncset.done $0x0  }
0xcc: {  	s25 =	simm.s32 $0x100;
	[sflag:s28] =	ssyncadd.s32 $0xFFFFC000  }
0xcd: {  	[tilespmem:s19], [sflag:$0x1] =	stream.indirect.gather [hbm4b:s4+s22], $0x80, s25, s22, $0xb8;
	v63 =	vld [tilespmem:$0x0]  }
0xce: {  	s0 =	simm.s32 $0x400;
	s25 =	simm.s32 $0x2080  }
.LBB2_8:
0xcf: {  	[spmem:s2] =	stream.indirect.scatter.add.f32 [tilespmem:s23], [sflag:$0x3], $0x80, s25, s22, $0xb8;
	v63 =	vld [tilespmem:$0x0]  }
0xd0: {  	s6 =	smov.u32 s0  }
0xd1: {  	p0 =	sne.s32 s0, $0x3000;
	s0 =	sadd.s32 $0x400, s0;
	_ =	swait.ge [sflag:s26], $0x4000  }
0xd2: {  	[sflag:s26] =	ssyncset.done $0x0  }
0xd3: {  	[sflag:s26] =	ssyncadd.s32 $0xFFFFC000  }
0xd4: {  	_ =	swait.ge [sflag:s28], $0x4000  }
0xd5: {  	s6 =	sshra.s32 s6, $0x2;
	[sflag:s28] =	ssyncset.done $0x0  }
0xd6: {  	s25 =	sadd.s32 $0x80, s6;
	[sflag:s28] =	ssyncadd.s32 $0xFFFFC000  }
0xd7: {  	[tilespmem:s23], [sflag:$0x1] =	stream.indirect.gather [hbm4b:s4+s22], $0x80, s25, s22, $0xb8;
	v63 =	vld [tilespmem:$0x0]  }
0xd8: {  	s25 =	sadd.s32 $0x2000, s6  }
0xd9: {  	[spmem:s2] =	stream.indirect.scatter.add.f32 [tilespmem:s19], [sflag:$0x3], $0x80, s25, s22, $0xb8;
	v63 =	vld [tilespmem:$0x0]  }
0xda: {  	_ =	swait.ge [sflag:s26], $0x4000  }
0xdb: {  	[sflag:s26] =	ssyncset.done $0x0  }
0xdc: {  	[sflag:s26] =	ssyncadd.s32 $0xFFFFC000  }
.Ltmp3:
0xdd: {  	_ =	swait.ge [sflag:s28], $0x4000;
	(pc) =	sbr.rel @p0 .LBB2_8-.Ltmp3, $4  }
0xde: {  	[sflag:s28] =	ssyncset.done $0x0  }
0xdf: {  	s25 =	sadd.s32 $0x100, s6;
	[sflag:s28] =	ssyncadd.s32 $0xFFFFC000  }
0xe0: {  	[tilespmem:s19], [sflag:$0x1] =	stream.indirect.gather [hbm4b:s4+s22], $0x80, s25, s22, $0xb8;
	v63 =	vld [tilespmem:$0x0]  }
0xe1: {  	s25 =	sadd.s32 $0x2080, s6  }
0xe2: {  	[spmem:s2] =	stream.indirect.scatter.add.f32 [tilespmem:s23], [sflag:$0x3], $0x80, s25, s22, $0xb8;
	v63 =	vld [tilespmem:$0x0]  }
0xe3: {  	_ =	swait.ge [sflag:s26], $0x4000  }
0xe4: {  	[sflag:s26] =	ssyncset.done $0x0  }
0xe5: {  	[sflag:s26] =	ssyncadd.s32 $0xFFFFC000  }
0xe6: {  	_ =	swait.ge [sflag:s28], $0x4000  }
0xe7: {  	[sflag:s28] =	ssyncset.done $0x0  }
0xe8: {  	[sflag:s28] =	ssyncadd.s32 $0xFFFFC000  }
0xe9: {  	[tilespmem:s23], [sflag:$0x1] =	stream.indirect.gather [hbm4b:s4+s22], $0x80, s29, s22, $0xb8;
	v63 =	vld [tilespmem:$0x0]  }
0xea: {  	_ = 	snop  }
0xeb: {  	[spmem:s2] =	stream.indirect.scatter.add.f32 [tilespmem:s19], [sflag:$0x3], $0x80, s30, s22, $0xb8;
	v63 =	vld [tilespmem:$0x0]  }
0xec: {  	_ =	swait.ge [sflag:s26], $0x4000  }
0xed: {  	[sflag:s26] =	ssyncset.done $0x0  }
0xee: {  	[sflag:s26] =	ssyncadd.s32 $0xFFFFC000  }
0xef: {  	_ =	swait.ge [sflag:s28], $0x4000  }
0xf0: {  	[sflag:s28] =	ssyncset.done $0x0  }
0xf1: {  	[sflag:s28] =	ssyncadd.s32 $0xFFFFC000  }
0xf2: {  	[spmem:s2] =	stream.indirect.scatter.add.f32 [tilespmem:s23], [sflag:$0x3], $0x80, s31, s22, $0xb8;
	v63 =	vld [tilespmem:$0x0]  }
0xf3: {  	s0 =	stileid.u32;
	_ =	swait.ge [sflag:s28], $0x4000  }
0xf4: {  	s6 =	sshrl.u32 s7, $0x3;
	s1 =	sadd.s32 $0x1, s1;
	[sflag:s28] =	ssyncset.done $0x0  }
0xf5: {  	s0 =	sshll.u32 s0, $0x6;
	p0 =	sne.s32 s1, s13;
	[sflag:s28] =	ssyncadd.s32 $0xFFFFC000  }
.Ltmp4:
0xf6: {  	s0 =	sor.u32 $0x1C04, s0;
	[bflag:$0x0] =	sbarrier.arrive $0xFFFF;
	(pc) =	sbr.rel @p0 .LBB2_1-.Ltmp4, $4  }
0xf7: {  	[hbm:s12], [sflag:s0] =	dma.local [spmem:s6], $0x2800  }
0xf8: {  	_ =	swait.ge [sflag:s20], $0x2800  }
0xf9: {  	[sflag:s20] =	ssyncset.done $0x0  }
0xfa: {  	[sflag:s20] =	ssyncadd.s32 $0xFFFFD800  }
0xfb: {  	_ =	sfence.sel $0x180000  }
0xfc: {  	[bflag:$0x0] =	sbarrier.arrive $0xFFFF  }
0xfd: {  	_ =	strace $0x9000004A  }
0xfe: {  	s0 =	stileid.u32;
	[bflag:$0x2] =	sbarrier.arrive $0xFFFF  }
0xff: {  	p0 =	sne.s32 s0, $0x0;
	s0 =	rddreg [dreg:$0x3]  }
0x100: {  	s0 =	sadd.s32 @!p0 $0x100000, s0  }
0x101: {  	[sflag:s0] =	ssyncadd.tile.s32 @!p0 $0x1;
	_ =	shalt  }
.Lfunc_end2:
_tile_overlayer_lowered:
.L_overlay_start_2:
0x102: {  	(tag) =	ssettag $0x2  }
0x103: {  	s0 =	rddreg [dreg:$0x0];
	s2 =	stileid.u32  }
0x104: {  	s1 =	rddreg [dreg:$0x1];
	p0 =	sne.s32 s2, $0x0  }
0x105: {  	s3 =	rddreg [dreg:$0x2];
	[bflag:$0x3] =	sbarrier.arrive $0xFFFF;
	s2 =	simm.s32 @!p0 $0x1C04  }
0x106: {  	[timem:s3], [sflag:s2] =	dma.local @!p0 [hbm:s0], s1  }
0x107: {  	s0 =	simm.s32 @!p0 $0x4  }
0x108: {  	_ =	swait.ge @!p0 [sflag:s0], s1  }
0x109: {  	s1 =	ssub.s32 @!p0 $0x0, s1;
	[sflag:s0] =	ssyncset.done @!p0 $0x0  }
0x10a: {  	[sflag:s0] =	ssyncadd.s32 @!p0 s1  }
0x10b: {  	[bflag:$0x3] =	sbarrier.arrive $0xFFFF  }
0x10c: {  	_ =	shalt  }

// kernel: kernel.14.cloned.1.call-start
scs
__scs_entry_jumppad:
0x0: {  	(pc) =	sbr.rel $0x88, $3  }
0x1: {  	(tag) =	ssettag $0x0;
	lr =	simm.s32 $0x1  }
0x2: {  	[smem:$0x3F9B] =	sst lr;
	_ =	strace $0xD0000000  }
0x3: {  	_ = 	snop  }
0x4: {  	_ = 	snop  }
0x5: {  	_ = 	snop  }
0x6: {  	_ = 	snop  }
0x7: {  	_ = 	snop  }
__scs_overlays_trampoline_lowered:
0x8: {  	[smem:$0x3FAA] =	sst s0  }
0x9: {  	[smem:$0x3FAB] =	sst s1  }
0xa: {  	[smem:$0x3FAC] =	sst s2  }
0xb: {  	[smem:$0x3FAD] =	sst s3  }
0xc: {  	[smem:$0x3FAE] =	sst s4  }
0xd: {  	[smem:$0x3FAF] =	sst s5  }
0xe: {  	[smem:$0x3FB0] =	sst s6  }
0xf: {  	[smem:$0x3FB1] =	sst s7  }
0x10: {  	[smem:$0x3FB2] =	sst s8  }
0x11: {  	[smem:$0x3FB3] =	sst s9;
	s0 =	simm.s32 @!p0 $0x0  }
0x12: {  	s1 =	sld [smem:$0x3F99];
	s0 =	simm.s32 @p0 $0x1  }
0x13: {  	[smem:$0x3FB4] =	sst s0;
	s0 =	simm.s32 @!p1 $0x0  }
0x14: {  	s2 =	sld [smem:$0x3F98];
	s0 =	simm.s32 @p1 $0x1  }
0x15: {  	[smem:$0x3FB5] =	sst s0;
	s0 =	simm.s32 @!p2 $0x0  }
0x16: {  	s3 =	sld [smem:$0x3FDB];
	s0 =	simm.s32 @p2 $0x1  }
0x17: {  	s4 =	simm.s32 $0x1BF5;
	[smem:$0x3FB7] =	sst s0  }
0x18: {  	s0 =	sld [smem:$0x3F9A];
	_ =	swait.ge [sflag:s4], $0x0  }
0x19: {  	s7 =	sld [smem:$0x3F9B]  }
0x1a: {  	s8 =	sadd.s32 $0xFFFFE003, lr  }
0x1b: {  	s9 =	sadd.s32 $0xFFFFFEF7, lr;
	s5 =	simm.s32 $0xFFFFFFFF;
	p2 =	slt.u32 s8, $0xFFFFF086  }
0x1c: {  	p1 =	slt.u32 s9, $0xF7A;
	s5 =	simm.s32 @!p2 $0x0  }
0x1d: {  	s5 =	simm.s32 @p1 $0x1;
	p0 =	seq.s32 s7, s2  }
0x1e: {  	s7 =	smul.u32 @!p0 $0xF7A, s2;
	p2 =	seq.s32 @!p0 s5, $0x0  }
0x1f: {  	s9 =	smul.u32 $0xF7A, s1;
	s8 =	simm.s32 @!p0 $0x1BF5;
	p2 =	por !p2, p0  }
0x20: {  	[sflag:s8] =	ssyncset.s32 @!p0 $0xFFFFF086;
	s6 =	sadd.s32 @!p0 s3, s7;
	s7 =	simm.s32 @!p0 $0x108  }
0x21: {  	s3 =	sadd.s32 s3, s9;
	s6 =	sadd.s32 @!p0 $0x88, s6;
	s7 =	simm.s32 @p2 $0x1082  }
0x22: {  	[simem:s7], [sflag:s8] =	dma.local @!p0 [hbm:s6], $0xF7A  }
0x23: {  	s9 =	sor.u32 $0xD0000000, s2;
	s6 =	simm.s32 $0x108;
	_ =	swait.ge @!p0 [sflag:s8], $0x0  }
0x24: {  	s3 =	sadd.s32 $0x88, s3;
	s6 =	simm.s32 @!p1 $0x1082;
	[sflag:s4] =	ssyncset.s32 $0xFFFFF086  }
0x25: {  	[simem:s6], [sflag:s4] =	dma.local [hbm:s3], $0xF7A  }
0x26: {  	[smem:$0x3F9B] =	sst s1;
	(tag) =	ssettag s2;
	_ =	strace s9  }
0x27: {  	s1 =	sld [smem:$0x3FAB]  }
0x28: {  	s2 =	sld [smem:$0x3FAC]  }
0x29: {  	s4 =	sld [smem:$0x3FAE]  }
0x2a: {  	p0 =	seq.s32 s5, $0x0;
	s5 =	sld [smem:$0x3FAF]  }
0x2b: {  	s6 =	sld [smem:$0x3FB0]  }
0x2c: {  	s7 =	sld [smem:$0x3FB1]  }
0x2d: {  	s3 =	simm.s32 $0x108;
	s8 =	sld [smem:$0x3FB2]  }
0x2e: {  	s3 =	simm.s32 @!p0 $0x1082;
	s9 =	sld [smem:$0x3FB3]  }
0x2f: {  	lr =	sadd.s32 s0, s3;
	s0 =	sld [smem:$0x3FAA]  }
0x30: {  	s3 =	sld [smem:$0x3FAD]  }
0x31: {  	[smem:$0x3FB6] =	sst s10  }
0x32: {  	s10 =	sld [smem:$0x3FB4];
	_ =	sdelay $0x3  }
0x33: {  	p0 =	seq.s32 s10, $0x1;
	s10 =	sld [smem:$0x3FB6];
	_ =	sdelay $0x3  }
0x34: {  	[smem:$0x3FB6] =	sst s10  }
0x35: {  	s10 =	sld [smem:$0x3FB5];
	_ =	sdelay $0x3  }
0x36: {  	p1 =	seq.s32 s10, $0x1;
	s10 =	sld [smem:$0x3FB6];
	_ =	sdelay $0x3  }
0x37: {  	[smem:$0x3FB6] =	sst s10  }
0x38: {  	s10 =	sld [smem:$0x3FB7]  }
0x39: {  	_ = 	snop;
	(pc) =	sbr.ind lr, $3  }
0x3a: {  	_ = 	snop  }
0x3b: {  	_ = 	snop  }
0x3c: {  	p2 =	seq.s32 s10, $0x1;
	s10 =	sld [smem:$0x3FB6]  }
0x3d: {  	_ =	shalt  }
0x3e: {  	_ =	shalt  }
0x3f: {  	_ =	shalt  }
0x40: {  	_ =	shalt  }
0x41: {  	_ =	shalt  }
0x42: {  	_ =	shalt  }
0x43: {  	_ =	shalt  }
0x44: {  	_ =	shalt  }
0x45: {  	_ =	shalt  }
0x46: {  	_ =	shalt  }
0x47: {  	_ =	shalt  }
0x48: {  	_ =	shalt  }
0x49: {  	_ =	shalt  }
0x4a: {  	_ =	shalt  }
0x4b: {  	_ =	shalt  }
0x4c: {  	_ =	shalt  }
0x4d: {  	_ =	shalt  }
0x4e: {  	_ =	shalt  }
0x4f: {  	_ =	shalt  }
0x50: {  	_ =	shalt  }
0x51: {  	_ =	shalt  }
0x52: {  	_ =	shalt  }
0x53: {  	_ =	shalt  }
0x54: {  	_ =	shalt  }
0x55: {  	_ =	shalt  }
0x56: {  	_ =	shalt  }
0x57: {  	_ =	shalt  }
0x58: {  	_ =	shalt  }
0x59: {  	_ =	shalt  }
0x5a: {  	_ =	shalt  }
0x5b: {  	_ =	shalt  }
0x5c: {  	_ =	shalt  }
0x5d: {  	_ =	shalt  }
0x5e: {  	_ =	shalt  }
0x5f: {  	_ =	shalt  }
0x60: {  	_ =	shalt  }
0x61: {  	_ =	shalt  }
0x62: {  	_ =	shalt  }
0x63: {  	_ =	shalt  }
0x64: {  	_ =	shalt  }
0x65: {  	_ =	shalt  }
0x66: {  	_ =	shalt  }
0x67: {  	_ =	shalt  }
0x68: {  	_ =	shalt  }
0x69: {  	_ =	shalt  }
0x6a: {  	_ =	shalt  }
0x6b: {  	_ =	shalt  }
0x6c: {  	_ =	shalt  }
0x6d: {  	_ =	shalt  }
0x6e: {  	_ =	shalt  }
0x6f: {  	_ =	shalt  }
0x70: {  	_ =	shalt  }
0x71: {  	_ =	shalt  }
0x72: {  	_ =	shalt  }
0x73: {  	_ =	shalt  }
0x74: {  	_ =	shalt  }
0x75: {  	_ =	shalt  }
0x76: {  	_ =	shalt  }
0x77: {  	_ =	shalt  }
0x78: {  	_ =	shalt  }
0x79: {  	_ =	shalt  }
0x7a: {  	_ =	shalt  }
0x7b: {  	_ =	shalt  }
0x7c: {  	_ =	shalt  }
0x7d: {  	_ =	shalt  }
0x7e: {  	_ =	shalt  }
0x7f: {  	_ =	shalt  }
0x80: {  	_ =	shalt  }
0x81: {  	_ =	shalt  }
0x82: {  	_ =	shalt  }
0x83: {  	_ =	shalt  }
0x84: {  	_ =	shalt  }
0x85: {  	_ =	shalt  }
0x86: {  	_ =	shalt  }
0x87: {  	_ =	shalt  }
.Lfunc_end0:
.L_simem_size_0:
called_computation.2_lowered:
.L_overlay_start_0:
0x88: {  	s2 =	sld [smem:$0x3FD9]  }
0x89: {  	s3 =	sld [smem:$0x3FFE];
	_ =	sdelay $0x1  }
0x8a: {  	s1 =	srdreg.scid  }
0x8b: {  	s0 =	sand.u32 $0x1, s1  }
0x8c: {  	s16 =	sshll.u32 s0, $0xA;
	s2 =	sadd.s32 s3, s2  }
0x8d: {  	s2 =	sadd.s32 s2, s16  }
0x8e: {  	[smem:$0x3FC2] =	sst s2  }
0x8f: {  	_ = 	snop  }
0x90: {  	(tm) =	ssettm $0x1  }
0x91: {  	s17 =	sld [smem:$0x3FFB];
	_ =	sdelay $0x3  }
0x92: {  	_ =	strace s17  }
0x93: {  	s2 =	sld [smem:$0x3FFC];
	_ =	sdelay $0x3  }
0x94: {  	_ =	strace s2  }
0x95: {  	s2 =	sld [smem:$0x3FFD];
	_ =	sdelay $0x3  }
0x96: {  	_ =	strace s2  }
0x97: {  	_ =	strace $0x8FFFFFFF  }
0x98: {  	s18 =	sld [smem:$0x3FDB];
	_ =	sdelay $0x1  }
0x99: {  	s19 =	simm.s32 $_scs_section_size  }
0x9a: {  	s4 =	simm.s32 $_size__tile_overlayer_lowered;
	s5 =	simm.s32 $_tile_overlayer_lowered  }
0x9b: {  	s22 =	simm.s32 $0x1BFF;
	s21 =	sshll.u32 s5, $0x1;
	s2 =	sadd.s32 s19, s18  }
0x9c: {  	s6 =	simm.s32 $0x0;
	s20 =	sshll.u32 s4, $0x1;
	s4 =	sadd.s32 s21, s2  }
0x9d: {  	[timem:s6], [sflag:s22] =	dma.local [hbm:s4], s20  }
0x9e: {  	_ =	swait.ge [sflag:s22], s20  }
0x9f: {  	s3 =	ssub.s32 $0x0, s20;
	[sflag:s22] =	ssyncset.done $0x0  }
0xa0: {  	[sflag:s22] =	ssyncadd.s32 s3;
	_ =	sdelay $0x1  }
0xa1: {  	s23 =	simm.s32 $0x1B8B  }
0xa2: {  	_ =	swait.ge [sflag:s23], $0x1  }
0xa3: {  	[sflag:s23] =	ssyncset.done $0x0  }
0xa4: {  	s25 =	simm.s32 $0x1B8E;
	s24 =	sld [smem:$0x3FFE];
	[sflag:s23] =	ssyncadd.s32 $0xFFFFFFFF  }
0xa5: {  	s26 =	simm.s32 $execute0_lowered;
	[smem:$0x3FD2] =	sst s25  }
0xa6: {  	s4 =	sshll.u32 s26, $0x1;
	_ =	strace $0x8000004C;
	[dreg:$0x1] =	wrdreg $0xFFFFFFFF  }
0xa7: {  	s28 =	simm.s32 $_size_execute0_lowered;
	s2 =	sadd.s32 s2, s4;
	[dreg:$0x0] =	wrdreg $0x0  }
0xa8: {  	s4 =	sshll.u32 s28, $0x1;
	[dreg:$0x2] =	wrdreg s2  }
0xa9: {  	[dreg:$0x3] =	wrdreg s4  }
0xaa: {  	[dreg:$0x4] =	wrdreg $0xC0  }
0xab: {  	_ =	task [dreg:s6], $0x5FFFF  }
0xac: {  	[dreg:$0x1] =	wrdreg $0xFFFFFFFF  }
0xad: {  	[dreg:$0x0] =	wrdreg $0x60  }
0xae: {  	[dreg:$0x2] =	wrdreg s24  }
0xaf: {  	[dreg:$0x3] =	wrdreg $0xA0000  }
0xb0: {  	[dreg:$0x4] =	wrdreg $0x9  }
0xb1: {  	_ =	task.clear_ibuf [dreg:s6], $0x5FFFF;
	_ =	strace $0x9000004C  }
0xb2: {  	s29 =	simm.s32 $0x9;
	_ =	strace $0x8000004E  }
0xb3: {  	_ =	swait.ge [sflag:s29], $0x1  }
0xb4: {  	[sflag:s29] =	ssyncadd.s32 $0xFFFFFFFF  }
0xb5: {  	_ =	strace $0x9000004E  }
0xb6: {  	_ =	sfence  }
0xb7: {  	s30 =	sld [smem:$0x0];
	_ =	sdelay $0x2  }
0xb8: {  	s31 =	sshll.u32 s1, $0xD;
	s1 =	sshrl.u32 s1, $0x2  }
0xb9: {  	s3 =	sand.u32 $0x4000, s31;
	s1 =	sadd.s32 s1, s30  }
0xba: {  	s0 =	sor.u32 s3, s0;
	s1 =	sshll.u32 s1, $0x11  }
0xbb: {  	s0 =	sor.u32 s1, s0  }
0xbc: {  	s0 =	sadd.s32 $0x8F2B, s0  }
0xbd: {  	[sflag:s0] =	ssyncadd.remote.s32 $0x1  }
0xbe: {  	_ =	sfence.sel $0xFFFF  }
0xbf: {  	[dreg:$0x0] =	wrdreg $0xFFFFFFFF;
	(pc) =	sbr.abs _section_cstart, $3  }
0xc0: {  	[dreg:$0x1] =	wrdreg $0xFFFFFFFF  }
0xc1: {  	_ =	task.clear_ibuf [dreg:s6], $0x2FFFF;
	_ =	strace $0x9FFFFFFF  }
0xc2: {  	(tm) =	ssettm $0x7FFFFFFF  }
0xc3: {  	_ =	shalt  }
tec
execute0_lowered:
.L_overlay_start_1:
0x0: {  	(tag) =	ssettag $0x1  }
0x1: {  	s0 =	rddreg [dreg:$0x0]  }
0x2: {  	s1 =	rddreg [dreg:$0x1];
	s2 =	simm.s32 $0x0;
	s3 =	srdreg.scid  }
0x3: {  	s10 =	stileid.u32;
	s28 =	simm.s32 $0x3;
	s11 =	simm.s32 $0x100  }
0x4: {  	s12 =	simm.s32 $0x1080;
	s29 =	simm.s32 $0x1280;
	s30 =	simm.s32 $0x380  }
0x5: {  	s31 =	simm.s32 $0x1300;
	[smem:$0x7FF] =	sst s2;
	s3 =	sand.u32 $0x1, s3  }
0x6: {  	s4 =	sadd.s32 $0xDA00, s0;
	s6 =	smul.u32 $0x14000, s10;
	s8 =	sadd.s32 $0x1A00, s0  }
0x7: {  	s9 =	sadd.s32 $0x7A00, s0;
	s5 =	smul.u32 $0x140000, s3;
	s7 =	sshll.u32 s3, $0x4  }
0x8: {  	_ =	strace $0x8000004D;
	s3 =	ssub.s32 $0x2, s3;
	s7 =	sor.u32 s10, s7  }
0x9: {  	s14 =	sshrl.u32 s3, $0x1;
	s10 =	smul.u32 $0x50000, s10;
	s5 =	sadd.s32 s6, s5  }
0xa: {  	s13 =	smul.u32 $0x1800, s7;
	s3 =	ssub.s32 s3, s14;
	s14 =	simm.s32 $0x1100  }
0xb: {  	s7 =	simm.s32 $0x1400;
	s5 =	sshrl.u32 s5, $0x3;
	s17 =	sshrl.u32 s10, $0x2  }
0xc: {  	s22 =	smax.u32 s3, $0x1;
	s0 =	sadd.s32 s5, s0;
	s15 =	sshrl.u32 s13, $0x3  }
0xd: {  	s18 =	sadd.s32 s17, s1;
	[dreg:$0xa] =	wrdreg s22;
	s22 =	simm.s32 $0x80  }
0xe: {  	s13 =	simm.s32 $0x180;
	s6 =	sadd.s32 s8, s15;
	[dreg:$0xf] =	wrdreg s18  }
0xf: {  	s17 =	simm.s32 $0x1200;
	s16 =	sadd.s32 s9, s15;
	[dreg:$0x3] =	wrdreg s6  }
0x10: {  	s19 =	sadd.s32 $0x100, s15;
	s0 =	sadd.s32 $0x35A00, s0;
	[dreg:$0x4] =	wrdreg s16  }
0x11: {  	s5 =	sadd.s32 $0x200, s15;
	s23 =	sadd.s32 $0x4000, s18;
	[dreg:$0x9] =	wrdreg s0  }
0x12: {  	s24 =	sadd.s32 $0x8000, s18;
	s25 =	sadd.s32 $0xC000, s18;
	[dreg:$0xb] =	wrdreg s23  }
0x13: {  	s26 =	sadd.s32 $0x10000, s18;
	s15 =	simm.s32 $0x200;
	[dreg:$0xc] =	wrdreg s24  }
0x14: {  	s20 =	sadd.s32 s8, s19;
	s6 =	sadd.s32 s9, s19;
	[dreg:$0xd] =	wrdreg s25  }
0x15: {  	s21 =	sadd.s32 s8, s5;
	s5 =	sadd.s32 s9, s5;
	[dreg:$0xe] =	wrdreg s26  }
0x16: {  	s0 =	simm.s32 $0x1000;
	s19 =	simm.s32 $0x2000;
	[dreg:$0x5] =	wrdreg s20  }
0x17: {  	s23 =	simm.s32 $0x6000;
	s26 =	simm.s32 $0x1;
	[dreg:$0x6] =	wrdreg s6  }
0x18: {  	s16 =	simm.s32 $0x1180;
	s24 =	simm.s32 $0x280;
	[dreg:$0x7] =	wrdreg s21  }
0x19: {  	s25 =	simm.s32 $0x300;
	[dreg:$0x8] =	wrdreg s5;
	s20 =	simm.s32 $0x4  }
0x1a: {  	v0 =	vimm.f32 $0.0e+00;
	s21 =	simm.s32 $0x2;
	s6 =	simm.s32 $0x0;
	s5 =	simm.s32 $0x480  }
.LBB2_1:
0x1b: {  	s8 =	rddreg [dreg:$0x3]  }
0x1c: {  	[tilespmem:s2], [sflag:$0x2] =	stream.linear.gather [hbm4b:s8+s2], $0x700, $0x38;
	[tilespmem:$0x1E000] =	vst v63  }
0x1d: {  	s18 =	rddreg [dreg:$0x4];
	s9 =	sand.u32 $0x3FF0, s2;
	s8 =	simm.s32 $0x10  }
0x1e: {  	[tilespmem:s0], [sflag:$0x2] =	stream.linear.gather [hbm4b:s18+s2], $0x700, $0x38;
	[tilespmem:$0x1E000] =	vst v63  }
.LBB2_2:
0x1f: {  	p0 =	sne.s32 s8, $0x3FF0;
	[tilespmem:s9+$0x2000] =	vst v0;
	s10 =	smov.u32 s8;
	s8 =	sadd.s32 $0x10, s8  }
.Ltmp0:
0x20: {  	[tilespmem:s9+$0x6000] =	vst v0;
	(pc) =	sbr.rel @p0 .LBB2_2-.Ltmp0, $2  }
0x21: {  	_ =	sdelay $0x2  }
0x22: {  	s9 =	sand.u32 $0x3FF0, s10  }
0x23: {  	[tilespmem:s9+$0x2000] =	vst v0  }
0x24: {  	[tilespmem:s9+$0x6000] =	vst v0;
	s18 =	rddreg [dreg:$0xf]  }
0x25: {  	[spmem:s18] =	stream.linear.scatter [tilespmem:s19], [sflag:$0x4], $0x4000, $0x38;
	[tilespmem:$0x1E000] =	vst v63  }
0x26: {  	_ =	swait.ge [sflag:s20], $0x4000  }
0x27: {  	[sflag:s20] =	ssyncset.done $0x0  }
0x28: {  	s8 =	rddreg [dreg:$0xb];
	[sflag:s20] =	ssyncadd.s32 $0xFFFFC000  }
0x29: {  	[spmem:s8] =	stream.linear.scatter [tilespmem:s19], [sflag:$0x4], $0x4000, $0x38;
	[tilespmem:$0x1E000] =	vst v63  }
0x2a: {  	_ =	swait.ge [sflag:s20], $0x4000  }
0x2b: {  	[sflag:s20] =	ssyncset.done $0x0  }
0x2c: {  	s10 =	rddreg [dreg:$0xc];
	[sflag:s20] =	ssyncadd.s32 $0xFFFFC000  }
0x2d: {  	[spmem:s10] =	stream.linear.scatter [tilespmem:s19], [sflag:$0x4], $0x4000, $0x38;
	[tilespmem:$0x1E000] =	vst v63  }
0x2e: {  	_ =	swait.ge [sflag:s20], $0x4000  }
0x2f: {  	[sflag:s20] =	ssyncset.done $0x0  }
0x30: {  	s3 =	rddreg [dreg:$0xd];
	[sflag:s20] =	ssyncadd.s32 $0xFFFFC000  }
0x31: {  	[spmem:s3] =	stream.linear.scatter [tilespmem:s19], [sflag:$0x4], $0x4000, $0x38;
	[tilespmem:$0x1E000] =	vst v63  }
0x32: {  	_ =	swait.ge [sflag:s20], $0x4000  }
0x33: {  	[sflag:s20] =	ssyncset.done $0x0  }
0x34: {  	s9 =	rddreg [dreg:$0xe];
	[sflag:s20] =	ssyncadd.s32 $0xFFFFC000  }
0x35: {  	[spmem:s9] =	stream.linear.scatter [tilespmem:s19], [sflag:$0x4], $0x4000, $0x38;
	[tilespmem:$0x1E000] =	vst v63  }
0x36: {  	_ =	swait.ge [sflag:s20], $0x4000  }
0x37: {  	[sflag:s20] =	ssyncset.done $0x0  }
0x38: {  	[sflag:s20] =	ssyncadd.s32 $0xFFFFC000  }
0x39: {  	[bflag:$0x0] =	sbarrier.arrive $0xFFFF  }
0x3a: {  	_ =	swait.ge [sflag:s21], $0x700  }
0x3b: {  	[sflag:s21] =	ssyncset.done $0x0  }
0x3c: {  	[sflag:s21] =	ssyncadd.s32 $0xFFFFF900  }
0x3d: {  	_ =	swait.ge [sflag:s21], $0x700  }
0x3e: {  	[sflag:s21] =	ssyncset.done $0x0  }
0x3f: {  	[sflag:s21] =	ssyncadd.s32 $0xFFFFF900  }
0x40: {  	[spmem:s1] =	stream.indirect.scatter.add.f32 [tilespmem:s23], [sflag:$0x3], $0x80, s0, s22, $0xb8;
	[tilespmem:$0x1E000] =	vst v63  }
0x41: {  	_ = 	snop  }
0x42: {  	[tilespmem:s19], [sflag:$0x1] =	stream.indirect.gather [hbm4b:s4+s22], $0x80, s2, s22, $0xb8;
	[tilespmem:$0x1E000] =	vst v63  }
0x43: {  	s9 =	simm.s32 $0x800;
	s10 =	rddreg [dreg:$0x5]  }
0x44: {  	[tilespmem:s9], [sflag:$0x2] =	stream.linear.gather [hbm4b:s10+s2], $0x700, $0x38;
	[tilespmem:$0x1E000] =	vst v63  }
0x45: {  	s3 =	rddreg [dreg:$0x6];
	s10 =	simm.s32 $0x1800  }
0x46: {  	[tilespmem:s10], [sflag:$0x2] =	stream.linear.gather [hbm4b:s3+s2], $0x700, $0x38;
	[tilespmem:$0x1E000] =	vst v63  }
0x47: {  	_ =	swait.ge [sflag:s26], $0x4000  }
0x48: {  	[sflag:s26] =	ssyncset.done $0x0  }
0x49: {  	[sflag:s26] =	ssyncadd.s32 $0xFFFFC000  }
0x4a: {  	_ =	swait.ge [sflag:s28], $0x4000  }
0x4b: {  	[sflag:s28] =	ssyncset.done $0x0  }
0x4c: {  	[sflag:s28] =	ssyncadd.s32 $0xFFFFC000  }
0x4d: {  	[tilespmem:s23], [sflag:$0x1] =	stream.indirect.gather [hbm4b:s4+s22], $0x80, s22, s22, $0xb8;
	[tilespmem:$0x1E000] =	vst v63  }
0x4e: {  	_ = 	snop  }
0x4f: {  	[spmem:s1] =	stream.indirect.scatter.add.f32 [tilespmem:s19], [sflag:$0x3], $0x80, s0, s22, $0xb8;
	[tilespmem:$0x1E000] =	vst v63  }
0x50: {  	_ =	swait.ge [sflag:s26], $0x4000  }
0x51: {  	[sflag:s26] =	ssyncset.done $0x0  }
0x52: {  	[sflag:s26] =	ssyncadd.s32 $0xFFFFC000  }
0x53: {  	_ =	swait.ge [sflag:s28], $0x4000  }
0x54: {  	[sflag:s28] =	ssyncset.done $0x0  }
0x55: {  	[sflag:s28] =	ssyncadd.s32 $0xFFFFC000  }
0x56: {  	[tilespmem:s19], [sflag:$0x1] =	stream.indirect.gather [hbm4b:s4+s22], $0x80, s11, s22, $0xb8;
	[tilespmem:$0x1E000] =	vst v63  }
0x57: {  	_ = 	snop  }
0x58: {  	[spmem:s1] =	stream.indirect.scatter.add.f32 [tilespmem:s23], [sflag:$0x3], $0x80, s12, s22, $0xb8;
	[tilespmem:$0x1E000] =	vst v63  }
0x59: {  	_ =	swait.ge [sflag:s26], $0x4000  }
0x5a: {  	[sflag:s26] =	ssyncset.done $0x0  }
0x5b: {  	[sflag:s26] =	ssyncadd.s32 $0xFFFFC000  }
0x5c: {  	_ =	swait.ge [sflag:s28], $0x4000  }
0x5d: {  	[sflag:s28] =	ssyncset.done $0x0  }
0x5e: {  	[sflag:s28] =	ssyncadd.s32 $0xFFFFC000  }
0x5f: {  	[tilespmem:s23], [sflag:$0x1] =	stream.indirect.gather [hbm4b:s4+s22], $0x80, s13, s22, $0xb8;
	[tilespmem:$0x1E000] =	vst v63  }
0x60: {  	_ = 	snop  }
0x61: {  	[spmem:s1] =	stream.indirect.scatter.add.f32 [tilespmem:s19], [sflag:$0x3], $0x80, s14, s22, $0xb8;
	[tilespmem:$0x1E000] =	vst v63  }
0x62: {  	_ =	swait.ge [sflag:s26], $0x4000  }
0x63: {  	[sflag:s26] =	ssyncset.done $0x0  }
0x64: {  	[sflag:s26] =	ssyncadd.s32 $0xFFFFC000  }
0x65: {  	_ =	swait.ge [sflag:s28], $0x4000  }
0x66: {  	[sflag:s28] =	ssyncset.done $0x0  }
0x67: {  	[sflag:s28] =	ssyncadd.s32 $0xFFFFC000  }
0x68: {  	[tilespmem:s19], [sflag:$0x1] =	stream.indirect.gather [hbm4b:s4+s22], $0x80, s15, s22, $0xb8;
	[tilespmem:$0x1E000] =	vst v63  }
0x69: {  	_ = 	snop  }
0x6a: {  	[spmem:s1] =	stream.indirect.scatter.add.f32 [tilespmem:s23], [sflag:$0x3], $0x80, s16, s22, $0xb8;
	[tilespmem:$0x1E000] =	vst v63  }
0x6b: {  	_ =	swait.ge [sflag:s26], $0x4000  }
0x6c: {  	[sflag:s26] =	ssyncset.done $0x0  }
0x6d: {  	[sflag:s26] =	ssyncadd.s32 $0xFFFFC000  }
0x6e: {  	_ =	swait.ge [sflag:s28], $0x4000  }
0x6f: {  	[sflag:s28] =	ssyncset.done $0x0  }
0x70: {  	[sflag:s28] =	ssyncadd.s32 $0xFFFFC000  }
0x71: {  	[tilespmem:s23], [sflag:$0x1] =	stream.indirect.gather [hbm4b:s4+s22], $0x80, s24, s22, $0xb8;
	[tilespmem:$0x1E000] =	vst v63  }
0x72: {  	_ = 	snop  }
0x73: {  	[spmem:s1] =	stream.indirect.scatter.add.f32 [tilespmem:s19], [sflag:$0x3], $0x80, s17, s22, $0xb8;
	[tilespmem:$0x1E000] =	vst v63  }
0x74: {  	_ =	swait.ge [sflag:s26], $0x4000  }
0x75: {  	[sflag:s26] =	ssyncset.done $0x0  }
0x76: {  	[sflag:s26] =	ssyncadd.s32 $0xFFFFC000  }
0x77: {  	_ =	swait.ge [sflag:s28], $0x4000  }
0x78: {  	[sflag:s28] =	ssyncset.done $0x0  }
0x79: {  	[sflag:s28] =	ssyncadd.s32 $0xFFFFC000  }
0x7a: {  	[tilespmem:s19], [sflag:$0x1] =	stream.indirect.gather [hbm4b:s4+s22], $0x80, s25, s22, $0xb8;
	[tilespmem:$0x1E000] =	vst v63  }
0x7b: {  	_ = 	snop  }
0x7c: {  	[spmem:s1] =	stream.indirect.scatter.add.f32 [tilespmem:s23], [sflag:$0x3], $0x80, s29, s22, $0xb8;
	[tilespmem:$0x1E000] =	vst v63  }
0x7d: {  	_ =	swait.ge [sflag:s26], $0x4000  }
0x7e: {  	[sflag:s26] =	ssyncset.done $0x0  }
0x7f: {  	[sflag:s26] =	ssyncadd.s32 $0xFFFFC000  }
0x80: {  	_ =	swait.ge [sflag:s28], $0x4000  }
0x81: {  	[sflag:s28] =	ssyncset.done $0x0  }
0x82: {  	[sflag:s28] =	ssyncadd.s32 $0xFFFFC000  }
0x83: {  	[tilespmem:s23], [sflag:$0x1] =	stream.indirect.gather [hbm4b:s4+s22], $0x80, s30, s22, $0xb8;
	[tilespmem:$0x1E000] =	vst v63  }
0x84: {  	_ = 	snop  }
0x85: {  	[spmem:s1] =	stream.indirect.scatter.add.f32 [tilespmem:s19], [sflag:$0x3], $0x80, s31, s22, $0xb8;
	[tilespmem:$0x1E000] =	vst v63  }
0x86: {  	_ =	swait.ge [sflag:s26], $0x4000  }
0x87: {  	[sflag:s26] =	ssyncset.done $0x0  }
0x88: {  	[sflag:s26] =	ssyncadd.s32 $0xFFFFC000  }
0x89: {  	_ =	swait.ge [sflag:s28], $0x4000  }
0x8a: {  	[sflag:s28] =	ssyncset.done $0x0  }
0x8b: {  	s3 =	simm.s32 $0x400;
	[sflag:s28] =	ssyncadd.s32 $0xFFFFC000  }
0x8c: {  	[tilespmem:s19], [sflag:$0x1] =	stream.indirect.gather [hbm4b:s4+s22], $0x80, s3, s22, $0xb8;
	[tilespmem:$0x1E000] =	vst v63  }
0x8d: {  	s3 =	simm.s32 $0x1380  }
0x8e: {  	[spmem:s1] =	stream.indirect.scatter.add.f32 [tilespmem:s23], [sflag:$0x3], $0x80, s3, s22, $0xb8;
	[tilespmem:$0x1E000] =	vst v63  }
0x8f: {  	_ =	swait.ge [sflag:s26], $0x4000  }
0x90: {  	[sflag:s26] =	ssyncset.done $0x0  }
0x91: {  	[sflag:s26] =	ssyncadd.s32 $0xFFFFC000  }
0x92: {  	_ =	swait.ge [sflag:s28], $0x4000  }
0x93: {  	[sflag:s28] =	ssyncset.done $0x0  }
0x94: {  	[sflag:s28] =	ssyncadd.s32 $0xFFFFC000  }
0x95: {  	[tilespmem:s23], [sflag:$0x1] =	stream.indirect.gather [hbm4b:s4+s22], $0x80, s5, s22, $0xb8;
	[tilespmem:$0x1E000] =	vst v63  }
0x96: {  	_ = 	snop  }
0x97: {  	[spmem:s1] =	stream.indirect.scatter.add.f32 [tilespmem:s19], [sflag:$0x3], $0x80, s7, s22, $0xb8;
	[tilespmem:$0x1E000] =	vst v63  }
0x98: {  	_ =	swait.ge [sflag:s26], $0x4000  }
0x99: {  	[sflag:s26] =	ssyncset.done $0x0  }
0x9a: {  	[sflag:s26] =	ssyncadd.s32 $0xFFFFC000  }
0x9b: {  	_ =	swait.ge [sflag:s28], $0x4000  }
0x9c: {  	[sflag:s28] =	ssyncset.done $0x0  }
0x9d: {  	s8 =	simm.s32 $0x500;
	[sflag:s28] =	ssyncadd.s32 $0xFFFFC000  }
0x9e: {  	[tilespmem:s19], [sflag:$0x1] =	stream.indirect.gather [hbm4b:s4+s22], $0x80, s8, s22, $0xb8;
	[tilespmem:$0x1E000] =	vst v63  }
0x9f: {  	s8 =	simm.s32 $0x1480  }
0xa0: {  	[spmem:s1] =	stream.indirect.scatter.add.f32 [tilespmem:s23], [sflag:$0x3], $0x80, s8, s22, $0xb8;
	[tilespmem:$0x1E000] =	vst v63  }
0xa1: {  	_ =	swait.ge [sflag:s26], $0x4000  }
0xa2: {  	[sflag:s26] =	ssyncset.done $0x0  }
0xa3: {  	[sflag:s26] =	ssyncadd.s32 $0xFFFFC000  }
0xa4: {  	_ =	swait.ge [sflag:s28], $0x4000  }
0xa5: {  	[sflag:s28] =	ssyncset.done $0x0  }
0xa6: {  	s8 =	simm.s32 $0x580;
	[sflag:s28] =	ssyncadd.s32 $0xFFFFC000  }
0xa7: {  	[tilespmem:s23], [sflag:$0x1] =	stream.indirect.gather [hbm4b:s4+s22], $0x80, s8, s22, $0xb8;
	[tilespmem:$0x1E000] =	vst v63  }
0xa8: {  	s8 =	simm.s32 $0x1500  }
0xa9: {  	[spmem:s1] =	stream.indirect.scatter.add.f32 [tilespmem:s19], [sflag:$0x3], $0x80, s8, s22, $0xb8;
	[tilespmem:$0x1E000] =	vst v63  }
0xaa: {  	_ =	swait.ge [sflag:s26], $0x4000  }
0xab: {  	[sflag:s26] =	ssyncset.done $0x0  }
0xac: {  	[sflag:s26] =	ssyncadd.s32 $0xFFFFC000  }
0xad: {  	_ =	swait.ge [sflag:s28], $0x4000  }
0xae: {  	[sflag:s28] =	ssyncset.done $0x0  }
0xaf: {  	s8 =	simm.s32 $0x600;
	[sflag:s28] =	ssyncadd.s32 $0xFFFFC000  }
0xb0: {  	[tilespmem:s19], [sflag:$0x1] =	stream.indirect.gather [hbm4b:s4+s22], $0x80, s8, s22, $0xb8;
	[tilespmem:$0x1E000] =	vst v63  }
0xb1: {  	s8 =	simm.s32 $0x1580  }
0xb2: {  	[spmem:s1] =	stream.indirect.scatter.add.f32 [tilespmem:s23], [sflag:$0x3], $0x80, s8, s22, $0xb8;
	[tilespmem:$0x1E000] =	vst v63  }
0xb3: {  	_ =	swait.ge [sflag:s26], $0x4000  }
0xb4: {  	[sflag:s26] =	ssyncset.done $0x0  }
0xb5: {  	[sflag:s26] =	ssyncadd.s32 $0xFFFFC000  }
0xb6: {  	_ =	swait.ge [sflag:s28], $0x4000  }
0xb7: {  	[sflag:s28] =	ssyncset.done $0x0  }
0xb8: {  	s8 =	simm.s32 $0x680;
	[sflag:s28] =	ssyncadd.s32 $0xFFFFC000  }
0xb9: {  	[tilespmem:s23], [sflag:$0x1] =	stream.indirect.gather [hbm4b:s4+s22], $0x80, s8, s22, $0xb8;
	[tilespmem:$0x1E000] =	vst v63  }
0xba: {  	s8 =	simm.s32 $0x1600  }
0xbb: {  	[spmem:s1] =	stream.indirect.scatter.add.f32 [tilespmem:s19], [sflag:$0x3], $0x80, s8, s22, $0xb8;
	[tilespmem:$0x1E000] =	vst v63  }
0xbc: {  	_ =	swait.ge [sflag:s26], $0x4000  }
0xbd: {  	[sflag:s26] =	ssyncset.done $0x0  }
0xbe: {  	[sflag:s26] =	ssyncadd.s32 $0xFFFFC000  }
0xbf: {  	_ =	swait.ge [sflag:s28], $0x4000  }
0xc0: {  	[sflag:s28] =	ssyncset.done $0x0  }
0xc1: {  	[sflag:s28] =	ssyncadd.s32 $0xFFFFC000  }
0xc2: {  	_ =	swait.ge [sflag:s21], $0x700  }
0xc3: {  	[sflag:s21] =	ssyncset.done $0x0  }
0xc4: {  	[sflag:s21] =	ssyncadd.s32 $0xFFFFF900  }
0xc5: {  	_ =	swait.ge [sflag:s21], $0x700  }
0xc6: {  	[sflag:s21] =	ssyncset.done $0x0  }
0xc7: {  	[sflag:s21] =	ssyncadd.s32 $0xFFFFF900  }
0xc8: {  	[tilespmem:s19], [sflag:$0x1] =	stream.indirect.gather [hbm4b:s4+s22], $0x80, s9, s22, $0xb8;
	[tilespmem:$0x1E000] =	vst v63  }
0xc9: {  	s9 =	simm.s32 $0x1680  }
0xca: {  	[spmem:s1] =	stream.indirect.scatter.add.f32 [tilespmem:s23], [sflag:$0x3], $0x80, s9, s22, $0xb8;
	[tilespmem:$0x1E000] =	vst v63  }
0xcb: {  	s8 =	rddreg [dreg:$0x7]  }
0xcc: {  	[tilespmem:s2], [sflag:$0x2] =	stream.linear.gather [hbm4b:s8+s2], $0x700, $0x38;
	[tilespmem:$0x1E000] =	vst v63  }
0xcd: {  	s0 =	simm.s32 $0x1000;
	s8 =	rddreg [dreg:$0x8]  }
0xce: {  	[tilespmem:s0], [sflag:$0x2] =	stream.linear.gather [hbm4b:s8+s2], $0x700, $0x38;
	[tilespmem:$0x1E000] =	vst v63  }
0xcf: {  	_ =	swait.ge [sflag:s26], $0x4000  }
0xd0: {  	[sflag:s26] =	ssyncset.done $0x0  }
0xd1: {  	[sflag:s26] =	ssyncadd.s32 $0xFFFFC000  }
0xd2: {  	_ =	swait.ge [sflag:s28], $0x4000  }
0xd3: {  	[sflag:s28] =	ssyncset.done $0x0  }
0xd4: {  	s8 =	simm.s32 $0x880;
	[sflag:s28] =	ssyncadd.s32 $0xFFFFC000  }
0xd5: {  	[tilespmem:s23], [sflag:$0x1] =	stream.indirect.gather [hbm4b:s4+s22], $0x80, s8, s22, $0xb8;
	[tilespmem:$0x1E000] =	vst v63  }
0xd6: {  	_ = 	snop  }
0xd7: {  	[spmem:s1] =	stream.indirect.scatter.add.f32 [tilespmem:s19], [sflag:$0x3], $0x80, s10, s22, $0xb8;
	[tilespmem:$0x1E000] =	vst v63  }
0xd8: {  	_ =	swait.ge [sflag:s26], $0x4000  }
0xd9: {  	[sflag:s26] =	ssyncset.done $0x0  }
0xda: {  	[sflag:s26] =	ssyncadd.s32 $0xFFFFC000  }
0xdb: {  	_ =	swait.ge [sflag:s28], $0x4000  }
0xdc: {  	[sflag:s28] =	ssyncset.done $0x0  }
0xdd: {  	s10 =	simm.s32 $0x900;
	[sflag:s28] =	ssyncadd.s32 $0xFFFFC000  }
0xde: {  	[tilespmem:s19], [sflag:$0x1] =	stream.indirect.gather [hbm4b:s4+s22], $0x80, s10, s22, $0xb8;
	[tilespmem:$0x1E000] =	vst v63  }
0xdf: {  	s10 =	simm.s32 $0x1880  }
0xe0: {  	[spmem:s1] =	stream.indirect.scatter.add.f32 [tilespmem:s23], [sflag:$0x3], $0x80, s10, s22, $0xb8;
	[tilespmem:$0x1E000] =	vst v63  }
0xe1: {  	_ =	swait.ge [sflag:s26], $0x4000  }
0xe2: {  	[sflag:s26] =	ssyncset.done $0x0  }
0xe3: {  	[sflag:s26] =	ssyncadd.s32 $0xFFFFC000  }
0xe4: {  	_ =	swait.ge [sflag:s28], $0x4000  }
0xe5: {  	[sflag:s28] =	ssyncset.done $0x0  }
0xe6: {  	s10 =	simm.s32 $0x980;
	[sflag:s28] =	ssyncadd.s32 $0xFFFFC000  }
0xe7: {  	[tilespmem:s23], [sflag:$0x1] =	stream.indirect.gather [hbm4b:s4+s22], $0x80, s10, s22, $0xb8;
	[tilespmem:$0x1E000] =	vst v63  }
0xe8: {  	s10 =	simm.s32 $0x1900  }
0xe9: {  	[spmem:s1] =	stream.indirect.scatter.add.f32 [tilespmem:s19], [sflag:$0x3], $0x80, s10, s22, $0xb8;
	[tilespmem:$0x1E000] =	vst v63  }
0xea: {  	_ =	swait.ge [sflag:s26], $0x4000  }
0xeb: {  	[sflag:s26] =	ssyncset.done $0x0  }
0xec: {  	[sflag:s26] =	ssyncadd.s32 $0xFFFFC000  }
0xed: {  	_ =	swait.ge [sflag:s28], $0x4000  }
0xee: {  	[sflag:s28] =	ssyncset.done $0x0  }
0xef: {  	s10 =	simm.s32 $0xA00;
	[sflag:s28] =	ssyncadd.s32 $0xFFFFC000  }
0xf0: {  	[tilespmem:s19], [sflag:$0x1] =	stream.indirect.gather [hbm4b:s4+s22], $0x80, s10, s22, $0xb8;
	[tilespmem:$0x1E000] =	vst v63  }
0xf1: {  	s10 =	simm.s32 $0x1980  }
0xf2: {  	[spmem:s1] =	stream.indirect.scatter.add.f32 [tilespmem:s23], [sflag:$0x3], $0x80, s10, s22, $0xb8;
	[tilespmem:$0x1E000] =	vst v63  }
0xf3: {  	_ =	swait.ge [sflag:s26], $0x4000  }
0xf4: {  	[sflag:s26] =	ssyncset.done $0x0  }
0xf5: {  	[sflag:s26] =	ssyncadd.s32 $0xFFFFC000  }
0xf6: {  	_ =	swait.ge [sflag:s28], $0x4000  }
0xf7: {  	[sflag:s28] =	ssyncset.done $0x0  }
0xf8: {  	s10 =	simm.s32 $0xA80;
	[sflag:s28] =	ssyncadd.s32 $0xFFFFC000  }
0xf9: {  	[tilespmem:s23], [sflag:$0x1] =	stream.indirect.gather [hbm4b:s4+s22], $0x80, s10, s22, $0xb8;
	[tilespmem:$0x1E000] =	vst v63  }
0xfa: {  	s10 =	simm.s32 $0x1A00  }
0xfb: {  	[spmem:s1] =	stream.indirect.scatter.add.f32 [tilespmem:s19], [sflag:$0x3], $0x80, s10, s22, $0xb8;
	[tilespmem:$0x1E000] =	vst v63  }
0xfc: {  	_ =	swait.ge [sflag:s26], $0x4000  }
0xfd: {  	[sflag:s26] =	ssyncset.done $0x0  }
0xfe: {  	[sflag:s26] =	ssyncadd.s32 $0xFFFFC000  }
0xff: {  	_ =	swait.ge [sflag:s28], $0x4000  }
0x100: {  	[sflag:s28] =	ssyncset.done $0x0  }
0x101: {  	s10 =	simm.s32 $0xB00;
	[sflag:s28] =	ssyncadd.s32 $0xFFFFC000  }
0x102: {  	[tilespmem:s19], [sflag:$0x1] =	stream.indirect.gather [hbm4b:s4+s22], $0x80, s10, s22, $0xb8;
	[tilespmem:$0x1E000] =	vst v63  }
0x103: {  	s10 =	simm.s32 $0x1A80  }
0x104: {  	[spmem:s1] =	stream.indirect.scatter.add.f32 [tilespmem:s23], [sflag:$0x3], $0x80, s10, s22, $0xb8;
	[tilespmem:$0x1E000] =	vst v63  }
0x105: {  	_ =	swait.ge [sflag:s26], $0x4000  }
0x106: {  	[sflag:s26] =	ssyncset.done $0x0  }
0x107: {  	[sflag:s26] =	ssyncadd.s32 $0xFFFFC000  }
0x108: {  	_ =	swait.ge [sflag:s28], $0x4000  }
0x109: {  	[sflag:s28] =	ssyncset.done $0x0  }
0x10a: {  	s10 =	simm.s32 $0xB80;
	[sflag:s28] =	ssyncadd.s32 $0xFFFFC000  }
0x10b: {  	[tilespmem:s23], [sflag:$0x1] =	stream.indirect.gather [hbm4b:s4+s22], $0x80, s10, s22, $0xb8;
	[tilespmem:$0x1E000] =	vst v63  }
0x10c: {  	s10 =	simm.s32 $0x1B00  }
0x10d: {  	[spmem:s1] =	stream.indirect.scatter.add.f32 [tilespmem:s19], [sflag:$0x3], $0x80, s10, s22, $0xb8;
	[tilespmem:$0x1E000] =	vst v63  }
0x10e: {  	_ =	swait.ge [sflag:s26], $0x4000  }
0x10f: {  	[sflag:s26] =	ssyncset.done $0x0  }
0x110: {  	[sflag:s26] =	ssyncadd.s32 $0xFFFFC000  }
0x111: {  	_ =	swait.ge [sflag:s28], $0x4000  }
0x112: {  	[sflag:s28] =	ssyncset.done $0x0  }
0x113: {  	s10 =	simm.s32 $0xC00;
	[sflag:s28] =	ssyncadd.s32 $0xFFFFC000  }
0x114: {  	[tilespmem:s19], [sflag:$0x1] =	stream.indirect.gather [hbm4b:s4+s22], $0x80, s10, s22, $0xb8;
	[tilespmem:$0x1E000] =	vst v63  }
0x115: {  	s10 =	simm.s32 $0x1B80  }
0x116: {  	[spmem:s1] =	stream.indirect.scatter.add.f32 [tilespmem:s23], [sflag:$0x3], $0x80, s10, s22, $0xb8;
	[tilespmem:$0x1E000] =	vst v63  }
0x117: {  	_ =	swait.ge [sflag:s26], $0x4000  }
0x118: {  	[sflag:s26] =	ssyncset.done $0x0  }
0x119: {  	[sflag:s26] =	ssyncadd.s32 $0xFFFFC000  }
0x11a: {  	_ =	swait.ge [sflag:s28], $0x4000  }
0x11b: {  	[sflag:s28] =	ssyncset.done $0x0  }
0x11c: {  	s10 =	simm.s32 $0xC80;
	[sflag:s28] =	ssyncadd.s32 $0xFFFFC000  }
0x11d: {  	[tilespmem:s23], [sflag:$0x1] =	stream.indirect.gather [hbm4b:s4+s22], $0x80, s10, s22, $0xb8;
	[tilespmem:$0x1E000] =	vst v63  }
0x11e: {  	s10 =	simm.s32 $0x1C00  }
0x11f: {  	[spmem:s1] =	stream.indirect.scatter.add.f32 [tilespmem:s19], [sflag:$0x3], $0x80, s10, s22, $0xb8;
	[tilespmem:$0x1E000] =	vst v63  }
0x120: {  	_ =	swait.ge [sflag:s26], $0x4000  }
0x121: {  	[sflag:s26] =	ssyncset.done $0x0  }
0x122: {  	[sflag:s26] =	ssyncadd.s32 $0xFFFFC000  }
0x123: {  	_ =	swait.ge [sflag:s28], $0x4000  }
0x124: {  	[sflag:s28] =	ssyncset.done $0x0  }
0x125: {  	s10 =	simm.s32 $0xD00;
	[sflag:s28] =	ssyncadd.s32 $0xFFFFC000  }
0x126: {  	[tilespmem:s19], [sflag:$0x1] =	stream.indirect.gather [hbm4b:s4+s22], $0x80, s10, s22, $0xb8;
	[tilespmem:$0x1E000] =	vst v63  }
0x127: {  	s10 =	simm.s32 $0x1C80  }
0x128: {  	[spmem:s1] =	stream.indirect.scatter.add.f32 [tilespmem:s23], [sflag:$0x3], $0x80, s10, s22, $0xb8;
	[tilespmem:$0x1E000] =	vst v63  }
0x129: {  	_ =	swait.ge [sflag:s26], $0x4000  }
0x12a: {  	[sflag:s26] =	ssyncset.done $0x0  }
0x12b: {  	[sflag:s26] =	ssyncadd.s32 $0xFFFFC000  }
0x12c: {  	_ =	swait.ge [sflag:s28], $0x4000  }
0x12d: {  	[sflag:s28] =	ssyncset.done $0x0  }
0x12e: {  	s10 =	simm.s32 $0xD80;
	[sflag:s28] =	ssyncadd.s32 $0xFFFFC000  }
0x12f: {  	[tilespmem:s23], [sflag:$0x1] =	stream.indirect.gather [hbm4b:s4+s22], $0x80, s10, s22, $0xb8;
	[tilespmem:$0x1E000] =	vst v63  }
0x130: {  	s10 =	simm.s32 $0x1D00  }
0x131: {  	[spmem:s1] =	stream.indirect.scatter.add.f32 [tilespmem:s19], [sflag:$0x3], $0x80, s10, s22, $0xb8;
	[tilespmem:$0x1E000] =	vst v63  }
0x132: {  	_ =	swait.ge [sflag:s26], $0x4000  }
0x133: {  	[sflag:s26] =	ssyncset.done $0x0  }
0x134: {  	[sflag:s26] =	ssyncadd.s32 $0xFFFFC000  }
0x135: {  	_ =	swait.ge [sflag:s28], $0x4000  }
0x136: {  	[sflag:s28] =	ssyncset.done $0x0  }
0x137: {  	s10 =	simm.s32 $0xE00;
	[sflag:s28] =	ssyncadd.s32 $0xFFFFC000  }
0x138: {  	[tilespmem:s19], [sflag:$0x1] =	stream.indirect.gather [hbm4b:s4+s22], $0x80, s10, s22, $0xb8;
	[tilespmem:$0x1E000] =	vst v63  }
0x139: {  	s10 =	simm.s32 $0x1D80  }
0x13a: {  	[spmem:s1] =	stream.indirect.scatter.add.f32 [tilespmem:s23], [sflag:$0x3], $0x80, s10, s22, $0xb8;
	[tilespmem:$0x1E000] =	vst v63  }
0x13b: {  	_ =	swait.ge [sflag:s26], $0x4000  }
0x13c: {  	[sflag:s26] =	ssyncset.done $0x0  }
0x13d: {  	[sflag:s26] =	ssyncadd.s32 $0xFFFFC000  }
0x13e: {  	_ =	swait.ge [sflag:s28], $0x4000  }
0x13f: {  	[sflag:s28] =	ssyncset.done $0x0  }
0x140: {  	s10 =	simm.s32 $0xE80;
	[sflag:s28] =	ssyncadd.s32 $0xFFFFC000  }
0x141: {  	[tilespmem:s23], [sflag:$0x1] =	stream.indirect.gather [hbm4b:s4+s22], $0x80, s10, s22, $0xb8;
	[tilespmem:$0x1E000] =	vst v63  }
0x142: {  	s10 =	simm.s32 $0x1E00  }
0x143: {  	[spmem:s1] =	stream.indirect.scatter.add.f32 [tilespmem:s19], [sflag:$0x3], $0x80, s10, s22, $0xb8;
	[tilespmem:$0x1E000] =	vst v63  }
0x144: {  	_ =	swait.ge [sflag:s26], $0x4000  }
0x145: {  	[sflag:s26] =	ssyncset.done $0x0  }
0x146: {  	[sflag:s26] =	ssyncadd.s32 $0xFFFFC000  }
0x147: {  	_ =	swait.ge [sflag:s28], $0x4000  }
0x148: {  	[sflag:s28] =	ssyncset.done $0x0  }
0x149: {  	[sflag:s28] =	ssyncadd.s32 $0xFFFFC000  }
0x14a: {  	_ =	swait.ge [sflag:s21], $0x700  }
0x14b: {  	[sflag:s21] =	ssyncset.done $0x0  }
0x14c: {  	[sflag:s21] =	ssyncadd.s32 $0xFFFFF900  }
0x14d: {  	_ =	swait.ge [sflag:s21], $0x700  }
0x14e: {  	[sflag:s21] =	ssyncset.done $0x0  }
0x14f: {  	[sflag:s21] =	ssyncadd.s32 $0xFFFFF900  }
0x150: {  	[tilespmem:s19], [sflag:$0x1] =	stream.indirect.gather [hbm4b:s4+s22], $0x80, s2, s22, $0xb8;
	[tilespmem:$0x1E000] =	vst v63  }
0x151: {  	s10 =	simm.s32 $0x1E80  }
0x152: {  	[spmem:s1] =	stream.indirect.scatter.add.f32 [tilespmem:s23], [sflag:$0x3], $0x80, s10, s22, $0xb8;
	[tilespmem:$0x1E000] =	vst v63  }
0x153: {  	_ =	swait.ge [sflag:s26], $0x4000  }
0x154: {  	[sflag:s26] =	ssyncset.done $0x0  }
0x155: {  	[sflag:s26] =	ssyncadd.s32 $0xFFFFC000  }
0x156: {  	_ =	swait.ge [sflag:s28], $0x4000  }
0x157: {  	[sflag:s28] =	ssyncset.done $0x0  }
0x158: {  	[sflag:s28] =	ssyncadd.s32 $0xFFFFC000  }
0x159: {  	[tilespmem:s23], [sflag:$0x1] =	stream.indirect.gather [hbm4b:s4+s22], $0x80, s22, s22, $0xb8;
	[tilespmem:$0x1E000] =	vst v63  }
0x15a: {  	_ = 	snop  }
0x15b: {  	[spmem:s1] =	stream.indirect.scatter.add.f32 [tilespmem:s19], [sflag:$0x3], $0x80, s0, s22, $0xb8;
	[tilespmem:$0x1E000] =	vst v63  }
0x15c: {  	_ =	swait.ge [sflag:s26], $0x4000  }
0x15d: {  	[sflag:s26] =	ssyncset.done $0x0  }
0x15e: {  	[sflag:s26] =	ssyncadd.s32 $0xFFFFC000  }
0x15f: {  	_ =	swait.ge [sflag:s28], $0x4000  }
0x160: {  	[sflag:s28] =	ssyncset.done $0x0  }
0x161: {  	[sflag:s28] =	ssyncadd.s32 $0xFFFFC000  }
0x162: {  	[tilespmem:s19], [sflag:$0x1] =	stream.indirect.gather [hbm4b:s4+s22], $0x80, s11, s22, $0xb8;
	[tilespmem:$0x1E000] =	vst v63  }
0x163: {  	_ = 	snop  }
0x164: {  	[spmem:s1] =	stream.indirect.scatter.add.f32 [tilespmem:s23], [sflag:$0x3], $0x80, s12, s22, $0xb8;
	[tilespmem:$0x1E000] =	vst v63  }
0x165: {  	_ =	swait.ge [sflag:s26], $0x4000  }
0x166: {  	[sflag:s26] =	ssyncset.done $0x0  }
0x167: {  	[sflag:s26] =	ssyncadd.s32 $0xFFFFC000  }
0x168: {  	_ =	swait.ge [sflag:s28], $0x4000  }
0x169: {  	[sflag:s28] =	ssyncset.done $0x0  }
0x16a: {  	[sflag:s28] =	ssyncadd.s32 $0xFFFFC000  }
0x16b: {  	[tilespmem:s23], [sflag:$0x1] =	stream.indirect.gather [hbm4b:s4+s22], $0x80, s13, s22, $0xb8;
	[tilespmem:$0x1E000] =	vst v63  }
0x16c: {  	_ = 	snop  }
0x16d: {  	[spmem:s1] =	stream.indirect.scatter.add.f32 [tilespmem:s19], [sflag:$0x3], $0x80, s14, s22, $0xb8;
	[tilespmem:$0x1E000] =	vst v63  }
0x16e: {  	_ =	swait.ge [sflag:s26], $0x4000  }
0x16f: {  	[sflag:s26] =	ssyncset.done $0x0  }
0x170: {  	[sflag:s26] =	ssyncadd.s32 $0xFFFFC000  }
0x171: {  	_ =	swait.ge [sflag:s28], $0x4000  }
0x172: {  	[sflag:s28] =	ssyncset.done $0x0  }
0x173: {  	[sflag:s28] =	ssyncadd.s32 $0xFFFFC000  }
0x174: {  	[tilespmem:s19], [sflag:$0x1] =	stream.indirect.gather [hbm4b:s4+s22], $0x80, s15, s22, $0xb8;
	[tilespmem:$0x1E000] =	vst v63  }
0x175: {  	_ = 	snop  }
0x176: {  	[spmem:s1] =	stream.indirect.scatter.add.f32 [tilespmem:s23], [sflag:$0x3], $0x80, s16, s22, $0xb8;
	[tilespmem:$0x1E000] =	vst v63  }
0x177: {  	_ =	swait.ge [sflag:s26], $0x4000  }
0x178: {  	[sflag:s26] =	ssyncset.done $0x0  }
0x179: {  	[sflag:s26] =	ssyncadd.s32 $0xFFFFC000  }
0x17a: {  	_ =	swait.ge [sflag:s28], $0x4000  }
0x17b: {  	[sflag:s28] =	ssyncset.done $0x0  }
0x17c: {  	[sflag:s28] =	ssyncadd.s32 $0xFFFFC000  }
0x17d: {  	[tilespmem:s23], [sflag:$0x1] =	stream.indirect.gather [hbm4b:s4+s22], $0x80, s24, s22, $0xb8;
	[tilespmem:$0x1E000] =	vst v63  }
0x17e: {  	_ = 	snop  }
0x17f: {  	[spmem:s1] =	stream.indirect.scatter.add.f32 [tilespmem:s19], [sflag:$0x3], $0x80, s17, s22, $0xb8;
	[tilespmem:$0x1E000] =	vst v63  }
0x180: {  	_ =	swait.ge [sflag:s26], $0x4000  }
0x181: {  	[sflag:s26] =	ssyncset.done $0x0  }
0x182: {  	[sflag:s26] =	ssyncadd.s32 $0xFFFFC000  }
0x183: {  	_ =	swait.ge [sflag:s28], $0x4000  }
0x184: {  	[sflag:s28] =	ssyncset.done $0x0  }
0x185: {  	[sflag:s28] =	ssyncadd.s32 $0xFFFFC000  }
0x186: {  	[tilespmem:s19], [sflag:$0x1] =	stream.indirect.gather [hbm4b:s4+s22], $0x80, s25, s22, $0xb8;
	[tilespmem:$0x1E000] =	vst v63  }
0x187: {  	_ = 	snop  }
0x188: {  	[spmem:s1] =	stream.indirect.scatter.add.f32 [tilespmem:s23], [sflag:$0x3], $0x80, s29, s22, $0xb8;
	[tilespmem:$0x1E000] =	vst v63  }
0x189: {  	_ =	swait.ge [sflag:s26], $0x4000  }
0x18a: {  	[sflag:s26] =	ssyncset.done $0x0  }
0x18b: {  	[sflag:s26] =	ssyncadd.s32 $0xFFFFC000  }
0x18c: {  	_ =	swait.ge [sflag:s28], $0x4000  }
0x18d: {  	[sflag:s28] =	ssyncset.done $0x0  }
0x18e: {  	[sflag:s28] =	ssyncadd.s32 $0xFFFFC000  }
0x18f: {  	[tilespmem:s23], [sflag:$0x1] =	stream.indirect.gather [hbm4b:s4+s22], $0x80, s30, s22, $0xb8;
	[tilespmem:$0x1E000] =	vst v63  }
0x190: {  	_ = 	snop  }
0x191: {  	[spmem:s1] =	stream.indirect.scatter.add.f32 [tilespmem:s19], [sflag:$0x3], $0x80, s31, s22, $0xb8;
	[tilespmem:$0x1E000] =	vst v63  }
0x192: {  	_ =	swait.ge [sflag:s26], $0x4000  }
0x193: {  	[sflag:s26] =	ssyncset.done $0x0  }
0x194: {  	[sflag:s26] =	ssyncadd.s32 $0xFFFFC000  }
0x195: {  	_ =	swait.ge [sflag:s28], $0x4000  }
0x196: {  	[sflag:s28] =	ssyncset.done $0x0  }
0x197: {  	s8 =	simm.s32 $0x400;
	[sflag:s28] =	ssyncadd.s32 $0xFFFFC000  }
0x198: {  	[tilespmem:s19], [sflag:$0x1] =	stream.indirect.gather [hbm4b:s4+s22], $0x80, s8, s22, $0xb8;
	[tilespmem:$0x1E000] =	vst v63  }
0x199: {  	_ = 	snop  }
0x19a: {  	[spmem:s1] =	stream.indirect.scatter.add.f32 [tilespmem:s23], [sflag:$0x3], $0x80, s3, s22, $0xb8;
	[tilespmem:$0x1E000] =	vst v63  }
0x19b: {  	_ =	swait.ge [sflag:s26], $0x4000  }
0x19c: {  	[sflag:s26] =	ssyncset.done $0x0  }
0x19d: {  	[sflag:s26] =	ssyncadd.s32 $0xFFFFC000  }
0x19e: {  	_ =	swait.ge [sflag:s28], $0x4000  }
0x19f: {  	[sflag:s28] =	ssyncset.done $0x0  }
0x1a0: {  	[sflag:s28] =	ssyncadd.s32 $0xFFFFC000  }
0x1a1: {  	[tilespmem:s23], [sflag:$0x1] =	stream.indirect.gather [hbm4b:s4+s22], $0x80, s5, s22, $0xb8;
	[tilespmem:$0x1E000] =	vst v63  }
0x1a2: {  	_ = 	snop  }
0x1a3: {  	[spmem:s1] =	stream.indirect.scatter.add.f32 [tilespmem:s19], [sflag:$0x3], $0x80, s7, s22, $0xb8;
	[tilespmem:$0x1E000] =	vst v63  }
0x1a4: {  	_ =	swait.ge [sflag:s26], $0x4000  }
0x1a5: {  	[sflag:s26] =	ssyncset.done $0x0  }
0x1a6: {  	[sflag:s26] =	ssyncadd.s32 $0xFFFFC000  }
0x1a7: {  	_ =	swait.ge [sflag:s28], $0x4000  }
0x1a8: {  	[sflag:s28] =	ssyncset.done $0x0  }
0x1a9: {  	s10 =	simm.s32 $0x500;
	[sflag:s28] =	ssyncadd.s32 $0xFFFFC000  }
0x1aa: {  	[tilespmem:s19], [sflag:$0x1] =	stream.indirect.gather [hbm4b:s4+s22], $0x80, s10, s22, $0xb8;
	[tilespmem:$0x1E000] =	vst v63  }
0x1ab: {  	s8 =	simm.s32 $0x1480  }
0x1ac: {  	[spmem:s1] =	stream.indirect.scatter.add.f32 [tilespmem:s23], [sflag:$0x3], $0x80, s8, s22, $0xb8;
	[tilespmem:$0x1E000] =	vst v63  }
0x1ad: {  	_ =	swait.ge [sflag:s26], $0x4000  }
0x1ae: {  	[sflag:s26] =	ssyncset.done $0x0  }
0x1af: {  	[sflag:s26] =	ssyncadd.s32 $0xFFFFC000  }
0x1b0: {  	_ =	swait.ge [sflag:s28], $0x4000  }
0x1b1: {  	[sflag:s28] =	ssyncset.done $0x0  }
0x1b2: {  	s10 =	simm.s32 $0x580;
	[sflag:s28] =	ssyncadd.s32 $0xFFFFC000  }
0x1b3: {  	[tilespmem:s23], [sflag:$0x1] =	stream.indirect.gather [hbm4b:s4+s22], $0x80, s10, s22, $0xb8;
	[tilespmem:$0x1E000] =	vst v63  }
0x1b4: {  	s8 =	simm.s32 $0x1500  }
0x1b5: {  	[spmem:s1] =	stream.indirect.scatter.add.f32 [tilespmem:s19], [sflag:$0x3], $0x80, s8, s22, $0xb8;
	[tilespmem:$0x1E000] =	vst v63  }
0x1b6: {  	_ =	swait.ge [sflag:s26], $0x4000  }
0x1b7: {  	[sflag:s26] =	ssyncset.done $0x0  }
0x1b8: {  	[sflag:s26] =	ssyncadd.s32 $0xFFFFC000  }
0x1b9: {  	_ =	swait.ge [sflag:s28], $0x4000  }
0x1ba: {  	[sflag:s28] =	ssyncset.done $0x0  }
0x1bb: {  	s10 =	simm.s32 $0x600;
	[sflag:s28] =	ssyncadd.s32 $0xFFFFC000  }
0x1bc: {  	[tilespmem:s19], [sflag:$0x1] =	stream.indirect.gather [hbm4b:s4+s22], $0x80, s10, s22, $0xb8;
	[tilespmem:$0x1E000] =	vst v63  }
0x1bd: {  	s8 =	simm.s32 $0x1580  }
0x1be: {  	[spmem:s1] =	stream.indirect.scatter.add.f32 [tilespmem:s23], [sflag:$0x3], $0x80, s8, s22, $0xb8;
	[tilespmem:$0x1E000] =	vst v63  }
0x1bf: {  	_ =	swait.ge [sflag:s26], $0x4000  }
0x1c0: {  	[sflag:s26] =	ssyncset.done $0x0  }
0x1c1: {  	[sflag:s26] =	ssyncadd.s32 $0xFFFFC000  }
0x1c2: {  	_ =	swait.ge [sflag:s28], $0x4000  }
0x1c3: {  	[sflag:s28] =	ssyncset.done $0x0  }
0x1c4: {  	s10 =	simm.s32 $0x680;
	[sflag:s28] =	ssyncadd.s32 $0xFFFFC000  }
0x1c5: {  	[tilespmem:s23], [sflag:$0x1] =	stream.indirect.gather [hbm4b:s4+s22], $0x80, s10, s22, $0xb8;
	[tilespmem:$0x1E000] =	vst v63  }
0x1c6: {  	s8 =	simm.s32 $0x1600  }
0x1c7: {  	[spmem:s1] =	stream.indirect.scatter.add.f32 [tilespmem:s19], [sflag:$0x3], $0x80, s8, s22, $0xb8;
	[tilespmem:$0x1E000] =	vst v63  }
0x1c8: {  	_ =	swait.ge [sflag:s26], $0x4000  }
0x1c9: {  	[sflag:s26] =	ssyncset.done $0x0  }
0x1ca: {  	[sflag:s26] =	ssyncadd.s32 $0xFFFFC000  }
0x1cb: {  	_ =	swait.ge [sflag:s28], $0x4000  }
0x1cc: {  	[sflag:s28] =	ssyncset.done $0x0  }
0x1cd: {  	[sflag:s28] =	ssyncadd.s32 $0xFFFFC000  }
0x1ce: {  	[spmem:s1] =	stream.indirect.scatter.add.f32 [tilespmem:s23], [sflag:$0x3], $0x80, s9, s22, $0xb8;
	[tilespmem:$0x1E000] =	vst v63  }
0x1cf: {  	_ =	swait.ge [sflag:s28], $0x4000  }
0x1d0: {  	[sflag:s28] =	ssyncset.done $0x0  }
0x1d1: {  	s10 =	stileid.u32;
	[sflag:s28] =	ssyncadd.s32 $0xFFFFC000  }
0x1d2: {  	s8 =	sshll.u32 s10, $0x6;
	[bflag:$0x0] =	sbarrier.arrive $0xFFFF  }
0x1d3: {  	s18 =	sshrl.u32 s18, $0x3;
	s8 =	sor.u32 $0x1C04, s8;
	s3 =	rddreg [dreg:$0x9]  }
0x1d4: {  	[hbm:s3], [sflag:s8] =	dma.local [spmem:s18], $0x2800  }
0x1d5: {  	_ =	swait.ge [sflag:s20], $0x2800  }
0x1d6: {  	s6 =	sadd.s32 $0x1, s6;
	s18 =	rddreg [dreg:$0xa]  }
0x1d7: {  	p0 =	sne.s32 s6, s18  }
.Ltmp1:
0x1d8: {  	_ = 	snop;
	(pc) =	sbr.rel @p0 .LBB2_1-.Ltmp1, $3  }
0x1d9: {  	_ =	sdelay $0x1  }
0x1da: {  	[sflag:s20] =	ssyncset.done $0x0  }
0x1db: {  	s0 =	simm.s32 $0x1000;
	[sflag:s20] =	ssyncadd.s32 $0xFFFFD800  }
0x1dc: {  	_ =	sfence.sel $0x180000  }
0x1dd: {  	[bflag:$0x0] =	sbarrier.arrive $0xFFFF  }
0x1de: {  	_ =	strace $0x9000004D  }
0x1df: {  	s0 =	stileid.u32;
	[bflag:$0x2] =	sbarrier.arrive $0xFFFF  }
0x1e0: {  	p0 =	sne.s32 s0, $0x0;
	s0 =	rddreg [dreg:$0x2]  }
0x1e1: {  	s0 =	sadd.s32 @!p0 $0x100000, s0  }
0x1e2: {  	[sflag:s0] =	ssyncadd.tile.s32 @!p0 $0x1;
	_ =	shalt  }
.Lfunc_end2:
_tile_overlayer_lowered:
.L_overlay_start_2:
0x1e3: {  	(tag) =	ssettag $0x2  }
0x1e4: {  	s0 =	rddreg [dreg:$0x0];
	s2 =	stileid.u32  }
0x1e5: {  	s1 =	rddreg [dreg:$0x1];
	p0 =	sne.s32 s2, $0x0  }
0x1e6: {  	s3 =	rddreg [dreg:$0x2];
	[bflag:$0x3] =	sbarrier.arrive $0xFFFF;
	s2 =	simm.s32 @!p0 $0x1C04  }
0x1e7: {  	[timem:s3], [sflag:s2] =	dma.local @!p0 [hbm:s0], s1  }
0x1e8: {  	s0 =	simm.s32 @!p0 $0x4  }
0x1e9: {  	_ =	swait.ge @!p0 [sflag:s0], s1  }
0x1ea: {  	s1 =	ssub.s32 @!p0 $0x0, s1;
	[sflag:s0] =	ssyncset.done @!p0 $0x0  }
0x1eb: {  	[sflag:s0] =	ssyncadd.s32 @!p0 s1  }
0x1ec: {  	[bflag:$0x3] =	sbarrier.arrive $0xFFFF  }
0x1ed: {  	_ =	shalt  }

// kernel: kernel.8.cloned.1.call-start
scs
__scs_entry_jumppad:
0x0: {  	(pc) =	sbr.rel $0x88, $3  }
0x1: {  	(tag) =	ssettag $0x0;
	lr =	simm.s32 $0x1  }
0x2: {  	[smem:$0x3F9B] =	sst lr;
	_ =	strace $0xD0000000  }
0x3: {  	_ = 	snop  }
0x4: {  	_ = 	snop  }
0x5: {  	_ = 	snop  }
0x6: {  	_ = 	snop  }
0x7: {  	_ = 	snop  }
__scs_overlays_trampoline_lowered:
0x8: {  	[smem:$0x3FAA] =	sst s0  }
0x9: {  	[smem:$0x3FAB] =	sst s1  }
0xa: {  	[smem:$0x3FAC] =	sst s2  }
0xb: {  	[smem:$0x3FAD] =	sst s3  }
0xc: {  	[smem:$0x3FAE] =	sst s4  }
0xd: {  	[smem:$0x3FAF] =	sst s5  }
0xe: {  	[smem:$0x3FB0] =	sst s6  }
0xf: {  	[smem:$0x3FB1] =	sst s7  }
0x10: {  	[smem:$0x3FB2] =	sst s8  }
0x11: {  	[smem:$0x3FB3] =	sst s9;
	s0 =	simm.s32 @!p0 $0x0  }
0x12: {  	s1 =	sld [smem:$0x3F99];
	s0 =	simm.s32 @p0 $0x1  }
0x13: {  	[smem:$0x3FB4] =	sst s0;
	s0 =	simm.s32 @!p1 $0x0  }
0x14: {  	s2 =	sld [smem:$0x3F98];
	s0 =	simm.s32 @p1 $0x1  }
0x15: {  	[smem:$0x3FB5] =	sst s0;
	s0 =	simm.s32 @!p2 $0x0  }
0x16: {  	s3 =	sld [smem:$0x3FDB];
	s0 =	simm.s32 @p2 $0x1  }
0x17: {  	s4 =	simm.s32 $0x1BF5;
	[smem:$0x3FB7] =	sst s0  }
0x18: {  	s0 =	sld [smem:$0x3F9A];
	_ =	swait.ge [sflag:s4], $0x0  }
0x19: {  	s7 =	sld [smem:$0x3F9B]  }
0x1a: {  	s8 =	sadd.s32 $0xFFFFE003, lr  }
0x1b: {  	s9 =	sadd.s32 $0xFFFFFEF7, lr;
	s5 =	simm.s32 $0xFFFFFFFF;
	p2 =	slt.u32 s8, $0xFFFFF086  }
0x1c: {  	p1 =	slt.u32 s9, $0xF7A;
	s5 =	simm.s32 @!p2 $0x0  }
0x1d: {  	s5 =	simm.s32 @p1 $0x1;
	p0 =	seq.s32 s7, s2  }
0x1e: {  	s7 =	smul.u32 @!p0 $0xF7A, s2;
	p2 =	seq.s32 @!p0 s5, $0x0  }
0x1f: {  	s9 =	smul.u32 $0xF7A, s1;
	s8 =	simm.s32 @!p0 $0x1BF5;
	p2 =	por !p2, p0  }
0x20: {  	[sflag:s8] =	ssyncset.s32 @!p0 $0xFFFFF086;
	s6 =	sadd.s32 @!p0 s3, s7;
	s7 =	simm.s32 @!p0 $0x108  }
0x21: {  	s3 =	sadd.s32 s3, s9;
	s6 =	sadd.s32 @!p0 $0x88, s6;
	s7 =	simm.s32 @p2 $0x1082  }
0x22: {  	[simem:s7], [sflag:s8] =	dma.local @!p0 [hbm:s6], $0xF7A  }
0x23: {  	s9 =	sor.u32 $0xD0000000, s2;
	s6 =	simm.s32 $0x108;
	_ =	swait.ge @!p0 [sflag:s8], $0x0  }
0x24: {  	s3 =	sadd.s32 $0x88, s3;
	s6 =	simm.s32 @!p1 $0x1082;
	[sflag:s4] =	ssyncset.s32 $0xFFFFF086  }
0x25: {  	[simem:s6], [sflag:s4] =	dma.local [hbm:s3], $0xF7A  }
0x26: {  	[smem:$0x3F9B] =	sst s1;
	(tag) =	ssettag s2;
	_ =	strace s9  }
0x27: {  	s1 =	sld [smem:$0x3FAB]  }
0x28: {  	s2 =	sld [smem:$0x3FAC]  }
0x29: {  	s4 =	sld [smem:$0x3FAE]  }
0x2a: {  	p0 =	seq.s32 s5, $0x0;
	s5 =	sld [smem:$0x3FAF]  }
0x2b: {  	s6 =	sld [smem:$0x3FB0]  }
0x2c: {  	s7 =	sld [smem:$0x3FB1]  }
0x2d: {  	s3 =	simm.s32 $0x108;
	s8 =	sld [smem:$0x3FB2]  }
0x2e: {  	s3 =	simm.s32 @!p0 $0x1082;
	s9 =	sld [smem:$0x3FB3]  }
0x2f: {  	lr =	sadd.s32 s0, s3;
	s0 =	sld [smem:$0x3FAA]  }
0x30: {  	s3 =	sld [smem:$0x3FAD]  }
0x31: {  	[smem:$0x3FB6] =	sst s10  }
0x32: {  	s10 =	sld [smem:$0x3FB4];
	_ =	sdelay $0x3  }
0x33: {  	p0 =	seq.s32 s10, $0x1;
	s10 =	sld [smem:$0x3FB6];
	_ =	sdelay $0x3  }
0x34: {  	[smem:$0x3FB6] =	sst s10  }
0x35: {  	s10 =	sld [smem:$0x3FB5];
	_ =	sdelay $0x3  }
0x36: {  	p1 =	seq.s32 s10, $0x1;
	s10 =	sld [smem:$0x3FB6];
	_ =	sdelay $0x3  }
0x37: {  	[smem:$0x3FB6] =	sst s10  }
0x38: {  	s10 =	sld [smem:$0x3FB7]  }
0x39: {  	_ = 	snop;
	(pc) =	sbr.ind lr, $3  }
0x3a: {  	_ = 	snop  }
0x3b: {  	_ = 	snop  }
0x3c: {  	p2 =	seq.s32 s10, $0x1;
	s10 =	sld [smem:$0x3FB6]  }
0x3d: {  	_ =	shalt  }
0x3e: {  	_ =	shalt  }
0x3f: {  	_ =	shalt  }
0x40: {  	_ =	shalt  }
0x41: {  	_ =	shalt  }
0x42: {  	_ =	shalt  }
0x43: {  	_ =	shalt  }
0x44: {  	_ =	shalt  }
0x45: {  	_ =	shalt  }
0x46: {  	_ =	shalt  }
0x47: {  	_ =	shalt  }
0x48: {  	_ =	shalt  }
0x49: {  	_ =	shalt  }
0x4a: {  	_ =	shalt  }
0x4b: {  	_ =	shalt  }
0x4c: {  	_ =	shalt  }
0x4d: {  	_ =	shalt  }
0x4e: {  	_ =	shalt  }
0x4f: {  	_ =	shalt  }
0x50: {  	_ =	shalt  }
0x51: {  	_ =	shalt  }
0x52: {  	_ =	shalt  }
0x53: {  	_ =	shalt  }
0x54: {  	_ =	shalt  }
0x55: {  	_ =	shalt  }
0x56: {  	_ =	shalt  }
0x57: {  	_ =	shalt  }
0x58: {  	_ =	shalt  }
0x59: {  	_ =	shalt  }
0x5a: {  	_ =	shalt  }
0x5b: {  	_ =	shalt  }
0x5c: {  	_ =	shalt  }
0x5d: {  	_ =	shalt  }
0x5e: {  	_ =	shalt  }
0x5f: {  	_ =	shalt  }
0x60: {  	_ =	shalt  }
0x61: {  	_ =	shalt  }
0x62: {  	_ =	shalt  }
0x63: {  	_ =	shalt  }
0x64: {  	_ =	shalt  }
0x65: {  	_ =	shalt  }
0x66: {  	_ =	shalt  }
0x67: {  	_ =	shalt  }
0x68: {  	_ =	shalt  }
0x69: {  	_ =	shalt  }
0x6a: {  	_ =	shalt  }
0x6b: {  	_ =	shalt  }
0x6c: {  	_ =	shalt  }
0x6d: {  	_ =	shalt  }
0x6e: {  	_ =	shalt  }
0x6f: {  	_ =	shalt  }
0x70: {  	_ =	shalt  }
0x71: {  	_ =	shalt  }
0x72: {  	_ =	shalt  }
0x73: {  	_ =	shalt  }
0x74: {  	_ =	shalt  }
0x75: {  	_ =	shalt  }
0x76: {  	_ =	shalt  }
0x77: {  	_ =	shalt  }
0x78: {  	_ =	shalt  }
0x79: {  	_ =	shalt  }
0x7a: {  	_ =	shalt  }
0x7b: {  	_ =	shalt  }
0x7c: {  	_ =	shalt  }
0x7d: {  	_ =	shalt  }
0x7e: {  	_ =	shalt  }
0x7f: {  	_ =	shalt  }
0x80: {  	_ =	shalt  }
0x81: {  	_ =	shalt  }
0x82: {  	_ =	shalt  }
0x83: {  	_ =	shalt  }
0x84: {  	_ =	shalt  }
0x85: {  	_ =	shalt  }
0x86: {  	_ =	shalt  }
0x87: {  	_ =	shalt  }
.Lfunc_end0:
.L_simem_size_0:
called_computation_lowered:
.L_overlay_start_0:
0x88: {  	s2 =	sld [smem:$0x3FD9]  }
0x89: {  	s3 =	sld [smem:$0x3FFE];
	_ =	sdelay $0x1  }
0x8a: {  	s1 =	srdreg.scid  }
0x8b: {  	s0 =	sand.u32 $0x1, s1  }
0x8c: {  	s16 =	sshll.u32 s0, $0xA;
	s2 =	sadd.s32 s3, s2  }
0x8d: {  	s2 =	sadd.s32 s2, s16  }
0x8e: {  	[smem:$0x3FC2] =	sst s2  }
0x8f: {  	_ = 	snop  }
0x90: {  	(tm) =	ssettm $0x1  }
0x91: {  	s17 =	sld [smem:$0x3FFB];
	_ =	sdelay $0x3  }
0x92: {  	_ =	strace s17  }
0x93: {  	s2 =	sld [smem:$0x3FFC];
	_ =	sdelay $0x3  }
0x94: {  	_ =	strace s2  }
0x95: {  	s2 =	sld [smem:$0x3FFD];
	_ =	sdelay $0x3  }
0x96: {  	_ =	strace s2  }
0x97: {  	_ =	strace $0x8FFFFFFF  }
0x98: {  	s18 =	sld [smem:$0x3FDB];
	_ =	sdelay $0x1  }
0x99: {  	s19 =	simm.s32 $_scs_section_size  }
0x9a: {  	s4 =	simm.s32 $_size__tile_overlayer_lowered;
	s5 =	simm.s32 $_tile_overlayer_lowered  }
0x9b: {  	s22 =	simm.s32 $0x1BFF;
	s21 =	sshll.u32 s5, $0x1;
	s2 =	sadd.s32 s19, s18  }
0x9c: {  	s6 =	simm.s32 $0x0;
	s20 =	sshll.u32 s4, $0x1;
	s4 =	sadd.s32 s21, s2  }
0x9d: {  	[timem:s6], [sflag:s22] =	dma.local [hbm:s4], s20  }
0x9e: {  	_ =	swait.ge [sflag:s22], s20  }
0x9f: {  	s3 =	ssub.s32 $0x0, s20;
	[sflag:s22] =	ssyncset.done $0x0  }
0xa0: {  	[sflag:s22] =	ssyncadd.s32 s3;
	_ =	sdelay $0x1  }
0xa1: {  	s23 =	simm.s32 $0x1B8B  }
0xa2: {  	_ =	swait.ge [sflag:s23], $0x1  }
0xa3: {  	[sflag:s23] =	ssyncset.done $0x0  }
0xa4: {  	s25 =	simm.s32 $0x1B8E;
	s24 =	sld [smem:$0x3FFE];
	[sflag:s23] =	ssyncadd.s32 $0xFFFFFFFF  }
0xa5: {  	s26 =	simm.s32 $execute0_lowered;
	[smem:$0x3FD2] =	sst s25  }
0xa6: {  	s4 =	sshll.u32 s26, $0x1;
	_ =	strace $0x80000046;
	[dreg:$0x1] =	wrdreg $0xFFFFFFFF  }
0xa7: {  	s28 =	simm.s32 $_size_execute0_lowered;
	s2 =	sadd.s32 s2, s4;
	[dreg:$0x0] =	wrdreg $0x0  }
0xa8: {  	s4 =	sshll.u32 s28, $0x1;
	[dreg:$0x2] =	wrdreg s2  }
0xa9: {  	[dreg:$0x3] =	wrdreg s4  }
0xaa: {  	[dreg:$0x4] =	wrdreg $0xC0  }
0xab: {  	_ =	task [dreg:s6], $0x5FFFF  }
0xac: {  	[dreg:$0x1] =	wrdreg $0xFFFFFFFF  }
0xad: {  	[dreg:$0x0] =	wrdreg $0x60  }
0xae: {  	[dreg:$0x2] =	wrdreg s24  }
0xaf: {  	[dreg:$0x3] =	wrdreg $0x9  }
0xb0: {  	_ =	task.clear_ibuf [dreg:s6], $0x4FFFF;
	_ =	strace $0x90000046  }
0xb1: {  	s29 =	simm.s32 $0x9;
	_ =	strace $0x80000048  }
0xb2: {  	_ =	swait.ge [sflag:s29], $0x1  }
0xb3: {  	[sflag:s29] =	ssyncadd.s32 $0xFFFFFFFF  }
0xb4: {  	_ =	strace $0x90000048  }
0xb5: {  	_ =	sfence  }
0xb6: {  	s30 =	sld [smem:$0x0];
	_ =	sdelay $0x2  }
0xb7: {  	s31 =	sshll.u32 s1, $0xD;
	s1 =	sshrl.u32 s1, $0x2  }
0xb8: {  	s3 =	sand.u32 $0x4000, s31;
	s1 =	sadd.s32 s1, s30  }
0xb9: {  	s0 =	sor.u32 s3, s0;
	s1 =	sshll.u32 s1, $0x11  }
0xba: {  	s0 =	sor.u32 s1, s0  }
0xbb: {  	s0 =	sadd.s32 $0x8F2B, s0  }
0xbc: {  	[sflag:s0] =	ssyncadd.remote.s32 $0x1  }
0xbd: {  	_ =	sfence.sel $0xFFFF  }
0xbe: {  	[dreg:$0x0] =	wrdreg $0xFFFFFFFF;
	(pc) =	sbr.abs _section_cstart, $3  }
0xbf: {  	[dreg:$0x1] =	wrdreg $0xFFFFFFFF  }
0xc0: {  	_ =	task.clear_ibuf [dreg:s6], $0x2FFFF;
	_ =	strace $0x9FFFFFFF  }
0xc1: {  	(tm) =	ssettm $0x7FFFFFFF  }
tec
execute0_lowered:
.L_overlay_start_1:
0x0: {  	(tag) =	ssettag $0x1  }
0x1: {  	s0 =	srdreg.scid  }
0x2: {  	s5 =	rddreg [dreg:$0x0];
	s3 =	sand.u32 $0x1, s0  }
0x3: {  	s2 =	simm.s32 $0x0;
	s0 =	stileid.u32;
	s1 =	sshll.u32 s3, $0x4  }
0x4: {  	s8 =	simm.s32 $0x80;
	s9 =	simm.s32 $0x400;
	s4 =	sor.u32 s0, s1  }
0x5: {  	s10 =	simm.s32 $0x0;
	[smem:$0x7FF] =	sst s2;
	s1 =	sshrl.u32 s4, $0x3  }
0x6: {  	s7 =	sshll.u32 s0, $0x7;
	s3 =	ssub.s32 $0x2, s3;
	s6 =	smul.u32 $0x14000, s1  }
0x7: {  	s7 =	sand.u32 $0x380, s7;
	s31 =	sshrl.u32 s3, $0x1;
	s4 =	smul.u32 $0x300, s4  }
0x8: {  	s1 =	rddreg [dreg:$0x1];
	_ =	strace $0x80000047;
	s6 =	sor.u32 s7, s6  }
0x9: {  	s4 =	sadd.s32 s4, s5;
	s7 =	simm.s32 $0x1800;
	s6 =	sshrl.u32 s6, $0x3  }
0xa: {  	s5 =	sadd.s32 s6, s5;
	s6 =	ssub.s32 s3, s31;
	s3 =	sadd.s32 $0x1A00, s4  }
0xb: {  	v0 =	vimm.f32 $0.0e+00;
	v1 =	vimm.f32 $1.000000000e+00;
	s4 =	sadd.s32 $0x7A00, s5;
	s5 =	smax.u32 s6, $0x1;
	s6 =	simm.s32 $0x1  }
.LBB2_1:
0xc: {  	[tilespmem:s2], [sflag:$0x1] =	stream.linear.gather [hbm4b:s3+s2], $0x1500, $0x38;
	[tilespmem:$0x4000] =	vst v63  }
0xd: {  	_ =	swait.ge [sflag:s6], $0x1500  }
0xe: {  	[sflag:s6] =	ssyncset.done $0x0  }
0xf: {  	s11 =	simm.s32 $0x0;
	[sflag:s6] =	ssyncadd.s32 $0xFFFFEB00  }
.LBB2_2:
0x10: {  	p0 =	sne.s32 s11, $0x9FC0  }
.Ltmp0:
0x11: {  	_ = 	snop;
	(pc) =	sbr.rel @p0 .LBB2_2-.Ltmp0, $3  }
0x12: {  	_ =	sdelay $0x1  }
0x13: {  	s12 =	sshra.s32 s11, $0x2  }
0x14: {  	s11 =	sadd.s32 $0x40, s11;
	[tilespmem:s12+$0x1800] =	vst v0  }
0x15: {  	s11 =	simm.s32 $0x0  }
0x16: {  	s12 =	sand.u32 $0x7E00, s11  }
0x17: {  	s11 =	sand.u32 $0x70, s11;
	s12 =	sshrl.u32 s12, $0x2  }
0x18: {  	s11 =	sor.u32 s11, s12  }
0x19: {  	v2 =	vld [tilespmem:s11+$0x0];
	_ =	sdelay $0x4  }
0x1a: {  	s13 =	simm.s32 $0x40  }
0x1b: {  	s13 =	sand.u32 $0x7E00, s13;
	s12 =	simm.s32 $0x80;
	s11 =	simm.s32 $0x10  }
.LBB2_4:
0x1c: {  	p0 =	sne.s32 s12, $0x53C0;
	s14 =	sand.u32 $0x70, s11;
	s13 =	sshrl.u32 s13, $0x2  }
0x1d: {  	s13 =	sor.u32 s14, s13;
	[tilespmem:v2+s7+$0x0] =	vst.idx.add.f32.msk $0xffff, v1  }
0x1e: {  	v2 =	vld [tilespmem:s13+$0x0];
	_ =	sdelay $0x1  }
.Ltmp1:
0x1f: {  	(pc) =	sbr.rel @p0 .LBB2_4-.Ltmp1, $2  }
0x20: {  	_ =	sdelay $0x2  }
0x21: {  	s11 =	sadd.s32 $0x10, s11;
	s13 =	sand.u32 $0x7E00, s12;
	s12 =	sadd.s32 $0x40, s12  }
0x22: {  	_ =	sdelay $0x2  }
0x23: {  	s11 =	sand.u32 $0x70, s11;
	s12 =	sshrl.u32 s13, $0x2  }
0x24: {  	[tilespmem:v2+s7+$0x0] =	vst.idx.add.f32.msk $0xffff, v1;
	s11 =	sor.u32 s11, s12  }
0x25: {  	v2 =	vld [tilespmem:s11+$0x0];
	_ =	sdelay $0x5  }
0x26: {  	s10 =	sadd.s32 $0x1, s10  }
0x27: {  	p0 =	sne.s32 s10, s5  }
.Ltmp2:
0x28: {  	[tilespmem:v2+s7+$0x0] =	vst.idx.add.f32.msk $0xffff, v1;
	(pc) =	sbr.rel @p0 .LBB2_1-.Ltmp2, $4  }
0x29: {  	[hbm4b:s4+s8] =	stream.strided.scatter [tilespmem:s7], [sflag:$0x1], $0x2800, s9, s8, $0x38;
	[tilespmem:$0x4000] =	vst v63  }
0x2a: {  	_ =	swait.ge [sflag:s6], $0x2800  }
0x2b: {  	[sflag:s6] =	ssyncset.done $0x0  }
0x2c: {  	[sflag:s6] =	ssyncadd.s32 $0xFFFFD800  }
0x2d: {  	_ =	sfence.sel $0x180000  }
0x2e: {  	[bflag:$0x0] =	sbarrier.arrive $0xFFFF  }
0x2f: {  	p0 =	sne.s32 s0, $0x0;
	_ =	strace $0x90000047  }
0x30: {  	s0 =	sadd.s32 @!p0 $0x100000, s1;
	[bflag:$0x2] =	sbarrier.arrive $0xFFFF  }
0x31: {  	[sflag:s0] =	ssyncadd.tile.s32 @!p0 $0x1;
	_ =	shalt  }
.Lfunc_end2:
_tile_overlayer_lowered:
.L_overlay_start_2:
0x32: {  	(tag) =	ssettag $0x2  }
0x33: {  	s0 =	rddreg [dreg:$0x0];
	s2 =	stileid.u32  }
0x34: {  	s1 =	rddreg [dreg:$0x1];
	p0 =	sne.s32 s2, $0x0  }
0x35: {  	s3 =	rddreg [dreg:$0x2];
	[bflag:$0x3] =	sbarrier.arrive $0xFFFF;
	s2 =	simm.s32 @!p0 $0x1C01  }
0x36: {  	[timem:s3], [sflag:s2] =	dma.local @!p0 [hbm:s0], s1  }
0x37: {  	s0 =	simm.s32 @!p0 $0x1  }
0x38: {  	_ =	swait.ge @!p0 [sflag:s0], s1  }
0x39: {  	s1 =	ssub.s32 @!p0 $0x0, s1;
	[sflag:s0] =	ssyncset.done @!p0 $0x0  }
0x3a: {  	[sflag:s0] =	ssyncadd.s32 @!p0 s1  }
0x3b: {  	[bflag:$0x3] =	sbarrier.arrive $0xFFFF  }
0x3c: {  	_ =	shalt  }

</sc_bundles>
